<compile_context>
chip_gen: v7x
topology: tpu7x:2x2x1
jax: 0.10.2.dev20260603
libtpu: 0.0.44.dev20260713+nightly
codegen_flags: <defaults>
</compile_context>

<pallas_src>
import jax
import jax.numpy as jnp
from jax import lax
from jax.experimental import pallas as pl
from jax.experimental.pallas import tpu as pltpu
from jax.experimental.pallas import tpu_sc as plsc

_N = 320000
_D = 128
_S = 512
_NC = 2
_NS = 16
_L = 16
_NW = _NC * _NS

_NSC = 199680
_RPW = _NSC // _NW
_T = 416
_NCHUNK = _RPW // _T
_G = _T // _L
_SPAD = 513
_TAU = (0, 8, 4, 12, 2, 10, 6, 14, 1, 9, 5, 13, 3, 11, 7, 15)

_RTC = 2560
_NTC = _N - _NSC
_NBLK = _NTC // _RTC
_YPW = _NTC // _NW
_YG = _YPW // _L


def _sc_partials(x_flat, ids, w_vec):
    mesh = plsc.VectorSubcoreMesh(
        core_axis_name="c", subcore_axis_name="s",
        num_cores=_NC, num_subcores=_NS)

    def body(x_hbm, ids_hbm, w_hbm, out_hbm,
             xb0, xb1, ids_v, w_v, acc2, acc_v, sem0, sem1):
        cid = lax.axis_index("c")
        sid = lax.axis_index("s")
        wid = sid * _NC + cid
        base_row = wid * _RPW

        def dcopy(c, buf_ref, sem):
            return pltpu.make_async_copy(
                x_hbm.at[pl.ds((base_row + c * _T) * _D, _T * _D)],
                buf_ref, sem)

        dcopy(0, xb0, sem0).start()
        pltpu.sync_copy(ids_hbm.at[pl.ds(base_row, _RPW)], ids_v)
        pltpu.sync_copy(w_hbm, w_v)
        w_regs = [w_v[pl.ds(k * _L, _L)] for k in range(_D // _L)]

        zero = jnp.zeros((_L,), jnp.float32)
        lanes = jnp.arange(_L, dtype=jnp.int32)
        lane_base = lanes * _SPAD
        masks = {h: (lanes % (2 * h)) < h for h in (8, 4, 2, 1)}
        rot_idx = {
            h: ((lanes + h) & (_L - 1), (lanes - h) & (_L - 1))
            for h in (8, 4, 2, 1)
        }

        def take(v, idx):
            return v.at[idx].get(mode="promise_in_bounds", unique_indices=True)

        def zero_body(i, carry):
            acc2[pl.ds(i * _L, _L)] = zero
            return carry

        lax.fori_loop(0, (_NS * _SPAD) // _L, zero_body, 0)

        def compute(xb, c):
            def group_body(g, carry):
                idv = ids_v[pl.ds(c * _T + g * _L, _L)]
                vs = []
                for j in range(_L):
                    base = (g * _L + _TAU[j]) * _D
                    p = xb[pl.ds(base, _L)] * w_regs[0]
                    for k in range(1, _D // _L):
                        p = p + xb[pl.ds(base + k * _L, _L)] * w_regs[k]
                    vs.append(p)
                for h in (8, 4, 2, 1):
                    m = masks[h]
                    ip, im = rot_idx[h]
                    vs = [jnp.where(m, vs[i2], take(vs[i2 + 1], im))
                          + jnp.where(m, take(vs[i2], ip), vs[i2 + 1])
                          for i2 in range(0, len(vs), 2)]
                plsc.addupdate_scatter(acc2, [lane_base + idv], vs[0])
                return carry

            lax.fori_loop(0, _G, group_body, 0)

        def ring_body(i, carry):
            c0 = 2 * i
            dcopy(c0 + 1, xb1, sem1).start()
            dcopy(c0, xb0, sem0).wait()
            compute(xb0, c0)
            dcopy(c0 + 2, xb0, sem0).start()
            dcopy(c0 + 1, xb1, sem1).wait()
            compute(xb1, c0 + 1)
            return carry

        lax.fori_loop(0, (_NCHUNK - 1) // 2, ring_body, 0)
        if _NCHUNK % 2 == 1:
            dcopy(_NCHUNK - 1, xb0, sem0).wait()
            compute(xb0, _NCHUNK - 1)
        else:
            dcopy(_NCHUNK - 1, xb1, sem1).start()
            dcopy(_NCHUNK - 2, xb0, sem0).wait()
            compute(xb0, _NCHUNK - 2)
            dcopy(_NCHUNK - 1, xb1, sem1).wait()
            compute(xb1, _NCHUNK - 1)

        def fold_body(cg, carry):
            s = acc2[pl.ds(cg * _L, _L)]
            for r in range(1, _NS):
                s = s + acc2[pl.ds(r * _SPAD + cg * _L, _L)]
            acc_v[pl.ds(cg * _L, _L)] = s
            return carry

        lax.fori_loop(0, _S // _L, fold_body, 0)
        pltpu.sync_copy(acc_v, out_hbm.at[pl.ds(wid * _S, _S)])

    f = pl.kernel(
        body,
        out_type=jax.ShapeDtypeStruct((_NW * _S,), jnp.float32),
        mesh=mesh,
        compiler_params=pltpu.CompilerParams(needs_layout_passes=False),
        scratch_types=[
            pltpu.VMEM((_T * _D,), jnp.float32),
            pltpu.VMEM((_T * _D,), jnp.float32),
            pltpu.VMEM((_RPW,), jnp.int32),
            pltpu.VMEM((_D,), jnp.float32),
            pltpu.VMEM((_NS * _SPAD,), jnp.float32),
            pltpu.VMEM((_S,), jnp.float32),
            pltpu.SemaphoreType.DMA,
            pltpu.SemaphoreType.DMA,
        ],
    )
    return f(x_flat, ids, w_vec)


def _sc_scatter_y(y_flat, ids, sc_partials_flat):
    mesh = plsc.VectorSubcoreMesh(
        core_axis_name="c", subcore_axis_name="s",
        num_cores=_NC, num_subcores=_NS)

    def body(y_hbm, ids_hbm, part_hbm, out_hbm, y_v, ids_v, part_v, acc2, acc_v,
             sem_y, sem_i, sem_p):
        cid = lax.axis_index("c")
        sid = lax.axis_index("s")
        wid = sid * _NC + cid
        base = wid * _YPW
        cp_y = pltpu.make_async_copy(y_hbm.at[pl.ds(base, _YPW)], y_v, sem_y)
        cp_i = pltpu.make_async_copy(
            ids_hbm.at[pl.ds(_NSC + base, _YPW)], ids_v, sem_i)
        cp_p = pltpu.make_async_copy(
            part_hbm.at[pl.ds(wid * _S, _S)], part_v, sem_p)
        cp_y.start()
        cp_i.start()
        cp_p.start()

        zero = jnp.zeros((_L,), jnp.float32)
        lanes = jnp.arange(_L, dtype=jnp.int32)
        lane_base = lanes * _SPAD

        def zero_body(i, carry):
            acc2[pl.ds(i * _L, _L)] = zero
            return carry

        lax.fori_loop(0, (_NS * _SPAD) // _L, zero_body, 0)
        cp_y.wait()
        cp_i.wait()

        def group_body(g, carry):
            yv = y_v[pl.ds(g * _L, _L)]
            idv = ids_v[pl.ds(g * _L, _L)]
            plsc.addupdate_scatter(acc2, [lane_base + idv], yv)
            return carry

        lax.fori_loop(0, _YG, group_body, 0)
        cp_p.wait()

        def fold_body(cg, carry):
            s = part_v[pl.ds(cg * _L, _L)]
            for r in range(_NS):
                s = s + acc2[pl.ds(r * _SPAD + cg * _L, _L)]
            acc_v[pl.ds(cg * _L, _L)] = s
            return carry

        lax.fori_loop(0, _S // _L, fold_body, 0)
        pltpu.sync_copy(acc_v, out_hbm.at[wid])

    f = pl.kernel(
        body,
        out_type=jax.ShapeDtypeStruct((_NW, _S), jnp.float32),
        mesh=mesh,
        compiler_params=pltpu.CompilerParams(needs_layout_passes=False),
        scratch_types=[
            pltpu.VMEM((_YPW,), jnp.float32),
            pltpu.VMEM((_YPW,), jnp.int32),
            pltpu.VMEM((_S,), jnp.float32),
            pltpu.VMEM((_NS * _SPAD,), jnp.float32),
            pltpu.VMEM((_S,), jnp.float32),
            pltpu.SemaphoreType.DMA,
            pltpu.SemaphoreType.DMA,
            pltpu.SemaphoreType.DMA,
        ],
    )
    return f(y_flat, ids, sc_partials_flat)


def _tc_matvec(x_full, w_row):
    def body(x_ref, w_ref, o_ref):
        y = lax.dot_general(
            w_ref[...], x_ref[...],
            dimension_numbers=(((1,), (1,)), ((), ())),
            preferred_element_type=jnp.float32)
        o_ref[...] = y.reshape(1, 1, _RTC)

    blk0 = _NSC // _RTC

    return pl.pallas_call(
        body,
        grid=(_NBLK,),
        in_specs=[
            pl.BlockSpec((_RTC, _D), lambda i: (i + blk0, 0)),
            pl.BlockSpec((1, _D), lambda i: (0, 0)),
        ],
        out_specs=pl.BlockSpec((1, 1, _RTC), lambda i: (i, 0, 0)),
        out_shape=jax.ShapeDtypeStruct((_NBLK, 1, _RTC), jnp.float32),
        compiler_params=pltpu.CompilerParams(
            dimension_semantics=("parallel",)),
    )(x_full, w_row)


def _combine(partials, b2):
    def body(p_ref, b_ref, o_ref):
        o_ref[...] = jnp.sum(p_ref[...], axis=0, keepdims=True) + b_ref[0, 0]

    return pl.pallas_call(
        body,
        out_shape=jax.ShapeDtypeStruct((1, _S), jnp.float32),
    )(partials, b2)


def kernel(x, batch, W, b):
    x_flat = x.reshape(-1)
    w_vec = W.reshape(-1)
    ids = batch.astype(jnp.int32)
    sc_partials = _sc_partials(x_flat, ids, w_vec)
    y_tc = _tc_matvec(x, W.reshape(1, _D)).reshape(-1)
    partials = _sc_scatter_y(y_tc, ids, sc_partials)
    out2 = _combine(partials, b.reshape(1, 1))
    return out2.reshape(_S)

# --- scband reference (transcript-rebuilt; emitter-appended) ---
"""Pipeline reference for scband-linear-regressor-29523605192771 (READ-ONLY COPY).

The authoritative reference and input builder live on the scoring server;
editing this copy changes nothing except your own understanding.
"""

import jax, jax.numpy as jnp
import numpy as np

N = 320000
D = 128
NUM_SEGMENTS = 512

def setup_inputs(seed: int = 0) -> dict:
    key = jax.random.key(seed)
    k1, k2, k3 = jax.random.split(key, 3)
    x = jax.random.normal(k1, (N, D), dtype=jnp.float32)
    batch = jnp.sort(jax.random.randint(k2, (N,), 0, NUM_SEGMENTS))
    # Linear(in_channels=128, out_channels=1), xavier_normal init on weight
    std = float(np.sqrt(2.0 / (D + 1)))
    W = jax.random.normal(k3, (1, D), dtype=jnp.float32) * std
    b = jnp.zeros((1,), dtype=jnp.float32)
    return {"x": x, "batch": batch, "W": W, "b": b}

def reference(x, batch, W, b):
    # global_add_pool: segment-sum node features by graph id
    pooled = jax.ops.segment_sum(x, batch, num_segments=NUM_SEGMENTS)
    # regressor: Linear(in_channels, out_channels) then squeeze(dim=1)
    out = pooled @ W.T + b
    return jnp.squeeze(out, axis=1)

if __name__ == "__main__":
    import jax
    _d = setup_inputs()
    print(jax.jit(kernel)(*tuple(_d.values())))

</pallas_src>

<mosaic_0001>
#map = affine_map<(d0, d1) -> (0)>
#map1 = affine_map<(d0, d1) -> (0, 0)>
module attributes {stable_mosaic.version = 14 : i64} {
  func.func @body(%arg0: i32, %arg1: i32, %arg2: memref<120320xf32, #tpu.memory_space<hbm>>, %arg3: memref<320000xi32, #tpu.memory_space<hbm>>, %arg4: memref<16384xf32, #tpu.memory_space<hbm>>, %arg5: memref<32x512xf32, #tpu.memory_space<hbm>>, %arg6: memref<3760xf32, #tpu.memory_space<vmem>>, %arg7: memref<3760xi32, #tpu.memory_space<vmem>>, %arg8: memref<512xf32, #tpu.memory_space<vmem>>, %arg9: memref<8208xf32, #tpu.memory_space<vmem>>, %arg10: memref<512xf32, #tpu.memory_space<vmem>>, %arg11: memref<!tpu.dma_semaphore, #tpu.memory_space<semaphore_mem>>, %arg12: memref<!tpu.dma_semaphore, #tpu.memory_space<semaphore_mem>>, %arg13: memref<!tpu.dma_semaphore, #tpu.memory_space<semaphore_mem>>) attributes {dimension_semantics = [#tpu.dimension_semantics<core_parallel>, #tpu.dimension_semantics<subcore_parallel>], iteration_bounds = array<i64: 2, 16>, scalar_prefetch = 0 : i64, scratch_operands = 8 : i64, tpu.core_type = #tpu.core_type<sc_vector_subcore>, window_params = [{transform_indices = #map}, {transform_indices = #map}, {transform_indices = #map}, {transform_indices = #map1}]} {
    %mul3A = arith.constant 2 : i32
    %mul3A_0 = arith.muli %arg1, %mul3A : i32
    %add3A = arith.addi %mul3A_0, %arg0 : i32
    %mul3A_1 = arith.constant 3760 : i32
    %mul3A_2 = arith.muli %add3A, %mul3A_1 : i32
    %add3A_3 = arith.constant 199680 : i32
    %add3A_4 = arith.addi %add3A_3, %mul3A_2 : i32
    %mul3A_5 = arith.constant 512 : i32
    %mul3A_6 = arith.muli %add3A, %mul3A_5 : i32
    %dma_start3A = tpu.memref_slice %arg2[%mul3A_2] : memref<120320xf32, #tpu.memory_space<hbm>> -> memref<3760xf32, #tpu.memory_space<hbm>>
    %dma_start3A_7 = tpu.memref_slice %arg2[%mul3A_2] : memref<120320xf32, #tpu.memory_space<hbm>> -> memref<3760xf32, #tpu.memory_space<hbm>>
    tpu.enqueue_dma source(%dma_start3A_7 : memref<3760xf32, #tpu.memory_space<hbm>>) target(%arg6 : memref<3760xf32, #tpu.memory_space<vmem>>) target_semaphore(%arg11 : memref<!tpu.dma_semaphore, #tpu.memory_space<semaphore_mem>>)
    %dma_start3A_8 = tpu.memref_slice %arg3[%add3A_4] : memref<320000xi32, #tpu.memory_space<hbm>> -> memref<3760xi32, #tpu.memory_space<hbm>>
    %dma_start3A_9 = tpu.memref_slice %arg3[%add3A_4] : memref<320000xi32, #tpu.memory_space<hbm>> -> memref<3760xi32, #tpu.memory_space<hbm>>
    tpu.enqueue_dma source(%dma_start3A_9 : memref<3760xi32, #tpu.memory_space<hbm>>) target(%arg7 : memref<3760xi32, #tpu.memory_space<vmem>>) target_semaphore(%arg12 : memref<!tpu.dma_semaphore, #tpu.memory_space<semaphore_mem>>)
    %dma_start3A_10 = tpu.memref_slice %arg4[%mul3A_6] : memref<16384xf32, #tpu.memory_space<hbm>> -> memref<512xf32, #tpu.memory_space<hbm>>
    %dma_start3A_11 = tpu.memref_slice %arg4[%mul3A_6] : memref<16384xf32, #tpu.memory_space<hbm>> -> memref<512xf32, #tpu.memory_space<hbm>>
    tpu.enqueue_dma source(%dma_start3A_11 : memref<512xf32, #tpu.memory_space<hbm>>) target(%arg8 : memref<512xf32, #tpu.memory_space<vmem>>) target_semaphore(%arg13 : memref<!tpu.dma_semaphore, #tpu.memory_space<semaphore_mem>>)
    %broadcast_in_dim3A = arith.constant 0.000000e+00 : f32
    %broadcast_in_dim3A_12 = vector.broadcast %broadcast_in_dim3A : f32 to vector<16xf32>
    %iota3A = tpu.iota {dimensions = array<i32: 0>} : vector<16xi32>
    %mul3A_13 = arith.constant 513 : i32
    %mul3A_14 = vector.broadcast %mul3A_13 : i32 to vector<16xi32>
    %mul3A_15 = arith.muli %iota3A, %mul3A_14 : vector<16xi32>
    %scan3A = arith.constant 0 : i32
    %scan3A_16 = arith.constant 0 : i32
    %scan3A_17 = arith.constant 513 : i32
    %scan3A_18 = arith.addi %scan3A_16, %scan3A_17 : i32
    %scan3A_19 = arith.constant 1 : i32
    scf.for %scan3A_38 = %scan3A_16 to %scan3A_18 step %scan3A_19  : i32 {
      %mul3A_39 = arith.constant 16 : i32
      %mul3A_40 = arith.muli %scan3A_38, %mul3A_39 : i32
      %swap3A = arith.index_cast %mul3A_40 : i32 to index
      %swap3A_41 = tpu.vector_load %arg9[%swap3A] {strides = array<i32>} : memref<8208xf32, #tpu.memory_space<vmem>>, vector<16xf32>,
      tpu.vector_store %arg9[%swap3A], %broadcast_in_dim3A_12 {strides = array<i32>} : memref<8208xf32, #tpu.memory_space<vmem>>, vector<16xf32>,
    }
    %scan3A_20 = arith.constant 513 : i32
    %dma_wait3A = tpu.memref_slice %arg2[%mul3A_2] : memref<120320xf32, #tpu.memory_space<hbm>> -> memref<3760xf32, #tpu.memory_space<hbm>>
    %dma_wait3A_21 = tpu.memref_slice %arg2[%mul3A_2] : memref<120320xf32, #tpu.memory_space<hbm>> -> memref<3760xf32, #tpu.memory_space<hbm>>
    tpu.wait_dma2 semaphore(%arg11 : memref<!tpu.dma_semaphore, #tpu.memory_space<semaphore_mem>>) src(%dma_wait3A_21 : memref<3760xf32, #tpu.memory_space<hbm>>) dst(%arg6 : memref<3760xf32, #tpu.memory_space<vmem>>)
    %dma_wait3A_22 = tpu.memref_slice %arg3[%add3A_4] : memref<320000xi32, #tpu.memory_space<hbm>> -> memref<3760xi32, #tpu.memory_space<hbm>>
    %dma_wait3A_23 = tpu.memref_slice %arg3[%add3A_4] : memref<320000xi32, #tpu.memory_space<hbm>> -> memref<3760xi32, #tpu.memory_space<hbm>>
    tpu.wait_dma2 semaphore(%arg12 : memref<!tpu.dma_semaphore, #tpu.memory_space<semaphore_mem>>) src(%dma_wait3A_23 : memref<3760xi32, #tpu.memory_space<hbm>>) dst(%arg7 : memref<3760xi32, #tpu.memory_space<vmem>>)
    %scan3A_24 = arith.constant 0 : i32
    %scan3A_25 = arith.constant 0 : i32
    %scan3A_26 = arith.constant 235 : i32
    %scan3A_27 = arith.addi %scan3A_25, %scan3A_26 : i32
    %scan3A_28 = arith.constant 1 : i32
    scf.for %scan3A_38 = %scan3A_25 to %scan3A_27 step %scan3A_28  : i32 {
      %mul3A_39 = arith.constant 16 : i32
      %mul3A_40 = arith.muli %scan3A_38, %mul3A_39 : i32
      %get3A = arith.index_cast %mul3A_40 : i32 to index
      %get3A_41 = tpu.vector_load %arg6[%get3A] {strides = array<i32>} : memref<3760xf32, #tpu.memory_space<vmem>>, vector<16xf32>,
      %mul3A_42 = arith.constant 16 : i32
      %mul3A_43 = arith.muli %scan3A_38, %mul3A_42 : i32
      %get3A_44 = arith.index_cast %mul3A_43 : i32 to index
      %get3A_45 = tpu.vector_load %arg7[%get3A_44] {strides = array<i32>} : memref<3760xi32, #tpu.memory_space<vmem>>, vector<16xi32>,
      %add3A_46 = arith.addi %mul3A_15, %get3A_45 : vector<16xi32>
      tpu.vector_store_idx %arg9[%add3A_46], %get3A_41 {add = true} : memref<8208xf32, #tpu.memory_space<vmem>>[vector<16xi32>], vector<16xf32>,
    }
    %scan3A_29 = arith.constant 235 : i32
    %dma_wait3A_30 = tpu.memref_slice %arg4[%mul3A_6] : memref<16384xf32, #tpu.memory_space<hbm>> -> memref<512xf32, #tpu.memory_space<hbm>>
    %dma_wait3A_31 = tpu.memref_slice %arg4[%mul3A_6] : memref<16384xf32, #tpu.memory_space<hbm>> -> memref<512xf32, #tpu.memory_space<hbm>>
    tpu.wait_dma2 semaphore(%arg13 : memref<!tpu.dma_semaphore, #tpu.memory_space<semaphore_mem>>) src(%dma_wait3A_31 : memref<512xf32, #tpu.memory_space<hbm>>) dst(%arg8 : memref<512xf32, #tpu.memory_space<vmem>>)
    %scan3A_32 = arith.constant 0 : i32
    %scan3A_33 = arith.constant 0 : i32
    %scan3A_34 = arith.constant 32 : i32
    %scan3A_35 = arith.addi %scan3A_33, %scan3A_34 : i32
    %scan3A_36 = arith.constant 1 : i32
    scf.for %scan3A_38 = %scan3A_33 to %scan3A_35 step %scan3A_36  : i32 {
      %mul3A_39 = arith.constant 16 : i32
      %mul3A_40 = arith.muli %scan3A_38, %mul3A_39 : i32
      %get3A = arith.index_cast %mul3A_40 : i32 to index
      %get3A_41 = tpu.vector_load %arg8[%get3A] {strides = array<i32>} : memref<512xf32, #tpu.memory_space<vmem>>, vector<16xf32>,
      %mul3A_42 = arith.constant 16 : i32
      %mul3A_43 = arith.muli %scan3A_38, %mul3A_42 : i32
      %add3A_44 = arith.constant 0 : i32
      %add3A_45 = arith.addi %add3A_44, %mul3A_43 : i32
      %get3A_46 = arith.index_cast %add3A_45 : i32 to index
      %get3A_47 = tpu.vector_load %arg9[%get3A_46] {strides = array<i32>} : memref<8208xf32, #tpu.memory_space<vmem>>, vector<16xf32>,
      %add3A_48 = arith.addf %get3A_41, %get3A_47 : vector<16xf32>
      %mul3A_49 = arith.constant 16 : i32
      %mul3A_50 = arith.muli %scan3A_38, %mul3A_49 : i32
      %add3A_51 = arith.constant 513 : i32
      %add3A_52 = arith.addi %add3A_51, %mul3A_50 : i32
      %get3A_53 = arith.index_cast %add3A_52 : i32 to index
      %get3A_54 = tpu.vector_load %arg9[%get3A_53] {strides = array<i32>} : memref<8208xf32, #tpu.memory_space<vmem>>, vector<16xf32>,
      %add3A_55 = arith.addf %add3A_48, %get3A_54 : vector<16xf32>
      %mul3A_56 = arith.constant 16 : i32
      %mul3A_57 = arith.muli %scan3A_38, %mul3A_56 : i32
      %add3A_58 = arith.constant 1026 : i32
      %add3A_59 = arith.addi %add3A_58, %mul3A_57 : i32
      %get3A_60 = arith.index_cast %add3A_59 : i32 to index
      %get3A_61 = tpu.vector_load %arg9[%get3A_60] {strides = array<i32>} : memref<8208xf32, #tpu.memory_space<vmem>>, vector<16xf32>,
      %add3A_62 = arith.addf %add3A_55, %get3A_61 : vector<16xf32>
      %mul3A_63 = arith.constant 16 : i32
      %mul3A_64 = arith.muli %scan3A_38, %mul3A_63 : i32
      %add3A_65 = arith.constant 1539 : i32
      %add3A_66 = arith.addi %add3A_65, %mul3A_64 : i32
      %get3A_67 = arith.index_cast %add3A_66 : i32 to index
      %get3A_68 = tpu.vector_load %arg9[%get3A_67] {strides = array<i32>} : memref<8208xf32, #tpu.memory_space<vmem>>, vector<16xf32>,
      %add3A_69 = arith.addf %add3A_62, %get3A_68 : vector<16xf32>
      %mul3A_70 = arith.constant 16 : i32
      %mul3A_71 = arith.muli %scan3A_38, %mul3A_70 : i32
      %add3A_72 = arith.constant 2052 : i32
      %add3A_73 = arith.addi %add3A_72, %mul3A_71 : i32
      %get3A_74 = arith.index_cast %add3A_73 : i32 to index
      %get3A_75 = tpu.vector_load %arg9[%get3A_74] {strides = array<i32>} : memref<8208xf32, #tpu.memory_space<vmem>>, vector<16xf32>,
      %add3A_76 = arith.addf %add3A_69, %get3A_75 : vector<16xf32>
      %mul3A_77 = arith.constant 16 : i32
      %mul3A_78 = arith.muli %scan3A_38, %mul3A_77 : i32
      %add3A_79 = arith.constant 2565 : i32
      %add3A_80 = arith.addi %add3A_79, %mul3A_78 : i32
      %get3A_81 = arith.index_cast %add3A_80 : i32 to index
      %get3A_82 = tpu.vector_load %arg9[%get3A_81] {strides = array<i32>} : memref<8208xf32, #tpu.memory_space<vmem>>, vector<16xf32>,
      %add3A_83 = arith.addf %add3A_76, %get3A_82 : vector<16xf32>
      %mul3A_84 = arith.constant 16 : i32
      %mul3A_85 = arith.muli %scan3A_38, %mul3A_84 : i32
      %add3A_86 = arith.constant 3078 : i32
      %add3A_87 = arith.addi %add3A_86, %mul3A_85 : i32
      %get3A_88 = arith.index_cast %add3A_87 : i32 to index
      %get3A_89 = tpu.vector_load %arg9[%get3A_88] {strides = array<i32>} : memref<8208xf32, #tpu.memory_space<vmem>>, vector<16xf32>,
      %add3A_90 = arith.addf %add3A_83, %get3A_89 : vector<16xf32>
      %mul3A_91 = arith.constant 16 : i32
      %mul3A_92 = arith.muli %scan3A_38, %mul3A_91 : i32
      %add3A_93 = arith.constant 3591 : i32
      %add3A_94 = arith.addi %add3A_93, %mul3A_92 : i32
      %get3A_95 = arith.index_cast %add3A_94 : i32 to index
      %get3A_96 = tpu.vector_load %arg9[%get3A_95] {strides = array<i32>} : memref<8208xf32, #tpu.memory_space<vmem>>, vector<16xf32>,
      %add3A_97 = arith.addf %add3A_90, %get3A_96 : vector<16xf32>
      %mul3A_98 = arith.constant 16 : i32
      %mul3A_99 = arith.muli %scan3A_38, %mul3A_98 : i32
      %add3A_100 = arith.constant 4104 : i32
      %add3A_101 = arith.addi %add3A_100, %mul3A_99 : i32
      %get3A_102 = arith.index_cast %add3A_101 : i32 to index
      %get3A_103 = tpu.vector_load %arg9[%get3A_102] {strides = array<i32>} : memref<8208xf32, #tpu.memory_space<vmem>>, vector<16xf32>,
      %add3A_104 = arith.addf %add3A_97, %get3A_103 : vector<16xf32>
      %mul3A_105 = arith.constant 16 : i32
      %mul3A_106 = arith.muli %scan3A_38, %mul3A_105 : i32
      %add3A_107 = arith.constant 4617 : i32
      %add3A_108 = arith.addi %add3A_107, %mul3A_106 : i32
      %get3A_109 = arith.index_cast %add3A_108 : i32 to index
      %get3A_110 = tpu.vector_load %arg9[%get3A_109] {strides = array<i32>} : memref<8208xf32, #tpu.memory_space<vmem>>, vector<16xf32>,
      %add3A_111 = arith.addf %add3A_104, %get3A_110 : vector<16xf32>
      %mul3A_112 = arith.constant 16 : i32
      %mul3A_113 = arith.muli %scan3A_38, %mul3A_112 : i32
      %add3A_114 = arith.constant 5130 : i32
      %add3A_115 = arith.addi %add3A_114, %mul3A_113 : i32
      %get3A_116 = arith.index_cast %add3A_115 : i32 to index
      %get3A_117 = tpu.vector_load %arg9[%get3A_116] {strides = array<i32>} : memref<8208xf32, #tpu.memory_space<vmem>>, vector<16xf32>,
      %add3A_118 = arith.addf %add3A_111, %get3A_117 : vector<16xf32>
      %mul3A_119 = arith.constant 16 : i32
      %mul3A_120 = arith.muli %scan3A_38, %mul3A_119 : i32
      %add3A_121 = arith.constant 5643 : i32
      %add3A_122 = arith.addi %add3A_121, %mul3A_120 : i32
      %get3A_123 = arith.index_cast %add3A_122 : i32 to index
      %get3A_124 = tpu.vector_load %arg9[%get3A_123] {strides = array<i32>} : memref<8208xf32, #tpu.memory_space<vmem>>, vector<16xf32>,
      %add3A_125 = arith.addf %add3A_118, %get3A_124 : vector<16xf32>
      %mul3A_126 = arith.constant 16 : i32
      %mul3A_127 = arith.muli %scan3A_38, %mul3A_126 : i32
      %add3A_128 = arith.constant 6156 : i32
      %add3A_129 = arith.addi %add3A_128, %mul3A_127 : i32
      %get3A_130 = arith.index_cast %add3A_129 : i32 to index
      %get3A_131 = tpu.vector_load %arg9[%get3A_130] {strides = array<i32>} : memref<8208xf32, #tpu.memory_space<vmem>>, vector<16xf32>,
      %add3A_132 = arith.addf %add3A_125, %get3A_131 : vector<16xf32>
      %mul3A_133 = arith.constant 16 : i32
      %mul3A_134 = arith.muli %scan3A_38, %mul3A_133 : i32
      %add3A_135 = arith.constant 6669 : i32
      %add3A_136 = arith.addi %add3A_135, %mul3A_134 : i32
      %get3A_137 = arith.index_cast %add3A_136 : i32 to index
      %get3A_138 = tpu.vector_load %arg9[%get3A_137] {strides = array<i32>} : memref<8208xf32, #tpu.memory_space<vmem>>, vector<16xf32>,
      %add3A_139 = arith.addf %add3A_132, %get3A_138 : vector<16xf32>
      %mul3A_140 = arith.constant 16 : i32
      %mul3A_141 = arith.muli %scan3A_38, %mul3A_140 : i32
      %add3A_142 = arith.constant 7182 : i32
      %add3A_143 = arith.addi %add3A_142, %mul3A_141 : i32
      %get3A_144 = arith.index_cast %add3A_143 : i32 to index
      %get3A_145 = tpu.vector_load %arg9[%get3A_144] {strides = array<i32>} : memref<8208xf32, #tpu.memory_space<vmem>>, vector<16xf32>,
      %add3A_146 = arith.addf %add3A_139, %get3A_145 : vector<16xf32>
      %mul3A_147 = arith.constant 16 : i32
      %mul3A_148 = arith.muli %scan3A_38, %mul3A_147 : i32
      %add3A_149 = arith.constant 7695 : i32
      %add3A_150 = arith.addi %add3A_149, %mul3A_148 : i32
      %get3A_151 = arith.index_cast %add3A_150 : i32 to index
      %get3A_152 = tpu.vector_load %arg9[%get3A_151] {strides = array<i32>} : memref<8208xf32, #tpu.memory_space<vmem>>, vector<16xf32>,
      %add3A_153 = arith.addf %add3A_146, %get3A_152 : vector<16xf32>
      %mul3A_154 = arith.constant 16 : i32
      %mul3A_155 = arith.muli %scan3A_38, %mul3A_154 : i32
      %swap3A = arith.index_cast %mul3A_155 : i32 to index
      %swap3A_156 = tpu.vector_load %arg10[%swap3A] {strides = array<i32>} : memref<512xf32, #tpu.memory_space<vmem>>, vector<16xf32>,
      tpu.vector_store %arg10[%swap3A], %add3A_153 {strides = array<i32>} : memref<512xf32, #tpu.memory_space<vmem>>, vector<16xf32>,
    }
    %scan3A_37 = arith.constant 32 : i32
    "tpu.region"() ({
      %run_scoped3A = tpu.sem_alloc : memref<!tpu.dma_semaphore, #tpu.memory_space<semaphore_mem>>
      %dma_start3A_38 = arith.constant 0 : i32
      %dma_start3A_39 = tpu.memref_slice %arg5[%add3A, %dma_start3A_38] : memref<32x512xf32, #tpu.memory_space<hbm>> -> memref<1x512xf32, #tpu.memory_space<hbm>>
      %dma_start3A_40 = tpu.memref_squeeze %dma_start3A_39 : memref<1x512xf32, #tpu.memory_space<hbm>> -> memref<512xf32, #tpu.memory_space<hbm>>
      %dma_start3A_41 = arith.constant 0 : i32
      %dma_start3A_42 = tpu.memref_slice %arg5[%add3A, %dma_start3A_41] : memref<32x512xf32, #tpu.memory_space<hbm>> -> memref<1x512xf32, #tpu.memory_space<hbm>>
      %dma_start3A_43 = tpu.memref_squeeze %dma_start3A_42 : memref<1x512xf32, #tpu.memory_space<hbm>> -> memref<512xf32, #tpu.memory_space<hbm>>
      tpu.enqueue_dma source(%arg10 : memref<512xf32, #tpu.memory_space<vmem>>) target(%dma_start3A_43 : memref<512xf32, #tpu.memory_space<hbm>>) target_semaphore(%run_scoped3A : memref<!tpu.dma_semaphore, #tpu.memory_space<semaphore_mem>>)
      %dma_wait3A_44 = arith.constant 0 : i32
      %dma_wait3A_45 = tpu.memref_slice %arg5[%add3A, %dma_wait3A_44] : memref<32x512xf32, #tpu.memory_space<hbm>> -> memref<1x512xf32, #tpu.memory_space<hbm>>
      %dma_wait3A_46 = tpu.memref_squeeze %dma_wait3A_45 : memref<1x512xf32, #tpu.memory_space<hbm>> -> memref<512xf32, #tpu.memory_space<hbm>>
      %dma_wait3A_47 = arith.constant 0 : i32
      %dma_wait3A_48 = tpu.memref_slice %arg5[%add3A, %dma_wait3A_47] : memref<32x512xf32, #tpu.memory_space<hbm>> -> memref<1x512xf32, #tpu.memory_space<hbm>>
      %dma_wait3A_49 = tpu.memref_squeeze %dma_wait3A_48 : memref<1x512xf32, #tpu.memory_space<hbm>> -> memref<512xf32, #tpu.memory_space<hbm>>
      tpu.wait_dma2 semaphore(%run_scoped3A : memref<!tpu.dma_semaphore, #tpu.memory_space<semaphore_mem>>) src(%arg10 : memref<512xf32, #tpu.memory_space<vmem>>) dst(%dma_wait3A_49 : memref<512xf32, #tpu.memory_space<hbm>>)
      tpu.yield
    }) : () -> ()
    return
  }
}

#map = affine_map<(d0, d1) -> (0)>
module attributes {stable_mosaic.version = 14 : i64} {
  func.func @body(%arg0: i32, %arg1: i32, %arg2: memref<40960000xf32, #tpu.memory_space<hbm>>, %arg3: memref<320000xi32, #tpu.memory_space<hbm>>, %arg4: memref<128xf32, #tpu.memory_space<hbm>>, %arg5: memref<16384xf32, #tpu.memory_space<hbm>>, %arg6: memref<53248xf32, #tpu.memory_space<vmem>>, %arg7: memref<53248xf32, #tpu.memory_space<vmem>>, %arg8: memref<6240xi32, #tpu.memory_space<vmem>>, %arg9: memref<128xf32, #tpu.memory_space<vmem>>, %arg10: memref<8208xf32, #tpu.memory_space<vmem>>, %arg11: memref<512xf32, #tpu.memory_space<vmem>>, %arg12: memref<!tpu.dma_semaphore, #tpu.memory_space<semaphore_mem>>, %arg13: memref<!tpu.dma_semaphore, #tpu.memory_space<semaphore_mem>>) attributes {dimension_semantics = [#tpu.dimension_semantics<core_parallel>, #tpu.dimension_semantics<subcore_parallel>], iteration_bounds = array<i64: 2, 16>, scalar_prefetch = 0 : i64, scratch_operands = 8 : i64, tpu.core_type = #tpu.core_type<sc_vector_subcore>, window_params = [{transform_indices = #map}, {transform_indices = #map}, {transform_indices = #map}, {transform_indices = #map}]} {
    %mul3A = arith.constant 2 : i32
    %mul3A_0 = arith.muli %arg1, %mul3A : i32
    %add3A = arith.addi %mul3A_0, %arg0 : i32
    %mul3A_1 = arith.constant 6240 : i32
    %mul3A_2 = arith.muli %add3A, %mul3A_1 : i32
    %add3A_3 = arith.constant 0 : i32
    %add3A_4 = arith.addi %mul3A_2, %add3A_3 : i32
    %mul3A_5 = arith.constant 128 : i32
    %mul3A_6 = arith.muli %add3A_4, %mul3A_5 : i32
    %dma_start3A = tpu.memref_slice %arg2[%mul3A_6] : memref<40960000xf32, #tpu.memory_space<hbm>> -> memref<53248xf32, #tpu.memory_space<hbm>>
    %dma_start3A_7 = tpu.memref_slice %arg2[%mul3A_6] : memref<40960000xf32, #tpu.memory_space<hbm>> -> memref<53248xf32, #tpu.memory_space<hbm>>
    tpu.enqueue_dma source(%dma_start3A_7 : memref<53248xf32, #tpu.memory_space<hbm>>) target(%arg6 : memref<53248xf32, #tpu.memory_space<vmem>>) target_semaphore(%arg12 : memref<!tpu.dma_semaphore, #tpu.memory_space<semaphore_mem>>)
    "tpu.region"() ({
      %run_scoped3A = tpu.sem_alloc : memref<!tpu.dma_semaphore, #tpu.memory_space<semaphore_mem>>
      %dma_start3A_197 = tpu.memref_slice %arg3[%mul3A_2] : memref<320000xi32, #tpu.memory_space<hbm>> -> memref<6240xi32, #tpu.memory_space<hbm>>
      %dma_start3A_198 = tpu.memref_slice %arg3[%mul3A_2] : memref<320000xi32, #tpu.memory_space<hbm>> -> memref<6240xi32, #tpu.memory_space<hbm>>
      tpu.enqueue_dma source(%dma_start3A_198 : memref<6240xi32, #tpu.memory_space<hbm>>) target(%arg8 : memref<6240xi32, #tpu.memory_space<vmem>>) target_semaphore(%run_scoped3A : memref<!tpu.dma_semaphore, #tpu.memory_space<semaphore_mem>>)
      %dma_wait3A_199 = tpu.memref_slice %arg3[%mul3A_2] : memref<320000xi32, #tpu.memory_space<hbm>> -> memref<6240xi32, #tpu.memory_space<hbm>>
      %dma_wait3A_200 = tpu.memref_slice %arg3[%mul3A_2] : memref<320000xi32, #tpu.memory_space<hbm>> -> memref<6240xi32, #tpu.memory_space<hbm>>
      tpu.wait_dma2 semaphore(%run_scoped3A : memref<!tpu.dma_semaphore, #tpu.memory_space<semaphore_mem>>) src(%dma_wait3A_200 : memref<6240xi32, #tpu.memory_space<hbm>>) dst(%arg8 : memref<6240xi32, #tpu.memory_space<vmem>>)
      tpu.yield
    }) : () -> ()
    "tpu.region"() ({
      %run_scoped3A = tpu.sem_alloc : memref<!tpu.dma_semaphore, #tpu.memory_space<semaphore_mem>>
      tpu.enqueue_dma source(%arg4 : memref<128xf32, #tpu.memory_space<hbm>>) target(%arg9 : memref<128xf32, #tpu.memory_space<vmem>>) target_semaphore(%run_scoped3A : memref<!tpu.dma_semaphore, #tpu.memory_space<semaphore_mem>>)
      tpu.wait_dma2 semaphore(%run_scoped3A : memref<!tpu.dma_semaphore, #tpu.memory_space<semaphore_mem>>) src(%arg4 : memref<128xf32, #tpu.memory_space<hbm>>) dst(%arg9 : memref<128xf32, #tpu.memory_space<vmem>>)
      tpu.yield
    }) : () -> ()
    %get3A = arith.constant 0 : index
    %get3A_8 = tpu.vector_load %arg9[%get3A] {strides = array<i32>} : memref<128xf32, #tpu.memory_space<vmem>>, vector<16xf32>,
    %get3A_9 = arith.constant 16 : index
    %get3A_10 = tpu.vector_load %arg9[%get3A_9] {strides = array<i32>} : memref<128xf32, #tpu.memory_space<vmem>>, vector<16xf32>,
    %get3A_11 = arith.constant 32 : index
    %get3A_12 = tpu.vector_load %arg9[%get3A_11] {strides = array<i32>} : memref<128xf32, #tpu.memory_space<vmem>>, vector<16xf32>,
    %get3A_13 = arith.constant 48 : index
    %get3A_14 = tpu.vector_load %arg9[%get3A_13] {strides = array<i32>} : memref<128xf32, #tpu.memory_space<vmem>>, vector<16xf32>,
    %get3A_15 = arith.constant 64 : index
    %get3A_16 = tpu.vector_load %arg9[%get3A_15] {strides = array<i32>} : memref<128xf32, #tpu.memory_space<vmem>>, vector<16xf32>,
    %get3A_17 = arith.constant 80 : index
    %get3A_18 = tpu.vector_load %arg9[%get3A_17] {strides = array<i32>} : memref<128xf32, #tpu.memory_space<vmem>>, vector<16xf32>,
    %get3A_19 = arith.constant 96 : index
    %get3A_20 = tpu.vector_load %arg9[%get3A_19] {strides = array<i32>} : memref<128xf32, #tpu.memory_space<vmem>>, vector<16xf32>,
    %get3A_21 = arith.constant 112 : index
    %get3A_22 = tpu.vector_load %arg9[%get3A_21] {strides = array<i32>} : memref<128xf32, #tpu.memory_space<vmem>>, vector<16xf32>,
    %broadcast_in_dim3A = arith.constant 0.000000e+00 : f32
    %broadcast_in_dim3A_23 = vector.broadcast %broadcast_in_dim3A : f32 to vector<16xf32>
    %iota3A = tpu.iota {dimensions = array<i32: 0>} : vector<16xi32>
    %mul3A_24 = arith.constant 513 : i32
    %mul3A_25 = vector.broadcast %mul3A_24 : i32 to vector<16xi32>
    %mul3A_26 = arith.muli %iota3A, %mul3A_25 : vector<16xi32>
    %jit3A = arith.constant 16 : i32
    %eq3A = arith.constant 0 : i32
    %eq3A_27 = arith.cmpi eq, %jit3A, %eq3A : i32
    %jit3A_28 = arith.constant 1 : i32
    %select_n3A = arith.select %eq3A_27, %jit3A_28, %jit3A : i32
    %rem3A = vector.broadcast %select_n3A : i32 to vector<16xi32>
    %rem3A_29 = arith.remsi %iota3A, %rem3A : vector<16xi32>
    %ne3A = arith.constant 0 : i32
    %ne3A_30 = vector.broadcast %ne3A : i32 to vector<16xi32>
    %ne3A_31 = arith.cmpi ne, %rem3A_29, %ne3A_30 : vector<16xi32>
    %lt3A = arith.constant 0 : i32
    %lt3A_32 = vector.broadcast %lt3A : i32 to vector<16xi32>
    %lt3A_33 = arith.cmpi slt, %rem3A_29, %lt3A_32 : vector<16xi32>
    %lt3A_34 = arith.constant 0 : i32
    %lt3A_35 = arith.cmpi slt, %select_n3A, %lt3A_34 : i32
    %ne3A_36 = vector.broadcast %lt3A_35 : i1 to vector<16xi1>
    %ne3A_37 = vector.broadcast %ne3A_36 : vector<16xi1> to vector<16xi1>
    %ne3A_38 = arith.xori %lt3A_33, %ne3A_37 : vector<16xi1>
    %and3A = arith.andi %ne3A_38, %ne3A_31 : vector<16xi1>
    %add3A_39 = vector.broadcast %select_n3A : i32 to vector<16xi32>
    %add3A_40 = arith.addi %rem3A_29, %add3A_39 : vector<16xi32>
    %select_n3A_41 = arith.select %and3A, %add3A_40, %rem3A_29 : vector<16xi1>, vector<16xi32>
    %lt3A_42 = arith.constant 8 : i32
    %lt3A_43 = vector.broadcast %lt3A_42 : i32 to vector<16xi32>
    %lt3A_44 = arith.cmpi slt, %select_n3A_41, %lt3A_43 : vector<16xi32>
    %jit3A_45 = arith.constant 8 : i32
    %eq3A_46 = arith.constant 0 : i32
    %eq3A_47 = arith.cmpi eq, %jit3A_45, %eq3A_46 : i32
    %jit3A_48 = arith.constant 1 : i32
    %select_n3A_49 = arith.select %eq3A_47, %jit3A_48, %jit3A_45 : i32
    %rem3A_50 = vector.broadcast %select_n3A_49 : i32 to vector<16xi32>
    %rem3A_51 = arith.remsi %iota3A, %rem3A_50 : vector<16xi32>
    %ne3A_52 = arith.constant 0 : i32
    %ne3A_53 = vector.broadcast %ne3A_52 : i32 to vector<16xi32>
    %ne3A_54 = arith.cmpi ne, %rem3A_51, %ne3A_53 : vector<16xi32>
    %lt3A_55 = arith.constant 0 : i32
    %lt3A_56 = vector.broadcast %lt3A_55 : i32 to vector<16xi32>
    %lt3A_57 = arith.cmpi slt, %rem3A_51, %lt3A_56 : vector<16xi32>
    %lt3A_58 = arith.constant 0 : i32
    %lt3A_59 = arith.cmpi slt, %select_n3A_49, %lt3A_58 : i32
    %ne3A_60 = vector.broadcast %lt3A_59 : i1 to vector<16xi1>
    %ne3A_61 = vector.broadcast %ne3A_60 : vector<16xi1> to vector<16xi1>
    %ne3A_62 = arith.xori %lt3A_57, %ne3A_61 : vector<16xi1>
    %and3A_63 = arith.andi %ne3A_62, %ne3A_54 : vector<16xi1>
    %add3A_64 = vector.broadcast %select_n3A_49 : i32 to vector<16xi32>
    %add3A_65 = arith.addi %rem3A_51, %add3A_64 : vector<16xi32>
    %select_n3A_66 = arith.select %and3A_63, %add3A_65, %rem3A_51 : vector<16xi1>, vector<16xi32>
    %lt3A_67 = arith.constant 4 : i32
    %lt3A_68 = vector.broadcast %lt3A_67 : i32 to vector<16xi32>
    %lt3A_69 = arith.cmpi slt, %select_n3A_66, %lt3A_68 : vector<16xi32>
    %jit3A_70 = arith.constant 4 : i32
    %eq3A_71 = arith.constant 0 : i32
    %eq3A_72 = arith.cmpi eq, %jit3A_70, %eq3A_71 : i32
    %jit3A_73 = arith.constant 1 : i32
    %select_n3A_74 = arith.select %eq3A_72, %jit3A_73, %jit3A_70 : i32
    %rem3A_75 = vector.broadcast %select_n3A_74 : i32 to vector<16xi32>
    %rem3A_76 = arith.remsi %iota3A, %rem3A_75 : vector<16xi32>
    %ne3A_77 = arith.constant 0 : i32
    %ne3A_78 = vector.broadcast %ne3A_77 : i32 to vector<16xi32>
    %ne3A_79 = arith.cmpi ne, %rem3A_76, %ne3A_78 : vector<16xi32>
    %lt3A_80 = arith.constant 0 : i32
    %lt3A_81 = vector.broadcast %lt3A_80 : i32 to vector<16xi32>
    %lt3A_82 = arith.cmpi slt, %rem3A_76, %lt3A_81 : vector<16xi32>
    %lt3A_83 = arith.constant 0 : i32
    %lt3A_84 = arith.cmpi slt, %select_n3A_74, %lt3A_83 : i32
    %ne3A_85 = vector.broadcast %lt3A_84 : i1 to vector<16xi1>
    %ne3A_86 = vector.broadcast %ne3A_85 : vector<16xi1> to vector<16xi1>
    %ne3A_87 = arith.xori %lt3A_82, %ne3A_86 : vector<16xi1>
    %and3A_88 = arith.andi %ne3A_87, %ne3A_79 : vector<16xi1>
    %add3A_89 = vector.broadcast %select_n3A_74 : i32 to vector<16xi32>
    %add3A_90 = arith.addi %rem3A_76, %add3A_89 : vector<16xi32>
    %select_n3A_91 = arith.select %and3A_88, %add3A_90, %rem3A_76 : vector<16xi1>, vector<16xi32>
    %lt3A_92 = arith.constant 2 : i32
    %lt3A_93 = vector.broadcast %lt3A_92 : i32 to vector<16xi32>
    %lt3A_94 = arith.cmpi slt, %select_n3A_91, %lt3A_93 : vector<16xi32>
    %jit3A_95 = arith.constant 2 : i32
    %eq3A_96 = arith.constant 0 : i32
    %eq3A_97 = arith.cmpi eq, %jit3A_95, %eq3A_96 : i32
    %jit3A_98 = arith.constant 1 : i32
    %select_n3A_99 = arith.select %eq3A_97, %jit3A_98, %jit3A_95 : i32
    %rem3A_100 = vector.broadcast %select_n3A_99 : i32 to vector<16xi32>
    %rem3A_101 = arith.remsi %iota3A, %rem3A_100 : vector<16xi32>
    %ne3A_102 = arith.constant 0 : i32
    %ne3A_103 = vector.broadcast %ne3A_102 : i32 to vector<16xi32>
    %ne3A_104 = arith.cmpi ne, %rem3A_101, %ne3A_103 : vector<16xi32>
    %lt3A_105 = arith.constant 0 : i32
    %lt3A_106 = vector.broadcast %lt3A_105 : i32 to vector<16xi32>
    %lt3A_107 = arith.cmpi slt, %rem3A_101, %lt3A_106 : vector<16xi32>
    %lt3A_108 = arith.constant 0 : i32
    %lt3A_109 = arith.cmpi slt, %select_n3A_99, %lt3A_108 : i32
    %ne3A_110 = vector.broadcast %lt3A_109 : i1 to vector<16xi1>
    %ne3A_111 = vector.broadcast %ne3A_110 : vector<16xi1> to vector<16xi1>
    %ne3A_112 = arith.xori %lt3A_107, %ne3A_111 : vector<16xi1>
    %and3A_113 = arith.andi %ne3A_112, %ne3A_104 : vector<16xi1>
    %add3A_114 = vector.broadcast %select_n3A_99 : i32 to vector<16xi32>
    %add3A_115 = arith.addi %rem3A_101, %add3A_114 : vector<16xi32>
    %select_n3A_116 = arith.select %and3A_113, %add3A_115, %rem3A_101 : vector<16xi1>, vector<16xi32>
    %lt3A_117 = arith.constant 1 : i32
    %lt3A_118 = vector.broadcast %lt3A_117 : i32 to vector<16xi32>
    %lt3A_119 = arith.cmpi slt, %select_n3A_116, %lt3A_118 : vector<16xi32>
    %add3A_120 = arith.constant 8 : i32
    %add3A_121 = vector.broadcast %add3A_120 : i32 to vector<16xi32>
    %add3A_122 = arith.addi %iota3A, %add3A_121 : vector<16xi32>
    %and3A_123 = arith.constant 15 : i32
    %and3A_124 = vector.broadcast %and3A_123 : i32 to vector<16xi32>
    %and3A_125 = arith.andi %add3A_122, %and3A_124 : vector<16xi32>
    %sub3A = arith.constant 8 : i32
    %sub3A_126 = vector.broadcast %sub3A : i32 to vector<16xi32>
    %sub3A_127 = arith.subi %iota3A, %sub3A_126 : vector<16xi32>
    %and3A_128 = arith.constant 15 : i32
    %and3A_129 = vector.broadcast %and3A_128 : i32 to vector<16xi32>
    %and3A_130 = arith.andi %sub3A_127, %and3A_129 : vector<16xi32>
    %add3A_131 = arith.constant 4 : i32
    %add3A_132 = vector.broadcast %add3A_131 : i32 to vector<16xi32>
    %add3A_133 = arith.addi %iota3A, %add3A_132 : vector<16xi32>
    %and3A_134 = arith.constant 15 : i32
    %and3A_135 = vector.broadcast %and3A_134 : i32 to vector<16xi32>
    %and3A_136 = arith.andi %add3A_133, %and3A_135 : vector<16xi32>
    %sub3A_137 = arith.constant 4 : i32
    %sub3A_138 = vector.broadcast %sub3A_137 : i32 to vector<16xi32>
    %sub3A_139 = arith.subi %iota3A, %sub3A_138 : vector<16xi32>
    %and3A_140 = arith.constant 15 : i32
    %and3A_141 = vector.broadcast %and3A_140 : i32 to vector<16xi32>
    %and3A_142 = arith.andi %sub3A_139, %and3A_141 : vector<16xi32>
    %add3A_143 = arith.constant 2 : i32
    %add3A_144 = vector.broadcast %add3A_143 : i32 to vector<16xi32>
    %add3A_145 = arith.addi %iota3A, %add3A_144 : vector<16xi32>
    %and3A_146 = arith.constant 15 : i32
    %and3A_147 = vector.broadcast %and3A_146 : i32 to vector<16xi32>
    %and3A_148 = arith.andi %add3A_145, %and3A_147 : vector<16xi32>
    %sub3A_149 = arith.constant 2 : i32
    %sub3A_150 = vector.broadcast %sub3A_149 : i32 to vector<16xi32>
    %sub3A_151 = arith.subi %iota3A, %sub3A_150 : vector<16xi32>
    %and3A_152 = arith.constant 15 : i32
    %and3A_153 = vector.broadcast %and3A_152 : i32 to vector<16xi32>
    %and3A_154 = arith.andi %sub3A_151, %and3A_153 : vector<16xi32>
    %add3A_155 = arith.constant 1 : i32
    %add3A_156 = vector.broadcast %add3A_155 : i32 to vector<16xi32>
    %add3A_157 = arith.addi %iota3A, %add3A_156 : vector<16xi32>
    %and3A_158 = arith.constant 15 : i32
    %and3A_159 = vector.broadcast %and3A_158 : i32 to vector<16xi32>
    %and3A_160 = arith.andi %add3A_157, %and3A_159 : vector<16xi32>
    %sub3A_161 = arith.constant 1 : i32
    %sub3A_162 = vector.broadcast %sub3A_161 : i32 to vector<16xi32>
    %sub3A_163 = arith.subi %iota3A, %sub3A_162 : vector<16xi32>
    %and3A_164 = arith.constant 15 : i32
    %and3A_165 = vector.broadcast %and3A_164 : i32 to vector<16xi32>
    %and3A_166 = arith.andi %sub3A_163, %and3A_165 : vector<16xi32>
    %scan3A = arith.constant 0 : i32
    %scan3A_167 = arith.constant 0 : i32
    %scan3A_168 = arith.constant 513 : i32
    %scan3A_169 = arith.addi %scan3A_167, %scan3A_168 : i32
    %scan3A_170 = arith.constant 1 : i32
    scf.for %scan3A_197 = %scan3A_167 to %scan3A_169 step %scan3A_170  : i32 {
      %mul3A_198 = arith.constant 16 : i32
      %mul3A_199 = arith.muli %scan3A_197, %mul3A_198 : i32
      %swap3A = arith.index_cast %mul3A_199 : i32 to index
      %swap3A_200 = tpu.vector_load %arg10[%swap3A] {strides = array<i32>} : memref<8208xf32, #tpu.memory_space<vmem>>, vector<16xf32>,
      tpu.vector_store %arg10[%swap3A], %broadcast_in_dim3A_23 {strides = array<i32>} : memref<8208xf32, #tpu.memory_space<vmem>>, vector<16xf32>,
    }
    %scan3A_171 = arith.constant 513 : i32
    %scan3A_172 = arith.constant 0 : i32
    %scan3A_173 = arith.constant 0 : i32
    %scan3A_174 = arith.constant 7 : i32
    %scan3A_175 = arith.addi %scan3A_173, %scan3A_174 : i32
    %scan3A_176 = arith.constant 1 : i32
    scf.for %scan3A_197 = %scan3A_173 to %scan3A_175 step %scan3A_176  : i32 {
      %mul3A_198 = arith.constant 2 : i32
      %mul3A_199 = arith.muli %mul3A_198, %scan3A_197 : i32
      %add3A_200 = arith.constant 1 : i32
      %add3A_201 = arith.addi %mul3A_199, %add3A_200 : i32
      %mul3A_202 = arith.constant 416 : i32
      %mul3A_203 = arith.muli %add3A_201, %mul3A_202 : i32
      %add3A_204 = arith.addi %mul3A_2, %mul3A_203 : i32
      %mul3A_205 = arith.constant 128 : i32
      %mul3A_206 = arith.muli %add3A_204, %mul3A_205 : i32
      %dma_start3A_207 = tpu.memref_slice %arg2[%mul3A_206] : memref<40960000xf32, #tpu.memory_space<hbm>> -> memref<53248xf32, #tpu.memory_space<hbm>>
      %dma_start3A_208 = tpu.memref_slice %arg2[%mul3A_206] : memref<40960000xf32, #tpu.memory_space<hbm>> -> memref<53248xf32, #tpu.memory_space<hbm>>
      tpu.enqueue_dma source(%dma_start3A_208 : memref<53248xf32, #tpu.memory_space<hbm>>) target(%arg7 : memref<53248xf32, #tpu.memory_space<vmem>>) target_semaphore(%arg13 : memref<!tpu.dma_semaphore, #tpu.memory_space<semaphore_mem>>)
      %mul3A_209 = arith.constant 416 : i32
      %mul3A_210 = arith.muli %mul3A_199, %mul3A_209 : i32
      %add3A_211 = arith.addi %mul3A_2, %mul3A_210 : i32
      %mul3A_212 = arith.constant 128 : i32
      %mul3A_213 = arith.muli %add3A_211, %mul3A_212 : i32
      %dma_wait3A_214 = tpu.memref_slice %arg2[%mul3A_213] : memref<40960000xf32, #tpu.memory_space<hbm>> -> memref<53248xf32, #tpu.memory_space<hbm>>
      %dma_wait3A_215 = tpu.memref_slice %arg2[%mul3A_213] : memref<40960000xf32, #tpu.memory_space<hbm>> -> memref<53248xf32, #tpu.memory_space<hbm>>
      tpu.wait_dma2 semaphore(%arg12 : memref<!tpu.dma_semaphore, #tpu.memory_space<semaphore_mem>>) src(%dma_wait3A_215 : memref<53248xf32, #tpu.memory_space<hbm>>) dst(%arg6 : memref<53248xf32, #tpu.memory_space<vmem>>)
      %scan3A_216 = arith.constant 0 : i32
      %scan3A_217 = arith.constant 0 : i32
      %scan3A_218 = arith.constant 26 : i32
      %scan3A_219 = arith.addi %scan3A_217, %scan3A_218 : i32
      %scan3A_220 = arith.constant 1 : i32
      scf.for %scan3A_248 = %scan3A_217 to %scan3A_219 step %scan3A_220  : i32 {
        %mul3A_249 = arith.constant 416 : i32
        %mul3A_250 = arith.muli %mul3A_199, %mul3A_249 : i32
        %mul3A_251 = arith.constant 16 : i32
        %mul3A_252 = arith.muli %scan3A_248, %mul3A_251 : i32
        %add3A_253 = arith.addi %mul3A_250, %mul3A_252 : i32
        %get3A_254 = arith.index_cast %add3A_253 : i32 to index
        %get3A_255 = tpu.vector_load %arg8[%get3A_254] {strides = array<i32>} : memref<6240xi32, #tpu.memory_space<vmem>>, vector<16xi32>,
        %mul3A_256 = arith.constant 16 : i32
        %mul3A_257 = arith.muli %scan3A_248, %mul3A_256 : i32
        %add3A_258 = arith.constant 0 : i32
        %add3A_259 = arith.addi %mul3A_257, %add3A_258 : i32
        %mul3A_260 = arith.constant 128 : i32
        %mul3A_261 = arith.muli %add3A_259, %mul3A_260 : i32
        %get3A_262 = arith.index_cast %mul3A_261 : i32 to index
        %get3A_263 = tpu.vector_load %arg6[%get3A_262] {strides = array<i32>} : memref<53248xf32, #tpu.memory_space<vmem>>, vector<16xf32>,
        %mul3A_264 = arith.mulf %get3A_263, %get3A_8 : vector<16xf32>
        %add3A_265 = arith.constant 16 : i32
        %add3A_266 = arith.addi %mul3A_261, %add3A_265 : i32
        %get3A_267 = arith.index_cast %add3A_266 : i32 to index
        %get3A_268 = tpu.vector_load %arg6[%get3A_267] {strides = array<i32>} : memref<53248xf32, #tpu.memory_space<vmem>>, vector<16xf32>,
        %mul3A_269 = arith.mulf %get3A_268, %get3A_10 : vector<16xf32>
        %add3A_270 = arith.addf %mul3A_264, %mul3A_269 : vector<16xf32>
        %add3A_271 = arith.constant 32 : i32
        %add3A_272 = arith.addi %mul3A_261, %add3A_271 : i32
        %get3A_273 = arith.index_cast %add3A_272 : i32 to index
        %get3A_274 = tpu.vector_load %arg6[%get3A_273] {strides = array<i32>} : memref<53248xf32, #tpu.memory_space<vmem>>, vector<16xf32>,
        %mul3A_275 = arith.mulf %get3A_274, %get3A_12 : vector<16xf32>
        %add3A_276 = arith.addf %add3A_270, %mul3A_275 : vector<16xf32>
        %add3A_277 = arith.constant 48 : i32
        %add3A_278 = arith.addi %mul3A_261, %add3A_277 : i32
        %get3A_279 = arith.index_cast %add3A_278 : i32 to index
        %get3A_280 = tpu.vector_load %arg6[%get3A_279] {strides = array<i32>} : memref<53248xf32, #tpu.memory_space<vmem>>, vector<16xf32>,
        %mul3A_281 = arith.mulf %get3A_280, %get3A_14 : vector<16xf32>
        %add3A_282 = arith.addf %add3A_276, %mul3A_281 : vector<16xf32>
        %add3A_283 = arith.constant 64 : i32
        %add3A_284 = arith.addi %mul3A_261, %add3A_283 : i32
        %get3A_285 = arith.index_cast %add3A_284 : i32 to index
        %get3A_286 = tpu.vector_load %arg6[%get3A_285] {strides = array<i32>} : memref<53248xf32, #tpu.memory_space<vmem>>, vector<16xf32>,
        %mul3A_287 = arith.mulf %get3A_286, %get3A_16 : vector<16xf32>
        %add3A_288 = arith.addf %add3A_282, %mul3A_287 : vector<16xf32>
        %add3A_289 = arith.constant 80 : i32
        %add3A_290 = arith.addi %mul3A_261, %add3A_289 : i32
        %get3A_291 = arith.index_cast %add3A_290 : i32 to index
        %get3A_292 = tpu.vector_load %arg6[%get3A_291] {strides = array<i32>} : memref<53248xf32, #tpu.memory_space<vmem>>, vector<16xf32>,
        %mul3A_293 = arith.mulf %get3A_292, %get3A_18 : vector<16xf32>
        %add3A_294 = arith.addf %add3A_288, %mul3A_293 : vector<16xf32>
        %add3A_295 = arith.constant 96 : i32
        %add3A_296 = arith.addi %mul3A_261, %add3A_295 : i32
        %get3A_297 = arith.index_cast %add3A_296 : i32 to index
        %get3A_298 = tpu.vector_load %arg6[%get3A_297] {strides = array<i32>} : memref<53248xf32, #tpu.memory_space<vmem>>, vector<16xf32>,
        %mul3A_299 = arith.mulf %get3A_298, %get3A_20 : vector<16xf32>
        %add3A_300 = arith.addf %add3A_294, %mul3A_299 : vector<16xf32>
        %add3A_301 = arith.constant 112 : i32
        %add3A_302 = arith.addi %mul3A_261, %add3A_301 : i32
        %get3A_303 = arith.index_cast %add3A_302 : i32 to index
        %get3A_304 = tpu.vector_load %arg6[%get3A_303] {strides = array<i32>} : memref<53248xf32, #tpu.memory_space<vmem>>, vector<16xf32>,
        %mul3A_305 = arith.mulf %get3A_304, %get3A_22 : vector<16xf32>
        %add3A_306 = arith.addf %add3A_300, %mul3A_305 : vector<16xf32>
        %mul3A_307 = arith.constant 16 : i32
        %mul3A_308 = arith.muli %scan3A_248, %mul3A_307 : i32
        %add3A_309 = arith.constant 8 : i32
        %add3A_310 = arith.addi %mul3A_308, %add3A_309 : i32
        %mul3A_311 = arith.constant 128 : i32
        %mul3A_312 = arith.muli %add3A_310, %mul3A_311 : i32
        %get3A_313 = arith.index_cast %mul3A_312 : i32 to index
        %get3A_314 = tpu.vector_load %arg6[%get3A_313] {strides = array<i32>} : memref<53248xf32, #tpu.memory_space<vmem>>, vector<16xf32>,
        %mul3A_315 = arith.mulf %get3A_314, %get3A_8 : vector<16xf32>
        %add3A_316 = arith.constant 16 : i32
        %add3A_317 = arith.addi %mul3A_312, %add3A_316 : i32
        %get3A_318 = arith.index_cast %add3A_317 : i32 to index
        %get3A_319 = tpu.vector_load %arg6[%get3A_318] {strides = array<i32>} : memref<53248xf32, #tpu.memory_space<vmem>>, vector<16xf32>,
        %mul3A_320 = arith.mulf %get3A_319, %get3A_10 : vector<16xf32>
        %add3A_321 = arith.addf %mul3A_315, %mul3A_320 : vector<16xf32>
        %add3A_322 = arith.constant 32 : i32
        %add3A_323 = arith.addi %mul3A_312, %add3A_322 : i32
        %get3A_324 = arith.index_cast %add3A_323 : i32 to index
        %get3A_325 = tpu.vector_load %arg6[%get3A_324] {strides = array<i32>} : memref<53248xf32, #tpu.memory_space<vmem>>, vector<16xf32>,
        %mul3A_326 = arith.mulf %get3A_325, %get3A_12 : vector<16xf32>
        %add3A_327 = arith.addf %add3A_321, %mul3A_326 : vector<16xf32>
        %add3A_328 = arith.constant 48 : i32
        %add3A_329 = arith.addi %mul3A_312, %add3A_328 : i32
        %get3A_330 = arith.index_cast %add3A_329 : i32 to index
        %get3A_331 = tpu.vector_load %arg6[%get3A_330] {strides = array<i32>} : memref<53248xf32, #tpu.memory_space<vmem>>, vector<16xf32>,
        %mul3A_332 = arith.mulf %get3A_331, %get3A_14 : vector<16xf32>
        %add3A_333 = arith.addf %add3A_327, %mul3A_332 : vector<16xf32>
        %add3A_334 = arith.constant 64 : i32
        %add3A_335 = arith.addi %mul3A_312, %add3A_334 : i32
        %get3A_336 = arith.index_cast %add3A_335 : i32 to index
        %get3A_337 = tpu.vector_load %arg6[%get3A_336] {strides = array<i32>} : memref<53248xf32, #tpu.memory_space<vmem>>, vector<16xf32>,
        %mul3A_338 = arith.mulf %get3A_337, %get3A_16 : vector<16xf32>
        %add3A_339 = arith.addf %add3A_333, %mul3A_338 : vector<16xf32>
        %add3A_340 = arith.constant 80 : i32
        %add3A_341 = arith.addi %mul3A_312, %add3A_340 : i32
        %get3A_342 = arith.index_cast %add3A_341 : i32 to index
        %get3A_343 = tpu.vector_load %arg6[%get3A_342] {strides = array<i32>} : memref<53248xf32, #tpu.memory_space<vmem>>, vector<16xf32>,
        %mul3A_344 = arith.mulf %get3A_343, %get3A_18 : vector<16xf32>
        %add3A_345 = arith.addf %add3A_339, %mul3A_344 : vector<16xf32>
        %add3A_346 = arith.constant 96 : i32
        %add3A_347 = arith.addi %mul3A_312, %add3A_346 : i32
        %get3A_348 = arith.index_cast %add3A_347 : i32 to index
        %get3A_349 = tpu.vector_load %arg6[%get3A_348] {strides = array<i32>} : memref<53248xf32, #tpu.memory_space<vmem>>, vector<16xf32>,
        %mul3A_350 = arith.mulf %get3A_349, %get3A_20 : vector<16xf32>
        %add3A_351 = arith.addf %add3A_345, %mul3A_350 : vector<16xf32>
        %add3A_352 = arith.constant 112 : i32
        %add3A_353 = arith.addi %mul3A_312, %add3A_352 : i32
        %get3A_354 = arith.index_cast %add3A_353 : i32 to index
        %get3A_355 = tpu.vector_load %arg6[%get3A_354] {strides = array<i32>} : memref<53248xf32, #tpu.memory_space<vmem>>, vector<16xf32>,
        %mul3A_356 = arith.mulf %get3A_355, %get3A_22 : vector<16xf32>
        %add3A_357 = arith.addf %add3A_351, %mul3A_356 : vector<16xf32>
        %mul3A_358 = arith.constant 16 : i32
        %mul3A_359 = arith.muli %scan3A_248, %mul3A_358 : i32
        %add3A_360 = arith.constant 4 : i32
        %add3A_361 = arith.addi %mul3A_359, %add3A_360 : i32
        %mul3A_362 = arith.constant 128 : i32
        %mul3A_363 = arith.muli %add3A_361, %mul3A_362 : i32
        %get3A_364 = arith.index_cast %mul3A_363 : i32 to index
        %get3A_365 = tpu.vector_load %arg6[%get3A_364] {strides = array<i32>} : memref<53248xf32, #tpu.memory_space<vmem>>, vector<16xf32>,
        %mul3A_366 = arith.mulf %get3A_365, %get3A_8 : vector<16xf32>
        %add3A_367 = arith.constant 16 : i32
        %add3A_368 = arith.addi %mul3A_363, %add3A_367 : i32
        %get3A_369 = arith.index_cast %add3A_368 : i32 to index
        %get3A_370 = tpu.vector_load %arg6[%get3A_369] {strides = array<i32>} : memref<53248xf32, #tpu.memory_space<vmem>>, vector<16xf32>,
        %mul3A_371 = arith.mulf %get3A_370, %get3A_10 : vector<16xf32>
        %add3A_372 = arith.addf %mul3A_366, %mul3A_371 : vector<16xf32>
        %add3A_373 = arith.constant 32 : i32
        %add3A_374 = arith.addi %mul3A_363, %add3A_373 : i32
        %get3A_375 = arith.index_cast %add3A_374 : i32 to index
        %get3A_376 = tpu.vector_load %arg6[%get3A_375] {strides = array<i32>} : memref<53248xf32, #tpu.memory_space<vmem>>, vector<16xf32>,
        %mul3A_377 = arith.mulf %get3A_376, %get3A_12 : vector<16xf32>
        %add3A_378 = arith.addf %add3A_372, %mul3A_377 : vector<16xf32>
        %add3A_379 = arith.constant 48 : i32
        %add3A_380 = arith.addi %mul3A_363, %add3A_379 : i32
        %get3A_381 = arith.index_cast %add3A_380 : i32 to index
        %get3A_382 = tpu.vector_load %arg6[%get3A_381] {strides = array<i32>} : memref<53248xf32, #tpu.memory_space<vmem>>, vector<16xf32>,
        %mul3A_383 = arith.mulf %get3A_382, %get3A_14 : vector<16xf32>
        %add3A_384 = arith.addf %add3A_378, %mul3A_383 : vector<16xf32>
        %add3A_385 = arith.constant 64 : i32
        %add3A_386 = arith.addi %mul3A_363, %add3A_385 : i32
        %get3A_387 = arith.index_cast %add3A_386 : i32 to index
        %get3A_388 = tpu.vector_load %arg6[%get3A_387] {strides = array<i32>} : memref<53248xf32, #tpu.memory_space<vmem>>, vector<16xf32>,
        %mul3A_389 = arith.mulf %get3A_388, %get3A_16 : vector<16xf32>
        %add3A_390 = arith.addf %add3A_384, %mul3A_389 : vector<16xf32>
        %add3A_391 = arith.constant 80 : i32
        %add3A_392 = arith.addi %mul3A_363, %add3A_391 : i32
        %get3A_393 = arith.index_cast %add3A_392 : i32 to index
        %get3A_394 = tpu.vector_load %arg6[%get3A_393] {strides = array<i32>} : memref<53248xf32, #tpu.memory_space<vmem>>, vector<16xf32>,
        %mul3A_395 = arith.mulf %get3A_394, %get3A_18 : vector<16xf32>
        %add3A_396 = arith.addf %add3A_390, %mul3A_395 : vector<16xf32>
        %add3A_397 = arith.constant 96 : i32
        %add3A_398 = arith.addi %mul3A_363, %add3A_397 : i32
        %get3A_399 = arith.index_cast %add3A_398 : i32 to index
        %get3A_400 = tpu.vector_load %arg6[%get3A_399] {strides = array<i32>} : memref<53248xf32, #tpu.memory_space<vmem>>, vector<16xf32>,
        %mul3A_401 = arith.mulf %get3A_400, %get3A_20 : vector<16xf32>
        %add3A_402 = arith.addf %add3A_396, %mul3A_401 : vector<16xf32>
        %add3A_403 = arith.constant 112 : i32
        %add3A_404 = arith.addi %mul3A_363, %add3A_403 : i32
        %get3A_405 = arith.index_cast %add3A_404 : i32 to index
        %get3A_406 = tpu.vector_load %arg6[%get3A_405] {strides = array<i32>} : memref<53248xf32, #tpu.memory_space<vmem>>, vector<16xf32>,
        %mul3A_407 = arith.mulf %get3A_406, %get3A_22 : vector<16xf32>
        %add3A_408 = arith.addf %add3A_402, %mul3A_407 : vector<16xf32>
        %mul3A_409 = arith.constant 16 : i32
        %mul3A_410 = arith.muli %scan3A_248, %mul3A_409 : i32
        %add3A_411 = arith.constant 12 : i32
        %add3A_412 = arith.addi %mul3A_410, %add3A_411 : i32
        %mul3A_413 = arith.constant 128 : i32
        %mul3A_414 = arith.muli %add3A_412, %mul3A_413 : i32
        %get3A_415 = arith.index_cast %mul3A_414 : i32 to index
        %get3A_416 = tpu.vector_load %arg6[%get3A_415] {strides = array<i32>} : memref<53248xf32, #tpu.memory_space<vmem>>, vector<16xf32>,
        %mul3A_417 = arith.mulf %get3A_416, %get3A_8 : vector<16xf32>
        %add3A_418 = arith.constant 16 : i32
        %add3A_419 = arith.addi %mul3A_414, %add3A_418 : i32
        %get3A_420 = arith.index_cast %add3A_419 : i32 to index
        %get3A_421 = tpu.vector_load %arg6[%get3A_420] {strides = array<i32>} : memref<53248xf32, #tpu.memory_space<vmem>>, vector<16xf32>,
        %mul3A_422 = arith.mulf %get3A_421, %get3A_10 : vector<16xf32>
        %add3A_423 = arith.addf %mul3A_417, %mul3A_422 : vector<16xf32>
        %add3A_424 = arith.constant 32 : i32
        %add3A_425 = arith.addi %mul3A_414, %add3A_424 : i32
        %get3A_426 = arith.index_cast %add3A_425 : i32 to index
        %get3A_427 = tpu.vector_load %arg6[%get3A_426] {strides = array<i32>} : memref<53248xf32, #tpu.memory_space<vmem>>, vector<16xf32>,
        %mul3A_428 = arith.mulf %get3A_427, %get3A_12 : vector<16xf32>
        %add3A_429 = arith.addf %add3A_423, %mul3A_428 : vector<16xf32>
        %add3A_430 = arith.constant 48 : i32
        %add3A_431 = arith.addi %mul3A_414, %add3A_430 : i32
        %get3A_432 = arith.index_cast %add3A_431 : i32 to index
        %get3A_433 = tpu.vector_load %arg6[%get3A_432] {strides = array<i32>} : memref<53248xf32, #tpu.memory_space<vmem>>, vector<16xf32>,
        %mul3A_434 = arith.mulf %get3A_433, %get3A_14 : vector<16xf32>
        %add3A_435 = arith.addf %add3A_429, %mul3A_434 : vector<16xf32>
        %add3A_436 = arith.constant 64 : i32
        %add3A_437 = arith.addi %mul3A_414, %add3A_436 : i32
        %get3A_438 = arith.index_cast %add3A_437 : i32 to index
        %get3A_439 = tpu.vector_load %arg6[%get3A_438] {strides = array<i32>} : memref<53248xf32, #tpu.memory_space<vmem>>, vector<16xf32>,
        %mul3A_440 = arith.mulf %get3A_439, %get3A_16 : vector<16xf32>
        %add3A_441 = arith.addf %add3A_435, %mul3A_440 : vector<16xf32>
        %add3A_442 = arith.constant 80 : i32
        %add3A_443 = arith.addi %mul3A_414, %add3A_442 : i32
        %get3A_444 = arith.index_cast %add3A_443 : i32 to index
        %get3A_445 = tpu.vector_load %arg6[%get3A_444] {strides = array<i32>} : memref<53248xf32, #tpu.memory_space<vmem>>, vector<16xf32>,
        %mul3A_446 = arith.mulf %get3A_445, %get3A_18 : vector<16xf32>
        %add3A_447 = arith.addf %add3A_441, %mul3A_446 : vector<16xf32>
        %add3A_448 = arith.constant 96 : i32
        %add3A_449 = arith.addi %mul3A_414, %add3A_448 : i32
        %get3A_450 = arith.index_cast %add3A_449 : i32 to index
        %get3A_451 = tpu.vector_load %arg6[%get3A_450] {strides = array<i32>} : memref<53248xf32, #tpu.memory_space<vmem>>, vector<16xf32>,
        %mul3A_452 = arith.mulf %get3A_451, %get3A_20 : vector<16xf32>
        %add3A_453 = arith.addf %add3A_447, %mul3A_452 : vector<16xf32>
        %add3A_454 = arith.constant 112 : i32
        %add3A_455 = arith.addi %mul3A_414, %add3A_454 : i32
        %get3A_456 = arith.index_cast %add3A_455 : i32 to index
        %get3A_457 = tpu.vector_load %arg6[%get3A_456] {strides = array<i32>} : memref<53248xf32, #tpu.memory_space<vmem>>, vector<16xf32>,
        %mul3A_458 = arith.mulf %get3A_457, %get3A_22 : vector<16xf32>
        %add3A_459 = arith.addf %add3A_453, %mul3A_458 : vector<16xf32>
        %mul3A_460 = arith.constant 16 : i32
        %mul3A_461 = arith.muli %scan3A_248, %mul3A_460 : i32
        %add3A_462 = arith.constant 2 : i32
        %add3A_463 = arith.addi %mul3A_461, %add3A_462 : i32
        %mul3A_464 = arith.constant 128 : i32
        %mul3A_465 = arith.muli %add3A_463, %mul3A_464 : i32
        %get3A_466 = arith.index_cast %mul3A_465 : i32 to index
        %get3A_467 = tpu.vector_load %arg6[%get3A_466] {strides = array<i32>} : memref<53248xf32, #tpu.memory_space<vmem>>, vector<16xf32>,
        %mul3A_468 = arith.mulf %get3A_467, %get3A_8 : vector<16xf32>
        %add3A_469 = arith.constant 16 : i32
        %add3A_470 = arith.addi %mul3A_465, %add3A_469 : i32
        %get3A_471 = arith.index_cast %add3A_470 : i32 to index
        %get3A_472 = tpu.vector_load %arg6[%get3A_471] {strides = array<i32>} : memref<53248xf32, #tpu.memory_space<vmem>>, vector<16xf32>,
        %mul3A_473 = arith.mulf %get3A_472, %get3A_10 : vector<16xf32>
        %add3A_474 = arith.addf %mul3A_468, %mul3A_473 : vector<16xf32>
        %add3A_475 = arith.constant 32 : i32
        %add3A_476 = arith.addi %mul3A_465, %add3A_475 : i32
        %get3A_477 = arith.index_cast %add3A_476 : i32 to index
        %get3A_478 = tpu.vector_load %arg6[%get3A_477] {strides = array<i32>} : memref<53248xf32, #tpu.memory_space<vmem>>, vector<16xf32>,
        %mul3A_479 = arith.mulf %get3A_478, %get3A_12 : vector<16xf32>
        %add3A_480 = arith.addf %add3A_474, %mul3A_479 : vector<16xf32>
        %add3A_481 = arith.constant 48 : i32
        %add3A_482 = arith.addi %mul3A_465, %add3A_481 : i32
        %get3A_483 = arith.index_cast %add3A_482 : i32 to index
        %get3A_484 = tpu.vector_load %arg6[%get3A_483] {strides = array<i32>} : memref<53248xf32, #tpu.memory_space<vmem>>, vector<16xf32>,
        %mul3A_485 = arith.mulf %get3A_484, %get3A_14 : vector<16xf32>
        %add3A_486 = arith.addf %add3A_480, %mul3A_485 : vector<16xf32>
        %add3A_487 = arith.constant 64 : i32
        %add3A_488 = arith.addi %mul3A_465, %add3A_487 : i32
        %get3A_489 = arith.index_cast %add3A_488 : i32 to index
        %get3A_490 = tpu.vector_load %arg6[%get3A_489] {strides = array<i32>} : memref<53248xf32, #tpu.memory_space<vmem>>, vector<16xf32>,
        %mul3A_491 = arith.mulf %get3A_490, %get3A_16 : vector<16xf32>
        %add3A_492 = arith.addf %add3A_486, %mul3A_491 : vector<16xf32>
        %add3A_493 = arith.constant 80 : i32
        %add3A_494 = arith.addi %mul3A_465, %add3A_493 : i32
        %get3A_495 = arith.index_cast %add3A_494 : i32 to index
        %get3A_496 = tpu.vector_load %arg6[%get3A_495] {strides = array<i32>} : memref<53248xf32, #tpu.memory_space<vmem>>, vector<16xf32>,
        %mul3A_497 = arith.mulf %get3A_496, %get3A_18 : vector<16xf32>
        %add3A_498 = arith.addf %add3A_492, %mul3A_497 : vector<16xf32>
        %add3A_499 = arith.constant 96 : i32
        %add3A_500 = arith.addi %mul3A_465, %add3A_499 : i32
        %get3A_501 = arith.index_cast %add3A_500 : i32 to index
        %get3A_502 = tpu.vector_load %arg6[%get3A_501] {strides = array<i32>} : memref<53248xf32, #tpu.memory_space<vmem>>, vector<16xf32>,
        %mul3A_503 = arith.mulf %get3A_502, %get3A_20 : vector<16xf32>
        %add3A_504 = arith.addf %add3A_498, %mul3A_503 : vector<16xf32>
        %add3A_505 = arith.constant 112 : i32
        %add3A_506 = arith.addi %mul3A_465, %add3A_505 : i32
        %get3A_507 = arith.index_cast %add3A_506 : i32 to index
        %get3A_508 = tpu.vector_load %arg6[%get3A_507] {strides = array<i32>} : memref<53248xf32, #tpu.memory_space<vmem>>, vector<16xf32>,
        %mul3A_509 = arith.mulf %get3A_508, %get3A_22 : vector<16xf32>
        %add3A_510 = arith.addf %add3A_504, %mul3A_509 : vector<16xf32>
        %mul3A_511 = arith.constant 16 : i32
        %mul3A_512 = arith.muli %scan3A_248, %mul3A_511 : i32
        %add3A_513 = arith.constant 10 : i32
        %add3A_514 = arith.addi %mul3A_512, %add3A_513 : i32
        %mul3A_515 = arith.constant 128 : i32
        %mul3A_516 = arith.muli %add3A_514, %mul3A_515 : i32
        %get3A_517 = arith.index_cast %mul3A_516 : i32 to index
        %get3A_518 = tpu.vector_load %arg6[%get3A_517] {strides = array<i32>} : memref<53248xf32, #tpu.memory_space<vmem>>, vector<16xf32>,
        %mul3A_519 = arith.mulf %get3A_518, %get3A_8 : vector<16xf32>
        %add3A_520 = arith.constant 16 : i32
        %add3A_521 = arith.addi %mul3A_516, %add3A_520 : i32
        %get3A_522 = arith.index_cast %add3A_521 : i32 to index
        %get3A_523 = tpu.vector_load %arg6[%get3A_522] {strides = array<i32>} : memref<53248xf32, #tpu.memory_space<vmem>>, vector<16xf32>,
        %mul3A_524 = arith.mulf %get3A_523, %get3A_10 : vector<16xf32>
        %add3A_525 = arith.addf %mul3A_519, %mul3A_524 : vector<16xf32>
        %add3A_526 = arith.constant 32 : i32
        %add3A_527 = arith.addi %mul3A_516, %add3A_526 : i32
        %get3A_528 = arith.index_cast %add3A_527 : i32 to index
        %get3A_529 = tpu.vector_load %arg6[%get3A_528] {strides = array<i32>} : memref<53248xf32, #tpu.memory_space<vmem>>, vector<16xf32>,
        %mul3A_530 = arith.mulf %get3A_529, %get3A_12 : vector<16xf32>
        %add3A_531 = arith.addf %add3A_525, %mul3A_530 : vector<16xf32>
        %add3A_532 = arith.constant 48 : i32
        %add3A_533 = arith.addi %mul3A_516, %add3A_532 : i32
        %get3A_534 = arith.index_cast %add3A_533 : i32 to index
        %get3A_535 = tpu.vector_load %arg6[%get3A_534] {strides = array<i32>} : memref<53248xf32, #tpu.memory_space<vmem>>, vector<16xf32>,
        %mul3A_536 = arith.mulf %get3A_535, %get3A_14 : vector<16xf32>
        %add3A_537 = arith.addf %add3A_531, %mul3A_536 : vector<16xf32>
        %add3A_538 = arith.constant 64 : i32
        %add3A_539 = arith.addi %mul3A_516, %add3A_538 : i32
        %get3A_540 = arith.index_cast %add3A_539 : i32 to index
        %get3A_541 = tpu.vector_load %arg6[%get3A_540] {strides = array<i32>} : memref<53248xf32, #tpu.memory_space<vmem>>, vector<16xf32>,
        %mul3A_542 = arith.mulf %get3A_541, %get3A_16 : vector<16xf32>
        %add3A_543 = arith.addf %add3A_537, %mul3A_542 : vector<16xf32>
        %add3A_544 = arith.constant 80 : i32
        %add3A_545 = arith.addi %mul3A_516, %add3A_544 : i32
        %get3A_546 = arith.index_cast %add3A_545 : i32 to index
        %get3A_547 = tpu.vector_load %arg6[%get3A_546] {strides = array<i32>} : memref<53248xf32, #tpu.memory_space<vmem>>, vector<16xf32>,
        %mul3A_548 = arith.mulf %get3A_547, %get3A_18 : vector<16xf32>
        %add3A_549 = arith.addf %add3A_543, %mul3A_548 : vector<16xf32>
        %add3A_550 = arith.constant 96 : i32
        %add3A_551 = arith.addi %mul3A_516, %add3A_550 : i32
        %get3A_552 = arith.index_cast %add3A_551 : i32 to index
        %get3A_553 = tpu.vector_load %arg6[%get3A_552] {strides = array<i32>} : memref<53248xf32, #tpu.memory_space<vmem>>, vector<16xf32>,
        %mul3A_554 = arith.mulf %get3A_553, %get3A_20 : vector<16xf32>
        %add3A_555 = arith.addf %add3A_549, %mul3A_554 : vector<16xf32>
        %add3A_556 = arith.constant 112 : i32
        %add3A_557 = arith.addi %mul3A_516, %add3A_556 : i32
        %get3A_558 = arith.index_cast %add3A_557 : i32 to index
        %get3A_559 = tpu.vector_load %arg6[%get3A_558] {strides = array<i32>} : memref<53248xf32, #tpu.memory_space<vmem>>, vector<16xf32>,
        %mul3A_560 = arith.mulf %get3A_559, %get3A_22 : vector<16xf32>
        %add3A_561 = arith.addf %add3A_555, %mul3A_560 : vector<16xf32>
        %mul3A_562 = arith.constant 16 : i32
        %mul3A_563 = arith.muli %scan3A_248, %mul3A_562 : i32
        %add3A_564 = arith.constant 6 : i32
        %add3A_565 = arith.addi %mul3A_563, %add3A_564 : i32
        %mul3A_566 = arith.constant 128 : i32
        %mul3A_567 = arith.muli %add3A_565, %mul3A_566 : i32
        %get3A_568 = arith.index_cast %mul3A_567 : i32 to index
        %get3A_569 = tpu.vector_load %arg6[%get3A_568] {strides = array<i32>} : memref<53248xf32, #tpu.memory_space<vmem>>, vector<16xf32>,
        %mul3A_570 = arith.mulf %get3A_569, %get3A_8 : vector<16xf32>
        %add3A_571 = arith.constant 16 : i32
        %add3A_572 = arith.addi %mul3A_567, %add3A_571 : i32
        %get3A_573 = arith.index_cast %add3A_572 : i32 to index
        %get3A_574 = tpu.vector_load %arg6[%get3A_573] {strides = array<i32>} : memref<53248xf32, #tpu.memory_space<vmem>>, vector<16xf32>,
        %mul3A_575 = arith.mulf %get3A_574, %get3A_10 : vector<16xf32>
        %add3A_576 = arith.addf %mul3A_570, %mul3A_575 : vector<16xf32>
        %add3A_577 = arith.constant 32 : i32
        %add3A_578 = arith.addi %mul3A_567, %add3A_577 : i32
        %get3A_579 = arith.index_cast %add3A_578 : i32 to index
        %get3A_580 = tpu.vector_load %arg6[%get3A_579] {strides = array<i32>} : memref<53248xf32, #tpu.memory_space<vmem>>, vector<16xf32>,
        %mul3A_581 = arith.mulf %get3A_580, %get3A_12 : vector<16xf32>
        %add3A_582 = arith.addf %add3A_576, %mul3A_581 : vector<16xf32>
        %add3A_583 = arith.constant 48 : i32
        %add3A_584 = arith.addi %mul3A_567, %add3A_583 : i32
        %get3A_585 = arith.index_cast %add3A_584 : i32 to index
        %get3A_586 = tpu.vector_load %arg6[%get3A_585] {strides = array<i32>} : memref<53248xf32, #tpu.memory_space<vmem>>, vector<16xf32>,
        %mul3A_587 = arith.mulf %get3A_586, %get3A_14 : vector<16xf32>
        %add3A_588 = arith.addf %add3A_582, %mul3A_587 : vector<16xf32>
        %add3A_589 = arith.constant 64 : i32
        %add3A_590 = arith.addi %mul3A_567, %add3A_589 : i32
        %get3A_591 = arith.index_cast %add3A_590 : i32 to index
        %get3A_592 = tpu.vector_load %arg6[%get3A_591] {strides = array<i32>} : memref<53248xf32, #tpu.memory_space<vmem>>, vector<16xf32>,
        %mul3A_593 = arith.mulf %get3A_592, %get3A_16 : vector<16xf32>
        %add3A_594 = arith.addf %add3A_588, %mul3A_593 : vector<16xf32>
        %add3A_595 = arith.constant 80 : i32
        %add3A_596 = arith.addi %mul3A_567, %add3A_595 : i32
        %get3A_597 = arith.index_cast %add3A_596 : i32 to index
        %get3A_598 = tpu.vector_load %arg6[%get3A_597] {strides = array<i32>} : memref<53248xf32, #tpu.memory_space<vmem>>, vector<16xf32>,
        %mul3A_599 = arith.mulf %get3A_598, %get3A_18 : vector<16xf32>
        %add3A_600 = arith.addf %add3A_594, %mul3A_599 : vector<16xf32>
        %add3A_601 = arith.constant 96 : i32
        %add3A_602 = arith.addi %mul3A_567, %add3A_601 : i32
        %get3A_603 = arith.index_cast %add3A_602 : i32 to index
        %get3A_604 = tpu.vector_load %arg6[%get3A_603] {strides = array<i32>} : memref<53248xf32, #tpu.memory_space<vmem>>, vector<16xf32>,
        %mul3A_605 = arith.mulf %get3A_604, %get3A_20 : vector<16xf32>
        %add3A_606 = arith.addf %add3A_600, %mul3A_605 : vector<16xf32>
        %add3A_607 = arith.constant 112 : i32
        %add3A_608 = arith.addi %mul3A_567, %add3A_607 : i32
        %get3A_609 = arith.index_cast %add3A_608 : i32 to index
        %get3A_610 = tpu.vector_load %arg6[%get3A_609] {strides = array<i32>} : memref<53248xf32, #tpu.memory_space<vmem>>, vector<16xf32>,
        %mul3A_611 = arith.mulf %get3A_610, %get3A_22 : vector<16xf32>
        %add3A_612 = arith.addf %add3A_606, %mul3A_611 : vector<16xf32>
        %mul3A_613 = arith.constant 16 : i32
        %mul3A_614 = arith.muli %scan3A_248, %mul3A_613 : i32
        %add3A_615 = arith.constant 14 : i32
        %add3A_616 = arith.addi %mul3A_614, %add3A_615 : i32
        %mul3A_617 = arith.constant 128 : i32
        %mul3A_618 = arith.muli %add3A_616, %mul3A_617 : i32
        %get3A_619 = arith.index_cast %mul3A_618 : i32 to index
        %get3A_620 = tpu.vector_load %arg6[%get3A_619] {strides = array<i32>} : memref<53248xf32, #tpu.memory_space<vmem>>, vector<16xf32>,
        %mul3A_621 = arith.mulf %get3A_620, %get3A_8 : vector<16xf32>
        %add3A_622 = arith.constant 16 : i32
        %add3A_623 = arith.addi %mul3A_618, %add3A_622 : i32
        %get3A_624 = arith.index_cast %add3A_623 : i32 to index
        %get3A_625 = tpu.vector_load %arg6[%get3A_624] {strides = array<i32>} : memref<53248xf32, #tpu.memory_space<vmem>>, vector<16xf32>,
        %mul3A_626 = arith.mulf %get3A_625, %get3A_10 : vector<16xf32>
        %add3A_627 = arith.addf %mul3A_621, %mul3A_626 : vector<16xf32>
        %add3A_628 = arith.constant 32 : i32
        %add3A_629 = arith.addi %mul3A_618, %add3A_628 : i32
        %get3A_630 = arith.index_cast %add3A_629 : i32 to index
        %get3A_631 = tpu.vector_load %arg6[%get3A_630] {strides = array<i32>} : memref<53248xf32, #tpu.memory_space<vmem>>, vector<16xf32>,
        %mul3A_632 = arith.mulf %get3A_631, %get3A_12 : vector<16xf32>
        %add3A_633 = arith.addf %add3A_627, %mul3A_632 : vector<16xf32>
        %add3A_634 = arith.constant 48 : i32
        %add3A_635 = arith.addi %mul3A_618, %add3A_634 : i32
        %get3A_636 = arith.index_cast %add3A_635 : i32 to index
        %get3A_637 = tpu.vector_load %arg6[%get3A_636] {strides = array<i32>} : memref<53248xf32, #tpu.memory_space<vmem>>, vector<16xf32>,
        %mul3A_638 = arith.mulf %get3A_637, %get3A_14 : vector<16xf32>
        %add3A_639 = arith.addf %add3A_633, %mul3A_638 : vector<16xf32>
        %add3A_640 = arith.constant 64 : i32
        %add3A_641 = arith.addi %mul3A_618, %add3A_640 : i32
        %get3A_642 = arith.index_cast %add3A_641 : i32 to index
        %get3A_643 = tpu.vector_load %arg6[%get3A_642] {strides = array<i32>} : memref<53248xf32, #tpu.memory_space<vmem>>, vector<16xf32>,
        %mul3A_644 = arith.mulf %get3A_643, %get3A_16 : vector<16xf32>
        %add3A_645 = arith.addf %add3A_639, %mul3A_644 : vector<16xf32>
        %add3A_646 = arith.constant 80 : i32
        %add3A_647 = arith.addi %mul3A_618, %add3A_646 : i32
        %get3A_648 = arith.index_cast %add3A_647 : i32 to index
        %get3A_649 = tpu.vector_load %arg6[%get3A_648] {strides = array<i32>} : memref<53248xf32, #tpu.memory_space<vmem>>, vector<16xf32>,
        %mul3A_650 = arith.mulf %get3A_649, %get3A_18 : vector<16xf32>
        %add3A_651 = arith.addf %add3A_645, %mul3A_650 : vector<16xf32>
        %add3A_652 = arith.constant 96 : i32
        %add3A_653 = arith.addi %mul3A_618, %add3A_652 : i32
        %get3A_654 = arith.index_cast %add3A_653 : i32 to index
        %get3A_655 = tpu.vector_load %arg6[%get3A_654] {strides = array<i32>} : memref<53248xf32, #tpu.memory_space<vmem>>, vector<16xf32>,
        %mul3A_656 = arith.mulf %get3A_655, %get3A_20 : vector<16xf32>
        %add3A_657 = arith.addf %add3A_651, %mul3A_656 : vector<16xf32>
        %add3A_658 = arith.constant 112 : i32
        %add3A_659 = arith.addi %mul3A_618, %add3A_658 : i32
        %get3A_660 = arith.index_cast %add3A_659 : i32 to index
        %get3A_661 = tpu.vector_load %arg6[%get3A_660] {strides = array<i32>} : memref<53248xf32, #tpu.memory_space<vmem>>, vector<16xf32>,
        %mul3A_662 = arith.mulf %get3A_661, %get3A_22 : vector<16xf32>
        %add3A_663 = arith.addf %add3A_657, %mul3A_662 : vector<16xf32>
        %mul3A_664 = arith.constant 16 : i32
        %mul3A_665 = arith.muli %scan3A_248, %mul3A_664 : i32
        %add3A_666 = arith.constant 1 : i32
        %add3A_667 = arith.addi %mul3A_665, %add3A_666 : i32
        %mul3A_668 = arith.constant 128 : i32
        %mul3A_669 = arith.muli %add3A_667, %mul3A_668 : i32
        %get3A_670 = arith.index_cast %mul3A_669 : i32 to index
        %get3A_671 = tpu.vector_load %arg6[%get3A_670] {strides = array<i32>} : memref<53248xf32, #tpu.memory_space<vmem>>, vector<16xf32>,
        %mul3A_672 = arith.mulf %get3A_671, %get3A_8 : vector<16xf32>
        %add3A_673 = arith.constant 16 : i32
        %add3A_674 = arith.addi %mul3A_669, %add3A_673 : i32
        %get3A_675 = arith.index_cast %add3A_674 : i32 to index
        %get3A_676 = tpu.vector_load %arg6[%get3A_675] {strides = array<i32>} : memref<53248xf32, #tpu.memory_space<vmem>>, vector<16xf32>,
        %mul3A_677 = arith.mulf %get3A_676, %get3A_10 : vector<16xf32>
        %add3A_678 = arith.addf %mul3A_672, %mul3A_677 : vector<16xf32>
        %add3A_679 = arith.constant 32 : i32
        %add3A_680 = arith.addi %mul3A_669, %add3A_679 : i32
        %get3A_681 = arith.index_cast %add3A_680 : i32 to index
        %get3A_682 = tpu.vector_load %arg6[%get3A_681] {strides = array<i32>} : memref<53248xf32, #tpu.memory_space<vmem>>, vector<16xf32>,
        %mul3A_683 = arith.mulf %get3A_682, %get3A_12 : vector<16xf32>
        %add3A_684 = arith.addf %add3A_678, %mul3A_683 : vector<16xf32>
        %add3A_685 = arith.constant 48 : i32
        %add3A_686 = arith.addi %mul3A_669, %add3A_685 : i32
        %get3A_687 = arith.index_cast %add3A_686 : i32 to index
        %get3A_688 = tpu.vector_load %arg6[%get3A_687] {strides = array<i32>} : memref<53248xf32, #tpu.memory_space<vmem>>, vector<16xf32>,
        %mul3A_689 = arith.mulf %get3A_688, %get3A_14 : vector<16xf32>
        %add3A_690 = arith.addf %add3A_684, %mul3A_689 : vector<16xf32>
        %add3A_691 = arith.constant 64 : i32
        %add3A_692 = arith.addi %mul3A_669, %add3A_691 : i32
        %get3A_693 = arith.index_cast %add3A_692 : i32 to index
        %get3A_694 = tpu.vector_load %arg6[%get3A_693] {strides = array<i32>} : memref<53248xf32, #tpu.memory_space<vmem>>, vector<16xf32>,
        %mul3A_695 = arith.mulf %get3A_694, %get3A_16 : vector<16xf32>
        %add3A_696 = arith.addf %add3A_690, %mul3A_695 : vector<16xf32>
        %add3A_697 = arith.constant 80 : i32
        %add3A_698 = arith.addi %mul3A_669, %add3A_697 : i32
        %get3A_699 = arith.index_cast %add3A_698 : i32 to index
        %get3A_700 = tpu.vector_load %arg6[%get3A_699] {strides = array<i32>} : memref<53248xf32, #tpu.memory_space<vmem>>, vector<16xf32>,
        %mul3A_701 = arith.mulf %get3A_700, %get3A_18 : vector<16xf32>
        %add3A_702 = arith.addf %add3A_696, %mul3A_701 : vector<16xf32>
        %add3A_703 = arith.constant 96 : i32
        %add3A_704 = arith.addi %mul3A_669, %add3A_703 : i32
        %get3A_705 = arith.index_cast %add3A_704 : i32 to index
        %get3A_706 = tpu.vector_load %arg6[%get3A_705] {strides = array<i32>} : memref<53248xf32, #tpu.memory_space<vmem>>, vector<16xf32>,
        %mul3A_707 = arith.mulf %get3A_706, %get3A_20 : vector<16xf32>
        %add3A_708 = arith.addf %add3A_702, %mul3A_707 : vector<16xf32>
        %add3A_709 = arith.constant 112 : i32
        %add3A_710 = arith.addi %mul3A_669, %add3A_709 : i32
        %get3A_711 = arith.index_cast %add3A_710 : i32 to index
        %get3A_712 = tpu.vector_load %arg6[%get3A_711] {strides = array<i32>} : memref<53248xf32, #tpu.memory_space<vmem>>, vector<16xf32>,
        %mul3A_713 = arith.mulf %get3A_712, %get3A_22 : vector<16xf32>
        %add3A_714 = arith.addf %add3A_708, %mul3A_713 : vector<16xf32>
        %mul3A_715 = arith.constant 16 : i32
        %mul3A_716 = arith.muli %scan3A_248, %mul3A_715 : i32
        %add3A_717 = arith.constant 9 : i32
        %add3A_718 = arith.addi %mul3A_716, %add3A_717 : i32
        %mul3A_719 = arith.constant 128 : i32
        %mul3A_720 = arith.muli %add3A_718, %mul3A_719 : i32
        %get3A_721 = arith.index_cast %mul3A_720 : i32 to index
        %get3A_722 = tpu.vector_load %arg6[%get3A_721] {strides = array<i32>} : memref<53248xf32, #tpu.memory_space<vmem>>, vector<16xf32>,
        %mul3A_723 = arith.mulf %get3A_722, %get3A_8 : vector<16xf32>
        %add3A_724 = arith.constant 16 : i32
        %add3A_725 = arith.addi %mul3A_720, %add3A_724 : i32
        %get3A_726 = arith.index_cast %add3A_725 : i32 to index
        %get3A_727 = tpu.vector_load %arg6[%get3A_726] {strides = array<i32>} : memref<53248xf32, #tpu.memory_space<vmem>>, vector<16xf32>,
        %mul3A_728 = arith.mulf %get3A_727, %get3A_10 : vector<16xf32>
        %add3A_729 = arith.addf %mul3A_723, %mul3A_728 : vector<16xf32>
        %add3A_730 = arith.constant 32 : i32
        %add3A_731 = arith.addi %mul3A_720, %add3A_730 : i32
        %get3A_732 = arith.index_cast %add3A_731 : i32 to index
        %get3A_733 = tpu.vector_load %arg6[%get3A_732] {strides = array<i32>} : memref<53248xf32, #tpu.memory_space<vmem>>, vector<16xf32>,
        %mul3A_734 = arith.mulf %get3A_733, %get3A_12 : vector<16xf32>
        %add3A_735 = arith.addf %add3A_729, %mul3A_734 : vector<16xf32>
        %add3A_736 = arith.constant 48 : i32
        %add3A_737 = arith.addi %mul3A_720, %add3A_736 : i32
        %get3A_738 = arith.index_cast %add3A_737 : i32 to index
        %get3A_739 = tpu.vector_load %arg6[%get3A_738] {strides = array<i32>} : memref<53248xf32, #tpu.memory_space<vmem>>, vector<16xf32>,
        %mul3A_740 = arith.mulf %get3A_739, %get3A_14 : vector<16xf32>
        %add3A_741 = arith.addf %add3A_735, %mul3A_740 : vector<16xf32>
        %add3A_742 = arith.constant 64 : i32
        %add3A_743 = arith.addi %mul3A_720, %add3A_742 : i32
        %get3A_744 = arith.index_cast %add3A_743 : i32 to index
        %get3A_745 = tpu.vector_load %arg6[%get3A_744] {strides = array<i32>} : memref<53248xf32, #tpu.memory_space<vmem>>, vector<16xf32>,
        %mul3A_746 = arith.mulf %get3A_745, %get3A_16 : vector<16xf32>
        %add3A_747 = arith.addf %add3A_741, %mul3A_746 : vector<16xf32>
        %add3A_748 = arith.constant 80 : i32
        %add3A_749 = arith.addi %mul3A_720, %add3A_748 : i32
        %get3A_750 = arith.index_cast %add3A_749 : i32 to index
        %get3A_751 = tpu.vector_load %arg6[%get3A_750] {strides = array<i32>} : memref<53248xf32, #tpu.memory_space<vmem>>, vector<16xf32>,
        %mul3A_752 = arith.mulf %get3A_751, %get3A_18 : vector<16xf32>
        %add3A_753 = arith.addf %add3A_747, %mul3A_752 : vector<16xf32>
        %add3A_754 = arith.constant 96 : i32
        %add3A_755 = arith.addi %mul3A_720, %add3A_754 : i32
        %get3A_756 = arith.index_cast %add3A_755 : i32 to index
        %get3A_757 = tpu.vector_load %arg6[%get3A_756] {strides = array<i32>} : memref<53248xf32, #tpu.memory_space<vmem>>, vector<16xf32>,
        %mul3A_758 = arith.mulf %get3A_757, %get3A_20 : vector<16xf32>
        %add3A_759 = arith.addf %add3A_753, %mul3A_758 : vector<16xf32>
        %add3A_760 = arith.constant 112 : i32
        %add3A_761 = arith.addi %mul3A_720, %add3A_760 : i32
        %get3A_762 = arith.index_cast %add3A_761 : i32 to index
        %get3A_763 = tpu.vector_load %arg6[%get3A_762] {strides = array<i32>} : memref<53248xf32, #tpu.memory_space<vmem>>, vector<16xf32>,
        %mul3A_764 = arith.mulf %get3A_763, %get3A_22 : vector<16xf32>
        %add3A_765 = arith.addf %add3A_759, %mul3A_764 : vector<16xf32>
        %mul3A_766 = arith.constant 16 : i32
        %mul3A_767 = arith.muli %scan3A_248, %mul3A_766 : i32
        %add3A_768 = arith.constant 5 : i32
        %add3A_769 = arith.addi %mul3A_767, %add3A_768 : i32
        %mul3A_770 = arith.constant 128 : i32
        %mul3A_771 = arith.muli %add3A_769, %mul3A_770 : i32
        %get3A_772 = arith.index_cast %mul3A_771 : i32 to index
        %get3A_773 = tpu.vector_load %arg6[%get3A_772] {strides = array<i32>} : memref<53248xf32, #tpu.memory_space<vmem>>, vector<16xf32>,
        %mul3A_774 = arith.mulf %get3A_773, %get3A_8 : vector<16xf32>
        %add3A_775 = arith.constant 16 : i32
        %add3A_776 = arith.addi %mul3A_771, %add3A_775 : i32
        %get3A_777 = arith.index_cast %add3A_776 : i32 to index
        %get3A_778 = tpu.vector_load %arg6[%get3A_777] {strides = array<i32>} : memref<53248xf32, #tpu.memory_space<vmem>>, vector<16xf32>,
        %mul3A_779 = arith.mulf %get3A_778, %get3A_10 : vector<16xf32>
        %add3A_780 = arith.addf %mul3A_774, %mul3A_779 : vector<16xf32>
        %add3A_781 = arith.constant 32 : i32
        %add3A_782 = arith.addi %mul3A_771, %add3A_781 : i32
        %get3A_783 = arith.index_cast %add3A_782 : i32 to index
        %get3A_784 = tpu.vector_load %arg6[%get3A_783] {strides = array<i32>} : memref<53248xf32, #tpu.memory_space<vmem>>, vector<16xf32>,
        %mul3A_785 = arith.mulf %get3A_784, %get3A_12 : vector<16xf32>
        %add3A_786 = arith.addf %add3A_780, %mul3A_785 : vector<16xf32>
        %add3A_787 = arith.constant 48 : i32
        %add3A_788 = arith.addi %mul3A_771, %add3A_787 : i32
        %get3A_789 = arith.index_cast %add3A_788 : i32 to index
        %get3A_790 = tpu.vector_load %arg6[%get3A_789] {strides = array<i32>} : memref<53248xf32, #tpu.memory_space<vmem>>, vector<16xf32>,
        %mul3A_791 = arith.mulf %get3A_790, %get3A_14 : vector<16xf32>
        %add3A_792 = arith.addf %add3A_786, %mul3A_791 : vector<16xf32>
        %add3A_793 = arith.constant 64 : i32
        %add3A_794 = arith.addi %mul3A_771, %add3A_793 : i32
        %get3A_795 = arith.index_cast %add3A_794 : i32 to index
        %get3A_796 = tpu.vector_load %arg6[%get3A_795] {strides = array<i32>} : memref<53248xf32, #tpu.memory_space<vmem>>, vector<16xf32>,
        %mul3A_797 = arith.mulf %get3A_796, %get3A_16 : vector<16xf32>
        %add3A_798 = arith.addf %add3A_792, %mul3A_797 : vector<16xf32>
        %add3A_799 = arith.constant 80 : i32
        %add3A_800 = arith.addi %mul3A_771, %add3A_799 : i32
        %get3A_801 = arith.index_cast %add3A_800 : i32 to index
        %get3A_802 = tpu.vector_load %arg6[%get3A_801] {strides = array<i32>} : memref<53248xf32, #tpu.memory_space<vmem>>, vector<16xf32>,
        %mul3A_803 = arith.mulf %get3A_802, %get3A_18 : vector<16xf32>
        %add3A_804 = arith.addf %add3A_798, %mul3A_803 : vector<16xf32>
        %add3A_805 = arith.constant 96 : i32
        %add3A_806 = arith.addi %mul3A_771, %add3A_805 : i32
        %get3A_807 = arith.index_cast %add3A_806 : i32 to index
        %get3A_808 = tpu.vector_load %arg6[%get3A_807] {strides = array<i32>} : memref<53248xf32, #tpu.memory_space<vmem>>, vector<16xf32>,
        %mul3A_809 = arith.mulf %get3A_808, %get3A_20 : vector<16xf32>
        %add3A_810 = arith.addf %add3A_804, %mul3A_809 : vector<16xf32>
        %add3A_811 = arith.constant 112 : i32
        %add3A_812 = arith.addi %mul3A_771, %add3A_811 : i32
        %get3A_813 = arith.index_cast %add3A_812 : i32 to index
        %get3A_814 = tpu.vector_load %arg6[%get3A_813] {strides = array<i32>} : memref<53248xf32, #tpu.memory_space<vmem>>, vector<16xf32>,
        %mul3A_815 = arith.mulf %get3A_814, %get3A_22 : vector<16xf32>
        %add3A_816 = arith.addf %add3A_810, %mul3A_815 : vector<16xf32>
        %mul3A_817 = arith.constant 16 : i32
        %mul3A_818 = arith.muli %scan3A_248, %mul3A_817 : i32
        %add3A_819 = arith.constant 13 : i32
        %add3A_820 = arith.addi %mul3A_818, %add3A_819 : i32
        %mul3A_821 = arith.constant 128 : i32
        %mul3A_822 = arith.muli %add3A_820, %mul3A_821 : i32
        %get3A_823 = arith.index_cast %mul3A_822 : i32 to index
        %get3A_824 = tpu.vector_load %arg6[%get3A_823] {strides = array<i32>} : memref<53248xf32, #tpu.memory_space<vmem>>, vector<16xf32>,
        %mul3A_825 = arith.mulf %get3A_824, %get3A_8 : vector<16xf32>
        %add3A_826 = arith.constant 16 : i32
        %add3A_827 = arith.addi %mul3A_822, %add3A_826 : i32
        %get3A_828 = arith.index_cast %add3A_827 : i32 to index
        %get3A_829 = tpu.vector_load %arg6[%get3A_828] {strides = array<i32>} : memref<53248xf32, #tpu.memory_space<vmem>>, vector<16xf32>,
        %mul3A_830 = arith.mulf %get3A_829, %get3A_10 : vector<16xf32>
        %add3A_831 = arith.addf %mul3A_825, %mul3A_830 : vector<16xf32>
        %add3A_832 = arith.constant 32 : i32
        %add3A_833 = arith.addi %mul3A_822, %add3A_832 : i32
        %get3A_834 = arith.index_cast %add3A_833 : i32 to index
        %get3A_835 = tpu.vector_load %arg6[%get3A_834] {strides = array<i32>} : memref<53248xf32, #tpu.memory_space<vmem>>, vector<16xf32>,
        %mul3A_836 = arith.mulf %get3A_835, %get3A_12 : vector<16xf32>
        %add3A_837 = arith.addf %add3A_831, %mul3A_836 : vector<16xf32>
        %add3A_838 = arith.constant 48 : i32
        %add3A_839 = arith.addi %mul3A_822, %add3A_838 : i32
        %get3A_840 = arith.index_cast %add3A_839 : i32 to index
        %get3A_841 = tpu.vector_load %arg6[%get3A_840] {strides = array<i32>} : memref<53248xf32, #tpu.memory_space<vmem>>, vector<16xf32>,
        %mul3A_842 = arith.mulf %get3A_841, %get3A_14 : vector<16xf32>
        %add3A_843 = arith.addf %add3A_837, %mul3A_842 : vector<16xf32>
        %add3A_844 = arith.constant 64 : i32
        %add3A_845 = arith.addi %mul3A_822, %add3A_844 : i32
        %get3A_846 = arith.index_cast %add3A_845 : i32 to index
        %get3A_847 = tpu.vector_load %arg6[%get3A_846] {strides = array<i32>} : memref<53248xf32, #tpu.memory_space<vmem>>, vector<16xf32>,
        %mul3A_848 = arith.mulf %get3A_847, %get3A_16 : vector<16xf32>
        %add3A_849 = arith.addf %add3A_843, %mul3A_848 : vector<16xf32>
        %add3A_850 = arith.constant 80 : i32
        %add3A_851 = arith.addi %mul3A_822, %add3A_850 : i32
        %get3A_852 = arith.index_cast %add3A_851 : i32 to index
        %get3A_853 = tpu.vector_load %arg6[%get3A_852] {strides = array<i32>} : memref<53248xf32, #tpu.memory_space<vmem>>, vector<16xf32>,
        %mul3A_854 = arith.mulf %get3A_853, %get3A_18 : vector<16xf32>
        %add3A_855 = arith.addf %add3A_849, %mul3A_854 : vector<16xf32>
        %add3A_856 = arith.constant 96 : i32
        %add3A_857 = arith.addi %mul3A_822, %add3A_856 : i32
        %get3A_858 = arith.index_cast %add3A_857 : i32 to index
        %get3A_859 = tpu.vector_load %arg6[%get3A_858] {strides = array<i32>} : memref<53248xf32, #tpu.memory_space<vmem>>, vector<16xf32>,
        %mul3A_860 = arith.mulf %get3A_859, %get3A_20 : vector<16xf32>
        %add3A_861 = arith.addf %add3A_855, %mul3A_860 : vector<16xf32>
        %add3A_862 = arith.constant 112 : i32
        %add3A_863 = arith.addi %mul3A_822, %add3A_862 : i32
        %get3A_864 = arith.index_cast %add3A_863 : i32 to index
        %get3A_865 = tpu.vector_load %arg6[%get3A_864] {strides = array<i32>} : memref<53248xf32, #tpu.memory_space<vmem>>, vector<16xf32>,
        %mul3A_866 = arith.mulf %get3A_865, %get3A_22 : vector<16xf32>
        %add3A_867 = arith.addf %add3A_861, %mul3A_866 : vector<16xf32>
        %mul3A_868 = arith.constant 16 : i32
        %mul3A_869 = arith.muli %scan3A_248, %mul3A_868 : i32
        %add3A_870 = arith.constant 3 : i32
        %add3A_871 = arith.addi %mul3A_869, %add3A_870 : i32
        %mul3A_872 = arith.constant 128 : i32
        %mul3A_873 = arith.muli %add3A_871, %mul3A_872 : i32
        %get3A_874 = arith.index_cast %mul3A_873 : i32 to index
        %get3A_875 = tpu.vector_load %arg6[%get3A_874] {strides = array<i32>} : memref<53248xf32, #tpu.memory_space<vmem>>, vector<16xf32>,
        %mul3A_876 = arith.mulf %get3A_875, %get3A_8 : vector<16xf32>
        %add3A_877 = arith.constant 16 : i32
        %add3A_878 = arith.addi %mul3A_873, %add3A_877 : i32
        %get3A_879 = arith.index_cast %add3A_878 : i32 to index
        %get3A_880 = tpu.vector_load %arg6[%get3A_879] {strides = array<i32>} : memref<53248xf32, #tpu.memory_space<vmem>>, vector<16xf32>,
        %mul3A_881 = arith.mulf %get3A_880, %get3A_10 : vector<16xf32>
        %add3A_882 = arith.addf %mul3A_876, %mul3A_881 : vector<16xf32>
        %add3A_883 = arith.constant 32 : i32
        %add3A_884 = arith.addi %mul3A_873, %add3A_883 : i32
        %get3A_885 = arith.index_cast %add3A_884 : i32 to index
        %get3A_886 = tpu.vector_load %arg6[%get3A_885] {strides = array<i32>} : memref<53248xf32, #tpu.memory_space<vmem>>, vector<16xf32>,
        %mul3A_887 = arith.mulf %get3A_886, %get3A_12 : vector<16xf32>
        %add3A_888 = arith.addf %add3A_882, %mul3A_887 : vector<16xf32>
        %add3A_889 = arith.constant 48 : i32
        %add3A_890 = arith.addi %mul3A_873, %add3A_889 : i32
        %get3A_891 = arith.index_cast %add3A_890 : i32 to index
        %get3A_892 = tpu.vector_load %arg6[%get3A_891] {strides = array<i32>} : memref<53248xf32, #tpu.memory_space<vmem>>, vector<16xf32>,
        %mul3A_893 = arith.mulf %get3A_892, %get3A_14 : vector<16xf32>
        %add3A_894 = arith.addf %add3A_888, %mul3A_893 : vector<16xf32>
        %add3A_895 = arith.constant 64 : i32
        %add3A_896 = arith.addi %mul3A_873, %add3A_895 : i32
        %get3A_897 = arith.index_cast %add3A_896 : i32 to index
        %get3A_898 = tpu.vector_load %arg6[%get3A_897] {strides = array<i32>} : memref<53248xf32, #tpu.memory_space<vmem>>, vector<16xf32>,
        %mul3A_899 = arith.mulf %get3A_898, %get3A_16 : vector<16xf32>
        %add3A_900 = arith.addf %add3A_894, %mul3A_899 : vector<16xf32>
        %add3A_901 = arith.constant 80 : i32
        %add3A_902 = arith.addi %mul3A_873, %add3A_901 : i32
        %get3A_903 = arith.index_cast %add3A_902 : i32 to index
        %get3A_904 = tpu.vector_load %arg6[%get3A_903] {strides = array<i32>} : memref<53248xf32, #tpu.memory_space<vmem>>, vector<16xf32>,
        %mul3A_905 = arith.mulf %get3A_904, %get3A_18 : vector<16xf32>
        %add3A_906 = arith.addf %add3A_900, %mul3A_905 : vector<16xf32>
        %add3A_907 = arith.constant 96 : i32
        %add3A_908 = arith.addi %mul3A_873, %add3A_907 : i32
        %get3A_909 = arith.index_cast %add3A_908 : i32 to index
        %get3A_910 = tpu.vector_load %arg6[%get3A_909] {strides = array<i32>} : memref<53248xf32, #tpu.memory_space<vmem>>, vector<16xf32>,
        %mul3A_911 = arith.mulf %get3A_910, %get3A_20 : vector<16xf32>
        %add3A_912 = arith.addf %add3A_906, %mul3A_911 : vector<16xf32>
        %add3A_913 = arith.constant 112 : i32
        %add3A_914 = arith.addi %mul3A_873, %add3A_913 : i32
        %get3A_915 = arith.index_cast %add3A_914 : i32 to index
        %get3A_916 = tpu.vector_load %arg6[%get3A_915] {strides = array<i32>} : memref<53248xf32, #tpu.memory_space<vmem>>, vector<16xf32>,
        %mul3A_917 = arith.mulf %get3A_916, %get3A_22 : vector<16xf32>
        %add3A_918 = arith.addf %add3A_912, %mul3A_917 : vector<16xf32>
        %mul3A_919 = arith.constant 16 : i32
        %mul3A_920 = arith.muli %scan3A_248, %mul3A_919 : i32
        %add3A_921 = arith.constant 11 : i32
        %add3A_922 = arith.addi %mul3A_920, %add3A_921 : i32
        %mul3A_923 = arith.constant 128 : i32
        %mul3A_924 = arith.muli %add3A_922, %mul3A_923 : i32
        %get3A_925 = arith.index_cast %mul3A_924 : i32 to index
        %get3A_926 = tpu.vector_load %arg6[%get3A_925] {strides = array<i32>} : memref<53248xf32, #tpu.memory_space<vmem>>, vector<16xf32>,
        %mul3A_927 = arith.mulf %get3A_926, %get3A_8 : vector<16xf32>
        %add3A_928 = arith.constant 16 : i32
        %add3A_929 = arith.addi %mul3A_924, %add3A_928 : i32
        %get3A_930 = arith.index_cast %add3A_929 : i32 to index
        %get3A_931 = tpu.vector_load %arg6[%get3A_930] {strides = array<i32>} : memref<53248xf32, #tpu.memory_space<vmem>>, vector<16xf32>,
        %mul3A_932 = arith.mulf %get3A_931, %get3A_10 : vector<16xf32>
        %add3A_933 = arith.addf %mul3A_927, %mul3A_932 : vector<16xf32>
        %add3A_934 = arith.constant 32 : i32
        %add3A_935 = arith.addi %mul3A_924, %add3A_934 : i32
        %get3A_936 = arith.index_cast %add3A_935 : i32 to index
        %get3A_937 = tpu.vector_load %arg6[%get3A_936] {strides = array<i32>} : memref<53248xf32, #tpu.memory_space<vmem>>, vector<16xf32>,
        %mul3A_938 = arith.mulf %get3A_937, %get3A_12 : vector<16xf32>
        %add3A_939 = arith.addf %add3A_933, %mul3A_938 : vector<16xf32>
        %add3A_940 = arith.constant 48 : i32
        %add3A_941 = arith.addi %mul3A_924, %add3A_940 : i32
        %get3A_942 = arith.index_cast %add3A_941 : i32 to index
        %get3A_943 = tpu.vector_load %arg6[%get3A_942] {strides = array<i32>} : memref<53248xf32, #tpu.memory_space<vmem>>, vector<16xf32>,
        %mul3A_944 = arith.mulf %get3A_943, %get3A_14 : vector<16xf32>
        %add3A_945 = arith.addf %add3A_939, %mul3A_944 : vector<16xf32>
        %add3A_946 = arith.constant 64 : i32
        %add3A_947 = arith.addi %mul3A_924, %add3A_946 : i32
        %get3A_948 = arith.index_cast %add3A_947 : i32 to index
        %get3A_949 = tpu.vector_load %arg6[%get3A_948] {strides = array<i32>} : memref<53248xf32, #tpu.memory_space<vmem>>, vector<16xf32>,
        %mul3A_950 = arith.mulf %get3A_949, %get3A_16 : vector<16xf32>
        %add3A_951 = arith.addf %add3A_945, %mul3A_950 : vector<16xf32>
        %add3A_952 = arith.constant 80 : i32
        %add3A_953 = arith.addi %mul3A_924, %add3A_952 : i32
        %get3A_954 = arith.index_cast %add3A_953 : i32 to index
        %get3A_955 = tpu.vector_load %arg6[%get3A_954] {strides = array<i32>} : memref<53248xf32, #tpu.memory_space<vmem>>, vector<16xf32>,
        %mul3A_956 = arith.mulf %get3A_955, %get3A_18 : vector<16xf32>
        %add3A_957 = arith.addf %add3A_951, %mul3A_956 : vector<16xf32>
        %add3A_958 = arith.constant 96 : i32
        %add3A_959 = arith.addi %mul3A_924, %add3A_958 : i32
        %get3A_960 = arith.index_cast %add3A_959 : i32 to index
        %get3A_961 = tpu.vector_load %arg6[%get3A_960] {strides = array<i32>} : memref<53248xf32, #tpu.memory_space<vmem>>, vector<16xf32>,
        %mul3A_962 = arith.mulf %get3A_961, %get3A_20 : vector<16xf32>
        %add3A_963 = arith.addf %add3A_957, %mul3A_962 : vector<16xf32>
        %add3A_964 = arith.constant 112 : i32
        %add3A_965 = arith.addi %mul3A_924, %add3A_964 : i32
        %get3A_966 = arith.index_cast %add3A_965 : i32 to index
        %get3A_967 = tpu.vector_load %arg6[%get3A_966] {strides = array<i32>} : memref<53248xf32, #tpu.memory_space<vmem>>, vector<16xf32>,
        %mul3A_968 = arith.mulf %get3A_967, %get3A_22 : vector<16xf32>
        %add3A_969 = arith.addf %add3A_963, %mul3A_968 : vector<16xf32>
        %mul3A_970 = arith.constant 16 : i32
        %mul3A_971 = arith.muli %scan3A_248, %mul3A_970 : i32
        %add3A_972 = arith.constant 7 : i32
        %add3A_973 = arith.addi %mul3A_971, %add3A_972 : i32
        %mul3A_974 = arith.constant 128 : i32
        %mul3A_975 = arith.muli %add3A_973, %mul3A_974 : i32
        %get3A_976 = arith.index_cast %mul3A_975 : i32 to index
        %get3A_977 = tpu.vector_load %arg6[%get3A_976] {strides = array<i32>} : memref<53248xf32, #tpu.memory_space<vmem>>, vector<16xf32>,
        %mul3A_978 = arith.mulf %get3A_977, %get3A_8 : vector<16xf32>
        %add3A_979 = arith.constant 16 : i32
        %add3A_980 = arith.addi %mul3A_975, %add3A_979 : i32
        %get3A_981 = arith.index_cast %add3A_980 : i32 to index
        %get3A_982 = tpu.vector_load %arg6[%get3A_981] {strides = array<i32>} : memref<53248xf32, #tpu.memory_space<vmem>>, vector<16xf32>,
        %mul3A_983 = arith.mulf %get3A_982, %get3A_10 : vector<16xf32>
        %add3A_984 = arith.addf %mul3A_978, %mul3A_983 : vector<16xf32>
        %add3A_985 = arith.constant 32 : i32
        %add3A_986 = arith.addi %mul3A_975, %add3A_985 : i32
        %get3A_987 = arith.index_cast %add3A_986 : i32 to index
        %get3A_988 = tpu.vector_load %arg6[%get3A_987] {strides = array<i32>} : memref<53248xf32, #tpu.memory_space<vmem>>, vector<16xf32>,
        %mul3A_989 = arith.mulf %get3A_988, %get3A_12 : vector<16xf32>
        %add3A_990 = arith.addf %add3A_984, %mul3A_989 : vector<16xf32>
        %add3A_991 = arith.constant 48 : i32
        %add3A_992 = arith.addi %mul3A_975, %add3A_991 : i32
        %get3A_993 = arith.index_cast %add3A_992 : i32 to index
        %get3A_994 = tpu.vector_load %arg6[%get3A_993] {strides = array<i32>} : memref<53248xf32, #tpu.memory_space<vmem>>, vector<16xf32>,
        %mul3A_995 = arith.mulf %get3A_994, %get3A_14 : vector<16xf32>
        %add3A_996 = arith.addf %add3A_990, %mul3A_995 : vector<16xf32>
        %add3A_997 = arith.constant 64 : i32
        %add3A_998 = arith.addi %mul3A_975, %add3A_997 : i32
        %get3A_999 = arith.index_cast %add3A_998 : i32 to index
        %get3A_1000 = tpu.vector_load %arg6[%get3A_999] {strides = array<i32>} : memref<53248xf32, #tpu.memory_space<vmem>>, vector<16xf32>,
        %mul3A_1001 = arith.mulf %get3A_1000, %get3A_16 : vector<16xf32>
        %add3A_1002 = arith.addf %add3A_996, %mul3A_1001 : vector<16xf32>
        %add3A_1003 = arith.constant 80 : i32
        %add3A_1004 = arith.addi %mul3A_975, %add3A_1003 : i32
        %get3A_1005 = arith.index_cast %add3A_1004 : i32 to index
        %get3A_1006 = tpu.vector_load %arg6[%get3A_1005] {strides = array<i32>} : memref<53248xf32, #tpu.memory_space<vmem>>, vector<16xf32>,
        %mul3A_1007 = arith.mulf %get3A_1006, %get3A_18 : vector<16xf32>
        %add3A_1008 = arith.addf %add3A_1002, %mul3A_1007 : vector<16xf32>
        %add3A_1009 = arith.constant 96 : i32
        %add3A_1010 = arith.addi %mul3A_975, %add3A_1009 : i32
        %get3A_1011 = arith.index_cast %add3A_1010 : i32 to index
        %get3A_1012 = tpu.vector_load %arg6[%get3A_1011] {strides = array<i32>} : memref<53248xf32, #tpu.memory_space<vmem>>, vector<16xf32>,
        %mul3A_1013 = arith.mulf %get3A_1012, %get3A_20 : vector<16xf32>
        %add3A_1014 = arith.addf %add3A_1008, %mul3A_1013 : vector<16xf32>
        %add3A_1015 = arith.constant 112 : i32
        %add3A_1016 = arith.addi %mul3A_975, %add3A_1015 : i32
        %get3A_1017 = arith.index_cast %add3A_1016 : i32 to index
        %get3A_1018 = tpu.vector_load %arg6[%get3A_1017] {strides = array<i32>} : memref<53248xf32, #tpu.memory_space<vmem>>, vector<16xf32>,
        %mul3A_1019 = arith.mulf %get3A_1018, %get3A_22 : vector<16xf32>
        %add3A_1020 = arith.addf %add3A_1014, %mul3A_1019 : vector<16xf32>
        %mul3A_1021 = arith.constant 16 : i32
        %mul3A_1022 = arith.muli %scan3A_248, %mul3A_1021 : i32
        %add3A_1023 = arith.constant 15 : i32
        %add3A_1024 = arith.addi %mul3A_1022, %add3A_1023 : i32
        %mul3A_1025 = arith.constant 128 : i32
        %mul3A_1026 = arith.muli %add3A_1024, %mul3A_1025 : i32
        %get3A_1027 = arith.index_cast %mul3A_1026 : i32 to index
        %get3A_1028 = tpu.vector_load %arg6[%get3A_1027] {strides = array<i32>} : memref<53248xf32, #tpu.memory_space<vmem>>, vector<16xf32>,
        %mul3A_1029 = arith.mulf %get3A_1028, %get3A_8 : vector<16xf32>
        %add3A_1030 = arith.constant 16 : i32
        %add3A_1031 = arith.addi %mul3A_1026, %add3A_1030 : i32
        %get3A_1032 = arith.index_cast %add3A_1031 : i32 to index
        %get3A_1033 = tpu.vector_load %arg6[%get3A_1032] {strides = array<i32>} : memref<53248xf32, #tpu.memory_space<vmem>>, vector<16xf32>,
        %mul3A_1034 = arith.mulf %get3A_1033, %get3A_10 : vector<16xf32>
        %add3A_1035 = arith.addf %mul3A_1029, %mul3A_1034 : vector<16xf32>
        %add3A_1036 = arith.constant 32 : i32
        %add3A_1037 = arith.addi %mul3A_1026, %add3A_1036 : i32
        %get3A_1038 = arith.index_cast %add3A_1037 : i32 to index
        %get3A_1039 = tpu.vector_load %arg6[%get3A_1038] {strides = array<i32>} : memref<53248xf32, #tpu.memory_space<vmem>>, vector<16xf32>,
        %mul3A_1040 = arith.mulf %get3A_1039, %get3A_12 : vector<16xf32>
        %add3A_1041 = arith.addf %add3A_1035, %mul3A_1040 : vector<16xf32>
        %add3A_1042 = arith.constant 48 : i32
        %add3A_1043 = arith.addi %mul3A_1026, %add3A_1042 : i32
        %get3A_1044 = arith.index_cast %add3A_1043 : i32 to index
        %get3A_1045 = tpu.vector_load %arg6[%get3A_1044] {strides = array<i32>} : memref<53248xf32, #tpu.memory_space<vmem>>, vector<16xf32>,
        %mul3A_1046 = arith.mulf %get3A_1045, %get3A_14 : vector<16xf32>
        %add3A_1047 = arith.addf %add3A_1041, %mul3A_1046 : vector<16xf32>
        %add3A_1048 = arith.constant 64 : i32
        %add3A_1049 = arith.addi %mul3A_1026, %add3A_1048 : i32
        %get3A_1050 = arith.index_cast %add3A_1049 : i32 to index
        %get3A_1051 = tpu.vector_load %arg6[%get3A_1050] {strides = array<i32>} : memref<53248xf32, #tpu.memory_space<vmem>>, vector<16xf32>,
        %mul3A_1052 = arith.mulf %get3A_1051, %get3A_16 : vector<16xf32>
        %add3A_1053 = arith.addf %add3A_1047, %mul3A_1052 : vector<16xf32>
        %add3A_1054 = arith.constant 80 : i32
        %add3A_1055 = arith.addi %mul3A_1026, %add3A_1054 : i32
        %get3A_1056 = arith.index_cast %add3A_1055 : i32 to index
        %get3A_1057 = tpu.vector_load %arg6[%get3A_1056] {strides = array<i32>} : memref<53248xf32, #tpu.memory_space<vmem>>, vector<16xf32>,
        %mul3A_1058 = arith.mulf %get3A_1057, %get3A_18 : vector<16xf32>
        %add3A_1059 = arith.addf %add3A_1053, %mul3A_1058 : vector<16xf32>
        %add3A_1060 = arith.constant 96 : i32
        %add3A_1061 = arith.addi %mul3A_1026, %add3A_1060 : i32
        %get3A_1062 = arith.index_cast %add3A_1061 : i32 to index
        %get3A_1063 = tpu.vector_load %arg6[%get3A_1062] {strides = array<i32>} : memref<53248xf32, #tpu.memory_space<vmem>>, vector<16xf32>,
        %mul3A_1064 = arith.mulf %get3A_1063, %get3A_20 : vector<16xf32>
        %add3A_1065 = arith.addf %add3A_1059, %mul3A_1064 : vector<16xf32>
        %add3A_1066 = arith.constant 112 : i32
        %add3A_1067 = arith.addi %mul3A_1026, %add3A_1066 : i32
        %get3A_1068 = arith.index_cast %add3A_1067 : i32 to index
        %get3A_1069 = tpu.vector_load %arg6[%get3A_1068] {strides = array<i32>} : memref<53248xf32, #tpu.memory_space<vmem>>, vector<16xf32>,
        %mul3A_1070 = arith.mulf %get3A_1069, %get3A_22 : vector<16xf32>
        %add3A_1071 = arith.addf %add3A_1065, %mul3A_1070 : vector<16xf32>
        %lt3A_1072 = arith.constant 0 : i32
        %lt3A_1073 = vector.broadcast %lt3A_1072 : i32 to vector<16xi32>
        %lt3A_1074 = arith.cmpi slt, %and3A_130, %lt3A_1073 : vector<16xi32>
        %add3A_1075 = arith.constant 16 : i32
        %add3A_1076 = vector.broadcast %add3A_1075 : i32 to vector<16xi32>
        %add3A_1077 = arith.addi %and3A_130, %add3A_1076 : vector<16xi32>
        %select_n3A_1078 = arith.select %lt3A_1074, %add3A_1077, %and3A_130 : vector<16xi1>, vector<16xi32>
        %broadcast_in_dim3A_1079 = vector.shape_cast %select_n3A_1078 : vector<16xi32> to vector<16x1xi32>
        %gather3A = vector.shape_cast %broadcast_in_dim3A_1079 : vector<16x1xi32> to vector<16xi32>
        %gather3A_1080 = tpu.dynamic_gather %add3A_357[%gather3A] in [0] : vector<16xf32>, vector<16xi32> -> vector<16xf32>
        %select_n3A_1081 = arith.select %lt3A_44, %add3A_306, %gather3A_1080 : vector<16xi1>, vector<16xf32>
        %lt3A_1082 = arith.constant 0 : i32
        %lt3A_1083 = vector.broadcast %lt3A_1082 : i32 to vector<16xi32>
        %lt3A_1084 = arith.cmpi slt, %and3A_125, %lt3A_1083 : vector<16xi32>
        %add3A_1085 = arith.constant 16 : i32
        %add3A_1086 = vector.broadcast %add3A_1085 : i32 to vector<16xi32>
        %add3A_1087 = arith.addi %and3A_125, %add3A_1086 : vector<16xi32>
        %select_n3A_1088 = arith.select %lt3A_1084, %add3A_1087, %and3A_125 : vector<16xi1>, vector<16xi32>
        %broadcast_in_dim3A_1089 = vector.shape_cast %select_n3A_1088 : vector<16xi32> to vector<16x1xi32>
        %gather3A_1090 = vector.shape_cast %broadcast_in_dim3A_1089 : vector<16x1xi32> to vector<16xi32>
        %gather3A_1091 = tpu.dynamic_gather %add3A_306[%gather3A_1090] in [0] : vector<16xf32>, vector<16xi32> -> vector<16xf32>
        %select_n3A_1092 = arith.select %lt3A_44, %gather3A_1091, %add3A_357 : vector<16xi1>, vector<16xf32>
        %add3A_1093 = arith.addf %select_n3A_1081, %select_n3A_1092 : vector<16xf32>
        %lt3A_1094 = arith.constant 0 : i32
        %lt3A_1095 = vector.broadcast %lt3A_1094 : i32 to vector<16xi32>
        %lt3A_1096 = arith.cmpi slt, %and3A_130, %lt3A_1095 : vector<16xi32>
        %add3A_1097 = arith.constant 16 : i32
        %add3A_1098 = vector.broadcast %add3A_1097 : i32 to vector<16xi32>
        %add3A_1099 = arith.addi %and3A_130, %add3A_1098 : vector<16xi32>
        %select_n3A_1100 = arith.select %lt3A_1096, %add3A_1099, %and3A_130 : vector<16xi1>, vector<16xi32>
        %broadcast_in_dim3A_1101 = vector.shape_cast %select_n3A_1100 : vector<16xi32> to vector<16x1xi32>
        %gather3A_1102 = vector.shape_cast %broadcast_in_dim3A_1101 : vector<16x1xi32> to vector<16xi32>
        %gather3A_1103 = tpu.dynamic_gather %add3A_459[%gather3A_1102] in [0] : vector<16xf32>, vector<16xi32> -> vector<16xf32>
        %select_n3A_1104 = arith.select %lt3A_44, %add3A_408, %gather3A_1103 : vector<16xi1>, vector<16xf32>
        %lt3A_1105 = arith.constant 0 : i32
        %lt3A_1106 = vector.broadcast %lt3A_1105 : i32 to vector<16xi32>
        %lt3A_1107 = arith.cmpi slt, %and3A_125, %lt3A_1106 : vector<16xi32>
        %add3A_1108 = arith.constant 16 : i32
        %add3A_1109 = vector.broadcast %add3A_1108 : i32 to vector<16xi32>
        %add3A_1110 = arith.addi %and3A_125, %add3A_1109 : vector<16xi32>
        %select_n3A_1111 = arith.select %lt3A_1107, %add3A_1110, %and3A_125 : vector<16xi1>, vector<16xi32>
        %broadcast_in_dim3A_1112 = vector.shape_cast %select_n3A_1111 : vector<16xi32> to vector<16x1xi32>
        %gather3A_1113 = vector.shape_cast %broadcast_in_dim3A_1112 : vector<16x1xi32> to vector<16xi32>
        %gather3A_1114 = tpu.dynamic_gather %add3A_408[%gather3A_1113] in [0] : vector<16xf32>, vector<16xi32> -> vector<16xf32>
        %select_n3A_1115 = arith.select %lt3A_44, %gather3A_1114, %add3A_459 : vector<16xi1>, vector<16xf32>
        %add3A_1116 = arith.addf %select_n3A_1104, %select_n3A_1115 : vector<16xf32>
        %lt3A_1117 = arith.constant 0 : i32
        %lt3A_1118 = vector.broadcast %lt3A_1117 : i32 to vector<16xi32>
        %lt3A_1119 = arith.cmpi slt, %and3A_130, %lt3A_1118 : vector<16xi32>
        %add3A_1120 = arith.constant 16 : i32
        %add3A_1121 = vector.broadcast %add3A_1120 : i32 to vector<16xi32>
        %add3A_1122 = arith.addi %and3A_130, %add3A_1121 : vector<16xi32>
        %select_n3A_1123 = arith.select %lt3A_1119, %add3A_1122, %and3A_130 : vector<16xi1>, vector<16xi32>
        %broadcast_in_dim3A_1124 = vector.shape_cast %select_n3A_1123 : vector<16xi32> to vector<16x1xi32>
        %gather3A_1125 = vector.shape_cast %broadcast_in_dim3A_1124 : vector<16x1xi32> to vector<16xi32>
        %gather3A_1126 = tpu.dynamic_gather %add3A_561[%gather3A_1125] in [0] : vector<16xf32>, vector<16xi32> -> vector<16xf32>
        %select_n3A_1127 = arith.select %lt3A_44, %add3A_510, %gather3A_1126 : vector<16xi1>, vector<16xf32>
        %lt3A_1128 = arith.constant 0 : i32
        %lt3A_1129 = vector.broadcast %lt3A_1128 : i32 to vector<16xi32>
        %lt3A_1130 = arith.cmpi slt, %and3A_125, %lt3A_1129 : vector<16xi32>
        %add3A_1131 = arith.constant 16 : i32
        %add3A_1132 = vector.broadcast %add3A_1131 : i32 to vector<16xi32>
        %add3A_1133 = arith.addi %and3A_125, %add3A_1132 : vector<16xi32>
        %select_n3A_1134 = arith.select %lt3A_1130, %add3A_1133, %and3A_125 : vector<16xi1>, vector<16xi32>
        %broadcast_in_dim3A_1135 = vector.shape_cast %select_n3A_1134 : vector<16xi32> to vector<16x1xi32>
        %gather3A_1136 = vector.shape_cast %broadcast_in_dim3A_1135 : vector<16x1xi32> to vector<16xi32>
        %gather3A_1137 = tpu.dynamic_gather %add3A_510[%gather3A_1136] in [0] : vector<16xf32>, vector<16xi32> -> vector<16xf32>
        %select_n3A_1138 = arith.select %lt3A_44, %gather3A_1137, %add3A_561 : vector<16xi1>, vector<16xf32>
        %add3A_1139 = arith.addf %select_n3A_1127, %select_n3A_1138 : vector<16xf32>
        %lt3A_1140 = arith.constant 0 : i32
        %lt3A_1141 = vector.broadcast %lt3A_1140 : i32 to vector<16xi32>
        %lt3A_1142 = arith.cmpi slt, %and3A_130, %lt3A_1141 : vector<16xi32>
        %add3A_1143 = arith.constant 16 : i32
        %add3A_1144 = vector.broadcast %add3A_1143 : i32 to vector<16xi32>
        %add3A_1145 = arith.addi %and3A_130, %add3A_1144 : vector<16xi32>
        %select_n3A_1146 = arith.select %lt3A_1142, %add3A_1145, %and3A_130 : vector<16xi1>, vector<16xi32>
        %broadcast_in_dim3A_1147 = vector.shape_cast %select_n3A_1146 : vector<16xi32> to vector<16x1xi32>
        %gather3A_1148 = vector.shape_cast %broadcast_in_dim3A_1147 : vector<16x1xi32> to vector<16xi32>
        %gather3A_1149 = tpu.dynamic_gather %add3A_663[%gather3A_1148] in [0] : vector<16xf32>, vector<16xi32> -> vector<16xf32>
        %select_n3A_1150 = arith.select %lt3A_44, %add3A_612, %gather3A_1149 : vector<16xi1>, vector<16xf32>
        %lt3A_1151 = arith.constant 0 : i32
        %lt3A_1152 = vector.broadcast %lt3A_1151 : i32 to vector<16xi32>
        %lt3A_1153 = arith.cmpi slt, %and3A_125, %lt3A_1152 : vector<16xi32>
        %add3A_1154 = arith.constant 16 : i32
        %add3A_1155 = vector.broadcast %add3A_1154 : i32 to vector<16xi32>
        %add3A_1156 = arith.addi %and3A_125, %add3A_1155 : vector<16xi32>
        %select_n3A_1157 = arith.select %lt3A_1153, %add3A_1156, %and3A_125 : vector<16xi1>, vector<16xi32>
        %broadcast_in_dim3A_1158 = vector.shape_cast %select_n3A_1157 : vector<16xi32> to vector<16x1xi32>
        %gather3A_1159 = vector.shape_cast %broadcast_in_dim3A_1158 : vector<16x1xi32> to vector<16xi32>
        %gather3A_1160 = tpu.dynamic_gather %add3A_612[%gather3A_1159] in [0] : vector<16xf32>, vector<16xi32> -> vector<16xf32>
        %select_n3A_1161 = arith.select %lt3A_44, %gather3A_1160, %add3A_663 : vector<16xi1>, vector<16xf32>
        %add3A_1162 = arith.addf %select_n3A_1150, %select_n3A_1161 : vector<16xf32>
        %lt3A_1163 = arith.constant 0 : i32
        %lt3A_1164 = vector.broadcast %lt3A_1163 : i32 to vector<16xi32>
        %lt3A_1165 = arith.cmpi slt, %and3A_130, %lt3A_1164 : vector<16xi32>
        %add3A_1166 = arith.constant 16 : i32
        %add3A_1167 = vector.broadcast %add3A_1166 : i32 to vector<16xi32>
        %add3A_1168 = arith.addi %and3A_130, %add3A_1167 : vector<16xi32>
        %select_n3A_1169 = arith.select %lt3A_1165, %add3A_1168, %and3A_130 : vector<16xi1>, vector<16xi32>
        %broadcast_in_dim3A_1170 = vector.shape_cast %select_n3A_1169 : vector<16xi32> to vector<16x1xi32>
        %gather3A_1171 = vector.shape_cast %broadcast_in_dim3A_1170 : vector<16x1xi32> to vector<16xi32>
        %gather3A_1172 = tpu.dynamic_gather %add3A_765[%gather3A_1171] in [0] : vector<16xf32>, vector<16xi32> -> vector<16xf32>
        %select_n3A_1173 = arith.select %lt3A_44, %add3A_714, %gather3A_1172 : vector<16xi1>, vector<16xf32>
        %lt3A_1174 = arith.constant 0 : i32
        %lt3A_1175 = vector.broadcast %lt3A_1174 : i32 to vector<16xi32>
        %lt3A_1176 = arith.cmpi slt, %and3A_125, %lt3A_1175 : vector<16xi32>
        %add3A_1177 = arith.constant 16 : i32
        %add3A_1178 = vector.broadcast %add3A_1177 : i32 to vector<16xi32>
        %add3A_1179 = arith.addi %and3A_125, %add3A_1178 : vector<16xi32>
        %select_n3A_1180 = arith.select %lt3A_1176, %add3A_1179, %and3A_125 : vector<16xi1>, vector<16xi32>
        %broadcast_in_dim3A_1181 = vector.shape_cast %select_n3A_1180 : vector<16xi32> to vector<16x1xi32>
        %gather3A_1182 = vector.shape_cast %broadcast_in_dim3A_1181 : vector<16x1xi32> to vector<16xi32>
        %gather3A_1183 = tpu.dynamic_gather %add3A_714[%gather3A_1182] in [0] : vector<16xf32>, vector<16xi32> -> vector<16xf32>
        %select_n3A_1184 = arith.select %lt3A_44, %gather3A_1183, %add3A_765 : vector<16xi1>, vector<16xf32>
        %add3A_1185 = arith.addf %select_n3A_1173, %select_n3A_1184 : vector<16xf32>
        %lt3A_1186 = arith.constant 0 : i32
        %lt3A_1187 = vector.broadcast %lt3A_1186 : i32 to vector<16xi32>
        %lt3A_1188 = arith.cmpi slt, %and3A_130, %lt3A_1187 : vector<16xi32>
        %add3A_1189 = arith.constant 16 : i32
        %add3A_1190 = vector.broadcast %add3A_1189 : i32 to vector<16xi32>
        %add3A_1191 = arith.addi %and3A_130, %add3A_1190 : vector<16xi32>
        %select_n3A_1192 = arith.select %lt3A_1188, %add3A_1191, %and3A_130 : vector<16xi1>, vector<16xi32>
        %broadcast_in_dim3A_1193 = vector.shape_cast %select_n3A_1192 : vector<16xi32> to vector<16x1xi32>
        %gather3A_1194 = vector.shape_cast %broadcast_in_dim3A_1193 : vector<16x1xi32> to vector<16xi32>
        %gather3A_1195 = tpu.dynamic_gather %add3A_867[%gather3A_1194] in [0] : vector<16xf32>, vector<16xi32> -> vector<16xf32>
        %select_n3A_1196 = arith.select %lt3A_44, %add3A_816, %gather3A_1195 : vector<16xi1>, vector<16xf32>
        %lt3A_1197 = arith.constant 0 : i32
        %lt3A_1198 = vector.broadcast %lt3A_1197 : i32 to vector<16xi32>
        %lt3A_1199 = arith.cmpi slt, %and3A_125, %lt3A_1198 : vector<16xi32>
        %add3A_1200 = arith.constant 16 : i32
        %add3A_1201 = vector.broadcast %add3A_1200 : i32 to vector<16xi32>
        %add3A_1202 = arith.addi %and3A_125, %add3A_1201 : vector<16xi32>
        %select_n3A_1203 = arith.select %lt3A_1199, %add3A_1202, %and3A_125 : vector<16xi1>, vector<16xi32>
        %broadcast_in_dim3A_1204 = vector.shape_cast %select_n3A_1203 : vector<16xi32> to vector<16x1xi32>
        %gather3A_1205 = vector.shape_cast %broadcast_in_dim3A_1204 : vector<16x1xi32> to vector<16xi32>
        %gather3A_1206 = tpu.dynamic_gather %add3A_816[%gather3A_1205] in [0] : vector<16xf32>, vector<16xi32> -> vector<16xf32>
        %select_n3A_1207 = arith.select %lt3A_44, %gather3A_1206, %add3A_867 : vector<16xi1>, vector<16xf32>
        %add3A_1208 = arith.addf %select_n3A_1196, %select_n3A_1207 : vector<16xf32>
        %lt3A_1209 = arith.constant 0 : i32
        %lt3A_1210 = vector.broadcast %lt3A_1209 : i32 to vector<16xi32>
        %lt3A_1211 = arith.cmpi slt, %and3A_130, %lt3A_1210 : vector<16xi32>
        %add3A_1212 = arith.constant 16 : i32
        %add3A_1213 = vector.broadcast %add3A_1212 : i32 to vector<16xi32>
        %add3A_1214 = arith.addi %and3A_130, %add3A_1213 : vector<16xi32>
        %select_n3A_1215 = arith.select %lt3A_1211, %add3A_1214, %and3A_130 : vector<16xi1>, vector<16xi32>
        %broadcast_in_dim3A_1216 = vector.shape_cast %select_n3A_1215 : vector<16xi32> to vector<16x1xi32>
        %gather3A_1217 = vector.shape_cast %broadcast_in_dim3A_1216 : vector<16x1xi32> to vector<16xi32>
        %gather3A_1218 = tpu.dynamic_gather %add3A_969[%gather3A_1217] in [0] : vector<16xf32>, vector<16xi32> -> vector<16xf32>
        %select_n3A_1219 = arith.select %lt3A_44, %add3A_918, %gather3A_1218 : vector<16xi1>, vector<16xf32>
        %lt3A_1220 = arith.constant 0 : i32
        %lt3A_1221 = vector.broadcast %lt3A_1220 : i32 to vector<16xi32>
        %lt3A_1222 = arith.cmpi slt, %and3A_125, %lt3A_1221 : vector<16xi32>
        %add3A_1223 = arith.constant 16 : i32
        %add3A_1224 = vector.broadcast %add3A_1223 : i32 to vector<16xi32>
        %add3A_1225 = arith.addi %and3A_125, %add3A_1224 : vector<16xi32>
        %select_n3A_1226 = arith.select %lt3A_1222, %add3A_1225, %and3A_125 : vector<16xi1>, vector<16xi32>
        %broadcast_in_dim3A_1227 = vector.shape_cast %select_n3A_1226 : vector<16xi32> to vector<16x1xi32>
        %gather3A_1228 = vector.shape_cast %broadcast_in_dim3A_1227 : vector<16x1xi32> to vector<16xi32>
        %gather3A_1229 = tpu.dynamic_gather %add3A_918[%gather3A_1228] in [0] : vector<16xf32>, vector<16xi32> -> vector<16xf32>
        %select_n3A_1230 = arith.select %lt3A_44, %gather3A_1229, %add3A_969 : vector<16xi1>, vector<16xf32>
        %add3A_1231 = arith.addf %select_n3A_1219, %select_n3A_1230 : vector<16xf32>
        %lt3A_1232 = arith.constant 0 : i32
        %lt3A_1233 = vector.broadcast %lt3A_1232 : i32 to vector<16xi32>
        %lt3A_1234 = arith.cmpi slt, %and3A_130, %lt3A_1233 : vector<16xi32>
        %add3A_1235 = arith.constant 16 : i32
        %add3A_1236 = vector.broadcast %add3A_1235 : i32 to vector<16xi32>
        %add3A_1237 = arith.addi %and3A_130, %add3A_1236 : vector<16xi32>
        %select_n3A_1238 = arith.select %lt3A_1234, %add3A_1237, %and3A_130 : vector<16xi1>, vector<16xi32>
        %broadcast_in_dim3A_1239 = vector.shape_cast %select_n3A_1238 : vector<16xi32> to vector<16x1xi32>
        %gather3A_1240 = vector.shape_cast %broadcast_in_dim3A_1239 : vector<16x1xi32> to vector<16xi32>
        %gather3A_1241 = tpu.dynamic_gather %add3A_1071[%gather3A_1240] in [0] : vector<16xf32>, vector<16xi32> -> vector<16xf32>
        %select_n3A_1242 = arith.select %lt3A_44, %add3A_1020, %gather3A_1241 : vector<16xi1>, vector<16xf32>
        %lt3A_1243 = arith.constant 0 : i32
        %lt3A_1244 = vector.broadcast %lt3A_1243 : i32 to vector<16xi32>
        %lt3A_1245 = arith.cmpi slt, %and3A_125, %lt3A_1244 : vector<16xi32>
        %add3A_1246 = arith.constant 16 : i32
        %add3A_1247 = vector.broadcast %add3A_1246 : i32 to vector<16xi32>
        %add3A_1248 = arith.addi %and3A_125, %add3A_1247 : vector<16xi32>
        %select_n3A_1249 = arith.select %lt3A_1245, %add3A_1248, %and3A_125 : vector<16xi1>, vector<16xi32>
        %broadcast_in_dim3A_1250 = vector.shape_cast %select_n3A_1249 : vector<16xi32> to vector<16x1xi32>
        %gather3A_1251 = vector.shape_cast %broadcast_in_dim3A_1250 : vector<16x1xi32> to vector<16xi32>
        %gather3A_1252 = tpu.dynamic_gather %add3A_1020[%gather3A_1251] in [0] : vector<16xf32>, vector<16xi32> -> vector<16xf32>
        %select_n3A_1253 = arith.select %lt3A_44, %gather3A_1252, %add3A_1071 : vector<16xi1>, vector<16xf32>
        %add3A_1254 = arith.addf %select_n3A_1242, %select_n3A_1253 : vector<16xf32>
        %lt3A_1255 = arith.constant 0 : i32
        %lt3A_1256 = vector.broadcast %lt3A_1255 : i32 to vector<16xi32>
        %lt3A_1257 = arith.cmpi slt, %and3A_142, %lt3A_1256 : vector<16xi32>
        %add3A_1258 = arith.constant 16 : i32
        %add3A_1259 = vector.broadcast %add3A_1258 : i32 to vector<16xi32>
        %add3A_1260 = arith.addi %and3A_142, %add3A_1259 : vector<16xi32>
        %select_n3A_1261 = arith.select %lt3A_1257, %add3A_1260, %and3A_142 : vector<16xi1>, vector<16xi32>
        %broadcast_in_dim3A_1262 = vector.shape_cast %select_n3A_1261 : vector<16xi32> to vector<16x1xi32>
        %gather3A_1263 = vector.shape_cast %broadcast_in_dim3A_1262 : vector<16x1xi32> to vector<16xi32>
        %gather3A_1264 = tpu.dynamic_gather %add3A_1116[%gather3A_1263] in [0] : vector<16xf32>, vector<16xi32> -> vector<16xf32>
        %select_n3A_1265 = arith.select %lt3A_69, %add3A_1093, %gather3A_1264 : vector<16xi1>, vector<16xf32>
        %lt3A_1266 = arith.constant 0 : i32
        %lt3A_1267 = vector.broadcast %lt3A_1266 : i32 to vector<16xi32>
        %lt3A_1268 = arith.cmpi slt, %and3A_136, %lt3A_1267 : vector<16xi32>
        %add3A_1269 = arith.constant 16 : i32
        %add3A_1270 = vector.broadcast %add3A_1269 : i32 to vector<16xi32>
        %add3A_1271 = arith.addi %and3A_136, %add3A_1270 : vector<16xi32>
        %select_n3A_1272 = arith.select %lt3A_1268, %add3A_1271, %and3A_136 : vector<16xi1>, vector<16xi32>
        %broadcast_in_dim3A_1273 = vector.shape_cast %select_n3A_1272 : vector<16xi32> to vector<16x1xi32>
        %gather3A_1274 = vector.shape_cast %broadcast_in_dim3A_1273 : vector<16x1xi32> to vector<16xi32>
        %gather3A_1275 = tpu.dynamic_gather %add3A_1093[%gather3A_1274] in [0] : vector<16xf32>, vector<16xi32> -> vector<16xf32>
        %select_n3A_1276 = arith.select %lt3A_69, %gather3A_1275, %add3A_1116 : vector<16xi1>, vector<16xf32>
        %add3A_1277 = arith.addf %select_n3A_1265, %select_n3A_1276 : vector<16xf32>
        %lt3A_1278 = arith.constant 0 : i32
        %lt3A_1279 = vector.broadcast %lt3A_1278 : i32 to vector<16xi32>
        %lt3A_1280 = arith.cmpi slt, %and3A_142, %lt3A_1279 : vector<16xi32>
        %add3A_1281 = arith.constant 16 : i32
        %add3A_1282 = vector.broadcast %add3A_1281 : i32 to vector<16xi32>
        %add3A_1283 = arith.addi %and3A_142, %add3A_1282 : vector<16xi32>
        %select_n3A_1284 = arith.select %lt3A_1280, %add3A_1283, %and3A_142 : vector<16xi1>, vector<16xi32>
        %broadcast_in_dim3A_1285 = vector.shape_cast %select_n3A_1284 : vector<16xi32> to vector<16x1xi32>
        %gather3A_1286 = vector.shape_cast %broadcast_in_dim3A_1285 : vector<16x1xi32> to vector<16xi32>
        %gather3A_1287 = tpu.dynamic_gather %add3A_1162[%gather3A_1286] in [0] : vector<16xf32>, vector<16xi32> -> vector<16xf32>
        %select_n3A_1288 = arith.select %lt3A_69, %add3A_1139, %gather3A_1287 : vector<16xi1>, vector<16xf32>
        %lt3A_1289 = arith.constant 0 : i32
        %lt3A_1290 = vector.broadcast %lt3A_1289 : i32 to vector<16xi32>
        %lt3A_1291 = arith.cmpi slt, %and3A_136, %lt3A_1290 : vector<16xi32>
        %add3A_1292 = arith.constant 16 : i32
        %add3A_1293 = vector.broadcast %add3A_1292 : i32 to vector<16xi32>
        %add3A_1294 = arith.addi %and3A_136, %add3A_1293 : vector<16xi32>
        %select_n3A_1295 = arith.select %lt3A_1291, %add3A_1294, %and3A_136 : vector<16xi1>, vector<16xi32>
        %broadcast_in_dim3A_1296 = vector.shape_cast %select_n3A_1295 : vector<16xi32> to vector<16x1xi32>
        %gather3A_1297 = vector.shape_cast %broadcast_in_dim3A_1296 : vector<16x1xi32> to vector<16xi32>
        %gather3A_1298 = tpu.dynamic_gather %add3A_1139[%gather3A_1297] in [0] : vector<16xf32>, vector<16xi32> -> vector<16xf32>
        %select_n3A_1299 = arith.select %lt3A_69, %gather3A_1298, %add3A_1162 : vector<16xi1>, vector<16xf32>
        %add3A_1300 = arith.addf %select_n3A_1288, %select_n3A_1299 : vector<16xf32>
        %lt3A_1301 = arith.constant 0 : i32
        %lt3A_1302 = vector.broadcast %lt3A_1301 : i32 to vector<16xi32>
        %lt3A_1303 = arith.cmpi slt, %and3A_142, %lt3A_1302 : vector<16xi32>
        %add3A_1304 = arith.constant 16 : i32
        %add3A_1305 = vector.broadcast %add3A_1304 : i32 to vector<16xi32>
        %add3A_1306 = arith.addi %and3A_142, %add3A_1305 : vector<16xi32>
        %select_n3A_1307 = arith.select %lt3A_1303, %add3A_1306, %and3A_142 : vector<16xi1>, vector<16xi32>
        %broadcast_in_dim3A_1308 = vector.shape_cast %select_n3A_1307 : vector<16xi32> to vector<16x1xi32>
        %gather3A_1309 = vector.shape_cast %broadcast_in_dim3A_1308 : vector<16x1xi32> to vector<16xi32>
        %gather3A_1310 = tpu.dynamic_gather %add3A_1208[%gather3A_1309] in [0] : vector<16xf32>, vector<16xi32> -> vector<16xf32>
        %select_n3A_1311 = arith.select %lt3A_69, %add3A_1185, %gather3A_1310 : vector<16xi1>, vector<16xf32>
        %lt3A_1312 = arith.constant 0 : i32
        %lt3A_1313 = vector.broadcast %lt3A_1312 : i32 to vector<16xi32>
        %lt3A_1314 = arith.cmpi slt, %and3A_136, %lt3A_1313 : vector<16xi32>
        %add3A_1315 = arith.constant 16 : i32
        %add3A_1316 = vector.broadcast %add3A_1315 : i32 to vector<16xi32>
        %add3A_1317 = arith.addi %and3A_136, %add3A_1316 : vector<16xi32>
        %select_n3A_1318 = arith.select %lt3A_1314, %add3A_1317, %and3A_136 : vector<16xi1>, vector<16xi32>
        %broadcast_in_dim3A_1319 = vector.shape_cast %select_n3A_1318 : vector<16xi32> to vector<16x1xi32>
        %gather3A_1320 = vector.shape_cast %broadcast_in_dim3A_1319 : vector<16x1xi32> to vector<16xi32>
        %gather3A_1321 = tpu.dynamic_gather %add3A_1185[%gather3A_1320] in [0] : vector<16xf32>, vector<16xi32> -> vector<16xf32>
        %select_n3A_1322 = arith.select %lt3A_69, %gather3A_1321, %add3A_1208 : vector<16xi1>, vector<16xf32>
        %add3A_1323 = arith.addf %select_n3A_1311, %select_n3A_1322 : vector<16xf32>
        %lt3A_1324 = arith.constant 0 : i32
        %lt3A_1325 = vector.broadcast %lt3A_1324 : i32 to vector<16xi32>
        %lt3A_1326 = arith.cmpi slt, %and3A_142, %lt3A_1325 : vector<16xi32>
        %add3A_1327 = arith.constant 16 : i32
        %add3A_1328 = vector.broadcast %add3A_1327 : i32 to vector<16xi32>
        %add3A_1329 = arith.addi %and3A_142, %add3A_1328 : vector<16xi32>
        %select_n3A_1330 = arith.select %lt3A_1326, %add3A_1329, %and3A_142 : vector<16xi1>, vector<16xi32>
        %broadcast_in_dim3A_1331 = vector.shape_cast %select_n3A_1330 : vector<16xi32> to vector<16x1xi32>
        %gather3A_1332 = vector.shape_cast %broadcast_in_dim3A_1331 : vector<16x1xi32> to vector<16xi32>
        %gather3A_1333 = tpu.dynamic_gather %add3A_1254[%gather3A_1332] in [0] : vector<16xf32>, vector<16xi32> -> vector<16xf32>
        %select_n3A_1334 = arith.select %lt3A_69, %add3A_1231, %gather3A_1333 : vector<16xi1>, vector<16xf32>
        %lt3A_1335 = arith.constant 0 : i32
        %lt3A_1336 = vector.broadcast %lt3A_1335 : i32 to vector<16xi32>
        %lt3A_1337 = arith.cmpi slt, %and3A_136, %lt3A_1336 : vector<16xi32>
        %add3A_1338 = arith.constant 16 : i32
        %add3A_1339 = vector.broadcast %add3A_1338 : i32 to vector<16xi32>
        %add3A_1340 = arith.addi %and3A_136, %add3A_1339 : vector<16xi32>
        %select_n3A_1341 = arith.select %lt3A_1337, %add3A_1340, %and3A_136 : vector<16xi1>, vector<16xi32>
        %broadcast_in_dim3A_1342 = vector.shape_cast %select_n3A_1341 : vector<16xi32> to vector<16x1xi32>
        %gather3A_1343 = vector.shape_cast %broadcast_in_dim3A_1342 : vector<16x1xi32> to vector<16xi32>
        %gather3A_1344 = tpu.dynamic_gather %add3A_1231[%gather3A_1343] in [0] : vector<16xf32>, vector<16xi32> -> vector<16xf32>
        %select_n3A_1345 = arith.select %lt3A_69, %gather3A_1344, %add3A_1254 : vector<16xi1>, vector<16xf32>
        %add3A_1346 = arith.addf %select_n3A_1334, %select_n3A_1345 : vector<16xf32>
        %lt3A_1347 = arith.constant 0 : i32
        %lt3A_1348 = vector.broadcast %lt3A_1347 : i32 to vector<16xi32>
        %lt3A_1349 = arith.cmpi slt, %and3A_154, %lt3A_1348 : vector<16xi32>
        %add3A_1350 = arith.constant 16 : i32
        %add3A_1351 = vector.broadcast %add3A_1350 : i32 to vector<16xi32>
        %add3A_1352 = arith.addi %and3A_154, %add3A_1351 : vector<16xi32>
        %select_n3A_1353 = arith.select %lt3A_1349, %add3A_1352, %and3A_154 : vector<16xi1>, vector<16xi32>
        %broadcast_in_dim3A_1354 = vector.shape_cast %select_n3A_1353 : vector<16xi32> to vector<16x1xi32>
        %gather3A_1355 = vector.shape_cast %broadcast_in_dim3A_1354 : vector<16x1xi32> to vector<16xi32>
        %gather3A_1356 = tpu.dynamic_gather %add3A_1300[%gather3A_1355] in [0] : vector<16xf32>, vector<16xi32> -> vector<16xf32>
        %select_n3A_1357 = arith.select %lt3A_94, %add3A_1277, %gather3A_1356 : vector<16xi1>, vector<16xf32>
        %lt3A_1358 = arith.constant 0 : i32
        %lt3A_1359 = vector.broadcast %lt3A_1358 : i32 to vector<16xi32>
        %lt3A_1360 = arith.cmpi slt, %and3A_148, %lt3A_1359 : vector<16xi32>
        %add3A_1361 = arith.constant 16 : i32
        %add3A_1362 = vector.broadcast %add3A_1361 : i32 to vector<16xi32>
        %add3A_1363 = arith.addi %and3A_148, %add3A_1362 : vector<16xi32>
        %select_n3A_1364 = arith.select %lt3A_1360, %add3A_1363, %and3A_148 : vector<16xi1>, vector<16xi32>
        %broadcast_in_dim3A_1365 = vector.shape_cast %select_n3A_1364 : vector<16xi32> to vector<16x1xi32>
        %gather3A_1366 = vector.shape_cast %broadcast_in_dim3A_1365 : vector<16x1xi32> to vector<16xi32>
        %gather3A_1367 = tpu.dynamic_gather %add3A_1277[%gather3A_1366] in [0] : vector<16xf32>, vector<16xi32> -> vector<16xf32>
        %select_n3A_1368 = arith.select %lt3A_94, %gather3A_1367, %add3A_1300 : vector<16xi1>, vector<16xf32>
        %add3A_1369 = arith.addf %select_n3A_1357, %select_n3A_1368 : vector<16xf32>
        %lt3A_1370 = arith.constant 0 : i32
        %lt3A_1371 = vector.broadcast %lt3A_1370 : i32 to vector<16xi32>
        %lt3A_1372 = arith.cmpi slt, %and3A_154, %lt3A_1371 : vector<16xi32>
        %add3A_1373 = arith.constant 16 : i32
        %add3A_1374 = vector.broadcast %add3A_1373 : i32 to vector<16xi32>
        %add3A_1375 = arith.addi %and3A_154, %add3A_1374 : vector<16xi32>
        %select_n3A_1376 = arith.select %lt3A_1372, %add3A_1375, %and3A_154 : vector<16xi1>, vector<16xi32>
        %broadcast_in_dim3A_1377 = vector.shape_cast %select_n3A_1376 : vector<16xi32> to vector<16x1xi32>
        %gather3A_1378 = vector.shape_cast %broadcast_in_dim3A_1377 : vector<16x1xi32> to vector<16xi32>
        %gather3A_1379 = tpu.dynamic_gather %add3A_1346[%gather3A_1378] in [0] : vector<16xf32>, vector<16xi32> -> vector<16xf32>
        %select_n3A_1380 = arith.select %lt3A_94, %add3A_1323, %gather3A_1379 : vector<16xi1>, vector<16xf32>
        %lt3A_1381 = arith.constant 0 : i32
        %lt3A_1382 = vector.broadcast %lt3A_1381 : i32 to vector<16xi32>
        %lt3A_1383 = arith.cmpi slt, %and3A_148, %lt3A_1382 : vector<16xi32>
        %add3A_1384 = arith.constant 16 : i32
        %add3A_1385 = vector.broadcast %add3A_1384 : i32 to vector<16xi32>
        %add3A_1386 = arith.addi %and3A_148, %add3A_1385 : vector<16xi32>
        %select_n3A_1387 = arith.select %lt3A_1383, %add3A_1386, %and3A_148 : vector<16xi1>, vector<16xi32>
        %broadcast_in_dim3A_1388 = vector.shape_cast %select_n3A_1387 : vector<16xi32> to vector<16x1xi32>
        %gather3A_1389 = vector.shape_cast %broadcast_in_dim3A_1388 : vector<16x1xi32> to vector<16xi32>
        %gather3A_1390 = tpu.dynamic_gather %add3A_1323[%gather3A_1389] in [0] : vector<16xf32>, vector<16xi32> -> vector<16xf32>
        %select_n3A_1391 = arith.select %lt3A_94, %gather3A_1390, %add3A_1346 : vector<16xi1>, vector<16xf32>
        %add3A_1392 = arith.addf %select_n3A_1380, %select_n3A_1391 : vector<16xf32>
        %lt3A_1393 = arith.constant 0 : i32
        %lt3A_1394 = vector.broadcast %lt3A_1393 : i32 to vector<16xi32>
        %lt3A_1395 = arith.cmpi slt, %and3A_166, %lt3A_1394 : vector<16xi32>
        %add3A_1396 = arith.constant 16 : i32
        %add3A_1397 = vector.broadcast %add3A_1396 : i32 to vector<16xi32>
        %add3A_1398 = arith.addi %and3A_166, %add3A_1397 : vector<16xi32>
        %select_n3A_1399 = arith.select %lt3A_1395, %add3A_1398, %and3A_166 : vector<16xi1>, vector<16xi32>
        %broadcast_in_dim3A_1400 = vector.shape_cast %select_n3A_1399 : vector<16xi32> to vector<16x1xi32>
        %gather3A_1401 = vector.shape_cast %broadcast_in_dim3A_1400 : vector<16x1xi32> to vector<16xi32>
        %gather3A_1402 = tpu.dynamic_gather %add3A_1392[%gather3A_1401] in [0] : vector<16xf32>, vector<16xi32> -> vector<16xf32>
        %select_n3A_1403 = arith.select %lt3A_119, %add3A_1369, %gather3A_1402 : vector<16xi1>, vector<16xf32>
        %lt3A_1404 = arith.constant 0 : i32
        %lt3A_1405 = vector.broadcast %lt3A_1404 : i32 to vector<16xi32>
        %lt3A_1406 = arith.cmpi slt, %and3A_160, %lt3A_1405 : vector<16xi32>
        %add3A_1407 = arith.constant 16 : i32
        %add3A_1408 = vector.broadcast %add3A_1407 : i32 to vector<16xi32>
        %add3A_1409 = arith.addi %and3A_160, %add3A_1408 : vector<16xi32>
        %select_n3A_1410 = arith.select %lt3A_1406, %add3A_1409, %and3A_160 : vector<16xi1>, vector<16xi32>
        %broadcast_in_dim3A_1411 = vector.shape_cast %select_n3A_1410 : vector<16xi32> to vector<16x1xi32>
        %gather3A_1412 = vector.shape_cast %broadcast_in_dim3A_1411 : vector<16x1xi32> to vector<16xi32>
        %gather3A_1413 = tpu.dynamic_gather %add3A_1369[%gather3A_1412] in [0] : vector<16xf32>, vector<16xi32> -> vector<16xf32>
        %select_n3A_1414 = arith.select %lt3A_119, %gather3A_1413, %add3A_1392 : vector<16xi1>, vector<16xf32>
        %add3A_1415 = arith.addf %select_n3A_1403, %select_n3A_1414 : vector<16xf32>
        %add3A_1416 = arith.addi %mul3A_26, %get3A_255 : vector<16xi32>
        tpu.vector_store_idx %arg10[%add3A_1416], %add3A_1415 {add = true} : memref<8208xf32, #tpu.memory_space<vmem>>[vector<16xi32>], vector<16xf32>,
      }
      %scan3A_221 = arith.constant 26 : i32
      %add3A_222 = arith.constant 2 : i32
      %add3A_223 = arith.addi %mul3A_199, %add3A_222 : i32
      %mul3A_224 = arith.constant 416 : i32
      %mul3A_225 = arith.muli %add3A_223, %mul3A_224 : i32
      %add3A_226 = arith.addi %mul3A_2, %mul3A_225 : i32
      %mul3A_227 = arith.constant 128 : i32
      %mul3A_228 = arith.muli %add3A_226, %mul3A_227 : i32
      %dma_start3A_229 = tpu.memref_slice %arg2[%mul3A_228] : memref<40960000xf32, #tpu.memory_space<hbm>> -> memref<53248xf32, #tpu.memory_space<hbm>>
      %dma_start3A_230 = tpu.memref_slice %arg2[%mul3A_228] : memref<40960000xf32, #tpu.memory_space<hbm>> -> memref<53248xf32, #tpu.memory_space<hbm>>
      tpu.enqueue_dma source(%dma_start3A_230 : memref<53248xf32, #tpu.memory_space<hbm>>) target(%arg6 : memref<53248xf32, #tpu.memory_space<vmem>>) target_semaphore(%arg12 : memref<!tpu.dma_semaphore, #tpu.memory_space<semaphore_mem>>)
      %add3A_231 = arith.constant 1 : i32
      %add3A_232 = arith.addi %mul3A_199, %add3A_231 : i32
      %mul3A_233 = arith.constant 416 : i32
      %mul3A_234 = arith.muli %add3A_232, %mul3A_233 : i32
      %add3A_235 = arith.addi %mul3A_2, %mul3A_234 : i32
      %mul3A_236 = arith.constant 128 : i32
      %mul3A_237 = arith.muli %add3A_235, %mul3A_236 : i32
      %dma_wait3A_238 = tpu.memref_slice %arg2[%mul3A_237] : memref<40960000xf32, #tpu.memory_space<hbm>> -> memref<53248xf32, #tpu.memory_space<hbm>>
      %dma_wait3A_239 = tpu.memref_slice %arg2[%mul3A_237] : memref<40960000xf32, #tpu.memory_space<hbm>> -> memref<53248xf32, #tpu.memory_space<hbm>>
      tpu.wait_dma2 semaphore(%arg13 : memref<!tpu.dma_semaphore, #tpu.memory_space<semaphore_mem>>) src(%dma_wait3A_239 : memref<53248xf32, #tpu.memory_space<hbm>>) dst(%arg7 : memref<53248xf32, #tpu.memory_space<vmem>>)
      %add3A_240 = arith.constant 1 : i32
      %add3A_241 = arith.addi %mul3A_199, %add3A_240 : i32
      %scan3A_242 = arith.constant 0 : i32
      %scan3A_243 = arith.constant 0 : i32
      %scan3A_244 = arith.constant 26 : i32
      %scan3A_245 = arith.addi %scan3A_243, %scan3A_244 : i32
      %scan3A_246 = arith.constant 1 : i32
      scf.for %scan3A_248 = %scan3A_243 to %scan3A_245 step %scan3A_246  : i32 {
        %mul3A_249 = arith.constant 416 : i32
        %mul3A_250 = arith.muli %add3A_241, %mul3A_249 : i32
        %mul3A_251 = arith.constant 16 : i32
        %mul3A_252 = arith.muli %scan3A_248, %mul3A_251 : i32
        %add3A_253 = arith.addi %mul3A_250, %mul3A_252 : i32
        %get3A_254 = arith.index_cast %add3A_253 : i32 to index
        %get3A_255 = tpu.vector_load %arg8[%get3A_254] {strides = array<i32>} : memref<6240xi32, #tpu.memory_space<vmem>>, vector<16xi32>,
        %mul3A_256 = arith.constant 16 : i32
        %mul3A_257 = arith.muli %scan3A_248, %mul3A_256 : i32
        %add3A_258 = arith.constant 0 : i32
        %add3A_259 = arith.addi %mul3A_257, %add3A_258 : i32
        %mul3A_260 = arith.constant 128 : i32
        %mul3A_261 = arith.muli %add3A_259, %mul3A_260 : i32
        %get3A_262 = arith.index_cast %mul3A_261 : i32 to index
        %get3A_263 = tpu.vector_load %arg7[%get3A_262] {strides = array<i32>} : memref<53248xf32, #tpu.memory_space<vmem>>, vector<16xf32>,
        %mul3A_264 = arith.mulf %get3A_263, %get3A_8 : vector<16xf32>
        %add3A_265 = arith.constant 16 : i32
        %add3A_266 = arith.addi %mul3A_261, %add3A_265 : i32
        %get3A_267 = arith.index_cast %add3A_266 : i32 to index
        %get3A_268 = tpu.vector_load %arg7[%get3A_267] {strides = array<i32>} : memref<53248xf32, #tpu.memory_space<vmem>>, vector<16xf32>,
        %mul3A_269 = arith.mulf %get3A_268, %get3A_10 : vector<16xf32>
        %add3A_270 = arith.addf %mul3A_264, %mul3A_269 : vector<16xf32>
        %add3A_271 = arith.constant 32 : i32
        %add3A_272 = arith.addi %mul3A_261, %add3A_271 : i32
        %get3A_273 = arith.index_cast %add3A_272 : i32 to index
        %get3A_274 = tpu.vector_load %arg7[%get3A_273] {strides = array<i32>} : memref<53248xf32, #tpu.memory_space<vmem>>, vector<16xf32>,
        %mul3A_275 = arith.mulf %get3A_274, %get3A_12 : vector<16xf32>
        %add3A_276 = arith.addf %add3A_270, %mul3A_275 : vector<16xf32>
        %add3A_277 = arith.constant 48 : i32
        %add3A_278 = arith.addi %mul3A_261, %add3A_277 : i32
        %get3A_279 = arith.index_cast %add3A_278 : i32 to index
        %get3A_280 = tpu.vector_load %arg7[%get3A_279] {strides = array<i32>} : memref<53248xf32, #tpu.memory_space<vmem>>, vector<16xf32>,
        %mul3A_281 = arith.mulf %get3A_280, %get3A_14 : vector<16xf32>
        %add3A_282 = arith.addf %add3A_276, %mul3A_281 : vector<16xf32>
        %add3A_283 = arith.constant 64 : i32
        %add3A_284 = arith.addi %mul3A_261, %add3A_283 : i32
        %get3A_285 = arith.index_cast %add3A_284 : i32 to index
        %get3A_286 = tpu.vector_load %arg7[%get3A_285] {strides = array<i32>} : memref<53248xf32, #tpu.memory_space<vmem>>, vector<16xf32>,
        %mul3A_287 = arith.mulf %get3A_286, %get3A_16 : vector<16xf32>
        %add3A_288 = arith.addf %add3A_282, %mul3A_287 : vector<16xf32>
        %add3A_289 = arith.constant 80 : i32
        %add3A_290 = arith.addi %mul3A_261, %add3A_289 : i32
        %get3A_291 = arith.index_cast %add3A_290 : i32 to index
        %get3A_292 = tpu.vector_load %arg7[%get3A_291] {strides = array<i32>} : memref<53248xf32, #tpu.memory_space<vmem>>, vector<16xf32>,
        %mul3A_293 = arith.mulf %get3A_292, %get3A_18 : vector<16xf32>
        %add3A_294 = arith.addf %add3A_288, %mul3A_293 : vector<16xf32>
        %add3A_295 = arith.constant 96 : i32
        %add3A_296 = arith.addi %mul3A_261, %add3A_295 : i32
        %get3A_297 = arith.index_cast %add3A_296 : i32 to index
        %get3A_298 = tpu.vector_load %arg7[%get3A_297] {strides = array<i32>} : memref<53248xf32, #tpu.memory_space<vmem>>, vector<16xf32>,
        %mul3A_299 = arith.mulf %get3A_298, %get3A_20 : vector<16xf32>
        %add3A_300 = arith.addf %add3A_294, %mul3A_299 : vector<16xf32>
        %add3A_301 = arith.constant 112 : i32
        %add3A_302 = arith.addi %mul3A_261, %add3A_301 : i32
        %get3A_303 = arith.index_cast %add3A_302 : i32 to index
        %get3A_304 = tpu.vector_load %arg7[%get3A_303] {strides = array<i32>} : memref<53248xf32, #tpu.memory_space<vmem>>, vector<16xf32>,
        %mul3A_305 = arith.mulf %get3A_304, %get3A_22 : vector<16xf32>
        %add3A_306 = arith.addf %add3A_300, %mul3A_305 : vector<16xf32>
        %mul3A_307 = arith.constant 16 : i32
        %mul3A_308 = arith.muli %scan3A_248, %mul3A_307 : i32
        %add3A_309 = arith.constant 8 : i32
        %add3A_310 = arith.addi %mul3A_308, %add3A_309 : i32
        %mul3A_311 = arith.constant 128 : i32
        %mul3A_312 = arith.muli %add3A_310, %mul3A_311 : i32
        %get3A_313 = arith.index_cast %mul3A_312 : i32 to index
        %get3A_314 = tpu.vector_load %arg7[%get3A_313] {strides = array<i32>} : memref<53248xf32, #tpu.memory_space<vmem>>, vector<16xf32>,
        %mul3A_315 = arith.mulf %get3A_314, %get3A_8 : vector<16xf32>
        %add3A_316 = arith.constant 16 : i32
        %add3A_317 = arith.addi %mul3A_312, %add3A_316 : i32
        %get3A_318 = arith.index_cast %add3A_317 : i32 to index
        %get3A_319 = tpu.vector_load %arg7[%get3A_318] {strides = array<i32>} : memref<53248xf32, #tpu.memory_space<vmem>>, vector<16xf32>,
        %mul3A_320 = arith.mulf %get3A_319, %get3A_10 : vector<16xf32>
        %add3A_321 = arith.addf %mul3A_315, %mul3A_320 : vector<16xf32>
        %add3A_322 = arith.constant 32 : i32
        %add3A_323 = arith.addi %mul3A_312, %add3A_322 : i32
        %get3A_324 = arith.index_cast %add3A_323 : i32 to index
        %get3A_325 = tpu.vector_load %arg7[%get3A_324] {strides = array<i32>} : memref<53248xf32, #tpu.memory_space<vmem>>, vector<16xf32>,
        %mul3A_326 = arith.mulf %get3A_325, %get3A_12 : vector<16xf32>
        %add3A_327 = arith.addf %add3A_321, %mul3A_326 : vector<16xf32>
        %add3A_328 = arith.constant 48 : i32
        %add3A_329 = arith.addi %mul3A_312, %add3A_328 : i32
        %get3A_330 = arith.index_cast %add3A_329 : i32 to index
        %get3A_331 = tpu.vector_load %arg7[%get3A_330] {strides = array<i32>} : memref<53248xf32, #tpu.memory_space<vmem>>, vector<16xf32>,
        %mul3A_332 = arith.mulf %get3A_331, %get3A_14 : vector<16xf32>
        %add3A_333 = arith.addf %add3A_327, %mul3A_332 : vector<16xf32>
        %add3A_334 = arith.constant 64 : i32
        %add3A_335 = arith.addi %mul3A_312, %add3A_334 : i32
        %get3A_336 = arith.index_cast %add3A_335 : i32 to index
        %get3A_337 = tpu.vector_load %arg7[%get3A_336] {strides = array<i32>} : memref<53248xf32, #tpu.memory_space<vmem>>, vector<16xf32>,
        %mul3A_338 = arith.mulf %get3A_337, %get3A_16 : vector<16xf32>
        %add3A_339 = arith.addf %add3A_333, %mul3A_338 : vector<16xf32>
        %add3A_340 = arith.constant 80 : i32
        %add3A_341 = arith.addi %mul3A_312, %add3A_340 : i32
        %get3A_342 = arith.index_cast %add3A_341 : i32 to index
        %get3A_343 = tpu.vector_load %arg7[%get3A_342] {strides = array<i32>} : memref<53248xf32, #tpu.memory_space<vmem>>, vector<16xf32>,
        %mul3A_344 = arith.mulf %get3A_343, %get3A_18 : vector<16xf32>
        %add3A_345 = arith.addf %add3A_339, %mul3A_344 : vector<16xf32>
        %add3A_346 = arith.constant 96 : i32
        %add3A_347 = arith.addi %mul3A_312, %add3A_346 : i32
        %get3A_348 = arith.index_cast %add3A_347 : i32 to index
        %get3A_349 = tpu.vector_load %arg7[%get3A_348] {strides = array<i32>} : memref<53248xf32, #tpu.memory_space<vmem>>, vector<16xf32>,
        %mul3A_350 = arith.mulf %get3A_349, %get3A_20 : vector<16xf32>
        %add3A_351 = arith.addf %add3A_345, %mul3A_350 : vector<16xf32>
        %add3A_352 = arith.constant 112 : i32
        %add3A_353 = arith.addi %mul3A_312, %add3A_352 : i32
        %get3A_354 = arith.index_cast %add3A_353 : i32 to index
        %get3A_355 = tpu.vector_load %arg7[%get3A_354] {strides = array<i32>} : memref<53248xf32, #tpu.memory_space<vmem>>, vector<16xf32>,
        %mul3A_356 = arith.mulf %get3A_355, %get3A_22 : vector<16xf32>
        %add3A_357 = arith.addf %add3A_351, %mul3A_356 : vector<16xf32>
        %mul3A_358 = arith.constant 16 : i32
        %mul3A_359 = arith.muli %scan3A_248, %mul3A_358 : i32
        %add3A_360 = arith.constant 4 : i32
        %add3A_361 = arith.addi %mul3A_359, %add3A_360 : i32
        %mul3A_362 = arith.constant 128 : i32
        %mul3A_363 = arith.muli %add3A_361, %mul3A_362 : i32
        %get3A_364 = arith.index_cast %mul3A_363 : i32 to index
        %get3A_365 = tpu.vector_load %arg7[%get3A_364] {strides = array<i32>} : memref<53248xf32, #tpu.memory_space<vmem>>, vector<16xf32>,
        %mul3A_366 = arith.mulf %get3A_365, %get3A_8 : vector<16xf32>
        %add3A_367 = arith.constant 16 : i32
        %add3A_368 = arith.addi %mul3A_363, %add3A_367 : i32
        %get3A_369 = arith.index_cast %add3A_368 : i32 to index
        %get3A_370 = tpu.vector_load %arg7[%get3A_369] {strides = array<i32>} : memref<53248xf32, #tpu.memory_space<vmem>>, vector<16xf32>,
        %mul3A_371 = arith.mulf %get3A_370, %get3A_10 : vector<16xf32>
        %add3A_372 = arith.addf %mul3A_366, %mul3A_371 : vector<16xf32>
        %add3A_373 = arith.constant 32 : i32
        %add3A_374 = arith.addi %mul3A_363, %add3A_373 : i32
        %get3A_375 = arith.index_cast %add3A_374 : i32 to index
        %get3A_376 = tpu.vector_load %arg7[%get3A_375] {strides = array<i32>} : memref<53248xf32, #tpu.memory_space<vmem>>, vector<16xf32>,
        %mul3A_377 = arith.mulf %get3A_376, %get3A_12 : vector<16xf32>
        %add3A_378 = arith.addf %add3A_372, %mul3A_377 : vector<16xf32>
        %add3A_379 = arith.constant 48 : i32
        %add3A_380 = arith.addi %mul3A_363, %add3A_379 : i32
        %get3A_381 = arith.index_cast %add3A_380 : i32 to index
        %get3A_382 = tpu.vector_load %arg7[%get3A_381] {strides = array<i32>} : memref<53248xf32, #tpu.memory_space<vmem>>, vector<16xf32>,
        %mul3A_383 = arith.mulf %get3A_382, %get3A_14 : vector<16xf32>
        %add3A_384 = arith.addf %add3A_378, %mul3A_383 : vector<16xf32>
        %add3A_385 = arith.constant 64 : i32
        %add3A_386 = arith.addi %mul3A_363, %add3A_385 : i32
        %get3A_387 = arith.index_cast %add3A_386 : i32 to index
        %get3A_388 = tpu.vector_load %arg7[%get3A_387] {strides = array<i32>} : memref<53248xf32, #tpu.memory_space<vmem>>, vector<16xf32>,
        %mul3A_389 = arith.mulf %get3A_388, %get3A_16 : vector<16xf32>
        %add3A_390 = arith.addf %add3A_384, %mul3A_389 : vector<16xf32>
        %add3A_391 = arith.constant 80 : i32
        %add3A_392 = arith.addi %mul3A_363, %add3A_391 : i32
        %get3A_393 = arith.index_cast %add3A_392 : i32 to index
        %get3A_394 = tpu.vector_load %arg7[%get3A_393] {strides = array<i32>} : memref<53248xf32, #tpu.memory_space<vmem>>, vector<16xf32>,
        %mul3A_395 = arith.mulf %get3A_394, %get3A_18 : vector<16xf32>
        %add3A_396 = arith.addf %add3A_390, %mul3A_395 : vector<16xf32>
        %add3A_397 = arith.constant 96 : i32
        %add3A_398 = arith.addi %mul3A_363, %add3A_397 : i32
        %get3A_399 = arith.index_cast %add3A_398 : i32 to index
        %get3A_400 = tpu.vector_load %arg7[%get3A_399] {strides = array<i32>} : memref<53248xf32, #tpu.memory_space<vmem>>, vector<16xf32>,
        %mul3A_401 = arith.mulf %get3A_400, %get3A_20 : vector<16xf32>
        %add3A_402 = arith.addf %add3A_396, %mul3A_401 : vector<16xf32>
        %add3A_403 = arith.constant 112 : i32
        %add3A_404 = arith.addi %mul3A_363, %add3A_403 : i32
        %get3A_405 = arith.index_cast %add3A_404 : i32 to index
        %get3A_406 = tpu.vector_load %arg7[%get3A_405] {strides = array<i32>} : memref<53248xf32, #tpu.memory_space<vmem>>, vector<16xf32>,
        %mul3A_407 = arith.mulf %get3A_406, %get3A_22 : vector<16xf32>
        %add3A_408 = arith.addf %add3A_402, %mul3A_407 : vector<16xf32>
        %mul3A_409 = arith.constant 16 : i32
        %mul3A_410 = arith.muli %scan3A_248, %mul3A_409 : i32
        %add3A_411 = arith.constant 12 : i32
        %add3A_412 = arith.addi %mul3A_410, %add3A_411 : i32
        %mul3A_413 = arith.constant 128 : i32
        %mul3A_414 = arith.muli %add3A_412, %mul3A_413 : i32
        %get3A_415 = arith.index_cast %mul3A_414 : i32 to index
        %get3A_416 = tpu.vector_load %arg7[%get3A_415] {strides = array<i32>} : memref<53248xf32, #tpu.memory_space<vmem>>, vector<16xf32>,
        %mul3A_417 = arith.mulf %get3A_416, %get3A_8 : vector<16xf32>
        %add3A_418 = arith.constant 16 : i32
        %add3A_419 = arith.addi %mul3A_414, %add3A_418 : i32
        %get3A_420 = arith.index_cast %add3A_419 : i32 to index
        %get3A_421 = tpu.vector_load %arg7[%get3A_420] {strides = array<i32>} : memref<53248xf32, #tpu.memory_space<vmem>>, vector<16xf32>,
        %mul3A_422 = arith.mulf %get3A_421, %get3A_10 : vector<16xf32>
        %add3A_423 = arith.addf %mul3A_417, %mul3A_422 : vector<16xf32>
        %add3A_424 = arith.constant 32 : i32
        %add3A_425 = arith.addi %mul3A_414, %add3A_424 : i32
        %get3A_426 = arith.index_cast %add3A_425 : i32 to index
        %get3A_427 = tpu.vector_load %arg7[%get3A_426] {strides = array<i32>} : memref<53248xf32, #tpu.memory_space<vmem>>, vector<16xf32>,
        %mul3A_428 = arith.mulf %get3A_427, %get3A_12 : vector<16xf32>
        %add3A_429 = arith.addf %add3A_423, %mul3A_428 : vector<16xf32>
        %add3A_430 = arith.constant 48 : i32
        %add3A_431 = arith.addi %mul3A_414, %add3A_430 : i32
        %get3A_432 = arith.index_cast %add3A_431 : i32 to index
        %get3A_433 = tpu.vector_load %arg7[%get3A_432] {strides = array<i32>} : memref<53248xf32, #tpu.memory_space<vmem>>, vector<16xf32>,
        %mul3A_434 = arith.mulf %get3A_433, %get3A_14 : vector<16xf32>
        %add3A_435 = arith.addf %add3A_429, %mul3A_434 : vector<16xf32>
        %add3A_436 = arith.constant 64 : i32
        %add3A_437 = arith.addi %mul3A_414, %add3A_436 : i32
        %get3A_438 = arith.index_cast %add3A_437 : i32 to index
        %get3A_439 = tpu.vector_load %arg7[%get3A_438] {strides = array<i32>} : memref<53248xf32, #tpu.memory_space<vmem>>, vector<16xf32>,
        %mul3A_440 = arith.mulf %get3A_439, %get3A_16 : vector<16xf32>
        %add3A_441 = arith.addf %add3A_435, %mul3A_440 : vector<16xf32>
        %add3A_442 = arith.constant 80 : i32
        %add3A_443 = arith.addi %mul3A_414, %add3A_442 : i32
        %get3A_444 = arith.index_cast %add3A_443 : i32 to index
        %get3A_445 = tpu.vector_load %arg7[%get3A_444] {strides = array<i32>} : memref<53248xf32, #tpu.memory_space<vmem>>, vector<16xf32>,
        %mul3A_446 = arith.mulf %get3A_445, %get3A_18 : vector<16xf32>
        %add3A_447 = arith.addf %add3A_441, %mul3A_446 : vector<16xf32>
        %add3A_448 = arith.constant 96 : i32
        %add3A_449 = arith.addi %mul3A_414, %add3A_448 : i32
        %get3A_450 = arith.index_cast %add3A_449 : i32 to index
        %get3A_451 = tpu.vector_load %arg7[%get3A_450] {strides = array<i32>} : memref<53248xf32, #tpu.memory_space<vmem>>, vector<16xf32>,
        %mul3A_452 = arith.mulf %get3A_451, %get3A_20 : vector<16xf32>
        %add3A_453 = arith.addf %add3A_447, %mul3A_452 : vector<16xf32>
        %add3A_454 = arith.constant 112 : i32
        %add3A_455 = arith.addi %mul3A_414, %add3A_454 : i32
        %get3A_456 = arith.index_cast %add3A_455 : i32 to index
        %get3A_457 = tpu.vector_load %arg7[%get3A_456] {strides = array<i32>} : memref<53248xf32, #tpu.memory_space<vmem>>, vector<16xf32>,
        %mul3A_458 = arith.mulf %get3A_457, %get3A_22 : vector<16xf32>
        %add3A_459 = arith.addf %add3A_453, %mul3A_458 : vector<16xf32>
        %mul3A_460 = arith.constant 16 : i32
        %mul3A_461 = arith.muli %scan3A_248, %mul3A_460 : i32
        %add3A_462 = arith.constant 2 : i32
        %add3A_463 = arith.addi %mul3A_461, %add3A_462 : i32
        %mul3A_464 = arith.constant 128 : i32
        %mul3A_465 = arith.muli %add3A_463, %mul3A_464 : i32
        %get3A_466 = arith.index_cast %mul3A_465 : i32 to index
        %get3A_467 = tpu.vector_load %arg7[%get3A_466] {strides = array<i32>} : memref<53248xf32, #tpu.memory_space<vmem>>, vector<16xf32>,
        %mul3A_468 = arith.mulf %get3A_467, %get3A_8 : vector<16xf32>
        %add3A_469 = arith.constant 16 : i32
        %add3A_470 = arith.addi %mul3A_465, %add3A_469 : i32
        %get3A_471 = arith.index_cast %add3A_470 : i32 to index
        %get3A_472 = tpu.vector_load %arg7[%get3A_471] {strides = array<i32>} : memref<53248xf32, #tpu.memory_space<vmem>>, vector<16xf32>,
        %mul3A_473 = arith.mulf %get3A_472, %get3A_10 : vector<16xf32>
        %add3A_474 = arith.addf %mul3A_468, %mul3A_473 : vector<16xf32>
        %add3A_475 = arith.constant 32 : i32
        %add3A_476 = arith.addi %mul3A_465, %add3A_475 : i32
        %get3A_477 = arith.index_cast %add3A_476 : i32 to index
        %get3A_478 = tpu.vector_load %arg7[%get3A_477] {strides = array<i32>} : memref<53248xf32, #tpu.memory_space<vmem>>, vector<16xf32>,
        %mul3A_479 = arith.mulf %get3A_478, %get3A_12 : vector<16xf32>
        %add3A_480 = arith.addf %add3A_474, %mul3A_479 : vector<16xf32>
        %add3A_481 = arith.constant 48 : i32
        %add3A_482 = arith.addi %mul3A_465, %add3A_481 : i32
        %get3A_483 = arith.index_cast %add3A_482 : i32 to index
        %get3A_484 = tpu.vector_load %arg7[%get3A_483] {strides = array<i32>} : memref<53248xf32, #tpu.memory_space<vmem>>, vector<16xf32>,
        %mul3A_485 = arith.mulf %get3A_484, %get3A_14 : vector<16xf32>
        %add3A_486 = arith.addf %add3A_480, %mul3A_485 : vector<16xf32>
        %add3A_487 = arith.constant 64 : i32
        %add3A_488 = arith.addi %mul3A_465, %add3A_487 : i32
        %get3A_489 = arith.index_cast %add3A_488 : i32 to index
        %get3A_490 = tpu.vector_load %arg7[%get3A_489] {strides = array<i32>} : memref<53248xf32, #tpu.memory_space<vmem>>, vector<16xf32>,
        %mul3A_491 = arith.mulf %get3A_490, %get3A_16 : vector<16xf32>
        %add3A_492 = arith.addf %add3A_486, %mul3A_491 : vector<16xf32>
        %add3A_493 = arith.constant 80 : i32
        %add3A_494 = arith.addi %mul3A_465, %add3A_493 : i32
        %get3A_495 = arith.index_cast %add3A_494 : i32 to index
        %get3A_496 = tpu.vector_load %arg7[%get3A_495] {strides = array<i32>} : memref<53248xf32, #tpu.memory_space<vmem>>, vector<16xf32>,
        %mul3A_497 = arith.mulf %get3A_496, %get3A_18 : vector<16xf32>
        %add3A_498 = arith.addf %add3A_492, %mul3A_497 : vector<16xf32>
        %add3A_499 = arith.constant 96 : i32
        %add3A_500 = arith.addi %mul3A_465, %add3A_499 : i32
        %get3A_501 = arith.index_cast %add3A_500 : i32 to index
        %get3A_502 = tpu.vector_load %arg7[%get3A_501] {strides = array<i32>} : memref<53248xf32, #tpu.memory_space<vmem>>, vector<16xf32>,
        %mul3A_503 = arith.mulf %get3A_502, %get3A_20 : vector<16xf32>
        %add3A_504 = arith.addf %add3A_498, %mul3A_503 : vector<16xf32>
        %add3A_505 = arith.constant 112 : i32
        %add3A_506 = arith.addi %mul3A_465, %add3A_505 : i32
        %get3A_507 = arith.index_cast %add3A_506 : i32 to index
        %get3A_508 = tpu.vector_load %arg7[%get3A_507] {strides = array<i32>} : memref<53248xf32, #tpu.memory_space<vmem>>, vector<16xf32>,
        %mul3A_509 = arith.mulf %get3A_508, %get3A_22 : vector<16xf32>
        %add3A_510 = arith.addf %add3A_504, %mul3A_509 : vector<16xf32>
        %mul3A_511 = arith.constant 16 : i32
        %mul3A_512 = arith.muli %scan3A_248, %mul3A_511 : i32
        %add3A_513 = arith.constant 10 : i32
        %add3A_514 = arith.addi %mul3A_512, %add3A_513 : i32
        %mul3A_515 = arith.constant 128 : i32
        %mul3A_516 = arith.muli %add3A_514, %mul3A_515 : i32
        %get3A_517 = arith.index_cast %mul3A_516 : i32 to index
        %get3A_518 = tpu.vector_load %arg7[%get3A_517] {strides = array<i32>} : memref<53248xf32, #tpu.memory_space<vmem>>, vector<16xf32>,
        %mul3A_519 = arith.mulf %get3A_518, %get3A_8 : vector<16xf32>
        %add3A_520 = arith.constant 16 : i32
        %add3A_521 = arith.addi %mul3A_516, %add3A_520 : i32
        %get3A_522 = arith.index_cast %add3A_521 : i32 to index
        %get3A_523 = tpu.vector_load %arg7[%get3A_522] {strides = array<i32>} : memref<53248xf32, #tpu.memory_space<vmem>>, vector<16xf32>,
        %mul3A_524 = arith.mulf %get3A_523, %get3A_10 : vector<16xf32>
        %add3A_525 = arith.addf %mul3A_519, %mul3A_524 : vector<16xf32>
        %add3A_526 = arith.constant 32 : i32
        %add3A_527 = arith.addi %mul3A_516, %add3A_526 : i32
        %get3A_528 = arith.index_cast %add3A_527 : i32 to index
        %get3A_529 = tpu.vector_load %arg7[%get3A_528] {strides = array<i32>} : memref<53248xf32, #tpu.memory_space<vmem>>, vector<16xf32>,
        %mul3A_530 = arith.mulf %get3A_529, %get3A_12 : vector<16xf32>
        %add3A_531 = arith.addf %add3A_525, %mul3A_530 : vector<16xf32>
        %add3A_532 = arith.constant 48 : i32
        %add3A_533 = arith.addi %mul3A_516, %add3A_532 : i32
        %get3A_534 = arith.index_cast %add3A_533 : i32 to index
        %get3A_535 = tpu.vector_load %arg7[%get3A_534] {strides = array<i32>} : memref<53248xf32, #tpu.memory_space<vmem>>, vector<16xf32>,
        %mul3A_536 = arith.mulf %get3A_535, %get3A_14 : vector<16xf32>
        %add3A_537 = arith.addf %add3A_531, %mul3A_536 : vector<16xf32>
        %add3A_538 = arith.constant 64 : i32
        %add3A_539 = arith.addi %mul3A_516, %add3A_538 : i32
        %get3A_540 = arith.index_cast %add3A_539 : i32 to index
        %get3A_541 = tpu.vector_load %arg7[%get3A_540] {strides = array<i32>} : memref<53248xf32, #tpu.memory_space<vmem>>, vector<16xf32>,
        %mul3A_542 = arith.mulf %get3A_541, %get3A_16 : vector<16xf32>
        %add3A_543 = arith.addf %add3A_537, %mul3A_542 : vector<16xf32>
        %add3A_544 = arith.constant 80 : i32
        %add3A_545 = arith.addi %mul3A_516, %add3A_544 : i32
        %get3A_546 = arith.index_cast %add3A_545 : i32 to index
        %get3A_547 = tpu.vector_load %arg7[%get3A_546] {strides = array<i32>} : memref<53248xf32, #tpu.memory_space<vmem>>, vector<16xf32>,
        %mul3A_548 = arith.mulf %get3A_547, %get3A_18 : vector<16xf32>
        %add3A_549 = arith.addf %add3A_543, %mul3A_548 : vector<16xf32>
        %add3A_550 = arith.constant 96 : i32
        %add3A_551 = arith.addi %mul3A_516, %add3A_550 : i32
        %get3A_552 = arith.index_cast %add3A_551 : i32 to index
        %get3A_553 = tpu.vector_load %arg7[%get3A_552] {strides = array<i32>} : memref<53248xf32, #tpu.memory_space<vmem>>, vector<16xf32>,
        %mul3A_554 = arith.mulf %get3A_553, %get3A_20 : vector<16xf32>
        %add3A_555 = arith.addf %add3A_549, %mul3A_554 : vector<16xf32>
        %add3A_556 = arith.constant 112 : i32
        %add3A_557 = arith.addi %mul3A_516, %add3A_556 : i32
        %get3A_558 = arith.index_cast %add3A_557 : i32 to index
        %get3A_559 = tpu.vector_load %arg7[%get3A_558] {strides = array<i32>} : memref<53248xf32, #tpu.memory_space<vmem>>, vector<16xf32>,
        %mul3A_560 = arith.mulf %get3A_559, %get3A_22 : vector<16xf32>
        %add3A_561 = arith.addf %add3A_555, %mul3A_560 : vector<16xf32>
        %mul3A_562 = arith.constant 16 : i32
        %mul3A_563 = arith.muli %scan3A_248, %mul3A_562 : i32
        %add3A_564 = arith.constant 6 : i32
        %add3A_565 = arith.addi %mul3A_563, %add3A_564 : i32
        %mul3A_566 = arith.constant 128 : i32
        %mul3A_567 = arith.muli %add3A_565, %mul3A_566 : i32
        %get3A_568 = arith.index_cast %mul3A_567 : i32 to index
        %get3A_569 = tpu.vector_load %arg7[%get3A_568] {strides = array<i32>} : memref<53248xf32, #tpu.memory_space<vmem>>, vector<16xf32>,
        %mul3A_570 = arith.mulf %get3A_569, %get3A_8 : vector<16xf32>
        %add3A_571 = arith.constant 16 : i32
        %add3A_572 = arith.addi %mul3A_567, %add3A_571 : i32
        %get3A_573 = arith.index_cast %add3A_572 : i32 to index
        %get3A_574 = tpu.vector_load %arg7[%get3A_573] {strides = array<i32>} : memref<53248xf32, #tpu.memory_space<vmem>>, vector<16xf32>,
        %mul3A_575 = arith.mulf %get3A_574, %get3A_10 : vector<16xf32>
        %add3A_576 = arith.addf %mul3A_570, %mul3A_575 : vector<16xf32>
        %add3A_577 = arith.constant 32 : i32
        %add3A_578 = arith.addi %mul3A_567, %add3A_577 : i32
        %get3A_579 = arith.index_cast %add3A_578 : i32 to index
        %get3A_580 = tpu.vector_load %arg7[%get3A_579] {strides = array<i32>} : memref<53248xf32, #tpu.memory_space<vmem>>, vector<16xf32>,
        %mul3A_581 = arith.mulf %get3A_580, %get3A_12 : vector<16xf32>
        %add3A_582 = arith.addf %add3A_576, %mul3A_581 : vector<16xf32>
        %add3A_583 = arith.constant 48 : i32
        %add3A_584 = arith.addi %mul3A_567, %add3A_583 : i32
        %get3A_585 = arith.index_cast %add3A_584 : i32 to index
        %get3A_586 = tpu.vector_load %arg7[%get3A_585] {strides = array<i32>} : memref<53248xf32, #tpu.memory_space<vmem>>, vector<16xf32>,
        %mul3A_587 = arith.mulf %get3A_586, %get3A_14 : vector<16xf32>
        %add3A_588 = arith.addf %add3A_582, %mul3A_587 : vector<16xf32>
        %add3A_589 = arith.constant 64 : i32
        %add3A_590 = arith.addi %mul3A_567, %add3A_589 : i32
        %get3A_591 = arith.index_cast %add3A_590 : i32 to index
        %get3A_592 = tpu.vector_load %arg7[%get3A_591] {strides = array<i32>} : memref<53248xf32, #tpu.memory_space<vmem>>, vector<16xf32>,
        %mul3A_593 = arith.mulf %get3A_592, %get3A_16 : vector<16xf32>
        %add3A_594 = arith.addf %add3A_588, %mul3A_593 : vector<16xf32>
        %add3A_595 = arith.constant 80 : i32
        %add3A_596 = arith.addi %mul3A_567, %add3A_595 : i32
        %get3A_597 = arith.index_cast %add3A_596 : i32 to index
        %get3A_598 = tpu.vector_load %arg7[%get3A_597] {strides = array<i32>} : memref<53248xf32, #tpu.memory_space<vmem>>, vector<16xf32>,
        %mul3A_599 = arith.mulf %get3A_598, %get3A_18 : vector<16xf32>
        %add3A_600 = arith.addf %add3A_594, %mul3A_599 : vector<16xf32>
        %add3A_601 = arith.constant 96 : i32
        %add3A_602 = arith.addi %mul3A_567, %add3A_601 : i32
        %get3A_603 = arith.index_cast %add3A_602 : i32 to index
        %get3A_604 = tpu.vector_load %arg7[%get3A_603] {strides = array<i32>} : memref<53248xf32, #tpu.memory_space<vmem>>, vector<16xf32>,
        %mul3A_605 = arith.mulf %get3A_604, %get3A_20 : vector<16xf32>
        %add3A_606 = arith.addf %add3A_600, %mul3A_605 : vector<16xf32>
        %add3A_607 = arith.constant 112 : i32
        %add3A_608 = arith.addi %mul3A_567, %add3A_607 : i32
        %get3A_609 = arith.index_cast %add3A_608 : i32 to index
        %get3A_610 = tpu.vector_load %arg7[%get3A_609] {strides = array<i32>} : memref<53248xf32, #tpu.memory_space<vmem>>, vector<16xf32>,
        %mul3A_611 = arith.mulf %get3A_610, %get3A_22 : vector<16xf32>
        %add3A_612 = arith.addf %add3A_606, %mul3A_611 : vector<16xf32>
        %mul3A_613 = arith.constant 16 : i32
        %mul3A_614 = arith.muli %scan3A_248, %mul3A_613 : i32
        %add3A_615 = arith.constant 14 : i32
        %add3A_616 = arith.addi %mul3A_614, %add3A_615 : i32
        %mul3A_617 = arith.constant 128 : i32
        %mul3A_618 = arith.muli %add3A_616, %mul3A_617 : i32
        %get3A_619 = arith.index_cast %mul3A_618 : i32 to index
        %get3A_620 = tpu.vector_load %arg7[%get3A_619] {strides = array<i32>} : memref<53248xf32, #tpu.memory_space<vmem>>, vector<16xf32>,
        %mul3A_621 = arith.mulf %get3A_620, %get3A_8 : vector<16xf32>
        %add3A_622 = arith.constant 16 : i32
        %add3A_623 = arith.addi %mul3A_618, %add3A_622 : i32
        %get3A_624 = arith.index_cast %add3A_623 : i32 to index
        %get3A_625 = tpu.vector_load %arg7[%get3A_624] {strides = array<i32>} : memref<53248xf32, #tpu.memory_space<vmem>>, vector<16xf32>,
        %mul3A_626 = arith.mulf %get3A_625, %get3A_10 : vector<16xf32>
        %add3A_627 = arith.addf %mul3A_621, %mul3A_626 : vector<16xf32>
        %add3A_628 = arith.constant 32 : i32
        %add3A_629 = arith.addi %mul3A_618, %add3A_628 : i32
        %get3A_630 = arith.index_cast %add3A_629 : i32 to index
        %get3A_631 = tpu.vector_load %arg7[%get3A_630] {strides = array<i32>} : memref<53248xf32, #tpu.memory_space<vmem>>, vector<16xf32>,
        %mul3A_632 = arith.mulf %get3A_631, %get3A_12 : vector<16xf32>
        %add3A_633 = arith.addf %add3A_627, %mul3A_632 : vector<16xf32>
        %add3A_634 = arith.constant 48 : i32
        %add3A_635 = arith.addi %mul3A_618, %add3A_634 : i32
        %get3A_636 = arith.index_cast %add3A_635 : i32 to index
        %get3A_637 = tpu.vector_load %arg7[%get3A_636] {strides = array<i32>} : memref<53248xf32, #tpu.memory_space<vmem>>, vector<16xf32>,
        %mul3A_638 = arith.mulf %get3A_637, %get3A_14 : vector<16xf32>
        %add3A_639 = arith.addf %add3A_633, %mul3A_638 : vector<16xf32>
        %add3A_640 = arith.constant 64 : i32
        %add3A_641 = arith.addi %mul3A_618, %add3A_640 : i32
        %get3A_642 = arith.index_cast %add3A_641 : i32 to index
        %get3A_643 = tpu.vector_load %arg7[%get3A_642] {strides = array<i32>} : memref<53248xf32, #tpu.memory_space<vmem>>, vector<16xf32>,
        %mul3A_644 = arith.mulf %get3A_643, %get3A_16 : vector<16xf32>
        %add3A_645 = arith.addf %add3A_639, %mul3A_644 : vector<16xf32>
        %add3A_646 = arith.constant 80 : i32
        %add3A_647 = arith.addi %mul3A_618, %add3A_646 : i32
        %get3A_648 = arith.index_cast %add3A_647 : i32 to index
        %get3A_649 = tpu.vector_load %arg7[%get3A_648] {strides = array<i32>} : memref<53248xf32, #tpu.memory_space<vmem>>, vector<16xf32>,
        %mul3A_650 = arith.mulf %get3A_649, %get3A_18 : vector<16xf32>
        %add3A_651 = arith.addf %add3A_645, %mul3A_650 : vector<16xf32>
        %add3A_652 = arith.constant 96 : i32
        %add3A_653 = arith.addi %mul3A_618, %add3A_652 : i32
        %get3A_654 = arith.index_cast %add3A_653 : i32 to index
        %get3A_655 = tpu.vector_load %arg7[%get3A_654] {strides = array<i32>} : memref<53248xf32, #tpu.memory_space<vmem>>, vector<16xf32>,
        %mul3A_656 = arith.mulf %get3A_655, %get3A_20 : vector<16xf32>
        %add3A_657 = arith.addf %add3A_651, %mul3A_656 : vector<16xf32>
        %add3A_658 = arith.constant 112 : i32
        %add3A_659 = arith.addi %mul3A_618, %add3A_658 : i32
        %get3A_660 = arith.index_cast %add3A_659 : i32 to index
        %get3A_661 = tpu.vector_load %arg7[%get3A_660] {strides = array<i32>} : memref<53248xf32, #tpu.memory_space<vmem>>, vector<16xf32>,
        %mul3A_662 = arith.mulf %get3A_661, %get3A_22 : vector<16xf32>
        %add3A_663 = arith.addf %add3A_657, %mul3A_662 : vector<16xf32>
        %mul3A_664 = arith.constant 16 : i32
        %mul3A_665 = arith.muli %scan3A_248, %mul3A_664 : i32
        %add3A_666 = arith.constant 1 : i32
        %add3A_667 = arith.addi %mul3A_665, %add3A_666 : i32
        %mul3A_668 = arith.constant 128 : i32
        %mul3A_669 = arith.muli %add3A_667, %mul3A_668 : i32
        %get3A_670 = arith.index_cast %mul3A_669 : i32 to index
        %get3A_671 = tpu.vector_load %arg7[%get3A_670] {strides = array<i32>} : memref<53248xf32, #tpu.memory_space<vmem>>, vector<16xf32>,
        %mul3A_672 = arith.mulf %get3A_671, %get3A_8 : vector<16xf32>
        %add3A_673 = arith.constant 16 : i32
        %add3A_674 = arith.addi %mul3A_669, %add3A_673 : i32
        %get3A_675 = arith.index_cast %add3A_674 : i32 to index
        %get3A_676 = tpu.vector_load %arg7[%get3A_675] {strides = array<i32>} : memref<53248xf32, #tpu.memory_space<vmem>>, vector<16xf32>,
        %mul3A_677 = arith.mulf %get3A_676, %get3A_10 : vector<16xf32>
        %add3A_678 = arith.addf %mul3A_672, %mul3A_677 : vector<16xf32>
        %add3A_679 = arith.constant 32 : i32
        %add3A_680 = arith.addi %mul3A_669, %add3A_679 : i32
        %get3A_681 = arith.index_cast %add3A_680 : i32 to index
        %get3A_682 = tpu.vector_load %arg7[%get3A_681] {strides = array<i32>} : memref<53248xf32, #tpu.memory_space<vmem>>, vector<16xf32>,
        %mul3A_683 = arith.mulf %get3A_682, %get3A_12 : vector<16xf32>
        %add3A_684 = arith.addf %add3A_678, %mul3A_683 : vector<16xf32>
        %add3A_685 = arith.constant 48 : i32
        %add3A_686 = arith.addi %mul3A_669, %add3A_685 : i32
        %get3A_687 = arith.index_cast %add3A_686 : i32 to index
        %get3A_688 = tpu.vector_load %arg7[%get3A_687] {strides = array<i32>} : memref<53248xf32, #tpu.memory_space<vmem>>, vector<16xf32>,
        %mul3A_689 = arith.mulf %get3A_688, %get3A_14 : vector<16xf32>
        %add3A_690 = arith.addf %add3A_684, %mul3A_689 : vector<16xf32>
        %add3A_691 = arith.constant 64 : i32
        %add3A_692 = arith.addi %mul3A_669, %add3A_691 : i32
        %get3A_693 = arith.index_cast %add3A_692 : i32 to index
        %get3A_694 = tpu.vector_load %arg7[%get3A_693] {strides = array<i32>} : memref<53248xf32, #tpu.memory_space<vmem>>, vector<16xf32>,
        %mul3A_695 = arith.mulf %get3A_694, %get3A_16 : vector<16xf32>
        %add3A_696 = arith.addf %add3A_690, %mul3A_695 : vector<16xf32>
        %add3A_697 = arith.constant 80 : i32
        %add3A_698 = arith.addi %mul3A_669, %add3A_697 : i32
        %get3A_699 = arith.index_cast %add3A_698 : i32 to index
        %get3A_700 = tpu.vector_load %arg7[%get3A_699] {strides = array<i32>} : memref<53248xf32, #tpu.memory_space<vmem>>, vector<16xf32>,
        %mul3A_701 = arith.mulf %get3A_700, %get3A_18 : vector<16xf32>
        %add3A_702 = arith.addf %add3A_696, %mul3A_701 : vector<16xf32>
        %add3A_703 = arith.constant 96 : i32
        %add3A_704 = arith.addi %mul3A_669, %add3A_703 : i32
        %get3A_705 = arith.index_cast %add3A_704 : i32 to index
        %get3A_706 = tpu.vector_load %arg7[%get3A_705] {strides = array<i32>} : memref<53248xf32, #tpu.memory_space<vmem>>, vector<16xf32>,
        %mul3A_707 = arith.mulf %get3A_706, %get3A_20 : vector<16xf32>
        %add3A_708 = arith.addf %add3A_702, %mul3A_707 : vector<16xf32>
        %add3A_709 = arith.constant 112 : i32
        %add3A_710 = arith.addi %mul3A_669, %add3A_709 : i32
        %get3A_711 = arith.index_cast %add3A_710 : i32 to index
        %get3A_712 = tpu.vector_load %arg7[%get3A_711] {strides = array<i32>} : memref<53248xf32, #tpu.memory_space<vmem>>, vector<16xf32>,
        %mul3A_713 = arith.mulf %get3A_712, %get3A_22 : vector<16xf32>
        %add3A_714 = arith.addf %add3A_708, %mul3A_713 : vector<16xf32>
        %mul3A_715 = arith.constant 16 : i32
        %mul3A_716 = arith.muli %scan3A_248, %mul3A_715 : i32
        %add3A_717 = arith.constant 9 : i32
        %add3A_718 = arith.addi %mul3A_716, %add3A_717 : i32
        %mul3A_719 = arith.constant 128 : i32
        %mul3A_720 = arith.muli %add3A_718, %mul3A_719 : i32
        %get3A_721 = arith.index_cast %mul3A_720 : i32 to index
        %get3A_722 = tpu.vector_load %arg7[%get3A_721] {strides = array<i32>} : memref<53248xf32, #tpu.memory_space<vmem>>, vector<16xf32>,
        %mul3A_723 = arith.mulf %get3A_722, %get3A_8 : vector<16xf32>
        %add3A_724 = arith.constant 16 : i32
        %add3A_725 = arith.addi %mul3A_720, %add3A_724 : i32
        %get3A_726 = arith.index_cast %add3A_725 : i32 to index
        %get3A_727 = tpu.vector_load %arg7[%get3A_726] {strides = array<i32>} : memref<53248xf32, #tpu.memory_space<vmem>>, vector<16xf32>,
        %mul3A_728 = arith.mulf %get3A_727, %get3A_10 : vector<16xf32>
        %add3A_729 = arith.addf %mul3A_723, %mul3A_728 : vector<16xf32>
        %add3A_730 = arith.constant 32 : i32
        %add3A_731 = arith.addi %mul3A_720, %add3A_730 : i32
        %get3A_732 = arith.index_cast %add3A_731 : i32 to index
        %get3A_733 = tpu.vector_load %arg7[%get3A_732] {strides = array<i32>} : memref<53248xf32, #tpu.memory_space<vmem>>, vector<16xf32>,
        %mul3A_734 = arith.mulf %get3A_733, %get3A_12 : vector<16xf32>
        %add3A_735 = arith.addf %add3A_729, %mul3A_734 : vector<16xf32>
        %add3A_736 = arith.constant 48 : i32
        %add3A_737 = arith.addi %mul3A_720, %add3A_736 : i32
        %get3A_738 = arith.index_cast %add3A_737 : i32 to index
        %get3A_739 = tpu.vector_load %arg7[%get3A_738] {strides = array<i32>} : memref<53248xf32, #tpu.memory_space<vmem>>, vector<16xf32>,
        %mul3A_740 = arith.mulf %get3A_739, %get3A_14 : vector<16xf32>
        %add3A_741 = arith.addf %add3A_735, %mul3A_740 : vector<16xf32>
        %add3A_742 = arith.constant 64 : i32
        %add3A_743 = arith.addi %mul3A_720, %add3A_742 : i32
        %get3A_744 = arith.index_cast %add3A_743 : i32 to index
        %get3A_745 = tpu.vector_load %arg7[%get3A_744] {strides = array<i32>} : memref<53248xf32, #tpu.memory_space<vmem>>, vector<16xf32>,
        %mul3A_746 = arith.mulf %get3A_745, %get3A_16 : vector<16xf32>
        %add3A_747 = arith.addf %add3A_741, %mul3A_746 : vector<16xf32>
        %add3A_748 = arith.constant 80 : i32
        %add3A_749 = arith.addi %mul3A_720, %add3A_748 : i32
        %get3A_750 = arith.index_cast %add3A_749 : i32 to index
        %get3A_751 = tpu.vector_load %arg7[%get3A_750] {strides = array<i32>} : memref<53248xf32, #tpu.memory_space<vmem>>, vector<16xf32>,
        %mul3A_752 = arith.mulf %get3A_751, %get3A_18 : vector<16xf32>
        %add3A_753 = arith.addf %add3A_747, %mul3A_752 : vector<16xf32>
        %add3A_754 = arith.constant 96 : i32
        %add3A_755 = arith.addi %mul3A_720, %add3A_754 : i32
        %get3A_756 = arith.index_cast %add3A_755 : i32 to index
        %get3A_757 = tpu.vector_load %arg7[%get3A_756] {strides = array<i32>} : memref<53248xf32, #tpu.memory_space<vmem>>, vector<16xf32>,
        %mul3A_758 = arith.mulf %get3A_757, %get3A_20 : vector<16xf32>
        %add3A_759 = arith.addf %add3A_753, %mul3A_758 : vector<16xf32>
        %add3A_760 = arith.constant 112 : i32
        %add3A_761 = arith.addi %mul3A_720, %add3A_760 : i32
        %get3A_762 = arith.index_cast %add3A_761 : i32 to index
        %get3A_763 = tpu.vector_load %arg7[%get3A_762] {strides = array<i32>} : memref<53248xf32, #tpu.memory_space<vmem>>, vector<16xf32>,
        %mul3A_764 = arith.mulf %get3A_763, %get3A_22 : vector<16xf32>
        %add3A_765 = arith.addf %add3A_759, %mul3A_764 : vector<16xf32>
        %mul3A_766 = arith.constant 16 : i32
        %mul3A_767 = arith.muli %scan3A_248, %mul3A_766 : i32
        %add3A_768 = arith.constant 5 : i32
        %add3A_769 = arith.addi %mul3A_767, %add3A_768 : i32
        %mul3A_770 = arith.constant 128 : i32
        %mul3A_771 = arith.muli %add3A_769, %mul3A_770 : i32
        %get3A_772 = arith.index_cast %mul3A_771 : i32 to index
        %get3A_773 = tpu.vector_load %arg7[%get3A_772] {strides = array<i32>} : memref<53248xf32, #tpu.memory_space<vmem>>, vector<16xf32>,
        %mul3A_774 = arith.mulf %get3A_773, %get3A_8 : vector<16xf32>
        %add3A_775 = arith.constant 16 : i32
        %add3A_776 = arith.addi %mul3A_771, %add3A_775 : i32
        %get3A_777 = arith.index_cast %add3A_776 : i32 to index
        %get3A_778 = tpu.vector_load %arg7[%get3A_777] {strides = array<i32>} : memref<53248xf32, #tpu.memory_space<vmem>>, vector<16xf32>,
        %mul3A_779 = arith.mulf %get3A_778, %get3A_10 : vector<16xf32>
        %add3A_780 = arith.addf %mul3A_774, %mul3A_779 : vector<16xf32>
        %add3A_781 = arith.constant 32 : i32
        %add3A_782 = arith.addi %mul3A_771, %add3A_781 : i32
        %get3A_783 = arith.index_cast %add3A_782 : i32 to index
        %get3A_784 = tpu.vector_load %arg7[%get3A_783] {strides = array<i32>} : memref<53248xf32, #tpu.memory_space<vmem>>, vector<16xf32>,
        %mul3A_785 = arith.mulf %get3A_784, %get3A_12 : vector<16xf32>
        %add3A_786 = arith.addf %add3A_780, %mul3A_785 : vector<16xf32>
        %add3A_787 = arith.constant 48 : i32
        %add3A_788 = arith.addi %mul3A_771, %add3A_787 : i32
        %get3A_789 = arith.index_cast %add3A_788 : i32 to index
        %get3A_790 = tpu.vector_load %arg7[%get3A_789] {strides = array<i32>} : memref<53248xf32, #tpu.memory_space<vmem>>, vector<16xf32>,
        %mul3A_791 = arith.mulf %get3A_790, %get3A_14 : vector<16xf32>
        %add3A_792 = arith.addf %add3A_786, %mul3A_791 : vector<16xf32>
        %add3A_793 = arith.constant 64 : i32
        %add3A_794 = arith.addi %mul3A_771, %add3A_793 : i32
        %get3A_795 = arith.index_cast %add3A_794 : i32 to index
        %get3A_796 = tpu.vector_load %arg7[%get3A_795] {strides = array<i32>} : memref<53248xf32, #tpu.memory_space<vmem>>, vector<16xf32>,
        %mul3A_797 = arith.mulf %get3A_796, %get3A_16 : vector<16xf32>
        %add3A_798 = arith.addf %add3A_792, %mul3A_797 : vector<16xf32>
        %add3A_799 = arith.constant 80 : i32
        %add3A_800 = arith.addi %mul3A_771, %add3A_799 : i32
        %get3A_801 = arith.index_cast %add3A_800 : i32 to index
        %get3A_802 = tpu.vector_load %arg7[%get3A_801] {strides = array<i32>} : memref<53248xf32, #tpu.memory_space<vmem>>, vector<16xf32>,
        %mul3A_803 = arith.mulf %get3A_802, %get3A_18 : vector<16xf32>
        %add3A_804 = arith.addf %add3A_798, %mul3A_803 : vector<16xf32>
        %add3A_805 = arith.constant 96 : i32
        %add3A_806 = arith.addi %mul3A_771, %add3A_805 : i32
        %get3A_807 = arith.index_cast %add3A_806 : i32 to index
        %get3A_808 = tpu.vector_load %arg7[%get3A_807] {strides = array<i32>} : memref<53248xf32, #tpu.memory_space<vmem>>, vector<16xf32>,
        %mul3A_809 = arith.mulf %get3A_808, %get3A_20 : vector<16xf32>
        %add3A_810 = arith.addf %add3A_804, %mul3A_809 : vector<16xf32>
        %add3A_811 = arith.constant 112 : i32
        %add3A_812 = arith.addi %mul3A_771, %add3A_811 : i32
        %get3A_813 = arith.index_cast %add3A_812 : i32 to index
        %get3A_814 = tpu.vector_load %arg7[%get3A_813] {strides = array<i32>} : memref<53248xf32, #tpu.memory_space<vmem>>, vector<16xf32>,
        %mul3A_815 = arith.mulf %get3A_814, %get3A_22 : vector<16xf32>
        %add3A_816 = arith.addf %add3A_810, %mul3A_815 : vector<16xf32>
        %mul3A_817 = arith.constant 16 : i32
        %mul3A_818 = arith.muli %scan3A_248, %mul3A_817 : i32
        %add3A_819 = arith.constant 13 : i32
        %add3A_820 = arith.addi %mul3A_818, %add3A_819 : i32
        %mul3A_821 = arith.constant 128 : i32
        %mul3A_822 = arith.muli %add3A_820, %mul3A_821 : i32
        %get3A_823 = arith.index_cast %mul3A_822 : i32 to index
        %get3A_824 = tpu.vector_load %arg7[%get3A_823] {strides = array<i32>} : memref<53248xf32, #tpu.memory_space<vmem>>, vector<16xf32>,
        %mul3A_825 = arith.mulf %get3A_824, %get3A_8 : vector<16xf32>
        %add3A_826 = arith.constant 16 : i32
        %add3A_827 = arith.addi %mul3A_822, %add3A_826 : i32
        %get3A_828 = arith.index_cast %add3A_827 : i32 to index
        %get3A_829 = tpu.vector_load %arg7[%get3A_828] {strides = array<i32>} : memref<53248xf32, #tpu.memory_space<vmem>>, vector<16xf32>,
        %mul3A_830 = arith.mulf %get3A_829, %get3A_10 : vector<16xf32>
        %add3A_831 = arith.addf %mul3A_825, %mul3A_830 : vector<16xf32>
        %add3A_832 = arith.constant 32 : i32
        %add3A_833 = arith.addi %mul3A_822, %add3A_832 : i32
        %get3A_834 = arith.index_cast %add3A_833 : i32 to index
        %get3A_835 = tpu.vector_load %arg7[%get3A_834] {strides = array<i32>} : memref<53248xf32, #tpu.memory_space<vmem>>, vector<16xf32>,
        %mul3A_836 = arith.mulf %get3A_835, %get3A_12 : vector<16xf32>
        %add3A_837 = arith.addf %add3A_831, %mul3A_836 : vector<16xf32>
        %add3A_838 = arith.constant 48 : i32
        %add3A_839 = arith.addi %mul3A_822, %add3A_838 : i32
        %get3A_840 = arith.index_cast %add3A_839 : i32 to index
        %get3A_841 = tpu.vector_load %arg7[%get3A_840] {strides = array<i32>} : memref<53248xf32, #tpu.memory_space<vmem>>, vector<16xf32>,
        %mul3A_842 = arith.mulf %get3A_841, %get3A_14 : vector<16xf32>
        %add3A_843 = arith.addf %add3A_837, %mul3A_842 : vector<16xf32>
        %add3A_844 = arith.constant 64 : i32
        %add3A_845 = arith.addi %mul3A_822, %add3A_844 : i32
        %get3A_846 = arith.index_cast %add3A_845 : i32 to index
        %get3A_847 = tpu.vector_load %arg7[%get3A_846] {strides = array<i32>} : memref<53248xf32, #tpu.memory_space<vmem>>, vector<16xf32>,
        %mul3A_848 = arith.mulf %get3A_847, %get3A_16 : vector<16xf32>
        %add3A_849 = arith.addf %add3A_843, %mul3A_848 : vector<16xf32>
        %add3A_850 = arith.constant 80 : i32
        %add3A_851 = arith.addi %mul3A_822, %add3A_850 : i32
        %get3A_852 = arith.index_cast %add3A_851 : i32 to index
        %get3A_853 = tpu.vector_load %arg7[%get3A_852] {strides = array<i32>} : memref<53248xf32, #tpu.memory_space<vmem>>, vector<16xf32>,
        %mul3A_854 = arith.mulf %get3A_853, %get3A_18 : vector<16xf32>
        %add3A_855 = arith.addf %add3A_849, %mul3A_854 : vector<16xf32>
        %add3A_856 = arith.constant 96 : i32
        %add3A_857 = arith.addi %mul3A_822, %add3A_856 : i32
        %get3A_858 = arith.index_cast %add3A_857 : i32 to index
        %get3A_859 = tpu.vector_load %arg7[%get3A_858] {strides = array<i32>} : memref<53248xf32, #tpu.memory_space<vmem>>, vector<16xf32>,
        %mul3A_860 = arith.mulf %get3A_859, %get3A_20 : vector<16xf32>
        %add3A_861 = arith.addf %add3A_855, %mul3A_860 : vector<16xf32>
        %add3A_862 = arith.constant 112 : i32
        %add3A_863 = arith.addi %mul3A_822, %add3A_862 : i32
        %get3A_864 = arith.index_cast %add3A_863 : i32 to index
        %get3A_865 = tpu.vector_load %arg7[%get3A_864] {strides = array<i32>} : memref<53248xf32, #tpu.memory_space<vmem>>, vector<16xf32>,
        %mul3A_866 = arith.mulf %get3A_865, %get3A_22 : vector<16xf32>
        %add3A_867 = arith.addf %add3A_861, %mul3A_866 : vector<16xf32>
        %mul3A_868 = arith.constant 16 : i32
        %mul3A_869 = arith.muli %scan3A_248, %mul3A_868 : i32
        %add3A_870 = arith.constant 3 : i32
        %add3A_871 = arith.addi %mul3A_869, %add3A_870 : i32
        %mul3A_872 = arith.constant 128 : i32
        %mul3A_873 = arith.muli %add3A_871, %mul3A_872 : i32
        %get3A_874 = arith.index_cast %mul3A_873 : i32 to index
        %get3A_875 = tpu.vector_load %arg7[%get3A_874] {strides = array<i32>} : memref<53248xf32, #tpu.memory_space<vmem>>, vector<16xf32>,
        %mul3A_876 = arith.mulf %get3A_875, %get3A_8 : vector<16xf32>
        %add3A_877 = arith.constant 16 : i32
        %add3A_878 = arith.addi %mul3A_873, %add3A_877 : i32
        %get3A_879 = arith.index_cast %add3A_878 : i32 to index
        %get3A_880 = tpu.vector_load %arg7[%get3A_879] {strides = array<i32>} : memref<53248xf32, #tpu.memory_space<vmem>>, vector<16xf32>,
        %mul3A_881 = arith.mulf %get3A_880, %get3A_10 : vector<16xf32>
        %add3A_882 = arith.addf %mul3A_876, %mul3A_881 : vector<16xf32>
        %add3A_883 = arith.constant 32 : i32
        %add3A_884 = arith.addi %mul3A_873, %add3A_883 : i32
        %get3A_885 = arith.index_cast %add3A_884 : i32 to index
        %get3A_886 = tpu.vector_load %arg7[%get3A_885] {strides = array<i32>} : memref<53248xf32, #tpu.memory_space<vmem>>, vector<16xf32>,
        %mul3A_887 = arith.mulf %get3A_886, %get3A_12 : vector<16xf32>
        %add3A_888 = arith.addf %add3A_882, %mul3A_887 : vector<16xf32>
        %add3A_889 = arith.constant 48 : i32
        %add3A_890 = arith.addi %mul3A_873, %add3A_889 : i32
        %get3A_891 = arith.index_cast %add3A_890 : i32 to index
        %get3A_892 = tpu.vector_load %arg7[%get3A_891] {strides = array<i32>} : memref<53248xf32, #tpu.memory_space<vmem>>, vector<16xf32>,
        %mul3A_893 = arith.mulf %get3A_892, %get3A_14 : vector<16xf32>
        %add3A_894 = arith.addf %add3A_888, %mul3A_893 : vector<16xf32>
        %add3A_895 = arith.constant 64 : i32
        %add3A_896 = arith.addi %mul3A_873, %add3A_895 : i32
        %get3A_897 = arith.index_cast %add3A_896 : i32 to index
        %get3A_898 = tpu.vector_load %arg7[%get3A_897] {strides = array<i32>} : memref<53248xf32, #tpu.memory_space<vmem>>, vector<16xf32>,
        %mul3A_899 = arith.mulf %get3A_898, %get3A_16 : vector<16xf32>
        %add3A_900 = arith.addf %add3A_894, %mul3A_899 : vector<16xf32>
        %add3A_901 = arith.constant 80 : i32
        %add3A_902 = arith.addi %mul3A_873, %add3A_901 : i32
        %get3A_903 = arith.index_cast %add3A_902 : i32 to index
        %get3A_904 = tpu.vector_load %arg7[%get3A_903] {strides = array<i32>} : memref<53248xf32, #tpu.memory_space<vmem>>, vector<16xf32>,
        %mul3A_905 = arith.mulf %get3A_904, %get3A_18 : vector<16xf32>
        %add3A_906 = arith.addf %add3A_900, %mul3A_905 : vector<16xf32>
        %add3A_907 = arith.constant 96 : i32
        %add3A_908 = arith.addi %mul3A_873, %add3A_907 : i32
        %get3A_909 = arith.index_cast %add3A_908 : i32 to index
        %get3A_910 = tpu.vector_load %arg7[%get3A_909] {strides = array<i32>} : memref<53248xf32, #tpu.memory_space<vmem>>, vector<16xf32>,
        %mul3A_911 = arith.mulf %get3A_910, %get3A_20 : vector<16xf32>
        %add3A_912 = arith.addf %add3A_906, %mul3A_911 : vector<16xf32>
        %add3A_913 = arith.constant 112 : i32
        %add3A_914 = arith.addi %mul3A_873, %add3A_913 : i32
        %get3A_915 = arith.index_cast %add3A_914 : i32 to index
        %get3A_916 = tpu.vector_load %arg7[%get3A_915] {strides = array<i32>} : memref<53248xf32, #tpu.memory_space<vmem>>, vector<16xf32>,
        %mul3A_917 = arith.mulf %get3A_916, %get3A_22 : vector<16xf32>
        %add3A_918 = arith.addf %add3A_912, %mul3A_917 : vector<16xf32>
        %mul3A_919 = arith.constant 16 : i32
        %mul3A_920 = arith.muli %scan3A_248, %mul3A_919 : i32
        %add3A_921 = arith.constant 11 : i32
        %add3A_922 = arith.addi %mul3A_920, %add3A_921 : i32
        %mul3A_923 = arith.constant 128 : i32
        %mul3A_924 = arith.muli %add3A_922, %mul3A_923 : i32
        %get3A_925 = arith.index_cast %mul3A_924 : i32 to index
        %get3A_926 = tpu.vector_load %arg7[%get3A_925] {strides = array<i32>} : memref<53248xf32, #tpu.memory_space<vmem>>, vector<16xf32>,
        %mul3A_927 = arith.mulf %get3A_926, %get3A_8 : vector<16xf32>
        %add3A_928 = arith.constant 16 : i32
        %add3A_929 = arith.addi %mul3A_924, %add3A_928 : i32
        %get3A_930 = arith.index_cast %add3A_929 : i32 to index
        %get3A_931 = tpu.vector_load %arg7[%get3A_930] {strides = array<i32>} : memref<53248xf32, #tpu.memory_space<vmem>>, vector<16xf32>,
        %mul3A_932 = arith.mulf %get3A_931, %get3A_10 : vector<16xf32>
        %add3A_933 = arith.addf %mul3A_927, %mul3A_932 : vector<16xf32>
        %add3A_934 = arith.constant 32 : i32
        %add3A_935 = arith.addi %mul3A_924, %add3A_934 : i32
        %get3A_936 = arith.index_cast %add3A_935 : i32 to index
        %get3A_937 = tpu.vector_load %arg7[%get3A_936] {strides = array<i32>} : memref<53248xf32, #tpu.memory_space<vmem>>, vector<16xf32>,
        %mul3A_938 = arith.mulf %get3A_937, %get3A_12 : vector<16xf32>
        %add3A_939 = arith.addf %add3A_933, %mul3A_938 : vector<16xf32>
        %add3A_940 = arith.constant 48 : i32
        %add3A_941 = arith.addi %mul3A_924, %add3A_940 : i32
        %get3A_942 = arith.index_cast %add3A_941 : i32 to index
        %get3A_943 = tpu.vector_load %arg7[%get3A_942] {strides = array<i32>} : memref<53248xf32, #tpu.memory_space<vmem>>, vector<16xf32>,
        %mul3A_944 = arith.mulf %get3A_943, %get3A_14 : vector<16xf32>
        %add3A_945 = arith.addf %add3A_939, %mul3A_944 : vector<16xf32>
        %add3A_946 = arith.constant 64 : i32
        %add3A_947 = arith.addi %mul3A_924, %add3A_946 : i32
        %get3A_948 = arith.index_cast %add3A_947 : i32 to index
        %get3A_949 = tpu.vector_load %arg7[%get3A_948] {strides = array<i32>} : memref<53248xf32, #tpu.memory_space<vmem>>, vector<16xf32>,
        %mul3A_950 = arith.mulf %get3A_949, %get3A_16 : vector<16xf32>
        %add3A_951 = arith.addf %add3A_945, %mul3A_950 : vector<16xf32>
        %add3A_952 = arith.constant 80 : i32
        %add3A_953 = arith.addi %mul3A_924, %add3A_952 : i32
        %get3A_954 = arith.index_cast %add3A_953 : i32 to index
        %get3A_955 = tpu.vector_load %arg7[%get3A_954] {strides = array<i32>} : memref<53248xf32, #tpu.memory_space<vmem>>, vector<16xf32>,
        %mul3A_956 = arith.mulf %get3A_955, %get3A_18 : vector<16xf32>
        %add3A_957 = arith.addf %add3A_951, %mul3A_956 : vector<16xf32>
        %add3A_958 = arith.constant 96 : i32
        %add3A_959 = arith.addi %mul3A_924, %add3A_958 : i32
        %get3A_960 = arith.index_cast %add3A_959 : i32 to index
        %get3A_961 = tpu.vector_load %arg7[%get3A_960] {strides = array<i32>} : memref<53248xf32, #tpu.memory_space<vmem>>, vector<16xf32>,
        %mul3A_962 = arith.mulf %get3A_961, %get3A_20 : vector<16xf32>
        %add3A_963 = arith.addf %add3A_957, %mul3A_962 : vector<16xf32>
        %add3A_964 = arith.constant 112 : i32
        %add3A_965 = arith.addi %mul3A_924, %add3A_964 : i32
        %get3A_966 = arith.index_cast %add3A_965 : i32 to index
        %get3A_967 = tpu.vector_load %arg7[%get3A_966] {strides = array<i32>} : memref<53248xf32, #tpu.memory_space<vmem>>, vector<16xf32>,
        %mul3A_968 = arith.mulf %get3A_967, %get3A_22 : vector<16xf32>
        %add3A_969 = arith.addf %add3A_963, %mul3A_968 : vector<16xf32>
        %mul3A_970 = arith.constant 16 : i32
        %mul3A_971 = arith.muli %scan3A_248, %mul3A_970 : i32
        %add3A_972 = arith.constant 7 : i32
        %add3A_973 = arith.addi %mul3A_971, %add3A_972 : i32
        %mul3A_974 = arith.constant 128 : i32
        %mul3A_975 = arith.muli %add3A_973, %mul3A_974 : i32
        %get3A_976 = arith.index_cast %mul3A_975 : i32 to index
        %get3A_977 = tpu.vector_load %arg7[%get3A_976] {strides = array<i32>} : memref<53248xf32, #tpu.memory_space<vmem>>, vector<16xf32>,
        %mul3A_978 = arith.mulf %get3A_977, %get3A_8 : vector<16xf32>
        %add3A_979 = arith.constant 16 : i32
        %add3A_980 = arith.addi %mul3A_975, %add3A_979 : i32
        %get3A_981 = arith.index_cast %add3A_980 : i32 to index
        %get3A_982 = tpu.vector_load %arg7[%get3A_981] {strides = array<i32>} : memref<53248xf32, #tpu.memory_space<vmem>>, vector<16xf32>,
        %mul3A_983 = arith.mulf %get3A_982, %get3A_10 : vector<16xf32>
        %add3A_984 = arith.addf %mul3A_978, %mul3A_983 : vector<16xf32>
        %add3A_985 = arith.constant 32 : i32
        %add3A_986 = arith.addi %mul3A_975, %add3A_985 : i32
        %get3A_987 = arith.index_cast %add3A_986 : i32 to index
        %get3A_988 = tpu.vector_load %arg7[%get3A_987] {strides = array<i32>} : memref<53248xf32, #tpu.memory_space<vmem>>, vector<16xf32>,
        %mul3A_989 = arith.mulf %get3A_988, %get3A_12 : vector<16xf32>
        %add3A_990 = arith.addf %add3A_984, %mul3A_989 : vector<16xf32>
        %add3A_991 = arith.constant 48 : i32
        %add3A_992 = arith.addi %mul3A_975, %add3A_991 : i32
        %get3A_993 = arith.index_cast %add3A_992 : i32 to index
        %get3A_994 = tpu.vector_load %arg7[%get3A_993] {strides = array<i32>} : memref<53248xf32, #tpu.memory_space<vmem>>, vector<16xf32>,
        %mul3A_995 = arith.mulf %get3A_994, %get3A_14 : vector<16xf32>
        %add3A_996 = arith.addf %add3A_990, %mul3A_995 : vector<16xf32>
        %add3A_997 = arith.constant 64 : i32
        %add3A_998 = arith.addi %mul3A_975, %add3A_997 : i32
        %get3A_999 = arith.index_cast %add3A_998 : i32 to index
        %get3A_1000 = tpu.vector_load %arg7[%get3A_999] {strides = array<i32>} : memref<53248xf32, #tpu.memory_space<vmem>>, vector<16xf32>,
        %mul3A_1001 = arith.mulf %get3A_1000, %get3A_16 : vector<16xf32>
        %add3A_1002 = arith.addf %add3A_996, %mul3A_1001 : vector<16xf32>
        %add3A_1003 = arith.constant 80 : i32
        %add3A_1004 = arith.addi %mul3A_975, %add3A_1003 : i32
        %get3A_1005 = arith.index_cast %add3A_1004 : i32 to index
        %get3A_1006 = tpu.vector_load %arg7[%get3A_1005] {strides = array<i32>} : memref<53248xf32, #tpu.memory_space<vmem>>, vector<16xf32>,
        %mul3A_1007 = arith.mulf %get3A_1006, %get3A_18 : vector<16xf32>
        %add3A_1008 = arith.addf %add3A_1002, %mul3A_1007 : vector<16xf32>
        %add3A_1009 = arith.constant 96 : i32
        %add3A_1010 = arith.addi %mul3A_975, %add3A_1009 : i32
        %get3A_1011 = arith.index_cast %add3A_1010 : i32 to index
        %get3A_1012 = tpu.vector_load %arg7[%get3A_1011] {strides = array<i32>} : memref<53248xf32, #tpu.memory_space<vmem>>, vector<16xf32>,
        %mul3A_1013 = arith.mulf %get3A_1012, %get3A_20 : vector<16xf32>
        %add3A_1014 = arith.addf %add3A_1008, %mul3A_1013 : vector<16xf32>
        %add3A_1015 = arith.constant 112 : i32
        %add3A_1016 = arith.addi %mul3A_975, %add3A_1015 : i32
        %get3A_1017 = arith.index_cast %add3A_1016 : i32 to index
        %get3A_1018 = tpu.vector_load %arg7[%get3A_1017] {strides = array<i32>} : memref<53248xf32, #tpu.memory_space<vmem>>, vector<16xf32>,
        %mul3A_1019 = arith.mulf %get3A_1018, %get3A_22 : vector<16xf32>
        %add3A_1020 = arith.addf %add3A_1014, %mul3A_1019 : vector<16xf32>
        %mul3A_1021 = arith.constant 16 : i32
        %mul3A_1022 = arith.muli %scan3A_248, %mul3A_1021 : i32
        %add3A_1023 = arith.constant 15 : i32
        %add3A_1024 = arith.addi %mul3A_1022, %add3A_1023 : i32
        %mul3A_1025 = arith.constant 128 : i32
        %mul3A_1026 = arith.muli %add3A_1024, %mul3A_1025 : i32
        %get3A_1027 = arith.index_cast %mul3A_1026 : i32 to index
        %get3A_1028 = tpu.vector_load %arg7[%get3A_1027] {strides = array<i32>} : memref<53248xf32, #tpu.memory_space<vmem>>, vector<16xf32>,
        %mul3A_1029 = arith.mulf %get3A_1028, %get3A_8 : vector<16xf32>
        %add3A_1030 = arith.constant 16 : i32
        %add3A_1031 = arith.addi %mul3A_1026, %add3A_1030 : i32
        %get3A_1032 = arith.index_cast %add3A_1031 : i32 to index
        %get3A_1033 = tpu.vector_load %arg7[%get3A_1032] {strides = array<i32>} : memref<53248xf32, #tpu.memory_space<vmem>>, vector<16xf32>,
        %mul3A_1034 = arith.mulf %get3A_1033, %get3A_10 : vector<16xf32>
        %add3A_1035 = arith.addf %mul3A_1029, %mul3A_1034 : vector<16xf32>
        %add3A_1036 = arith.constant 32 : i32
        %add3A_1037 = arith.addi %mul3A_1026, %add3A_1036 : i32
        %get3A_1038 = arith.index_cast %add3A_1037 : i32 to index
        %get3A_1039 = tpu.vector_load %arg7[%get3A_1038] {strides = array<i32>} : memref<53248xf32, #tpu.memory_space<vmem>>, vector<16xf32>,
        %mul3A_1040 = arith.mulf %get3A_1039, %get3A_12 : vector<16xf32>
        %add3A_1041 = arith.addf %add3A_1035, %mul3A_1040 : vector<16xf32>
        %add3A_1042 = arith.constant 48 : i32
        %add3A_1043 = arith.addi %mul3A_1026, %add3A_1042 : i32
        %get3A_1044 = arith.index_cast %add3A_1043 : i32 to index
        %get3A_1045 = tpu.vector_load %arg7[%get3A_1044] {strides = array<i32>} : memref<53248xf32, #tpu.memory_space<vmem>>, vector<16xf32>,
        %mul3A_1046 = arith.mulf %get3A_1045, %get3A_14 : vector<16xf32>
        %add3A_1047 = arith.addf %add3A_1041, %mul3A_1046 : vector<16xf32>
        %add3A_1048 = arith.constant 64 : i32
        %add3A_1049 = arith.addi %mul3A_1026, %add3A_1048 : i32
        %get3A_1050 = arith.index_cast %add3A_1049 : i32 to index
        %get3A_1051 = tpu.vector_load %arg7[%get3A_1050] {strides = array<i32>} : memref<53248xf32, #tpu.memory_space<vmem>>, vector<16xf32>,
        %mul3A_1052 = arith.mulf %get3A_1051, %get3A_16 : vector<16xf32>
        %add3A_1053 = arith.addf %add3A_1047, %mul3A_1052 : vector<16xf32>
        %add3A_1054 = arith.constant 80 : i32
        %add3A_1055 = arith.addi %mul3A_1026, %add3A_1054 : i32
        %get3A_1056 = arith.index_cast %add3A_1055 : i32 to index
        %get3A_1057 = tpu.vector_load %arg7[%get3A_1056] {strides = array<i32>} : memref<53248xf32, #tpu.memory_space<vmem>>, vector<16xf32>,
        %mul3A_1058 = arith.mulf %get3A_1057, %get3A_18 : vector<16xf32>
        %add3A_1059 = arith.addf %add3A_1053, %mul3A_1058 : vector<16xf32>
        %add3A_1060 = arith.constant 96 : i32
        %add3A_1061 = arith.addi %mul3A_1026, %add3A_1060 : i32
        %get3A_1062 = arith.index_cast %add3A_1061 : i32 to index
        %get3A_1063 = tpu.vector_load %arg7[%get3A_1062] {strides = array<i32>} : memref<53248xf32, #tpu.memory_space<vmem>>, vector<16xf32>,
        %mul3A_1064 = arith.mulf %get3A_1063, %get3A_20 : vector<16xf32>
        %add3A_1065 = arith.addf %add3A_1059, %mul3A_1064 : vector<16xf32>
        %add3A_1066 = arith.constant 112 : i32
        %add3A_1067 = arith.addi %mul3A_1026, %add3A_1066 : i32
        %get3A_1068 = arith.index_cast %add3A_1067 : i32 to index
        %get3A_1069 = tpu.vector_load %arg7[%get3A_1068] {strides = array<i32>} : memref<53248xf32, #tpu.memory_space<vmem>>, vector<16xf32>,
        %mul3A_1070 = arith.mulf %get3A_1069, %get3A_22 : vector<16xf32>
        %add3A_1071 = arith.addf %add3A_1065, %mul3A_1070 : vector<16xf32>
        %lt3A_1072 = arith.constant 0 : i32
        %lt3A_1073 = vector.broadcast %lt3A_1072 : i32 to vector<16xi32>
        %lt3A_1074 = arith.cmpi slt, %and3A_130, %lt3A_1073 : vector<16xi32>
        %add3A_1075 = arith.constant 16 : i32
        %add3A_1076 = vector.broadcast %add3A_1075 : i32 to vector<16xi32>
        %add3A_1077 = arith.addi %and3A_130, %add3A_1076 : vector<16xi32>
        %select_n3A_1078 = arith.select %lt3A_1074, %add3A_1077, %and3A_130 : vector<16xi1>, vector<16xi32>
        %broadcast_in_dim3A_1079 = vector.shape_cast %select_n3A_1078 : vector<16xi32> to vector<16x1xi32>
        %gather3A = vector.shape_cast %broadcast_in_dim3A_1079 : vector<16x1xi32> to vector<16xi32>
        %gather3A_1080 = tpu.dynamic_gather %add3A_357[%gather3A] in [0] : vector<16xf32>, vector<16xi32> -> vector<16xf32>
        %select_n3A_1081 = arith.select %lt3A_44, %add3A_306, %gather3A_1080 : vector<16xi1>, vector<16xf32>
        %lt3A_1082 = arith.constant 0 : i32
        %lt3A_1083 = vector.broadcast %lt3A_1082 : i32 to vector<16xi32>
        %lt3A_1084 = arith.cmpi slt, %and3A_125, %lt3A_1083 : vector<16xi32>
        %add3A_1085 = arith.constant 16 : i32
        %add3A_1086 = vector.broadcast %add3A_1085 : i32 to vector<16xi32>
        %add3A_1087 = arith.addi %and3A_125, %add3A_1086 : vector<16xi32>
        %select_n3A_1088 = arith.select %lt3A_1084, %add3A_1087, %and3A_125 : vector<16xi1>, vector<16xi32>
        %broadcast_in_dim3A_1089 = vector.shape_cast %select_n3A_1088 : vector<16xi32> to vector<16x1xi32>
        %gather3A_1090 = vector.shape_cast %broadcast_in_dim3A_1089 : vector<16x1xi32> to vector<16xi32>
        %gather3A_1091 = tpu.dynamic_gather %add3A_306[%gather3A_1090] in [0] : vector<16xf32>, vector<16xi32> -> vector<16xf32>
        %select_n3A_1092 = arith.select %lt3A_44, %gather3A_1091, %add3A_357 : vector<16xi1>, vector<16xf32>
        %add3A_1093 = arith.addf %select_n3A_1081, %select_n3A_1092 : vector<16xf32>
        %lt3A_1094 = arith.constant 0 : i32
        %lt3A_1095 = vector.broadcast %lt3A_1094 : i32 to vector<16xi32>
        %lt3A_1096 = arith.cmpi slt, %and3A_130, %lt3A_1095 : vector<16xi32>
        %add3A_1097 = arith.constant 16 : i32
        %add3A_1098 = vector.broadcast %add3A_1097 : i32 to vector<16xi32>
        %add3A_1099 = arith.addi %and3A_130, %add3A_1098 : vector<16xi32>
        %select_n3A_1100 = arith.select %lt3A_1096, %add3A_1099, %and3A_130 : vector<16xi1>, vector<16xi32>
        %broadcast_in_dim3A_1101 = vector.shape_cast %select_n3A_1100 : vector<16xi32> to vector<16x1xi32>
        %gather3A_1102 = vector.shape_cast %broadcast_in_dim3A_1101 : vector<16x1xi32> to vector<16xi32>
        %gather3A_1103 = tpu.dynamic_gather %add3A_459[%gather3A_1102] in [0] : vector<16xf32>, vector<16xi32> -> vector<16xf32>
        %select_n3A_1104 = arith.select %lt3A_44, %add3A_408, %gather3A_1103 : vector<16xi1>, vector<16xf32>
        %lt3A_1105 = arith.constant 0 : i32
        %lt3A_1106 = vector.broadcast %lt3A_1105 : i32 to vector<16xi32>
        %lt3A_1107 = arith.cmpi slt, %and3A_125, %lt3A_1106 : vector<16xi32>
        %add3A_1108 = arith.constant 16 : i32
        %add3A_1109 = vector.broadcast %add3A_1108 : i32 to vector<16xi32>
        %add3A_1110 = arith.addi %and3A_125, %add3A_1109 : vector<16xi32>
        %select_n3A_1111 = arith.select %lt3A_1107, %add3A_1110, %and3A_125 : vector<16xi1>, vector<16xi32>
        %broadcast_in_dim3A_1112 = vector.shape_cast %select_n3A_1111 : vector<16xi32> to vector<16x1xi32>
        %gather3A_1113 = vector.shape_cast %broadcast_in_dim3A_1112 : vector<16x1xi32> to vector<16xi32>
        %gather3A_1114 = tpu.dynamic_gather %add3A_408[%gather3A_1113] in [0] : vector<16xf32>, vector<16xi32> -> vector<16xf32>
        %select_n3A_1115 = arith.select %lt3A_44, %gather3A_1114, %add3A_459 : vector<16xi1>, vector<16xf32>
        %add3A_1116 = arith.addf %select_n3A_1104, %select_n3A_1115 : vector<16xf32>
        %lt3A_1117 = arith.constant 0 : i32
        %lt3A_1118 = vector.broadcast %lt3A_1117 : i32 to vector<16xi32>
        %lt3A_1119 = arith.cmpi slt, %and3A_130, %lt3A_1118 : vector<16xi32>
        %add3A_1120 = arith.constant 16 : i32
        %add3A_1121 = vector.broadcast %add3A_1120 : i32 to vector<16xi32>
        %add3A_1122 = arith.addi %and3A_130, %add3A_1121 : vector<16xi32>
        %select_n3A_1123 = arith.select %lt3A_1119, %add3A_1122, %and3A_130 : vector<16xi1>, vector<16xi32>
        %broadcast_in_dim3A_1124 = vector.shape_cast %select_n3A_1123 : vector<16xi32> to vector<16x1xi32>
        %gather3A_1125 = vector.shape_cast %broadcast_in_dim3A_1124 : vector<16x1xi32> to vector<16xi32>
        %gather3A_1126 = tpu.dynamic_gather %add3A_561[%gather3A_1125] in [0] : vector<16xf32>, vector<16xi32> -> vector<16xf32>
        %select_n3A_1127 = arith.select %lt3A_44, %add3A_510, %gather3A_1126 : vector<16xi1>, vector<16xf32>
        %lt3A_1128 = arith.constant 0 : i32
        %lt3A_1129 = vector.broadcast %lt3A_1128 : i32 to vector<16xi32>
        %lt3A_1130 = arith.cmpi slt, %and3A_125, %lt3A_1129 : vector<16xi32>
        %add3A_1131 = arith.constant 16 : i32
        %add3A_1132 = vector.broadcast %add3A_1131 : i32 to vector<16xi32>
        %add3A_1133 = arith.addi %and3A_125, %add3A_1132 : vector<16xi32>
        %select_n3A_1134 = arith.select %lt3A_1130, %add3A_1133, %and3A_125 : vector<16xi1>, vector<16xi32>
        %broadcast_in_dim3A_1135 = vector.shape_cast %select_n3A_1134 : vector<16xi32> to vector<16x1xi32>
        %gather3A_1136 = vector.shape_cast %broadcast_in_dim3A_1135 : vector<16x1xi32> to vector<16xi32>
        %gather3A_1137 = tpu.dynamic_gather %add3A_510[%gather3A_1136] in [0] : vector<16xf32>, vector<16xi32> -> vector<16xf32>
        %select_n3A_1138 = arith.select %lt3A_44, %gather3A_1137, %add3A_561 : vector<16xi1>, vector<16xf32>
        %add3A_1139 = arith.addf %select_n3A_1127, %select_n3A_1138 : vector<16xf32>
        %lt3A_1140 = arith.constant 0 : i32
        %lt3A_1141 = vector.broadcast %lt3A_1140 : i32 to vector<16xi32>
        %lt3A_1142 = arith.cmpi slt, %and3A_130, %lt3A_1141 : vector<16xi32>
        %add3A_1143 = arith.constant 16 : i32
        %add3A_1144 = vector.broadcast %add3A_1143 : i32 to vector<16xi32>
        %add3A_1145 = arith.addi %and3A_130, %add3A_1144 : vector<16xi32>
        %select_n3A_1146 = arith.select %lt3A_1142, %add3A_1145, %and3A_130 : vector<16xi1>, vector<16xi32>
        %broadcast_in_dim3A_1147 = vector.shape_cast %select_n3A_1146 : vector<16xi32> to vector<16x1xi32>
        %gather3A_1148 = vector.shape_cast %broadcast_in_dim3A_1147 : vector<16x1xi32> to vector<16xi32>
        %gather3A_1149 = tpu.dynamic_gather %add3A_663[%gather3A_1148] in [0] : vector<16xf32>, vector<16xi32> -> vector<16xf32>
        %select_n3A_1150 = arith.select %lt3A_44, %add3A_612, %gather3A_1149 : vector<16xi1>, vector<16xf32>
        %lt3A_1151 = arith.constant 0 : i32
        %lt3A_1152 = vector.broadcast %lt3A_1151 : i32 to vector<16xi32>
        %lt3A_1153 = arith.cmpi slt, %and3A_125, %lt3A_1152 : vector<16xi32>
        %add3A_1154 = arith.constant 16 : i32
        %add3A_1155 = vector.broadcast %add3A_1154 : i32 to vector<16xi32>
        %add3A_1156 = arith.addi %and3A_125, %add3A_1155 : vector<16xi32>
        %select_n3A_1157 = arith.select %lt3A_1153, %add3A_1156, %and3A_125 : vector<16xi1>, vector<16xi32>
        %broadcast_in_dim3A_1158 = vector.shape_cast %select_n3A_1157 : vector<16xi32> to vector<16x1xi32>
        %gather3A_1159 = vector.shape_cast %broadcast_in_dim3A_1158 : vector<16x1xi32> to vector<16xi32>
        %gather3A_1160 = tpu.dynamic_gather %add3A_612[%gather3A_1159] in [0] : vector<16xf32>, vector<16xi32> -> vector<16xf32>
        %select_n3A_1161 = arith.select %lt3A_44, %gather3A_1160, %add3A_663 : vector<16xi1>, vector<16xf32>
        %add3A_1162 = arith.addf %select_n3A_1150, %select_n3A_1161 : vector<16xf32>
        %lt3A_1163 = arith.constant 0 : i32
        %lt3A_1164 = vector.broadcast %lt3A_1163 : i32 to vector<16xi32>
        %lt3A_1165 = arith.cmpi slt, %and3A_130, %lt3A_1164 : vector<16xi32>
        %add3A_1166 = arith.constant 16 : i32
        %add3A_1167 = vector.broadcast %add3A_1166 : i32 to vector<16xi32>
        %add3A_1168 = arith.addi %and3A_130, %add3A_1167 : vector<16xi32>
        %select_n3A_1169 = arith.select %lt3A_1165, %add3A_1168, %and3A_130 : vector<16xi1>, vector<16xi32>
        %broadcast_in_dim3A_1170 = vector.shape_cast %select_n3A_1169 : vector<16xi32> to vector<16x1xi32>
        %gather3A_1171 = vector.shape_cast %broadcast_in_dim3A_1170 : vector<16x1xi32> to vector<16xi32>
        %gather3A_1172 = tpu.dynamic_gather %add3A_765[%gather3A_1171] in [0] : vector<16xf32>, vector<16xi32> -> vector<16xf32>
        %select_n3A_1173 = arith.select %lt3A_44, %add3A_714, %gather3A_1172 : vector<16xi1>, vector<16xf32>
        %lt3A_1174 = arith.constant 0 : i32
        %lt3A_1175 = vector.broadcast %lt3A_1174 : i32 to vector<16xi32>
        %lt3A_1176 = arith.cmpi slt, %and3A_125, %lt3A_1175 : vector<16xi32>
        %add3A_1177 = arith.constant 16 : i32
        %add3A_1178 = vector.broadcast %add3A_1177 : i32 to vector<16xi32>
        %add3A_1179 = arith.addi %and3A_125, %add3A_1178 : vector<16xi32>
        %select_n3A_1180 = arith.select %lt3A_1176, %add3A_1179, %and3A_125 : vector<16xi1>, vector<16xi32>
        %broadcast_in_dim3A_1181 = vector.shape_cast %select_n3A_1180 : vector<16xi32> to vector<16x1xi32>
        %gather3A_1182 = vector.shape_cast %broadcast_in_dim3A_1181 : vector<16x1xi32> to vector<16xi32>
        %gather3A_1183 = tpu.dynamic_gather %add3A_714[%gather3A_1182] in [0] : vector<16xf32>, vector<16xi32> -> vector<16xf32>
        %select_n3A_1184 = arith.select %lt3A_44, %gather3A_1183, %add3A_765 : vector<16xi1>, vector<16xf32>
        %add3A_1185 = arith.addf %select_n3A_1173, %select_n3A_1184 : vector<16xf32>
        %lt3A_1186 = arith.constant 0 : i32
        %lt3A_1187 = vector.broadcast %lt3A_1186 : i32 to vector<16xi32>
        %lt3A_1188 = arith.cmpi slt, %and3A_130, %lt3A_1187 : vector<16xi32>
        %add3A_1189 = arith.constant 16 : i32
        %add3A_1190 = vector.broadcast %add3A_1189 : i32 to vector<16xi32>
        %add3A_1191 = arith.addi %and3A_130, %add3A_1190 : vector<16xi32>
        %select_n3A_1192 = arith.select %lt3A_1188, %add3A_1191, %and3A_130 : vector<16xi1>, vector<16xi32>
        %broadcast_in_dim3A_1193 = vector.shape_cast %select_n3A_1192 : vector<16xi32> to vector<16x1xi32>
        %gather3A_1194 = vector.shape_cast %broadcast_in_dim3A_1193 : vector<16x1xi32> to vector<16xi32>
        %gather3A_1195 = tpu.dynamic_gather %add3A_867[%gather3A_1194] in [0] : vector<16xf32>, vector<16xi32> -> vector<16xf32>
        %select_n3A_1196 = arith.select %lt3A_44, %add3A_816, %gather3A_1195 : vector<16xi1>, vector<16xf32>
        %lt3A_1197 = arith.constant 0 : i32
        %lt3A_1198 = vector.broadcast %lt3A_1197 : i32 to vector<16xi32>
        %lt3A_1199 = arith.cmpi slt, %and3A_125, %lt3A_1198 : vector<16xi32>
        %add3A_1200 = arith.constant 16 : i32
        %add3A_1201 = vector.broadcast %add3A_1200 : i32 to vector<16xi32>
        %add3A_1202 = arith.addi %and3A_125, %add3A_1201 : vector<16xi32>
        %select_n3A_1203 = arith.select %lt3A_1199, %add3A_1202, %and3A_125 : vector<16xi1>, vector<16xi32>
        %broadcast_in_dim3A_1204 = vector.shape_cast %select_n3A_1203 : vector<16xi32> to vector<16x1xi32>
        %gather3A_1205 = vector.shape_cast %broadcast_in_dim3A_1204 : vector<16x1xi32> to vector<16xi32>
        %gather3A_1206 = tpu.dynamic_gather %add3A_816[%gather3A_1205] in [0] : vector<16xf32>, vector<16xi32> -> vector<16xf32>
        %select_n3A_1207 = arith.select %lt3A_44, %gather3A_1206, %add3A_867 : vector<16xi1>, vector<16xf32>
        %add3A_1208 = arith.addf %select_n3A_1196, %select_n3A_1207 : vector<16xf32>
        %lt3A_1209 = arith.constant 0 : i32
        %lt3A_1210 = vector.broadcast %lt3A_1209 : i32 to vector<16xi32>
        %lt3A_1211 = arith.cmpi slt, %and3A_130, %lt3A_1210 : vector<16xi32>
        %add3A_1212 = arith.constant 16 : i32
        %add3A_1213 = vector.broadcast %add3A_1212 : i32 to vector<16xi32>
        %add3A_1214 = arith.addi %and3A_130, %add3A_1213 : vector<16xi32>
        %select_n3A_1215 = arith.select %lt3A_1211, %add3A_1214, %and3A_130 : vector<16xi1>, vector<16xi32>
        %broadcast_in_dim3A_1216 = vector.shape_cast %select_n3A_1215 : vector<16xi32> to vector<16x1xi32>
        %gather3A_1217 = vector.shape_cast %broadcast_in_dim3A_1216 : vector<16x1xi32> to vector<16xi32>
        %gather3A_1218 = tpu.dynamic_gather %add3A_969[%gather3A_1217] in [0] : vector<16xf32>, vector<16xi32> -> vector<16xf32>
        %select_n3A_1219 = arith.select %lt3A_44, %add3A_918, %gather3A_1218 : vector<16xi1>, vector<16xf32>
        %lt3A_1220 = arith.constant 0 : i32
        %lt3A_1221 = vector.broadcast %lt3A_1220 : i32 to vector<16xi32>
        %lt3A_1222 = arith.cmpi slt, %and3A_125, %lt3A_1221 : vector<16xi32>
        %add3A_1223 = arith.constant 16 : i32
        %add3A_1224 = vector.broadcast %add3A_1223 : i32 to vector<16xi32>
        %add3A_1225 = arith.addi %and3A_125, %add3A_1224 : vector<16xi32>
        %select_n3A_1226 = arith.select %lt3A_1222, %add3A_1225, %and3A_125 : vector<16xi1>, vector<16xi32>
        %broadcast_in_dim3A_1227 = vector.shape_cast %select_n3A_1226 : vector<16xi32> to vector<16x1xi32>
        %gather3A_1228 = vector.shape_cast %broadcast_in_dim3A_1227 : vector<16x1xi32> to vector<16xi32>
        %gather3A_1229 = tpu.dynamic_gather %add3A_918[%gather3A_1228] in [0] : vector<16xf32>, vector<16xi32> -> vector<16xf32>
        %select_n3A_1230 = arith.select %lt3A_44, %gather3A_1229, %add3A_969 : vector<16xi1>, vector<16xf32>
        %add3A_1231 = arith.addf %select_n3A_1219, %select_n3A_1230 : vector<16xf32>
        %lt3A_1232 = arith.constant 0 : i32
        %lt3A_1233 = vector.broadcast %lt3A_1232 : i32 to vector<16xi32>
        %lt3A_1234 = arith.cmpi slt, %and3A_130, %lt3A_1233 : vector<16xi32>
        %add3A_1235 = arith.constant 16 : i32
        %add3A_1236 = vector.broadcast %add3A_1235 : i32 to vector<16xi32>
        %add3A_1237 = arith.addi %and3A_130, %add3A_1236 : vector<16xi32>
        %select_n3A_1238 = arith.select %lt3A_1234, %add3A_1237, %and3A_130 : vector<16xi1>, vector<16xi32>
        %broadcast_in_dim3A_1239 = vector.shape_cast %select_n3A_1238 : vector<16xi32> to vector<16x1xi32>
        %gather3A_1240 = vector.shape_cast %broadcast_in_dim3A_1239 : vector<16x1xi32> to vector<16xi32>
        %gather3A_1241 = tpu.dynamic_gather %add3A_1071[%gather3A_1240] in [0] : vector<16xf32>, vector<16xi32> -> vector<16xf32>
        %select_n3A_1242 = arith.select %lt3A_44, %add3A_1020, %gather3A_1241 : vector<16xi1>, vector<16xf32>
        %lt3A_1243 = arith.constant 0 : i32
        %lt3A_1244 = vector.broadcast %lt3A_1243 : i32 to vector<16xi32>
        %lt3A_1245 = arith.cmpi slt, %and3A_125, %lt3A_1244 : vector<16xi32>
        %add3A_1246 = arith.constant 16 : i32
        %add3A_1247 = vector.broadcast %add3A_1246 : i32 to vector<16xi32>
        %add3A_1248 = arith.addi %and3A_125, %add3A_1247 : vector<16xi32>
        %select_n3A_1249 = arith.select %lt3A_1245, %add3A_1248, %and3A_125 : vector<16xi1>, vector<16xi32>
        %broadcast_in_dim3A_1250 = vector.shape_cast %select_n3A_1249 : vector<16xi32> to vector<16x1xi32>
        %gather3A_1251 = vector.shape_cast %broadcast_in_dim3A_1250 : vector<16x1xi32> to vector<16xi32>
        %gather3A_1252 = tpu.dynamic_gather %add3A_1020[%gather3A_1251] in [0] : vector<16xf32>, vector<16xi32> -> vector<16xf32>
        %select_n3A_1253 = arith.select %lt3A_44, %gather3A_1252, %add3A_1071 : vector<16xi1>, vector<16xf32>
        %add3A_1254 = arith.addf %select_n3A_1242, %select_n3A_1253 : vector<16xf32>
        %lt3A_1255 = arith.constant 0 : i32
        %lt3A_1256 = vector.broadcast %lt3A_1255 : i32 to vector<16xi32>
        %lt3A_1257 = arith.cmpi slt, %and3A_142, %lt3A_1256 : vector<16xi32>
        %add3A_1258 = arith.constant 16 : i32
        %add3A_1259 = vector.broadcast %add3A_1258 : i32 to vector<16xi32>
        %add3A_1260 = arith.addi %and3A_142, %add3A_1259 : vector<16xi32>
        %select_n3A_1261 = arith.select %lt3A_1257, %add3A_1260, %and3A_142 : vector<16xi1>, vector<16xi32>
        %broadcast_in_dim3A_1262 = vector.shape_cast %select_n3A_1261 : vector<16xi32> to vector<16x1xi32>
        %gather3A_1263 = vector.shape_cast %broadcast_in_dim3A_1262 : vector<16x1xi32> to vector<16xi32>
        %gather3A_1264 = tpu.dynamic_gather %add3A_1116[%gather3A_1263] in [0] : vector<16xf32>, vector<16xi32> -> vector<16xf32>
        %select_n3A_1265 = arith.select %lt3A_69, %add3A_1093, %gather3A_1264 : vector<16xi1>, vector<16xf32>
        %lt3A_1266 = arith.constant 0 : i32
        %lt3A_1267 = vector.broadcast %lt3A_1266 : i32 to vector<16xi32>
        %lt3A_1268 = arith.cmpi slt, %and3A_136, %lt3A_1267 : vector<16xi32>
        %add3A_1269 = arith.constant 16 : i32
        %add3A_1270 = vector.broadcast %add3A_1269 : i32 to vector<16xi32>
        %add3A_1271 = arith.addi %and3A_136, %add3A_1270 : vector<16xi32>
        %select_n3A_1272 = arith.select %lt3A_1268, %add3A_1271, %and3A_136 : vector<16xi1>, vector<16xi32>
        %broadcast_in_dim3A_1273 = vector.shape_cast %select_n3A_1272 : vector<16xi32> to vector<16x1xi32>
        %gather3A_1274 = vector.shape_cast %broadcast_in_dim3A_1273 : vector<16x1xi32> to vector<16xi32>
        %gather3A_1275 = tpu.dynamic_gather %add3A_1093[%gather3A_1274] in [0] : vector<16xf32>, vector<16xi32> -> vector<16xf32>
        %select_n3A_1276 = arith.select %lt3A_69, %gather3A_1275, %add3A_1116 : vector<16xi1>, vector<16xf32>
        %add3A_1277 = arith.addf %select_n3A_1265, %select_n3A_1276 : vector<16xf32>
        %lt3A_1278 = arith.constant 0 : i32
        %lt3A_1279 = vector.broadcast %lt3A_1278 : i32 to vector<16xi32>
        %lt3A_1280 = arith.cmpi slt, %and3A_142, %lt3A_1279 : vector<16xi32>
        %add3A_1281 = arith.constant 16 : i32
        %add3A_1282 = vector.broadcast %add3A_1281 : i32 to vector<16xi32>
        %add3A_1283 = arith.addi %and3A_142, %add3A_1282 : vector<16xi32>
        %select_n3A_1284 = arith.select %lt3A_1280, %add3A_1283, %and3A_142 : vector<16xi1>, vector<16xi32>
        %broadcast_in_dim3A_1285 = vector.shape_cast %select_n3A_1284 : vector<16xi32> to vector<16x1xi32>
        %gather3A_1286 = vector.shape_cast %broadcast_in_dim3A_1285 : vector<16x1xi32> to vector<16xi32>
        %gather3A_1287 = tpu.dynamic_gather %add3A_1162[%gather3A_1286] in [0] : vector<16xf32>, vector<16xi32> -> vector<16xf32>
        %select_n3A_1288 = arith.select %lt3A_69, %add3A_1139, %gather3A_1287 : vector<16xi1>, vector<16xf32>
        %lt3A_1289 = arith.constant 0 : i32
        %lt3A_1290 = vector.broadcast %lt3A_1289 : i32 to vector<16xi32>
        %lt3A_1291 = arith.cmpi slt, %and3A_136, %lt3A_1290 : vector<16xi32>
        %add3A_1292 = arith.constant 16 : i32
        %add3A_1293 = vector.broadcast %add3A_1292 : i32 to vector<16xi32>
        %add3A_1294 = arith.addi %and3A_136, %add3A_1293 : vector<16xi32>
        %select_n3A_1295 = arith.select %lt3A_1291, %add3A_1294, %and3A_136 : vector<16xi1>, vector<16xi32>
        %broadcast_in_dim3A_1296 = vector.shape_cast %select_n3A_1295 : vector<16xi32> to vector<16x1xi32>
        %gather3A_1297 = vector.shape_cast %broadcast_in_dim3A_1296 : vector<16x1xi32> to vector<16xi32>
        %gather3A_1298 = tpu.dynamic_gather %add3A_1139[%gather3A_1297] in [0] : vector<16xf32>, vector<16xi32> -> vector<16xf32>
        %select_n3A_1299 = arith.select %lt3A_69, %gather3A_1298, %add3A_1162 : vector<16xi1>, vector<16xf32>
        %add3A_1300 = arith.addf %select_n3A_1288, %select_n3A_1299 : vector<16xf32>
        %lt3A_1301 = arith.constant 0 : i32
        %lt3A_1302 = vector.broadcast %lt3A_1301 : i32 to vector<16xi32>
        %lt3A_1303 = arith.cmpi slt, %and3A_142, %lt3A_1302 : vector<16xi32>
        %add3A_1304 = arith.constant 16 : i32
        %add3A_1305 = vector.broadcast %add3A_1304 : i32 to vector<16xi32>
        %add3A_1306 = arith.addi %and3A_142, %add3A_1305 : vector<16xi32>
        %select_n3A_1307 = arith.select %lt3A_1303, %add3A_1306, %and3A_142 : vector<16xi1>, vector<16xi32>
        %broadcast_in_dim3A_1308 = vector.shape_cast %select_n3A_1307 : vector<16xi32> to vector<16x1xi32>
        %gather3A_1309 = vector.shape_cast %broadcast_in_dim3A_1308 : vector<16x1xi32> to vector<16xi32>
        %gather3A_1310 = tpu.dynamic_gather %add3A_1208[%gather3A_1309] in [0] : vector<16xf32>, vector<16xi32> -> vector<16xf32>
        %select_n3A_1311 = arith.select %lt3A_69, %add3A_1185, %gather3A_1310 : vector<16xi1>, vector<16xf32>
        %lt3A_1312 = arith.constant 0 : i32
        %lt3A_1313 = vector.broadcast %lt3A_1312 : i32 to vector<16xi32>
        %lt3A_1314 = arith.cmpi slt, %and3A_136, %lt3A_1313 : vector<16xi32>
        %add3A_1315 = arith.constant 16 : i32
        %add3A_1316 = vector.broadcast %add3A_1315 : i32 to vector<16xi32>
        %add3A_1317 = arith.addi %and3A_136, %add3A_1316 : vector<16xi32>
        %select_n3A_1318 = arith.select %lt3A_1314, %add3A_1317, %and3A_136 : vector<16xi1>, vector<16xi32>
        %broadcast_in_dim3A_1319 = vector.shape_cast %select_n3A_1318 : vector<16xi32> to vector<16x1xi32>
        %gather3A_1320 = vector.shape_cast %broadcast_in_dim3A_1319 : vector<16x1xi32> to vector<16xi32>
        %gather3A_1321 = tpu.dynamic_gather %add3A_1185[%gather3A_1320] in [0] : vector<16xf32>, vector<16xi32> -> vector<16xf32>
        %select_n3A_1322 = arith.select %lt3A_69, %gather3A_1321, %add3A_1208 : vector<16xi1>, vector<16xf32>
        %add3A_1323 = arith.addf %select_n3A_1311, %select_n3A_1322 : vector<16xf32>
        %lt3A_1324 = arith.constant 0 : i32
        %lt3A_1325 = vector.broadcast %lt3A_1324 : i32 to vector<16xi32>
        %lt3A_1326 = arith.cmpi slt, %and3A_142, %lt3A_1325 : vector<16xi32>
        %add3A_1327 = arith.constant 16 : i32
        %add3A_1328 = vector.broadcast %add3A_1327 : i32 to vector<16xi32>
        %add3A_1329 = arith.addi %and3A_142, %add3A_1328 : vector<16xi32>
        %select_n3A_1330 = arith.select %lt3A_1326, %add3A_1329, %and3A_142 : vector<16xi1>, vector<16xi32>
        %broadcast_in_dim3A_1331 = vector.shape_cast %select_n3A_1330 : vector<16xi32> to vector<16x1xi32>
        %gather3A_1332 = vector.shape_cast %broadcast_in_dim3A_1331 : vector<16x1xi32> to vector<16xi32>
        %gather3A_1333 = tpu.dynamic_gather %add3A_1254[%gather3A_1332] in [0] : vector<16xf32>, vector<16xi32> -> vector<16xf32>
        %select_n3A_1334 = arith.select %lt3A_69, %add3A_1231, %gather3A_1333 : vector<16xi1>, vector<16xf32>
        %lt3A_1335 = arith.constant 0 : i32
        %lt3A_1336 = vector.broadcast %lt3A_1335 : i32 to vector<16xi32>
        %lt3A_1337 = arith.cmpi slt, %and3A_136, %lt3A_1336 : vector<16xi32>
        %add3A_1338 = arith.constant 16 : i32
        %add3A_1339 = vector.broadcast %add3A_1338 : i32 to vector<16xi32>
        %add3A_1340 = arith.addi %and3A_136, %add3A_1339 : vector<16xi32>
        %select_n3A_1341 = arith.select %lt3A_1337, %add3A_1340, %and3A_136 : vector<16xi1>, vector<16xi32>
        %broadcast_in_dim3A_1342 = vector.shape_cast %select_n3A_1341 : vector<16xi32> to vector<16x1xi32>
        %gather3A_1343 = vector.shape_cast %broadcast_in_dim3A_1342 : vector<16x1xi32> to vector<16xi32>
        %gather3A_1344 = tpu.dynamic_gather %add3A_1231[%gather3A_1343] in [0] : vector<16xf32>, vector<16xi32> -> vector<16xf32>
        %select_n3A_1345 = arith.select %lt3A_69, %gather3A_1344, %add3A_1254 : vector<16xi1>, vector<16xf32>
        %add3A_1346 = arith.addf %select_n3A_1334, %select_n3A_1345 : vector<16xf32>
        %lt3A_1347 = arith.constant 0 : i32
        %lt3A_1348 = vector.broadcast %lt3A_1347 : i32 to vector<16xi32>
        %lt3A_1349 = arith.cmpi slt, %and3A_154, %lt3A_1348 : vector<16xi32>
        %add3A_1350 = arith.constant 16 : i32
        %add3A_1351 = vector.broadcast %add3A_1350 : i32 to vector<16xi32>
        %add3A_1352 = arith.addi %and3A_154, %add3A_1351 : vector<16xi32>
        %select_n3A_1353 = arith.select %lt3A_1349, %add3A_1352, %and3A_154 : vector<16xi1>, vector<16xi32>
        %broadcast_in_dim3A_1354 = vector.shape_cast %select_n3A_1353 : vector<16xi32> to vector<16x1xi32>
        %gather3A_1355 = vector.shape_cast %broadcast_in_dim3A_1354 : vector<16x1xi32> to vector<16xi32>
        %gather3A_1356 = tpu.dynamic_gather %add3A_1300[%gather3A_1355] in [0] : vector<16xf32>, vector<16xi32> -> vector<16xf32>
        %select_n3A_1357 = arith.select %lt3A_94, %add3A_1277, %gather3A_1356 : vector<16xi1>, vector<16xf32>
        %lt3A_1358 = arith.constant 0 : i32
        %lt3A_1359 = vector.broadcast %lt3A_1358 : i32 to vector<16xi32>
        %lt3A_1360 = arith.cmpi slt, %and3A_148, %lt3A_1359 : vector<16xi32>
        %add3A_1361 = arith.constant 16 : i32
        %add3A_1362 = vector.broadcast %add3A_1361 : i32 to vector<16xi32>
        %add3A_1363 = arith.addi %and3A_148, %add3A_1362 : vector<16xi32>
        %select_n3A_1364 = arith.select %lt3A_1360, %add3A_1363, %and3A_148 : vector<16xi1>, vector<16xi32>
        %broadcast_in_dim3A_1365 = vector.shape_cast %select_n3A_1364 : vector<16xi32> to vector<16x1xi32>
        %gather3A_1366 = vector.shape_cast %broadcast_in_dim3A_1365 : vector<16x1xi32> to vector<16xi32>
        %gather3A_1367 = tpu.dynamic_gather %add3A_1277[%gather3A_1366] in [0] : vector<16xf32>, vector<16xi32> -> vector<16xf32>
        %select_n3A_1368 = arith.select %lt3A_94, %gather3A_1367, %add3A_1300 : vector<16xi1>, vector<16xf32>
        %add3A_1369 = arith.addf %select_n3A_1357, %select_n3A_1368 : vector<16xf32>
        %lt3A_1370 = arith.constant 0 : i32
        %lt3A_1371 = vector.broadcast %lt3A_1370 : i32 to vector<16xi32>
        %lt3A_1372 = arith.cmpi slt, %and3A_154, %lt3A_1371 : vector<16xi32>
        %add3A_1373 = arith.constant 16 : i32
        %add3A_1374 = vector.broadcast %add3A_1373 : i32 to vector<16xi32>
        %add3A_1375 = arith.addi %and3A_154, %add3A_1374 : vector<16xi32>
        %select_n3A_1376 = arith.select %lt3A_1372, %add3A_1375, %and3A_154 : vector<16xi1>, vector<16xi32>
        %broadcast_in_dim3A_1377 = vector.shape_cast %select_n3A_1376 : vector<16xi32> to vector<16x1xi32>
        %gather3A_1378 = vector.shape_cast %broadcast_in_dim3A_1377 : vector<16x1xi32> to vector<16xi32>
        %gather3A_1379 = tpu.dynamic_gather %add3A_1346[%gather3A_1378] in [0] : vector<16xf32>, vector<16xi32> -> vector<16xf32>
        %select_n3A_1380 = arith.select %lt3A_94, %add3A_1323, %gather3A_1379 : vector<16xi1>, vector<16xf32>
        %lt3A_1381 = arith.constant 0 : i32
        %lt3A_1382 = vector.broadcast %lt3A_1381 : i32 to vector<16xi32>
        %lt3A_1383 = arith.cmpi slt, %and3A_148, %lt3A_1382 : vector<16xi32>
        %add3A_1384 = arith.constant 16 : i32
        %add3A_1385 = vector.broadcast %add3A_1384 : i32 to vector<16xi32>
        %add3A_1386 = arith.addi %and3A_148, %add3A_1385 : vector<16xi32>
        %select_n3A_1387 = arith.select %lt3A_1383, %add3A_1386, %and3A_148 : vector<16xi1>, vector<16xi32>
        %broadcast_in_dim3A_1388 = vector.shape_cast %select_n3A_1387 : vector<16xi32> to vector<16x1xi32>
        %gather3A_1389 = vector.shape_cast %broadcast_in_dim3A_1388 : vector<16x1xi32> to vector<16xi32>
        %gather3A_1390 = tpu.dynamic_gather %add3A_1323[%gather3A_1389] in [0] : vector<16xf32>, vector<16xi32> -> vector<16xf32>
        %select_n3A_1391 = arith.select %lt3A_94, %gather3A_1390, %add3A_1346 : vector<16xi1>, vector<16xf32>
        %add3A_1392 = arith.addf %select_n3A_1380, %select_n3A_1391 : vector<16xf32>
        %lt3A_1393 = arith.constant 0 : i32
        %lt3A_1394 = vector.broadcast %lt3A_1393 : i32 to vector<16xi32>
        %lt3A_1395 = arith.cmpi slt, %and3A_166, %lt3A_1394 : vector<16xi32>
        %add3A_1396 = arith.constant 16 : i32
        %add3A_1397 = vector.broadcast %add3A_1396 : i32 to vector<16xi32>
        %add3A_1398 = arith.addi %and3A_166, %add3A_1397 : vector<16xi32>
        %select_n3A_1399 = arith.select %lt3A_1395, %add3A_1398, %and3A_166 : vector<16xi1>, vector<16xi32>
        %broadcast_in_dim3A_1400 = vector.shape_cast %select_n3A_1399 : vector<16xi32> to vector<16x1xi32>
        %gather3A_1401 = vector.shape_cast %broadcast_in_dim3A_1400 : vector<16x1xi32> to vector<16xi32>
        %gather3A_1402 = tpu.dynamic_gather %add3A_1392[%gather3A_1401] in [0] : vector<16xf32>, vector<16xi32> -> vector<16xf32>
        %select_n3A_1403 = arith.select %lt3A_119, %add3A_1369, %gather3A_1402 : vector<16xi1>, vector<16xf32>
        %lt3A_1404 = arith.constant 0 : i32
        %lt3A_1405 = vector.broadcast %lt3A_1404 : i32 to vector<16xi32>
        %lt3A_1406 = arith.cmpi slt, %and3A_160, %lt3A_1405 : vector<16xi32>
        %add3A_1407 = arith.constant 16 : i32
        %add3A_1408 = vector.broadcast %add3A_1407 : i32 to vector<16xi32>
        %add3A_1409 = arith.addi %and3A_160, %add3A_1408 : vector<16xi32>
        %select_n3A_1410 = arith.select %lt3A_1406, %add3A_1409, %and3A_160 : vector<16xi1>, vector<16xi32>
        %broadcast_in_dim3A_1411 = vector.shape_cast %select_n3A_1410 : vector<16xi32> to vector<16x1xi32>
        %gather3A_1412 = vector.shape_cast %broadcast_in_dim3A_1411 : vector<16x1xi32> to vector<16xi32>
        %gather3A_1413 = tpu.dynamic_gather %add3A_1369[%gather3A_1412] in [0] : vector<16xf32>, vector<16xi32> -> vector<16xf32>
        %select_n3A_1414 = arith.select %lt3A_119, %gather3A_1413, %add3A_1392 : vector<16xi1>, vector<16xf32>
        %add3A_1415 = arith.addf %select_n3A_1403, %select_n3A_1414 : vector<16xf32>
        %add3A_1416 = arith.addi %mul3A_26, %get3A_255 : vector<16xi32>
        tpu.vector_store_idx %arg10[%add3A_1416], %add3A_1415 {add = true} : memref<8208xf32, #tpu.memory_space<vmem>>[vector<16xi32>], vector<16xf32>,
      }
      %scan3A_247 = arith.constant 26 : i32
    }
    %scan3A_177 = arith.constant 7 : i32
    %add3A_178 = arith.constant 5824 : i32
    %add3A_179 = arith.addi %mul3A_2, %add3A_178 : i32
    %mul3A_180 = arith.constant 128 : i32
    %mul3A_181 = arith.muli %add3A_179, %mul3A_180 : i32
    %dma_wait3A = tpu.memref_slice %arg2[%mul3A_181] : memref<40960000xf32, #tpu.memory_space<hbm>> -> memref<53248xf32, #tpu.memory_space<hbm>>
    %dma_wait3A_182 = tpu.memref_slice %arg2[%mul3A_181] : memref<40960000xf32, #tpu.memory_space<hbm>> -> memref<53248xf32, #tpu.memory_space<hbm>>
    tpu.wait_dma2 semaphore(%arg12 : memref<!tpu.dma_semaphore, #tpu.memory_space<semaphore_mem>>) src(%dma_wait3A_182 : memref<53248xf32, #tpu.memory_space<hbm>>) dst(%arg6 : memref<53248xf32, #tpu.memory_space<vmem>>)
    %scan3A_183 = arith.constant 0 : i32
    %scan3A_184 = arith.constant 0 : i32
    %scan3A_185 = arith.constant 26 : i32
    %scan3A_186 = arith.addi %scan3A_184, %scan3A_185 : i32
    %scan3A_187 = arith.constant 1 : i32
    scf.for %scan3A_197 = %scan3A_184 to %scan3A_186 step %scan3A_187  : i32 {
      %mul3A_198 = arith.constant 16 : i32
      %mul3A_199 = arith.muli %scan3A_197, %mul3A_198 : i32
      %add3A_200 = arith.constant 5824 : i32
      %add3A_201 = arith.addi %add3A_200, %mul3A_199 : i32
      %get3A_202 = arith.index_cast %add3A_201 : i32 to index
      %get3A_203 = tpu.vector_load %arg8[%get3A_202] {strides = array<i32>} : memref<6240xi32, #tpu.memory_space<vmem>>, vector<16xi32>,
      %mul3A_204 = arith.constant 16 : i32
      %mul3A_205 = arith.muli %scan3A_197, %mul3A_204 : i32
      %add3A_206 = arith.constant 0 : i32
      %add3A_207 = arith.addi %mul3A_205, %add3A_206 : i32
      %mul3A_208 = arith.constant 128 : i32
      %mul3A_209 = arith.muli %add3A_207, %mul3A_208 : i32
      %get3A_210 = arith.index_cast %mul3A_209 : i32 to index
      %get3A_211 = tpu.vector_load %arg6[%get3A_210] {strides = array<i32>} : memref<53248xf32, #tpu.memory_space<vmem>>, vector<16xf32>,
      %mul3A_212 = arith.mulf %get3A_211, %get3A_8 : vector<16xf32>
      %add3A_213 = arith.constant 16 : i32
      %add3A_214 = arith.addi %mul3A_209, %add3A_213 : i32
      %get3A_215 = arith.index_cast %add3A_214 : i32 to index
      %get3A_216 = tpu.vector_load %arg6[%get3A_215] {strides = array<i32>} : memref<53248xf32, #tpu.memory_space<vmem>>, vector<16xf32>,
      %mul3A_217 = arith.mulf %get3A_216, %get3A_10 : vector<16xf32>
      %add3A_218 = arith.addf %mul3A_212, %mul3A_217 : vector<16xf32>
      %add3A_219 = arith.constant 32 : i32
      %add3A_220 = arith.addi %mul3A_209, %add3A_219 : i32
      %get3A_221 = arith.index_cast %add3A_220 : i32 to index
      %get3A_222 = tpu.vector_load %arg6[%get3A_221] {strides = array<i32>} : memref<53248xf32, #tpu.memory_space<vmem>>, vector<16xf32>,
      %mul3A_223 = arith.mulf %get3A_222, %get3A_12 : vector<16xf32>
      %add3A_224 = arith.addf %add3A_218, %mul3A_223 : vector<16xf32>
      %add3A_225 = arith.constant 48 : i32
      %add3A_226 = arith.addi %mul3A_209, %add3A_225 : i32
      %get3A_227 = arith.index_cast %add3A_226 : i32 to index
      %get3A_228 = tpu.vector_load %arg6[%get3A_227] {strides = array<i32>} : memref<53248xf32, #tpu.memory_space<vmem>>, vector<16xf32>,
      %mul3A_229 = arith.mulf %get3A_228, %get3A_14 : vector<16xf32>
      %add3A_230 = arith.addf %add3A_224, %mul3A_229 : vector<16xf32>
      %add3A_231 = arith.constant 64 : i32
      %add3A_232 = arith.addi %mul3A_209, %add3A_231 : i32
      %get3A_233 = arith.index_cast %add3A_232 : i32 to index
      %get3A_234 = tpu.vector_load %arg6[%get3A_233] {strides = array<i32>} : memref<53248xf32, #tpu.memory_space<vmem>>, vector<16xf32>,
      %mul3A_235 = arith.mulf %get3A_234, %get3A_16 : vector<16xf32>
      %add3A_236 = arith.addf %add3A_230, %mul3A_235 : vector<16xf32>
      %add3A_237 = arith.constant 80 : i32
      %add3A_238 = arith.addi %mul3A_209, %add3A_237 : i32
      %get3A_239 = arith.index_cast %add3A_238 : i32 to index
      %get3A_240 = tpu.vector_load %arg6[%get3A_239] {strides = array<i32>} : memref<53248xf32, #tpu.memory_space<vmem>>, vector<16xf32>,
      %mul3A_241 = arith.mulf %get3A_240, %get3A_18 : vector<16xf32>
      %add3A_242 = arith.addf %add3A_236, %mul3A_241 : vector<16xf32>
      %add3A_243 = arith.constant 96 : i32
      %add3A_244 = arith.addi %mul3A_209, %add3A_243 : i32
      %get3A_245 = arith.index_cast %add3A_244 : i32 to index
      %get3A_246 = tpu.vector_load %arg6[%get3A_245] {strides = array<i32>} : memref<53248xf32, #tpu.memory_space<vmem>>, vector<16xf32>,
      %mul3A_247 = arith.mulf %get3A_246, %get3A_20 : vector<16xf32>
      %add3A_248 = arith.addf %add3A_242, %mul3A_247 : vector<16xf32>
      %add3A_249 = arith.constant 112 : i32
      %add3A_250 = arith.addi %mul3A_209, %add3A_249 : i32
      %get3A_251 = arith.index_cast %add3A_250 : i32 to index
      %get3A_252 = tpu.vector_load %arg6[%get3A_251] {strides = array<i32>} : memref<53248xf32, #tpu.memory_space<vmem>>, vector<16xf32>,
      %mul3A_253 = arith.mulf %get3A_252, %get3A_22 : vector<16xf32>
      %add3A_254 = arith.addf %add3A_248, %mul3A_253 : vector<16xf32>
      %mul3A_255 = arith.constant 16 : i32
      %mul3A_256 = arith.muli %scan3A_197, %mul3A_255 : i32
      %add3A_257 = arith.constant 8 : i32
      %add3A_258 = arith.addi %mul3A_256, %add3A_257 : i32
      %mul3A_259 = arith.constant 128 : i32
      %mul3A_260 = arith.muli %add3A_258, %mul3A_259 : i32
      %get3A_261 = arith.index_cast %mul3A_260 : i32 to index
      %get3A_262 = tpu.vector_load %arg6[%get3A_261] {strides = array<i32>} : memref<53248xf32, #tpu.memory_space<vmem>>, vector<16xf32>,
      %mul3A_263 = arith.mulf %get3A_262, %get3A_8 : vector<16xf32>
      %add3A_264 = arith.constant 16 : i32
      %add3A_265 = arith.addi %mul3A_260, %add3A_264 : i32
      %get3A_266 = arith.index_cast %add3A_265 : i32 to index
      %get3A_267 = tpu.vector_load %arg6[%get3A_266] {strides = array<i32>} : memref<53248xf32, #tpu.memory_space<vmem>>, vector<16xf32>,
      %mul3A_268 = arith.mulf %get3A_267, %get3A_10 : vector<16xf32>
      %add3A_269 = arith.addf %mul3A_263, %mul3A_268 : vector<16xf32>
      %add3A_270 = arith.constant 32 : i32
      %add3A_271 = arith.addi %mul3A_260, %add3A_270 : i32
      %get3A_272 = arith.index_cast %add3A_271 : i32 to index
      %get3A_273 = tpu.vector_load %arg6[%get3A_272] {strides = array<i32>} : memref<53248xf32, #tpu.memory_space<vmem>>, vector<16xf32>,
      %mul3A_274 = arith.mulf %get3A_273, %get3A_12 : vector<16xf32>
      %add3A_275 = arith.addf %add3A_269, %mul3A_274 : vector<16xf32>
      %add3A_276 = arith.constant 48 : i32
      %add3A_277 = arith.addi %mul3A_260, %add3A_276 : i32
      %get3A_278 = arith.index_cast %add3A_277 : i32 to index
      %get3A_279 = tpu.vector_load %arg6[%get3A_278] {strides = array<i32>} : memref<53248xf32, #tpu.memory_space<vmem>>, vector<16xf32>,
      %mul3A_280 = arith.mulf %get3A_279, %get3A_14 : vector<16xf32>
      %add3A_281 = arith.addf %add3A_275, %mul3A_280 : vector<16xf32>
      %add3A_282 = arith.constant 64 : i32
      %add3A_283 = arith.addi %mul3A_260, %add3A_282 : i32
      %get3A_284 = arith.index_cast %add3A_283 : i32 to index
      %get3A_285 = tpu.vector_load %arg6[%get3A_284] {strides = array<i32>} : memref<53248xf32, #tpu.memory_space<vmem>>, vector<16xf32>,
      %mul3A_286 = arith.mulf %get3A_285, %get3A_16 : vector<16xf32>
      %add3A_287 = arith.addf %add3A_281, %mul3A_286 : vector<16xf32>
      %add3A_288 = arith.constant 80 : i32
      %add3A_289 = arith.addi %mul3A_260, %add3A_288 : i32
      %get3A_290 = arith.index_cast %add3A_289 : i32 to index
      %get3A_291 = tpu.vector_load %arg6[%get3A_290] {strides = array<i32>} : memref<53248xf32, #tpu.memory_space<vmem>>, vector<16xf32>,
      %mul3A_292 = arith.mulf %get3A_291, %get3A_18 : vector<16xf32>
      %add3A_293 = arith.addf %add3A_287, %mul3A_292 : vector<16xf32>
      %add3A_294 = arith.constant 96 : i32
      %add3A_295 = arith.addi %mul3A_260, %add3A_294 : i32
      %get3A_296 = arith.index_cast %add3A_295 : i32 to index
      %get3A_297 = tpu.vector_load %arg6[%get3A_296] {strides = array<i32>} : memref<53248xf32, #tpu.memory_space<vmem>>, vector<16xf32>,
      %mul3A_298 = arith.mulf %get3A_297, %get3A_20 : vector<16xf32>
      %add3A_299 = arith.addf %add3A_293, %mul3A_298 : vector<16xf32>
      %add3A_300 = arith.constant 112 : i32
      %add3A_301 = arith.addi %mul3A_260, %add3A_300 : i32
      %get3A_302 = arith.index_cast %add3A_301 : i32 to index
      %get3A_303 = tpu.vector_load %arg6[%get3A_302] {strides = array<i32>} : memref<53248xf32, #tpu.memory_space<vmem>>, vector<16xf32>,
      %mul3A_304 = arith.mulf %get3A_303, %get3A_22 : vector<16xf32>
      %add3A_305 = arith.addf %add3A_299, %mul3A_304 : vector<16xf32>
      %mul3A_306 = arith.constant 16 : i32
      %mul3A_307 = arith.muli %scan3A_197, %mul3A_306 : i32
      %add3A_308 = arith.constant 4 : i32
      %add3A_309 = arith.addi %mul3A_307, %add3A_308 : i32
      %mul3A_310 = arith.constant 128 : i32
      %mul3A_311 = arith.muli %add3A_309, %mul3A_310 : i32
      %get3A_312 = arith.index_cast %mul3A_311 : i32 to index
      %get3A_313 = tpu.vector_load %arg6[%get3A_312] {strides = array<i32>} : memref<53248xf32, #tpu.memory_space<vmem>>, vector<16xf32>,
      %mul3A_314 = arith.mulf %get3A_313, %get3A_8 : vector<16xf32>
      %add3A_315 = arith.constant 16 : i32
      %add3A_316 = arith.addi %mul3A_311, %add3A_315 : i32
      %get3A_317 = arith.index_cast %add3A_316 : i32 to index
      %get3A_318 = tpu.vector_load %arg6[%get3A_317] {strides = array<i32>} : memref<53248xf32, #tpu.memory_space<vmem>>, vector<16xf32>,
      %mul3A_319 = arith.mulf %get3A_318, %get3A_10 : vector<16xf32>
      %add3A_320 = arith.addf %mul3A_314, %mul3A_319 : vector<16xf32>
      %add3A_321 = arith.constant 32 : i32
      %add3A_322 = arith.addi %mul3A_311, %add3A_321 : i32
      %get3A_323 = arith.index_cast %add3A_322 : i32 to index
      %get3A_324 = tpu.vector_load %arg6[%get3A_323] {strides = array<i32>} : memref<53248xf32, #tpu.memory_space<vmem>>, vector<16xf32>,
      %mul3A_325 = arith.mulf %get3A_324, %get3A_12 : vector<16xf32>
      %add3A_326 = arith.addf %add3A_320, %mul3A_325 : vector<16xf32>
      %add3A_327 = arith.constant 48 : i32
      %add3A_328 = arith.addi %mul3A_311, %add3A_327 : i32
      %get3A_329 = arith.index_cast %add3A_328 : i32 to index
      %get3A_330 = tpu.vector_load %arg6[%get3A_329] {strides = array<i32>} : memref<53248xf32, #tpu.memory_space<vmem>>, vector<16xf32>,
      %mul3A_331 = arith.mulf %get3A_330, %get3A_14 : vector<16xf32>
      %add3A_332 = arith.addf %add3A_326, %mul3A_331 : vector<16xf32>
      %add3A_333 = arith.constant 64 : i32
      %add3A_334 = arith.addi %mul3A_311, %add3A_333 : i32
      %get3A_335 = arith.index_cast %add3A_334 : i32 to index
      %get3A_336 = tpu.vector_load %arg6[%get3A_335] {strides = array<i32>} : memref<53248xf32, #tpu.memory_space<vmem>>, vector<16xf32>,
      %mul3A_337 = arith.mulf %get3A_336, %get3A_16 : vector<16xf32>
      %add3A_338 = arith.addf %add3A_332, %mul3A_337 : vector<16xf32>
      %add3A_339 = arith.constant 80 : i32
      %add3A_340 = arith.addi %mul3A_311, %add3A_339 : i32
      %get3A_341 = arith.index_cast %add3A_340 : i32 to index
      %get3A_342 = tpu.vector_load %arg6[%get3A_341] {strides = array<i32>} : memref<53248xf32, #tpu.memory_space<vmem>>, vector<16xf32>,
      %mul3A_343 = arith.mulf %get3A_342, %get3A_18 : vector<16xf32>
      %add3A_344 = arith.addf %add3A_338, %mul3A_343 : vector<16xf32>
      %add3A_345 = arith.constant 96 : i32
      %add3A_346 = arith.addi %mul3A_311, %add3A_345 : i32
      %get3A_347 = arith.index_cast %add3A_346 : i32 to index
      %get3A_348 = tpu.vector_load %arg6[%get3A_347] {strides = array<i32>} : memref<53248xf32, #tpu.memory_space<vmem>>, vector<16xf32>,
      %mul3A_349 = arith.mulf %get3A_348, %get3A_20 : vector<16xf32>
      %add3A_350 = arith.addf %add3A_344, %mul3A_349 : vector<16xf32>
      %add3A_351 = arith.constant 112 : i32
      %add3A_352 = arith.addi %mul3A_311, %add3A_351 : i32
      %get3A_353 = arith.index_cast %add3A_352 : i32 to index
      %get3A_354 = tpu.vector_load %arg6[%get3A_353] {strides = array<i32>} : memref<53248xf32, #tpu.memory_space<vmem>>, vector<16xf32>,
      %mul3A_355 = arith.mulf %get3A_354, %get3A_22 : vector<16xf32>
      %add3A_356 = arith.addf %add3A_350, %mul3A_355 : vector<16xf32>
      %mul3A_357 = arith.constant 16 : i32
      %mul3A_358 = arith.muli %scan3A_197, %mul3A_357 : i32
      %add3A_359 = arith.constant 12 : i32
      %add3A_360 = arith.addi %mul3A_358, %add3A_359 : i32
      %mul3A_361 = arith.constant 128 : i32
      %mul3A_362 = arith.muli %add3A_360, %mul3A_361 : i32
      %get3A_363 = arith.index_cast %mul3A_362 : i32 to index
      %get3A_364 = tpu.vector_load %arg6[%get3A_363] {strides = array<i32>} : memref<53248xf32, #tpu.memory_space<vmem>>, vector<16xf32>,
      %mul3A_365 = arith.mulf %get3A_364, %get3A_8 : vector<16xf32>
      %add3A_366 = arith.constant 16 : i32
      %add3A_367 = arith.addi %mul3A_362, %add3A_366 : i32
      %get3A_368 = arith.index_cast %add3A_367 : i32 to index
      %get3A_369 = tpu.vector_load %arg6[%get3A_368] {strides = array<i32>} : memref<53248xf32, #tpu.memory_space<vmem>>, vector<16xf32>,
      %mul3A_370 = arith.mulf %get3A_369, %get3A_10 : vector<16xf32>
      %add3A_371 = arith.addf %mul3A_365, %mul3A_370 : vector<16xf32>
      %add3A_372 = arith.constant 32 : i32
      %add3A_373 = arith.addi %mul3A_362, %add3A_372 : i32
      %get3A_374 = arith.index_cast %add3A_373 : i32 to index
      %get3A_375 = tpu.vector_load %arg6[%get3A_374] {strides = array<i32>} : memref<53248xf32, #tpu.memory_space<vmem>>, vector<16xf32>,
      %mul3A_376 = arith.mulf %get3A_375, %get3A_12 : vector<16xf32>
      %add3A_377 = arith.addf %add3A_371, %mul3A_376 : vector<16xf32>
      %add3A_378 = arith.constant 48 : i32
      %add3A_379 = arith.addi %mul3A_362, %add3A_378 : i32
      %get3A_380 = arith.index_cast %add3A_379 : i32 to index
      %get3A_381 = tpu.vector_load %arg6[%get3A_380] {strides = array<i32>} : memref<53248xf32, #tpu.memory_space<vmem>>, vector<16xf32>,
      %mul3A_382 = arith.mulf %get3A_381, %get3A_14 : vector<16xf32>
      %add3A_383 = arith.addf %add3A_377, %mul3A_382 : vector<16xf32>
      %add3A_384 = arith.constant 64 : i32
      %add3A_385 = arith.addi %mul3A_362, %add3A_384 : i32
      %get3A_386 = arith.index_cast %add3A_385 : i32 to index
      %get3A_387 = tpu.vector_load %arg6[%get3A_386] {strides = array<i32>} : memref<53248xf32, #tpu.memory_space<vmem>>, vector<16xf32>,
      %mul3A_388 = arith.mulf %get3A_387, %get3A_16 : vector<16xf32>
      %add3A_389 = arith.addf %add3A_383, %mul3A_388 : vector<16xf32>
      %add3A_390 = arith.constant 80 : i32
      %add3A_391 = arith.addi %mul3A_362, %add3A_390 : i32
      %get3A_392 = arith.index_cast %add3A_391 : i32 to index
      %get3A_393 = tpu.vector_load %arg6[%get3A_392] {strides = array<i32>} : memref<53248xf32, #tpu.memory_space<vmem>>, vector<16xf32>,
      %mul3A_394 = arith.mulf %get3A_393, %get3A_18 : vector<16xf32>
      %add3A_395 = arith.addf %add3A_389, %mul3A_394 : vector<16xf32>
      %add3A_396 = arith.constant 96 : i32
      %add3A_397 = arith.addi %mul3A_362, %add3A_396 : i32
      %get3A_398 = arith.index_cast %add3A_397 : i32 to index
      %get3A_399 = tpu.vector_load %arg6[%get3A_398] {strides = array<i32>} : memref<53248xf32, #tpu.memory_space<vmem>>, vector<16xf32>,
      %mul3A_400 = arith.mulf %get3A_399, %get3A_20 : vector<16xf32>
      %add3A_401 = arith.addf %add3A_395, %mul3A_400 : vector<16xf32>
      %add3A_402 = arith.constant 112 : i32
      %add3A_403 = arith.addi %mul3A_362, %add3A_402 : i32
      %get3A_404 = arith.index_cast %add3A_403 : i32 to index
      %get3A_405 = tpu.vector_load %arg6[%get3A_404] {strides = array<i32>} : memref<53248xf32, #tpu.memory_space<vmem>>, vector<16xf32>,
      %mul3A_406 = arith.mulf %get3A_405, %get3A_22 : vector<16xf32>
      %add3A_407 = arith.addf %add3A_401, %mul3A_406 : vector<16xf32>
      %mul3A_408 = arith.constant 16 : i32
      %mul3A_409 = arith.muli %scan3A_197, %mul3A_408 : i32
      %add3A_410 = arith.constant 2 : i32
      %add3A_411 = arith.addi %mul3A_409, %add3A_410 : i32
      %mul3A_412 = arith.constant 128 : i32
      %mul3A_413 = arith.muli %add3A_411, %mul3A_412 : i32
      %get3A_414 = arith.index_cast %mul3A_413 : i32 to index
      %get3A_415 = tpu.vector_load %arg6[%get3A_414] {strides = array<i32>} : memref<53248xf32, #tpu.memory_space<vmem>>, vector<16xf32>,
      %mul3A_416 = arith.mulf %get3A_415, %get3A_8 : vector<16xf32>
      %add3A_417 = arith.constant 16 : i32
      %add3A_418 = arith.addi %mul3A_413, %add3A_417 : i32
      %get3A_419 = arith.index_cast %add3A_418 : i32 to index
      %get3A_420 = tpu.vector_load %arg6[%get3A_419] {strides = array<i32>} : memref<53248xf32, #tpu.memory_space<vmem>>, vector<16xf32>,
      %mul3A_421 = arith.mulf %get3A_420, %get3A_10 : vector<16xf32>
      %add3A_422 = arith.addf %mul3A_416, %mul3A_421 : vector<16xf32>
      %add3A_423 = arith.constant 32 : i32
      %add3A_424 = arith.addi %mul3A_413, %add3A_423 : i32
      %get3A_425 = arith.index_cast %add3A_424 : i32 to index
      %get3A_426 = tpu.vector_load %arg6[%get3A_425] {strides = array<i32>} : memref<53248xf32, #tpu.memory_space<vmem>>, vector<16xf32>,
      %mul3A_427 = arith.mulf %get3A_426, %get3A_12 : vector<16xf32>
      %add3A_428 = arith.addf %add3A_422, %mul3A_427 : vector<16xf32>
      %add3A_429 = arith.constant 48 : i32
      %add3A_430 = arith.addi %mul3A_413, %add3A_429 : i32
      %get3A_431 = arith.index_cast %add3A_430 : i32 to index
      %get3A_432 = tpu.vector_load %arg6[%get3A_431] {strides = array<i32>} : memref<53248xf32, #tpu.memory_space<vmem>>, vector<16xf32>,
      %mul3A_433 = arith.mulf %get3A_432, %get3A_14 : vector<16xf32>
      %add3A_434 = arith.addf %add3A_428, %mul3A_433 : vector<16xf32>
      %add3A_435 = arith.constant 64 : i32
      %add3A_436 = arith.addi %mul3A_413, %add3A_435 : i32
      %get3A_437 = arith.index_cast %add3A_436 : i32 to index
      %get3A_438 = tpu.vector_load %arg6[%get3A_437] {strides = array<i32>} : memref<53248xf32, #tpu.memory_space<vmem>>, vector<16xf32>,
      %mul3A_439 = arith.mulf %get3A_438, %get3A_16 : vector<16xf32>
      %add3A_440 = arith.addf %add3A_434, %mul3A_439 : vector<16xf32>
      %add3A_441 = arith.constant 80 : i32
      %add3A_442 = arith.addi %mul3A_413, %add3A_441 : i32
      %get3A_443 = arith.index_cast %add3A_442 : i32 to index
      %get3A_444 = tpu.vector_load %arg6[%get3A_443] {strides = array<i32>} : memref<53248xf32, #tpu.memory_space<vmem>>, vector<16xf32>,
      %mul3A_445 = arith.mulf %get3A_444, %get3A_18 : vector<16xf32>
      %add3A_446 = arith.addf %add3A_440, %mul3A_445 : vector<16xf32>
      %add3A_447 = arith.constant 96 : i32
      %add3A_448 = arith.addi %mul3A_413, %add3A_447 : i32
      %get3A_449 = arith.index_cast %add3A_448 : i32 to index
      %get3A_450 = tpu.vector_load %arg6[%get3A_449] {strides = array<i32>} : memref<53248xf32, #tpu.memory_space<vmem>>, vector<16xf32>,
      %mul3A_451 = arith.mulf %get3A_450, %get3A_20 : vector<16xf32>
      %add3A_452 = arith.addf %add3A_446, %mul3A_451 : vector<16xf32>
      %add3A_453 = arith.constant 112 : i32
      %add3A_454 = arith.addi %mul3A_413, %add3A_453 : i32
      %get3A_455 = arith.index_cast %add3A_454 : i32 to index
      %get3A_456 = tpu.vector_load %arg6[%get3A_455] {strides = array<i32>} : memref<53248xf32, #tpu.memory_space<vmem>>, vector<16xf32>,
      %mul3A_457 = arith.mulf %get3A_456, %get3A_22 : vector<16xf32>
      %add3A_458 = arith.addf %add3A_452, %mul3A_457 : vector<16xf32>
      %mul3A_459 = arith.constant 16 : i32
      %mul3A_460 = arith.muli %scan3A_197, %mul3A_459 : i32
      %add3A_461 = arith.constant 10 : i32
      %add3A_462 = arith.addi %mul3A_460, %add3A_461 : i32
      %mul3A_463 = arith.constant 128 : i32
      %mul3A_464 = arith.muli %add3A_462, %mul3A_463 : i32
      %get3A_465 = arith.index_cast %mul3A_464 : i32 to index
      %get3A_466 = tpu.vector_load %arg6[%get3A_465] {strides = array<i32>} : memref<53248xf32, #tpu.memory_space<vmem>>, vector<16xf32>,
      %mul3A_467 = arith.mulf %get3A_466, %get3A_8 : vector<16xf32>
      %add3A_468 = arith.constant 16 : i32
      %add3A_469 = arith.addi %mul3A_464, %add3A_468 : i32
      %get3A_470 = arith.index_cast %add3A_469 : i32 to index
      %get3A_471 = tpu.vector_load %arg6[%get3A_470] {strides = array<i32>} : memref<53248xf32, #tpu.memory_space<vmem>>, vector<16xf32>,
      %mul3A_472 = arith.mulf %get3A_471, %get3A_10 : vector<16xf32>
      %add3A_473 = arith.addf %mul3A_467, %mul3A_472 : vector<16xf32>
      %add3A_474 = arith.constant 32 : i32
      %add3A_475 = arith.addi %mul3A_464, %add3A_474 : i32
      %get3A_476 = arith.index_cast %add3A_475 : i32 to index
      %get3A_477 = tpu.vector_load %arg6[%get3A_476] {strides = array<i32>} : memref<53248xf32, #tpu.memory_space<vmem>>, vector<16xf32>,
      %mul3A_478 = arith.mulf %get3A_477, %get3A_12 : vector<16xf32>
      %add3A_479 = arith.addf %add3A_473, %mul3A_478 : vector<16xf32>
      %add3A_480 = arith.constant 48 : i32
      %add3A_481 = arith.addi %mul3A_464, %add3A_480 : i32
      %get3A_482 = arith.index_cast %add3A_481 : i32 to index
      %get3A_483 = tpu.vector_load %arg6[%get3A_482] {strides = array<i32>} : memref<53248xf32, #tpu.memory_space<vmem>>, vector<16xf32>,
      %mul3A_484 = arith.mulf %get3A_483, %get3A_14 : vector<16xf32>
      %add3A_485 = arith.addf %add3A_479, %mul3A_484 : vector<16xf32>
      %add3A_486 = arith.constant 64 : i32
      %add3A_487 = arith.addi %mul3A_464, %add3A_486 : i32
      %get3A_488 = arith.index_cast %add3A_487 : i32 to index
      %get3A_489 = tpu.vector_load %arg6[%get3A_488] {strides = array<i32>} : memref<53248xf32, #tpu.memory_space<vmem>>, vector<16xf32>,
      %mul3A_490 = arith.mulf %get3A_489, %get3A_16 : vector<16xf32>
      %add3A_491 = arith.addf %add3A_485, %mul3A_490 : vector<16xf32>
      %add3A_492 = arith.constant 80 : i32
      %add3A_493 = arith.addi %mul3A_464, %add3A_492 : i32
      %get3A_494 = arith.index_cast %add3A_493 : i32 to index
      %get3A_495 = tpu.vector_load %arg6[%get3A_494] {strides = array<i32>} : memref<53248xf32, #tpu.memory_space<vmem>>, vector<16xf32>,
      %mul3A_496 = arith.mulf %get3A_495, %get3A_18 : vector<16xf32>
      %add3A_497 = arith.addf %add3A_491, %mul3A_496 : vector<16xf32>
      %add3A_498 = arith.constant 96 : i32
      %add3A_499 = arith.addi %mul3A_464, %add3A_498 : i32
      %get3A_500 = arith.index_cast %add3A_499 : i32 to index
      %get3A_501 = tpu.vector_load %arg6[%get3A_500] {strides = array<i32>} : memref<53248xf32, #tpu.memory_space<vmem>>, vector<16xf32>,
      %mul3A_502 = arith.mulf %get3A_501, %get3A_20 : vector<16xf32>
      %add3A_503 = arith.addf %add3A_497, %mul3A_502 : vector<16xf32>
      %add3A_504 = arith.constant 112 : i32
      %add3A_505 = arith.addi %mul3A_464, %add3A_504 : i32
      %get3A_506 = arith.index_cast %add3A_505 : i32 to index
      %get3A_507 = tpu.vector_load %arg6[%get3A_506] {strides = array<i32>} : memref<53248xf32, #tpu.memory_space<vmem>>, vector<16xf32>,
      %mul3A_508 = arith.mulf %get3A_507, %get3A_22 : vector<16xf32>
      %add3A_509 = arith.addf %add3A_503, %mul3A_508 : vector<16xf32>
      %mul3A_510 = arith.constant 16 : i32
      %mul3A_511 = arith.muli %scan3A_197, %mul3A_510 : i32
      %add3A_512 = arith.constant 6 : i32
      %add3A_513 = arith.addi %mul3A_511, %add3A_512 : i32
      %mul3A_514 = arith.constant 128 : i32
      %mul3A_515 = arith.muli %add3A_513, %mul3A_514 : i32
      %get3A_516 = arith.index_cast %mul3A_515 : i32 to index
      %get3A_517 = tpu.vector_load %arg6[%get3A_516] {strides = array<i32>} : memref<53248xf32, #tpu.memory_space<vmem>>, vector<16xf32>,
      %mul3A_518 = arith.mulf %get3A_517, %get3A_8 : vector<16xf32>
      %add3A_519 = arith.constant 16 : i32
      %add3A_520 = arith.addi %mul3A_515, %add3A_519 : i32
      %get3A_521 = arith.index_cast %add3A_520 : i32 to index
      %get3A_522 = tpu.vector_load %arg6[%get3A_521] {strides = array<i32>} : memref<53248xf32, #tpu.memory_space<vmem>>, vector<16xf32>,
      %mul3A_523 = arith.mulf %get3A_522, %get3A_10 : vector<16xf32>
      %add3A_524 = arith.addf %mul3A_518, %mul3A_523 : vector<16xf32>
      %add3A_525 = arith.constant 32 : i32
      %add3A_526 = arith.addi %mul3A_515, %add3A_525 : i32
      %get3A_527 = arith.index_cast %add3A_526 : i32 to index
      %get3A_528 = tpu.vector_load %arg6[%get3A_527] {strides = array<i32>} : memref<53248xf32, #tpu.memory_space<vmem>>, vector<16xf32>,
      %mul3A_529 = arith.mulf %get3A_528, %get3A_12 : vector<16xf32>
      %add3A_530 = arith.addf %add3A_524, %mul3A_529 : vector<16xf32>
      %add3A_531 = arith.constant 48 : i32
      %add3A_532 = arith.addi %mul3A_515, %add3A_531 : i32
      %get3A_533 = arith.index_cast %add3A_532 : i32 to index
      %get3A_534 = tpu.vector_load %arg6[%get3A_533] {strides = array<i32>} : memref<53248xf32, #tpu.memory_space<vmem>>, vector<16xf32>,
      %mul3A_535 = arith.mulf %get3A_534, %get3A_14 : vector<16xf32>
      %add3A_536 = arith.addf %add3A_530, %mul3A_535 : vector<16xf32>
      %add3A_537 = arith.constant 64 : i32
      %add3A_538 = arith.addi %mul3A_515, %add3A_537 : i32
      %get3A_539 = arith.index_cast %add3A_538 : i32 to index
      %get3A_540 = tpu.vector_load %arg6[%get3A_539] {strides = array<i32>} : memref<53248xf32, #tpu.memory_space<vmem>>, vector<16xf32>,
      %mul3A_541 = arith.mulf %get3A_540, %get3A_16 : vector<16xf32>
      %add3A_542 = arith.addf %add3A_536, %mul3A_541 : vector<16xf32>
      %add3A_543 = arith.constant 80 : i32
      %add3A_544 = arith.addi %mul3A_515, %add3A_543 : i32
      %get3A_545 = arith.index_cast %add3A_544 : i32 to index
      %get3A_546 = tpu.vector_load %arg6[%get3A_545] {strides = array<i32>} : memref<53248xf32, #tpu.memory_space<vmem>>, vector<16xf32>,
      %mul3A_547 = arith.mulf %get3A_546, %get3A_18 : vector<16xf32>
      %add3A_548 = arith.addf %add3A_542, %mul3A_547 : vector<16xf32>
      %add3A_549 = arith.constant 96 : i32
      %add3A_550 = arith.addi %mul3A_515, %add3A_549 : i32
      %get3A_551 = arith.index_cast %add3A_550 : i32 to index
      %get3A_552 = tpu.vector_load %arg6[%get3A_551] {strides = array<i32>} : memref<53248xf32, #tpu.memory_space<vmem>>, vector<16xf32>,
      %mul3A_553 = arith.mulf %get3A_552, %get3A_20 : vector<16xf32>
      %add3A_554 = arith.addf %add3A_548, %mul3A_553 : vector<16xf32>
      %add3A_555 = arith.constant 112 : i32
      %add3A_556 = arith.addi %mul3A_515, %add3A_555 : i32
      %get3A_557 = arith.index_cast %add3A_556 : i32 to index
      %get3A_558 = tpu.vector_load %arg6[%get3A_557] {strides = array<i32>} : memref<53248xf32, #tpu.memory_space<vmem>>, vector<16xf32>,
      %mul3A_559 = arith.mulf %get3A_558, %get3A_22 : vector<16xf32>
      %add3A_560 = arith.addf %add3A_554, %mul3A_559 : vector<16xf32>
      %mul3A_561 = arith.constant 16 : i32
      %mul3A_562 = arith.muli %scan3A_197, %mul3A_561 : i32
      %add3A_563 = arith.constant 14 : i32
      %add3A_564 = arith.addi %mul3A_562, %add3A_563 : i32
      %mul3A_565 = arith.constant 128 : i32
      %mul3A_566 = arith.muli %add3A_564, %mul3A_565 : i32
      %get3A_567 = arith.index_cast %mul3A_566 : i32 to index
      %get3A_568 = tpu.vector_load %arg6[%get3A_567] {strides = array<i32>} : memref<53248xf32, #tpu.memory_space<vmem>>, vector<16xf32>,
      %mul3A_569 = arith.mulf %get3A_568, %get3A_8 : vector<16xf32>
      %add3A_570 = arith.constant 16 : i32
      %add3A_571 = arith.addi %mul3A_566, %add3A_570 : i32
      %get3A_572 = arith.index_cast %add3A_571 : i32 to index
      %get3A_573 = tpu.vector_load %arg6[%get3A_572] {strides = array<i32>} : memref<53248xf32, #tpu.memory_space<vmem>>, vector<16xf32>,
      %mul3A_574 = arith.mulf %get3A_573, %get3A_10 : vector<16xf32>
      %add3A_575 = arith.addf %mul3A_569, %mul3A_574 : vector<16xf32>
      %add3A_576 = arith.constant 32 : i32
      %add3A_577 = arith.addi %mul3A_566, %add3A_576 : i32
      %get3A_578 = arith.index_cast %add3A_577 : i32 to index
      %get3A_579 = tpu.vector_load %arg6[%get3A_578] {strides = array<i32>} : memref<53248xf32, #tpu.memory_space<vmem>>, vector<16xf32>,
      %mul3A_580 = arith.mulf %get3A_579, %get3A_12 : vector<16xf32>
      %add3A_581 = arith.addf %add3A_575, %mul3A_580 : vector<16xf32>
      %add3A_582 = arith.constant 48 : i32
      %add3A_583 = arith.addi %mul3A_566, %add3A_582 : i32
      %get3A_584 = arith.index_cast %add3A_583 : i32 to index
      %get3A_585 = tpu.vector_load %arg6[%get3A_584] {strides = array<i32>} : memref<53248xf32, #tpu.memory_space<vmem>>, vector<16xf32>,
      %mul3A_586 = arith.mulf %get3A_585, %get3A_14 : vector<16xf32>
      %add3A_587 = arith.addf %add3A_581, %mul3A_586 : vector<16xf32>
      %add3A_588 = arith.constant 64 : i32
      %add3A_589 = arith.addi %mul3A_566, %add3A_588 : i32
      %get3A_590 = arith.index_cast %add3A_589 : i32 to index
      %get3A_591 = tpu.vector_load %arg6[%get3A_590] {strides = array<i32>} : memref<53248xf32, #tpu.memory_space<vmem>>, vector<16xf32>,
      %mul3A_592 = arith.mulf %get3A_591, %get3A_16 : vector<16xf32>
      %add3A_593 = arith.addf %add3A_587, %mul3A_592 : vector<16xf32>
      %add3A_594 = arith.constant 80 : i32
      %add3A_595 = arith.addi %mul3A_566, %add3A_594 : i32
      %get3A_596 = arith.index_cast %add3A_595 : i32 to index
      %get3A_597 = tpu.vector_load %arg6[%get3A_596] {strides = array<i32>} : memref<53248xf32, #tpu.memory_space<vmem>>, vector<16xf32>,
      %mul3A_598 = arith.mulf %get3A_597, %get3A_18 : vector<16xf32>
      %add3A_599 = arith.addf %add3A_593, %mul3A_598 : vector<16xf32>
      %add3A_600 = arith.constant 96 : i32
      %add3A_601 = arith.addi %mul3A_566, %add3A_600 : i32
      %get3A_602 = arith.index_cast %add3A_601 : i32 to index
      %get3A_603 = tpu.vector_load %arg6[%get3A_602] {strides = array<i32>} : memref<53248xf32, #tpu.memory_space<vmem>>, vector<16xf32>,
      %mul3A_604 = arith.mulf %get3A_603, %get3A_20 : vector<16xf32>
      %add3A_605 = arith.addf %add3A_599, %mul3A_604 : vector<16xf32>
      %add3A_606 = arith.constant 112 : i32
      %add3A_607 = arith.addi %mul3A_566, %add3A_606 : i32
      %get3A_608 = arith.index_cast %add3A_607 : i32 to index
      %get3A_609 = tpu.vector_load %arg6[%get3A_608] {strides = array<i32>} : memref<53248xf32, #tpu.memory_space<vmem>>, vector<16xf32>,
      %mul3A_610 = arith.mulf %get3A_609, %get3A_22 : vector<16xf32>
      %add3A_611 = arith.addf %add3A_605, %mul3A_610 : vector<16xf32>
      %mul3A_612 = arith.constant 16 : i32
      %mul3A_613 = arith.muli %scan3A_197, %mul3A_612 : i32
      %add3A_614 = arith.constant 1 : i32
      %add3A_615 = arith.addi %mul3A_613, %add3A_614 : i32
      %mul3A_616 = arith.constant 128 : i32
      %mul3A_617 = arith.muli %add3A_615, %mul3A_616 : i32
      %get3A_618 = arith.index_cast %mul3A_617 : i32 to index
      %get3A_619 = tpu.vector_load %arg6[%get3A_618] {strides = array<i32>} : memref<53248xf32, #tpu.memory_space<vmem>>, vector<16xf32>,
      %mul3A_620 = arith.mulf %get3A_619, %get3A_8 : vector<16xf32>
      %add3A_621 = arith.constant 16 : i32
      %add3A_622 = arith.addi %mul3A_617, %add3A_621 : i32
      %get3A_623 = arith.index_cast %add3A_622 : i32 to index
      %get3A_624 = tpu.vector_load %arg6[%get3A_623] {strides = array<i32>} : memref<53248xf32, #tpu.memory_space<vmem>>, vector<16xf32>,
      %mul3A_625 = arith.mulf %get3A_624, %get3A_10 : vector<16xf32>
      %add3A_626 = arith.addf %mul3A_620, %mul3A_625 : vector<16xf32>
      %add3A_627 = arith.constant 32 : i32
      %add3A_628 = arith.addi %mul3A_617, %add3A_627 : i32
      %get3A_629 = arith.index_cast %add3A_628 : i32 to index
      %get3A_630 = tpu.vector_load %arg6[%get3A_629] {strides = array<i32>} : memref<53248xf32, #tpu.memory_space<vmem>>, vector<16xf32>,
      %mul3A_631 = arith.mulf %get3A_630, %get3A_12 : vector<16xf32>
      %add3A_632 = arith.addf %add3A_626, %mul3A_631 : vector<16xf32>
      %add3A_633 = arith.constant 48 : i32
      %add3A_634 = arith.addi %mul3A_617, %add3A_633 : i32
      %get3A_635 = arith.index_cast %add3A_634 : i32 to index
      %get3A_636 = tpu.vector_load %arg6[%get3A_635] {strides = array<i32>} : memref<53248xf32, #tpu.memory_space<vmem>>, vector<16xf32>,
      %mul3A_637 = arith.mulf %get3A_636, %get3A_14 : vector<16xf32>
      %add3A_638 = arith.addf %add3A_632, %mul3A_637 : vector<16xf32>
      %add3A_639 = arith.constant 64 : i32
      %add3A_640 = arith.addi %mul3A_617, %add3A_639 : i32
      %get3A_641 = arith.index_cast %add3A_640 : i32 to index
      %get3A_642 = tpu.vector_load %arg6[%get3A_641] {strides = array<i32>} : memref<53248xf32, #tpu.memory_space<vmem>>, vector<16xf32>,
      %mul3A_643 = arith.mulf %get3A_642, %get3A_16 : vector<16xf32>
      %add3A_644 = arith.addf %add3A_638, %mul3A_643 : vector<16xf32>
      %add3A_645 = arith.constant 80 : i32
      %add3A_646 = arith.addi %mul3A_617, %add3A_645 : i32
      %get3A_647 = arith.index_cast %add3A_646 : i32 to index
      %get3A_648 = tpu.vector_load %arg6[%get3A_647] {strides = array<i32>} : memref<53248xf32, #tpu.memory_space<vmem>>, vector<16xf32>,
      %mul3A_649 = arith.mulf %get3A_648, %get3A_18 : vector<16xf32>
      %add3A_650 = arith.addf %add3A_644, %mul3A_649 : vector<16xf32>
      %add3A_651 = arith.constant 96 : i32
      %add3A_652 = arith.addi %mul3A_617, %add3A_651 : i32
      %get3A_653 = arith.index_cast %add3A_652 : i32 to index
      %get3A_654 = tpu.vector_load %arg6[%get3A_653] {strides = array<i32>} : memref<53248xf32, #tpu.memory_space<vmem>>, vector<16xf32>,
      %mul3A_655 = arith.mulf %get3A_654, %get3A_20 : vector<16xf32>
      %add3A_656 = arith.addf %add3A_650, %mul3A_655 : vector<16xf32>
      %add3A_657 = arith.constant 112 : i32
      %add3A_658 = arith.addi %mul3A_617, %add3A_657 : i32
      %get3A_659 = arith.index_cast %add3A_658 : i32 to index
      %get3A_660 = tpu.vector_load %arg6[%get3A_659] {strides = array<i32>} : memref<53248xf32, #tpu.memory_space<vmem>>, vector<16xf32>,
      %mul3A_661 = arith.mulf %get3A_660, %get3A_22 : vector<16xf32>
      %add3A_662 = arith.addf %add3A_656, %mul3A_661 : vector<16xf32>
      %mul3A_663 = arith.constant 16 : i32
      %mul3A_664 = arith.muli %scan3A_197, %mul3A_663 : i32
      %add3A_665 = arith.constant 9 : i32
      %add3A_666 = arith.addi %mul3A_664, %add3A_665 : i32
      %mul3A_667 = arith.constant 128 : i32
      %mul3A_668 = arith.muli %add3A_666, %mul3A_667 : i32
      %get3A_669 = arith.index_cast %mul3A_668 : i32 to index
      %get3A_670 = tpu.vector_load %arg6[%get3A_669] {strides = array<i32>} : memref<53248xf32, #tpu.memory_space<vmem>>, vector<16xf32>,
      %mul3A_671 = arith.mulf %get3A_670, %get3A_8 : vector<16xf32>
      %add3A_672 = arith.constant 16 : i32
      %add3A_673 = arith.addi %mul3A_668, %add3A_672 : i32
      %get3A_674 = arith.index_cast %add3A_673 : i32 to index
      %get3A_675 = tpu.vector_load %arg6[%get3A_674] {strides = array<i32>} : memref<53248xf32, #tpu.memory_space<vmem>>, vector<16xf32>,
      %mul3A_676 = arith.mulf %get3A_675, %get3A_10 : vector<16xf32>
      %add3A_677 = arith.addf %mul3A_671, %mul3A_676 : vector<16xf32>
      %add3A_678 = arith.constant 32 : i32
      %add3A_679 = arith.addi %mul3A_668, %add3A_678 : i32
      %get3A_680 = arith.index_cast %add3A_679 : i32 to index
      %get3A_681 = tpu.vector_load %arg6[%get3A_680] {strides = array<i32>} : memref<53248xf32, #tpu.memory_space<vmem>>, vector<16xf32>,
      %mul3A_682 = arith.mulf %get3A_681, %get3A_12 : vector<16xf32>
      %add3A_683 = arith.addf %add3A_677, %mul3A_682 : vector<16xf32>
      %add3A_684 = arith.constant 48 : i32
      %add3A_685 = arith.addi %mul3A_668, %add3A_684 : i32
      %get3A_686 = arith.index_cast %add3A_685 : i32 to index
      %get3A_687 = tpu.vector_load %arg6[%get3A_686] {strides = array<i32>} : memref<53248xf32, #tpu.memory_space<vmem>>, vector<16xf32>,
      %mul3A_688 = arith.mulf %get3A_687, %get3A_14 : vector<16xf32>
      %add3A_689 = arith.addf %add3A_683, %mul3A_688 : vector<16xf32>
      %add3A_690 = arith.constant 64 : i32
      %add3A_691 = arith.addi %mul3A_668, %add3A_690 : i32
      %get3A_692 = arith.index_cast %add3A_691 : i32 to index
      %get3A_693 = tpu.vector_load %arg6[%get3A_692] {strides = array<i32>} : memref<53248xf32, #tpu.memory_space<vmem>>, vector<16xf32>,
      %mul3A_694 = arith.mulf %get3A_693, %get3A_16 : vector<16xf32>
      %add3A_695 = arith.addf %add3A_689, %mul3A_694 : vector<16xf32>
      %add3A_696 = arith.constant 80 : i32
      %add3A_697 = arith.addi %mul3A_668, %add3A_696 : i32
      %get3A_698 = arith.index_cast %add3A_697 : i32 to index
      %get3A_699 = tpu.vector_load %arg6[%get3A_698] {strides = array<i32>} : memref<53248xf32, #tpu.memory_space<vmem>>, vector<16xf32>,
      %mul3A_700 = arith.mulf %get3A_699, %get3A_18 : vector<16xf32>
      %add3A_701 = arith.addf %add3A_695, %mul3A_700 : vector<16xf32>
      %add3A_702 = arith.constant 96 : i32
      %add3A_703 = arith.addi %mul3A_668, %add3A_702 : i32
      %get3A_704 = arith.index_cast %add3A_703 : i32 to index
      %get3A_705 = tpu.vector_load %arg6[%get3A_704] {strides = array<i32>} : memref<53248xf32, #tpu.memory_space<vmem>>, vector<16xf32>,
      %mul3A_706 = arith.mulf %get3A_705, %get3A_20 : vector<16xf32>
      %add3A_707 = arith.addf %add3A_701, %mul3A_706 : vector<16xf32>
      %add3A_708 = arith.constant 112 : i32
      %add3A_709 = arith.addi %mul3A_668, %add3A_708 : i32
      %get3A_710 = arith.index_cast %add3A_709 : i32 to index
      %get3A_711 = tpu.vector_load %arg6[%get3A_710] {strides = array<i32>} : memref<53248xf32, #tpu.memory_space<vmem>>, vector<16xf32>,
      %mul3A_712 = arith.mulf %get3A_711, %get3A_22 : vector<16xf32>
      %add3A_713 = arith.addf %add3A_707, %mul3A_712 : vector<16xf32>
      %mul3A_714 = arith.constant 16 : i32
      %mul3A_715 = arith.muli %scan3A_197, %mul3A_714 : i32
      %add3A_716 = arith.constant 5 : i32
      %add3A_717 = arith.addi %mul3A_715, %add3A_716 : i32
      %mul3A_718 = arith.constant 128 : i32
      %mul3A_719 = arith.muli %add3A_717, %mul3A_718 : i32
      %get3A_720 = arith.index_cast %mul3A_719 : i32 to index
      %get3A_721 = tpu.vector_load %arg6[%get3A_720] {strides = array<i32>} : memref<53248xf32, #tpu.memory_space<vmem>>, vector<16xf32>,
      %mul3A_722 = arith.mulf %get3A_721, %get3A_8 : vector<16xf32>
      %add3A_723 = arith.constant 16 : i32
      %add3A_724 = arith.addi %mul3A_719, %add3A_723 : i32
      %get3A_725 = arith.index_cast %add3A_724 : i32 to index
      %get3A_726 = tpu.vector_load %arg6[%get3A_725] {strides = array<i32>} : memref<53248xf32, #tpu.memory_space<vmem>>, vector<16xf32>,
      %mul3A_727 = arith.mulf %get3A_726, %get3A_10 : vector<16xf32>
      %add3A_728 = arith.addf %mul3A_722, %mul3A_727 : vector<16xf32>
      %add3A_729 = arith.constant 32 : i32
      %add3A_730 = arith.addi %mul3A_719, %add3A_729 : i32
      %get3A_731 = arith.index_cast %add3A_730 : i32 to index
      %get3A_732 = tpu.vector_load %arg6[%get3A_731] {strides = array<i32>} : memref<53248xf32, #tpu.memory_space<vmem>>, vector<16xf32>,
      %mul3A_733 = arith.mulf %get3A_732, %get3A_12 : vector<16xf32>
      %add3A_734 = arith.addf %add3A_728, %mul3A_733 : vector<16xf32>
      %add3A_735 = arith.constant 48 : i32
      %add3A_736 = arith.addi %mul3A_719, %add3A_735 : i32
      %get3A_737 = arith.index_cast %add3A_736 : i32 to index
      %get3A_738 = tpu.vector_load %arg6[%get3A_737] {strides = array<i32>} : memref<53248xf32, #tpu.memory_space<vmem>>, vector<16xf32>,
      %mul3A_739 = arith.mulf %get3A_738, %get3A_14 : vector<16xf32>
      %add3A_740 = arith.addf %add3A_734, %mul3A_739 : vector<16xf32>
      %add3A_741 = arith.constant 64 : i32
      %add3A_742 = arith.addi %mul3A_719, %add3A_741 : i32
      %get3A_743 = arith.index_cast %add3A_742 : i32 to index
      %get3A_744 = tpu.vector_load %arg6[%get3A_743] {strides = array<i32>} : memref<53248xf32, #tpu.memory_space<vmem>>, vector<16xf32>,
      %mul3A_745 = arith.mulf %get3A_744, %get3A_16 : vector<16xf32>
      %add3A_746 = arith.addf %add3A_740, %mul3A_745 : vector<16xf32>
      %add3A_747 = arith.constant 80 : i32
      %add3A_748 = arith.addi %mul3A_719, %add3A_747 : i32
      %get3A_749 = arith.index_cast %add3A_748 : i32 to index
      %get3A_750 = tpu.vector_load %arg6[%get3A_749] {strides = array<i32>} : memref<53248xf32, #tpu.memory_space<vmem>>, vector<16xf32>,
      %mul3A_751 = arith.mulf %get3A_750, %get3A_18 : vector<16xf32>
      %add3A_752 = arith.addf %add3A_746, %mul3A_751 : vector<16xf32>
      %add3A_753 = arith.constant 96 : i32
      %add3A_754 = arith.addi %mul3A_719, %add3A_753 : i32
      %get3A_755 = arith.index_cast %add3A_754 : i32 to index
      %get3A_756 = tpu.vector_load %arg6[%get3A_755] {strides = array<i32>} : memref<53248xf32, #tpu.memory_space<vmem>>, vector<16xf32>,
      %mul3A_757 = arith.mulf %get3A_756, %get3A_20 : vector<16xf32>
      %add3A_758 = arith.addf %add3A_752, %mul3A_757 : vector<16xf32>
      %add3A_759 = arith.constant 112 : i32
      %add3A_760 = arith.addi %mul3A_719, %add3A_759 : i32
      %get3A_761 = arith.index_cast %add3A_760 : i32 to index
      %get3A_762 = tpu.vector_load %arg6[%get3A_761] {strides = array<i32>} : memref<53248xf32, #tpu.memory_space<vmem>>, vector<16xf32>,
      %mul3A_763 = arith.mulf %get3A_762, %get3A_22 : vector<16xf32>
      %add3A_764 = arith.addf %add3A_758, %mul3A_763 : vector<16xf32>
      %mul3A_765 = arith.constant 16 : i32
      %mul3A_766 = arith.muli %scan3A_197, %mul3A_765 : i32
      %add3A_767 = arith.constant 13 : i32
      %add3A_768 = arith.addi %mul3A_766, %add3A_767 : i32
      %mul3A_769 = arith.constant 128 : i32
      %mul3A_770 = arith.muli %add3A_768, %mul3A_769 : i32
      %get3A_771 = arith.index_cast %mul3A_770 : i32 to index
      %get3A_772 = tpu.vector_load %arg6[%get3A_771] {strides = array<i32>} : memref<53248xf32, #tpu.memory_space<vmem>>, vector<16xf32>,
      %mul3A_773 = arith.mulf %get3A_772, %get3A_8 : vector<16xf32>
      %add3A_774 = arith.constant 16 : i32
      %add3A_775 = arith.addi %mul3A_770, %add3A_774 : i32
      %get3A_776 = arith.index_cast %add3A_775 : i32 to index
      %get3A_777 = tpu.vector_load %arg6[%get3A_776] {strides = array<i32>} : memref<53248xf32, #tpu.memory_space<vmem>>, vector<16xf32>,
      %mul3A_778 = arith.mulf %get3A_777, %get3A_10 : vector<16xf32>
      %add3A_779 = arith.addf %mul3A_773, %mul3A_778 : vector<16xf32>
      %add3A_780 = arith.constant 32 : i32
      %add3A_781 = arith.addi %mul3A_770, %add3A_780 : i32
      %get3A_782 = arith.index_cast %add3A_781 : i32 to index
      %get3A_783 = tpu.vector_load %arg6[%get3A_782] {strides = array<i32>} : memref<53248xf32, #tpu.memory_space<vmem>>, vector<16xf32>,
      %mul3A_784 = arith.mulf %get3A_783, %get3A_12 : vector<16xf32>
      %add3A_785 = arith.addf %add3A_779, %mul3A_784 : vector<16xf32>
      %add3A_786 = arith.constant 48 : i32
      %add3A_787 = arith.addi %mul3A_770, %add3A_786 : i32
      %get3A_788 = arith.index_cast %add3A_787 : i32 to index
      %get3A_789 = tpu.vector_load %arg6[%get3A_788] {strides = array<i32>} : memref<53248xf32, #tpu.memory_space<vmem>>, vector<16xf32>,
      %mul3A_790 = arith.mulf %get3A_789, %get3A_14 : vector<16xf32>
      %add3A_791 = arith.addf %add3A_785, %mul3A_790 : vector<16xf32>
      %add3A_792 = arith.constant 64 : i32
      %add3A_793 = arith.addi %mul3A_770, %add3A_792 : i32
      %get3A_794 = arith.index_cast %add3A_793 : i32 to index
      %get3A_795 = tpu.vector_load %arg6[%get3A_794] {strides = array<i32>} : memref<53248xf32, #tpu.memory_space<vmem>>, vector<16xf32>,
      %mul3A_796 = arith.mulf %get3A_795, %get3A_16 : vector<16xf32>
      %add3A_797 = arith.addf %add3A_791, %mul3A_796 : vector<16xf32>
      %add3A_798 = arith.constant 80 : i32
      %add3A_799 = arith.addi %mul3A_770, %add3A_798 : i32
      %get3A_800 = arith.index_cast %add3A_799 : i32 to index
      %get3A_801 = tpu.vector_load %arg6[%get3A_800] {strides = array<i32>} : memref<53248xf32, #tpu.memory_space<vmem>>, vector<16xf32>,
      %mul3A_802 = arith.mulf %get3A_801, %get3A_18 : vector<16xf32>
      %add3A_803 = arith.addf %add3A_797, %mul3A_802 : vector<16xf32>
      %add3A_804 = arith.constant 96 : i32
      %add3A_805 = arith.addi %mul3A_770, %add3A_804 : i32
      %get3A_806 = arith.index_cast %add3A_805 : i32 to index
      %get3A_807 = tpu.vector_load %arg6[%get3A_806] {strides = array<i32>} : memref<53248xf32, #tpu.memory_space<vmem>>, vector<16xf32>,
      %mul3A_808 = arith.mulf %get3A_807, %get3A_20 : vector<16xf32>
      %add3A_809 = arith.addf %add3A_803, %mul3A_808 : vector<16xf32>
      %add3A_810 = arith.constant 112 : i32
      %add3A_811 = arith.addi %mul3A_770, %add3A_810 : i32
      %get3A_812 = arith.index_cast %add3A_811 : i32 to index
      %get3A_813 = tpu.vector_load %arg6[%get3A_812] {strides = array<i32>} : memref<53248xf32, #tpu.memory_space<vmem>>, vector<16xf32>,
      %mul3A_814 = arith.mulf %get3A_813, %get3A_22 : vector<16xf32>
      %add3A_815 = arith.addf %add3A_809, %mul3A_814 : vector<16xf32>
      %mul3A_816 = arith.constant 16 : i32
      %mul3A_817 = arith.muli %scan3A_197, %mul3A_816 : i32
      %add3A_818 = arith.constant 3 : i32
      %add3A_819 = arith.addi %mul3A_817, %add3A_818 : i32
      %mul3A_820 = arith.constant 128 : i32
      %mul3A_821 = arith.muli %add3A_819, %mul3A_820 : i32
      %get3A_822 = arith.index_cast %mul3A_821 : i32 to index
      %get3A_823 = tpu.vector_load %arg6[%get3A_822] {strides = array<i32>} : memref<53248xf32, #tpu.memory_space<vmem>>, vector<16xf32>,
      %mul3A_824 = arith.mulf %get3A_823, %get3A_8 : vector<16xf32>
      %add3A_825 = arith.constant 16 : i32
      %add3A_826 = arith.addi %mul3A_821, %add3A_825 : i32
      %get3A_827 = arith.index_cast %add3A_826 : i32 to index
      %get3A_828 = tpu.vector_load %arg6[%get3A_827] {strides = array<i32>} : memref<53248xf32, #tpu.memory_space<vmem>>, vector<16xf32>,
      %mul3A_829 = arith.mulf %get3A_828, %get3A_10 : vector<16xf32>
      %add3A_830 = arith.addf %mul3A_824, %mul3A_829 : vector<16xf32>
      %add3A_831 = arith.constant 32 : i32
      %add3A_832 = arith.addi %mul3A_821, %add3A_831 : i32
      %get3A_833 = arith.index_cast %add3A_832 : i32 to index
      %get3A_834 = tpu.vector_load %arg6[%get3A_833] {strides = array<i32>} : memref<53248xf32, #tpu.memory_space<vmem>>, vector<16xf32>,
      %mul3A_835 = arith.mulf %get3A_834, %get3A_12 : vector<16xf32>
      %add3A_836 = arith.addf %add3A_830, %mul3A_835 : vector<16xf32>
      %add3A_837 = arith.constant 48 : i32
      %add3A_838 = arith.addi %mul3A_821, %add3A_837 : i32
      %get3A_839 = arith.index_cast %add3A_838 : i32 to index
      %get3A_840 = tpu.vector_load %arg6[%get3A_839] {strides = array<i32>} : memref<53248xf32, #tpu.memory_space<vmem>>, vector<16xf32>,
      %mul3A_841 = arith.mulf %get3A_840, %get3A_14 : vector<16xf32>
      %add3A_842 = arith.addf %add3A_836, %mul3A_841 : vector<16xf32>
      %add3A_843 = arith.constant 64 : i32
      %add3A_844 = arith.addi %mul3A_821, %add3A_843 : i32
      %get3A_845 = arith.index_cast %add3A_844 : i32 to index
      %get3A_846 = tpu.vector_load %arg6[%get3A_845] {strides = array<i32>} : memref<53248xf32, #tpu.memory_space<vmem>>, vector<16xf32>,
      %mul3A_847 = arith.mulf %get3A_846, %get3A_16 : vector<16xf32>
      %add3A_848 = arith.addf %add3A_842, %mul3A_847 : vector<16xf32>
      %add3A_849 = arith.constant 80 : i32
      %add3A_850 = arith.addi %mul3A_821, %add3A_849 : i32
      %get3A_851 = arith.index_cast %add3A_850 : i32 to index
      %get3A_852 = tpu.vector_load %arg6[%get3A_851] {strides = array<i32>} : memref<53248xf32, #tpu.memory_space<vmem>>, vector<16xf32>,
      %mul3A_853 = arith.mulf %get3A_852, %get3A_18 : vector<16xf32>
      %add3A_854 = arith.addf %add3A_848, %mul3A_853 : vector<16xf32>
      %add3A_855 = arith.constant 96 : i32
      %add3A_856 = arith.addi %mul3A_821, %add3A_855 : i32
      %get3A_857 = arith.index_cast %add3A_856 : i32 to index
      %get3A_858 = tpu.vector_load %arg6[%get3A_857] {strides = array<i32>} : memref<53248xf32, #tpu.memory_space<vmem>>, vector<16xf32>,
      %mul3A_859 = arith.mulf %get3A_858, %get3A_20 : vector<16xf32>
      %add3A_860 = arith.addf %add3A_854, %mul3A_859 : vector<16xf32>
      %add3A_861 = arith.constant 112 : i32
      %add3A_862 = arith.addi %mul3A_821, %add3A_861 : i32
      %get3A_863 = arith.index_cast %add3A_862 : i32 to index
      %get3A_864 = tpu.vector_load %arg6[%get3A_863] {strides = array<i32>} : memref<53248xf32, #tpu.memory_space<vmem>>, vector<16xf32>,
      %mul3A_865 = arith.mulf %get3A_864, %get3A_22 : vector<16xf32>
      %add3A_866 = arith.addf %add3A_860, %mul3A_865 : vector<16xf32>
      %mul3A_867 = arith.constant 16 : i32
      %mul3A_868 = arith.muli %scan3A_197, %mul3A_867 : i32
      %add3A_869 = arith.constant 11 : i32
      %add3A_870 = arith.addi %mul3A_868, %add3A_869 : i32
      %mul3A_871 = arith.constant 128 : i32
      %mul3A_872 = arith.muli %add3A_870, %mul3A_871 : i32
      %get3A_873 = arith.index_cast %mul3A_872 : i32 to index
      %get3A_874 = tpu.vector_load %arg6[%get3A_873] {strides = array<i32>} : memref<53248xf32, #tpu.memory_space<vmem>>, vector<16xf32>,
      %mul3A_875 = arith.mulf %get3A_874, %get3A_8 : vector<16xf32>
      %add3A_876 = arith.constant 16 : i32
      %add3A_877 = arith.addi %mul3A_872, %add3A_876 : i32
      %get3A_878 = arith.index_cast %add3A_877 : i32 to index
      %get3A_879 = tpu.vector_load %arg6[%get3A_878] {strides = array<i32>} : memref<53248xf32, #tpu.memory_space<vmem>>, vector<16xf32>,
      %mul3A_880 = arith.mulf %get3A_879, %get3A_10 : vector<16xf32>
      %add3A_881 = arith.addf %mul3A_875, %mul3A_880 : vector<16xf32>
      %add3A_882 = arith.constant 32 : i32
      %add3A_883 = arith.addi %mul3A_872, %add3A_882 : i32
      %get3A_884 = arith.index_cast %add3A_883 : i32 to index
      %get3A_885 = tpu.vector_load %arg6[%get3A_884] {strides = array<i32>} : memref<53248xf32, #tpu.memory_space<vmem>>, vector<16xf32>,
      %mul3A_886 = arith.mulf %get3A_885, %get3A_12 : vector<16xf32>
      %add3A_887 = arith.addf %add3A_881, %mul3A_886 : vector<16xf32>
      %add3A_888 = arith.constant 48 : i32
      %add3A_889 = arith.addi %mul3A_872, %add3A_888 : i32
      %get3A_890 = arith.index_cast %add3A_889 : i32 to index
      %get3A_891 = tpu.vector_load %arg6[%get3A_890] {strides = array<i32>} : memref<53248xf32, #tpu.memory_space<vmem>>, vector<16xf32>,
      %mul3A_892 = arith.mulf %get3A_891, %get3A_14 : vector<16xf32>
      %add3A_893 = arith.addf %add3A_887, %mul3A_892 : vector<16xf32>
      %add3A_894 = arith.constant 64 : i32
      %add3A_895 = arith.addi %mul3A_872, %add3A_894 : i32
      %get3A_896 = arith.index_cast %add3A_895 : i32 to index
      %get3A_897 = tpu.vector_load %arg6[%get3A_896] {strides = array<i32>} : memref<53248xf32, #tpu.memory_space<vmem>>, vector<16xf32>,
      %mul3A_898 = arith.mulf %get3A_897, %get3A_16 : vector<16xf32>
      %add3A_899 = arith.addf %add3A_893, %mul3A_898 : vector<16xf32>
      %add3A_900 = arith.constant 80 : i32
      %add3A_901 = arith.addi %mul3A_872, %add3A_900 : i32
      %get3A_902 = arith.index_cast %add3A_901 : i32 to index
      %get3A_903 = tpu.vector_load %arg6[%get3A_902] {strides = array<i32>} : memref<53248xf32, #tpu.memory_space<vmem>>, vector<16xf32>,
      %mul3A_904 = arith.mulf %get3A_903, %get3A_18 : vector<16xf32>
      %add3A_905 = arith.addf %add3A_899, %mul3A_904 : vector<16xf32>
      %add3A_906 = arith.constant 96 : i32
      %add3A_907 = arith.addi %mul3A_872, %add3A_906 : i32
      %get3A_908 = arith.index_cast %add3A_907 : i32 to index
      %get3A_909 = tpu.vector_load %arg6[%get3A_908] {strides = array<i32>} : memref<53248xf32, #tpu.memory_space<vmem>>, vector<16xf32>,
      %mul3A_910 = arith.mulf %get3A_909, %get3A_20 : vector<16xf32>
      %add3A_911 = arith.addf %add3A_905, %mul3A_910 : vector<16xf32>
      %add3A_912 = arith.constant 112 : i32
      %add3A_913 = arith.addi %mul3A_872, %add3A_912 : i32
      %get3A_914 = arith.index_cast %add3A_913 : i32 to index
      %get3A_915 = tpu.vector_load %arg6[%get3A_914] {strides = array<i32>} : memref<53248xf32, #tpu.memory_space<vmem>>, vector<16xf32>,
      %mul3A_916 = arith.mulf %get3A_915, %get3A_22 : vector<16xf32>
      %add3A_917 = arith.addf %add3A_911, %mul3A_916 : vector<16xf32>
      %mul3A_918 = arith.constant 16 : i32
      %mul3A_919 = arith.muli %scan3A_197, %mul3A_918 : i32
      %add3A_920 = arith.constant 7 : i32
      %add3A_921 = arith.addi %mul3A_919, %add3A_920 : i32
      %mul3A_922 = arith.constant 128 : i32
      %mul3A_923 = arith.muli %add3A_921, %mul3A_922 : i32
      %get3A_924 = arith.index_cast %mul3A_923 : i32 to index
      %get3A_925 = tpu.vector_load %arg6[%get3A_924] {strides = array<i32>} : memref<53248xf32, #tpu.memory_space<vmem>>, vector<16xf32>,
      %mul3A_926 = arith.mulf %get3A_925, %get3A_8 : vector<16xf32>
      %add3A_927 = arith.constant 16 : i32
      %add3A_928 = arith.addi %mul3A_923, %add3A_927 : i32
      %get3A_929 = arith.index_cast %add3A_928 : i32 to index
      %get3A_930 = tpu.vector_load %arg6[%get3A_929] {strides = array<i32>} : memref<53248xf32, #tpu.memory_space<vmem>>, vector<16xf32>,
      %mul3A_931 = arith.mulf %get3A_930, %get3A_10 : vector<16xf32>
      %add3A_932 = arith.addf %mul3A_926, %mul3A_931 : vector<16xf32>
      %add3A_933 = arith.constant 32 : i32
      %add3A_934 = arith.addi %mul3A_923, %add3A_933 : i32
      %get3A_935 = arith.index_cast %add3A_934 : i32 to index
      %get3A_936 = tpu.vector_load %arg6[%get3A_935] {strides = array<i32>} : memref<53248xf32, #tpu.memory_space<vmem>>, vector<16xf32>,
      %mul3A_937 = arith.mulf %get3A_936, %get3A_12 : vector<16xf32>
      %add3A_938 = arith.addf %add3A_932, %mul3A_937 : vector<16xf32>
      %add3A_939 = arith.constant 48 : i32
      %add3A_940 = arith.addi %mul3A_923, %add3A_939 : i32
      %get3A_941 = arith.index_cast %add3A_940 : i32 to index
      %get3A_942 = tpu.vector_load %arg6[%get3A_941] {strides = array<i32>} : memref<53248xf32, #tpu.memory_space<vmem>>, vector<16xf32>,
      %mul3A_943 = arith.mulf %get3A_942, %get3A_14 : vector<16xf32>
      %add3A_944 = arith.addf %add3A_938, %mul3A_943 : vector<16xf32>
      %add3A_945 = arith.constant 64 : i32
      %add3A_946 = arith.addi %mul3A_923, %add3A_945 : i32
      %get3A_947 = arith.index_cast %add3A_946 : i32 to index
      %get3A_948 = tpu.vector_load %arg6[%get3A_947] {strides = array<i32>} : memref<53248xf32, #tpu.memory_space<vmem>>, vector<16xf32>,
      %mul3A_949 = arith.mulf %get3A_948, %get3A_16 : vector<16xf32>
      %add3A_950 = arith.addf %add3A_944, %mul3A_949 : vector<16xf32>
      %add3A_951 = arith.constant 80 : i32
      %add3A_952 = arith.addi %mul3A_923, %add3A_951 : i32
      %get3A_953 = arith.index_cast %add3A_952 : i32 to index
      %get3A_954 = tpu.vector_load %arg6[%get3A_953] {strides = array<i32>} : memref<53248xf32, #tpu.memory_space<vmem>>, vector<16xf32>,
      %mul3A_955 = arith.mulf %get3A_954, %get3A_18 : vector<16xf32>
      %add3A_956 = arith.addf %add3A_950, %mul3A_955 : vector<16xf32>
      %add3A_957 = arith.constant 96 : i32
      %add3A_958 = arith.addi %mul3A_923, %add3A_957 : i32
      %get3A_959 = arith.index_cast %add3A_958 : i32 to index
      %get3A_960 = tpu.vector_load %arg6[%get3A_959] {strides = array<i32>} : memref<53248xf32, #tpu.memory_space<vmem>>, vector<16xf32>,
      %mul3A_961 = arith.mulf %get3A_960, %get3A_20 : vector<16xf32>
      %add3A_962 = arith.addf %add3A_956, %mul3A_961 : vector<16xf32>
      %add3A_963 = arith.constant 112 : i32
      %add3A_964 = arith.addi %mul3A_923, %add3A_963 : i32
      %get3A_965 = arith.index_cast %add3A_964 : i32 to index
      %get3A_966 = tpu.vector_load %arg6[%get3A_965] {strides = array<i32>} : memref<53248xf32, #tpu.memory_space<vmem>>, vector<16xf32>,
      %mul3A_967 = arith.mulf %get3A_966, %get3A_22 : vector<16xf32>
      %add3A_968 = arith.addf %add3A_962, %mul3A_967 : vector<16xf32>
      %mul3A_969 = arith.constant 16 : i32
      %mul3A_970 = arith.muli %scan3A_197, %mul3A_969 : i32
      %add3A_971 = arith.constant 15 : i32
      %add3A_972 = arith.addi %mul3A_970, %add3A_971 : i32
      %mul3A_973 = arith.constant 128 : i32
      %mul3A_974 = arith.muli %add3A_972, %mul3A_973 : i32
      %get3A_975 = arith.index_cast %mul3A_974 : i32 to index
      %get3A_976 = tpu.vector_load %arg6[%get3A_975] {strides = array<i32>} : memref<53248xf32, #tpu.memory_space<vmem>>, vector<16xf32>,
      %mul3A_977 = arith.mulf %get3A_976, %get3A_8 : vector<16xf32>
      %add3A_978 = arith.constant 16 : i32
      %add3A_979 = arith.addi %mul3A_974, %add3A_978 : i32
      %get3A_980 = arith.index_cast %add3A_979 : i32 to index
      %get3A_981 = tpu.vector_load %arg6[%get3A_980] {strides = array<i32>} : memref<53248xf32, #tpu.memory_space<vmem>>, vector<16xf32>,
      %mul3A_982 = arith.mulf %get3A_981, %get3A_10 : vector<16xf32>
      %add3A_983 = arith.addf %mul3A_977, %mul3A_982 : vector<16xf32>
      %add3A_984 = arith.constant 32 : i32
      %add3A_985 = arith.addi %mul3A_974, %add3A_984 : i32
      %get3A_986 = arith.index_cast %add3A_985 : i32 to index
      %get3A_987 = tpu.vector_load %arg6[%get3A_986] {strides = array<i32>} : memref<53248xf32, #tpu.memory_space<vmem>>, vector<16xf32>,
      %mul3A_988 = arith.mulf %get3A_987, %get3A_12 : vector<16xf32>
      %add3A_989 = arith.addf %add3A_983, %mul3A_988 : vector<16xf32>
      %add3A_990 = arith.constant 48 : i32
      %add3A_991 = arith.addi %mul3A_974, %add3A_990 : i32
      %get3A_992 = arith.index_cast %add3A_991 : i32 to index
      %get3A_993 = tpu.vector_load %arg6[%get3A_992] {strides = array<i32>} : memref<53248xf32, #tpu.memory_space<vmem>>, vector<16xf32>,
      %mul3A_994 = arith.mulf %get3A_993, %get3A_14 : vector<16xf32>
      %add3A_995 = arith.addf %add3A_989, %mul3A_994 : vector<16xf32>
      %add3A_996 = arith.constant 64 : i32
      %add3A_997 = arith.addi %mul3A_974, %add3A_996 : i32
      %get3A_998 = arith.index_cast %add3A_997 : i32 to index
      %get3A_999 = tpu.vector_load %arg6[%get3A_998] {strides = array<i32>} : memref<53248xf32, #tpu.memory_space<vmem>>, vector<16xf32>,
      %mul3A_1000 = arith.mulf %get3A_999, %get3A_16 : vector<16xf32>
      %add3A_1001 = arith.addf %add3A_995, %mul3A_1000 : vector<16xf32>
      %add3A_1002 = arith.constant 80 : i32
      %add3A_1003 = arith.addi %mul3A_974, %add3A_1002 : i32
      %get3A_1004 = arith.index_cast %add3A_1003 : i32 to index
      %get3A_1005 = tpu.vector_load %arg6[%get3A_1004] {strides = array<i32>} : memref<53248xf32, #tpu.memory_space<vmem>>, vector<16xf32>,
      %mul3A_1006 = arith.mulf %get3A_1005, %get3A_18 : vector<16xf32>
      %add3A_1007 = arith.addf %add3A_1001, %mul3A_1006 : vector<16xf32>
      %add3A_1008 = arith.constant 96 : i32
      %add3A_1009 = arith.addi %mul3A_974, %add3A_1008 : i32
      %get3A_1010 = arith.index_cast %add3A_1009 : i32 to index
      %get3A_1011 = tpu.vector_load %arg6[%get3A_1010] {strides = array<i32>} : memref<53248xf32, #tpu.memory_space<vmem>>, vector<16xf32>,
      %mul3A_1012 = arith.mulf %get3A_1011, %get3A_20 : vector<16xf32>
      %add3A_1013 = arith.addf %add3A_1007, %mul3A_1012 : vector<16xf32>
      %add3A_1014 = arith.constant 112 : i32
      %add3A_1015 = arith.addi %mul3A_974, %add3A_1014 : i32
      %get3A_1016 = arith.index_cast %add3A_1015 : i32 to index
      %get3A_1017 = tpu.vector_load %arg6[%get3A_1016] {strides = array<i32>} : memref<53248xf32, #tpu.memory_space<vmem>>, vector<16xf32>,
      %mul3A_1018 = arith.mulf %get3A_1017, %get3A_22 : vector<16xf32>
      %add3A_1019 = arith.addf %add3A_1013, %mul3A_1018 : vector<16xf32>
      %lt3A_1020 = arith.constant 0 : i32
      %lt3A_1021 = vector.broadcast %lt3A_1020 : i32 to vector<16xi32>
      %lt3A_1022 = arith.cmpi slt, %and3A_130, %lt3A_1021 : vector<16xi32>
      %add3A_1023 = arith.constant 16 : i32
      %add3A_1024 = vector.broadcast %add3A_1023 : i32 to vector<16xi32>
      %add3A_1025 = arith.addi %and3A_130, %add3A_1024 : vector<16xi32>
      %select_n3A_1026 = arith.select %lt3A_1022, %add3A_1025, %and3A_130 : vector<16xi1>, vector<16xi32>
      %broadcast_in_dim3A_1027 = vector.shape_cast %select_n3A_1026 : vector<16xi32> to vector<16x1xi32>
      %gather3A = vector.shape_cast %broadcast_in_dim3A_1027 : vector<16x1xi32> to vector<16xi32>
      %gather3A_1028 = tpu.dynamic_gather %add3A_305[%gather3A] in [0] : vector<16xf32>, vector<16xi32> -> vector<16xf32>
      %select_n3A_1029 = arith.select %lt3A_44, %add3A_254, %gather3A_1028 : vector<16xi1>, vector<16xf32>
      %lt3A_1030 = arith.constant 0 : i32
      %lt3A_1031 = vector.broadcast %lt3A_1030 : i32 to vector<16xi32>
      %lt3A_1032 = arith.cmpi slt, %and3A_125, %lt3A_1031 : vector<16xi32>
      %add3A_1033 = arith.constant 16 : i32
      %add3A_1034 = vector.broadcast %add3A_1033 : i32 to vector<16xi32>
      %add3A_1035 = arith.addi %and3A_125, %add3A_1034 : vector<16xi32>
      %select_n3A_1036 = arith.select %lt3A_1032, %add3A_1035, %and3A_125 : vector<16xi1>, vector<16xi32>
      %broadcast_in_dim3A_1037 = vector.shape_cast %select_n3A_1036 : vector<16xi32> to vector<16x1xi32>
      %gather3A_1038 = vector.shape_cast %broadcast_in_dim3A_1037 : vector<16x1xi32> to vector<16xi32>
      %gather3A_1039 = tpu.dynamic_gather %add3A_254[%gather3A_1038] in [0] : vector<16xf32>, vector<16xi32> -> vector<16xf32>
      %select_n3A_1040 = arith.select %lt3A_44, %gather3A_1039, %add3A_305 : vector<16xi1>, vector<16xf32>
      %add3A_1041 = arith.addf %select_n3A_1029, %select_n3A_1040 : vector<16xf32>
      %lt3A_1042 = arith.constant 0 : i32
      %lt3A_1043 = vector.broadcast %lt3A_1042 : i32 to vector<16xi32>
      %lt3A_1044 = arith.cmpi slt, %and3A_130, %lt3A_1043 : vector<16xi32>
      %add3A_1045 = arith.constant 16 : i32
      %add3A_1046 = vector.broadcast %add3A_1045 : i32 to vector<16xi32>
      %add3A_1047 = arith.addi %and3A_130, %add3A_1046 : vector<16xi32>
      %select_n3A_1048 = arith.select %lt3A_1044, %add3A_1047, %and3A_130 : vector<16xi1>, vector<16xi32>
      %broadcast_in_dim3A_1049 = vector.shape_cast %select_n3A_1048 : vector<16xi32> to vector<16x1xi32>
      %gather3A_1050 = vector.shape_cast %broadcast_in_dim3A_1049 : vector<16x1xi32> to vector<16xi32>
      %gather3A_1051 = tpu.dynamic_gather %add3A_407[%gather3A_1050] in [0] : vector<16xf32>, vector<16xi32> -> vector<16xf32>
      %select_n3A_1052 = arith.select %lt3A_44, %add3A_356, %gather3A_1051 : vector<16xi1>, vector<16xf32>
      %lt3A_1053 = arith.constant 0 : i32
      %lt3A_1054 = vector.broadcast %lt3A_1053 : i32 to vector<16xi32>
      %lt3A_1055 = arith.cmpi slt, %and3A_125, %lt3A_1054 : vector<16xi32>
      %add3A_1056 = arith.constant 16 : i32
      %add3A_1057 = vector.broadcast %add3A_1056 : i32 to vector<16xi32>
      %add3A_1058 = arith.addi %and3A_125, %add3A_1057 : vector<16xi32>
      %select_n3A_1059 = arith.select %lt3A_1055, %add3A_1058, %and3A_125 : vector<16xi1>, vector<16xi32>
      %broadcast_in_dim3A_1060 = vector.shape_cast %select_n3A_1059 : vector<16xi32> to vector<16x1xi32>
      %gather3A_1061 = vector.shape_cast %broadcast_in_dim3A_1060 : vector<16x1xi32> to vector<16xi32>
      %gather3A_1062 = tpu.dynamic_gather %add3A_356[%gather3A_1061] in [0] : vector<16xf32>, vector<16xi32> -> vector<16xf32>
      %select_n3A_1063 = arith.select %lt3A_44, %gather3A_1062, %add3A_407 : vector<16xi1>, vector<16xf32>
      %add3A_1064 = arith.addf %select_n3A_1052, %select_n3A_1063 : vector<16xf32>
      %lt3A_1065 = arith.constant 0 : i32
      %lt3A_1066 = vector.broadcast %lt3A_1065 : i32 to vector<16xi32>
      %lt3A_1067 = arith.cmpi slt, %and3A_130, %lt3A_1066 : vector<16xi32>
      %add3A_1068 = arith.constant 16 : i32
      %add3A_1069 = vector.broadcast %add3A_1068 : i32 to vector<16xi32>
      %add3A_1070 = arith.addi %and3A_130, %add3A_1069 : vector<16xi32>
      %select_n3A_1071 = arith.select %lt3A_1067, %add3A_1070, %and3A_130 : vector<16xi1>, vector<16xi32>
      %broadcast_in_dim3A_1072 = vector.shape_cast %select_n3A_1071 : vector<16xi32> to vector<16x1xi32>
      %gather3A_1073 = vector.shape_cast %broadcast_in_dim3A_1072 : vector<16x1xi32> to vector<16xi32>
      %gather3A_1074 = tpu.dynamic_gather %add3A_509[%gather3A_1073] in [0] : vector<16xf32>, vector<16xi32> -> vector<16xf32>
      %select_n3A_1075 = arith.select %lt3A_44, %add3A_458, %gather3A_1074 : vector<16xi1>, vector<16xf32>
      %lt3A_1076 = arith.constant 0 : i32
      %lt3A_1077 = vector.broadcast %lt3A_1076 : i32 to vector<16xi32>
      %lt3A_1078 = arith.cmpi slt, %and3A_125, %lt3A_1077 : vector<16xi32>
      %add3A_1079 = arith.constant 16 : i32
      %add3A_1080 = vector.broadcast %add3A_1079 : i32 to vector<16xi32>
      %add3A_1081 = arith.addi %and3A_125, %add3A_1080 : vector<16xi32>
      %select_n3A_1082 = arith.select %lt3A_1078, %add3A_1081, %and3A_125 : vector<16xi1>, vector<16xi32>
      %broadcast_in_dim3A_1083 = vector.shape_cast %select_n3A_1082 : vector<16xi32> to vector<16x1xi32>
      %gather3A_1084 = vector.shape_cast %broadcast_in_dim3A_1083 : vector<16x1xi32> to vector<16xi32>
      %gather3A_1085 = tpu.dynamic_gather %add3A_458[%gather3A_1084] in [0] : vector<16xf32>, vector<16xi32> -> vector<16xf32>
      %select_n3A_1086 = arith.select %lt3A_44, %gather3A_1085, %add3A_509 : vector<16xi1>, vector<16xf32>
      %add3A_1087 = arith.addf %select_n3A_1075, %select_n3A_1086 : vector<16xf32>
      %lt3A_1088 = arith.constant 0 : i32
      %lt3A_1089 = vector.broadcast %lt3A_1088 : i32 to vector<16xi32>
      %lt3A_1090 = arith.cmpi slt, %and3A_130, %lt3A_1089 : vector<16xi32>
      %add3A_1091 = arith.constant 16 : i32
      %add3A_1092 = vector.broadcast %add3A_1091 : i32 to vector<16xi32>
      %add3A_1093 = arith.addi %and3A_130, %add3A_1092 : vector<16xi32>
      %select_n3A_1094 = arith.select %lt3A_1090, %add3A_1093, %and3A_130 : vector<16xi1>, vector<16xi32>
      %broadcast_in_dim3A_1095 = vector.shape_cast %select_n3A_1094 : vector<16xi32> to vector<16x1xi32>
      %gather3A_1096 = vector.shape_cast %broadcast_in_dim3A_1095 : vector<16x1xi32> to vector<16xi32>
      %gather3A_1097 = tpu.dynamic_gather %add3A_611[%gather3A_1096] in [0] : vector<16xf32>, vector<16xi32> -> vector<16xf32>
      %select_n3A_1098 = arith.select %lt3A_44, %add3A_560, %gather3A_1097 : vector<16xi1>, vector<16xf32>
      %lt3A_1099 = arith.constant 0 : i32
      %lt3A_1100 = vector.broadcast %lt3A_1099 : i32 to vector<16xi32>
      %lt3A_1101 = arith.cmpi slt, %and3A_125, %lt3A_1100 : vector<16xi32>
      %add3A_1102 = arith.constant 16 : i32
      %add3A_1103 = vector.broadcast %add3A_1102 : i32 to vector<16xi32>
      %add3A_1104 = arith.addi %and3A_125, %add3A_1103 : vector<16xi32>
      %select_n3A_1105 = arith.select %lt3A_1101, %add3A_1104, %and3A_125 : vector<16xi1>, vector<16xi32>
      %broadcast_in_dim3A_1106 = vector.shape_cast %select_n3A_1105 : vector<16xi32> to vector<16x1xi32>
      %gather3A_1107 = vector.shape_cast %broadcast_in_dim3A_1106 : vector<16x1xi32> to vector<16xi32>
      %gather3A_1108 = tpu.dynamic_gather %add3A_560[%gather3A_1107] in [0] : vector<16xf32>, vector<16xi32> -> vector<16xf32>
      %select_n3A_1109 = arith.select %lt3A_44, %gather3A_1108, %add3A_611 : vector<16xi1>, vector<16xf32>
      %add3A_1110 = arith.addf %select_n3A_1098, %select_n3A_1109 : vector<16xf32>
      %lt3A_1111 = arith.constant 0 : i32
      %lt3A_1112 = vector.broadcast %lt3A_1111 : i32 to vector<16xi32>
      %lt3A_1113 = arith.cmpi slt, %and3A_130, %lt3A_1112 : vector<16xi32>
      %add3A_1114 = arith.constant 16 : i32
      %add3A_1115 = vector.broadcast %add3A_1114 : i32 to vector<16xi32>
      %add3A_1116 = arith.addi %and3A_130, %add3A_1115 : vector<16xi32>
      %select_n3A_1117 = arith.select %lt3A_1113, %add3A_1116, %and3A_130 : vector<16xi1>, vector<16xi32>
      %broadcast_in_dim3A_1118 = vector.shape_cast %select_n3A_1117 : vector<16xi32> to vector<16x1xi32>
      %gather3A_1119 = vector.shape_cast %broadcast_in_dim3A_1118 : vector<16x1xi32> to vector<16xi32>
      %gather3A_1120 = tpu.dynamic_gather %add3A_713[%gather3A_1119] in [0] : vector<16xf32>, vector<16xi32> -> vector<16xf32>
      %select_n3A_1121 = arith.select %lt3A_44, %add3A_662, %gather3A_1120 : vector<16xi1>, vector<16xf32>
      %lt3A_1122 = arith.constant 0 : i32
      %lt3A_1123 = vector.broadcast %lt3A_1122 : i32 to vector<16xi32>
      %lt3A_1124 = arith.cmpi slt, %and3A_125, %lt3A_1123 : vector<16xi32>
      %add3A_1125 = arith.constant 16 : i32
      %add3A_1126 = vector.broadcast %add3A_1125 : i32 to vector<16xi32>
      %add3A_1127 = arith.addi %and3A_125, %add3A_1126 : vector<16xi32>
      %select_n3A_1128 = arith.select %lt3A_1124, %add3A_1127, %and3A_125 : vector<16xi1>, vector<16xi32>
      %broadcast_in_dim3A_1129 = vector.shape_cast %select_n3A_1128 : vector<16xi32> to vector<16x1xi32>
      %gather3A_1130 = vector.shape_cast %broadcast_in_dim3A_1129 : vector<16x1xi32> to vector<16xi32>
      %gather3A_1131 = tpu.dynamic_gather %add3A_662[%gather3A_1130] in [0] : vector<16xf32>, vector<16xi32> -> vector<16xf32>
      %select_n3A_1132 = arith.select %lt3A_44, %gather3A_1131, %add3A_713 : vector<16xi1>, vector<16xf32>
      %add3A_1133 = arith.addf %select_n3A_1121, %select_n3A_1132 : vector<16xf32>
      %lt3A_1134 = arith.constant 0 : i32
      %lt3A_1135 = vector.broadcast %lt3A_1134 : i32 to vector<16xi32>
      %lt3A_1136 = arith.cmpi slt, %and3A_130, %lt3A_1135 : vector<16xi32>
      %add3A_1137 = arith.constant 16 : i32
      %add3A_1138 = vector.broadcast %add3A_1137 : i32 to vector<16xi32>
      %add3A_1139 = arith.addi %and3A_130, %add3A_1138 : vector<16xi32>
      %select_n3A_1140 = arith.select %lt3A_1136, %add3A_1139, %and3A_130 : vector<16xi1>, vector<16xi32>
      %broadcast_in_dim3A_1141 = vector.shape_cast %select_n3A_1140 : vector<16xi32> to vector<16x1xi32>
      %gather3A_1142 = vector.shape_cast %broadcast_in_dim3A_1141 : vector<16x1xi32> to vector<16xi32>
      %gather3A_1143 = tpu.dynamic_gather %add3A_815[%gather3A_1142] in [0] : vector<16xf32>, vector<16xi32> -> vector<16xf32>
      %select_n3A_1144 = arith.select %lt3A_44, %add3A_764, %gather3A_1143 : vector<16xi1>, vector<16xf32>
      %lt3A_1145 = arith.constant 0 : i32
      %lt3A_1146 = vector.broadcast %lt3A_1145 : i32 to vector<16xi32>
      %lt3A_1147 = arith.cmpi slt, %and3A_125, %lt3A_1146 : vector<16xi32>
      %add3A_1148 = arith.constant 16 : i32
      %add3A_1149 = vector.broadcast %add3A_1148 : i32 to vector<16xi32>
      %add3A_1150 = arith.addi %and3A_125, %add3A_1149 : vector<16xi32>
      %select_n3A_1151 = arith.select %lt3A_1147, %add3A_1150, %and3A_125 : vector<16xi1>, vector<16xi32>
      %broadcast_in_dim3A_1152 = vector.shape_cast %select_n3A_1151 : vector<16xi32> to vector<16x1xi32>
      %gather3A_1153 = vector.shape_cast %broadcast_in_dim3A_1152 : vector<16x1xi32> to vector<16xi32>
      %gather3A_1154 = tpu.dynamic_gather %add3A_764[%gather3A_1153] in [0] : vector<16xf32>, vector<16xi32> -> vector<16xf32>
      %select_n3A_1155 = arith.select %lt3A_44, %gather3A_1154, %add3A_815 : vector<16xi1>, vector<16xf32>
      %add3A_1156 = arith.addf %select_n3A_1144, %select_n3A_1155 : vector<16xf32>
      %lt3A_1157 = arith.constant 0 : i32
      %lt3A_1158 = vector.broadcast %lt3A_1157 : i32 to vector<16xi32>
      %lt3A_1159 = arith.cmpi slt, %and3A_130, %lt3A_1158 : vector<16xi32>
      %add3A_1160 = arith.constant 16 : i32
      %add3A_1161 = vector.broadcast %add3A_1160 : i32 to vector<16xi32>
      %add3A_1162 = arith.addi %and3A_130, %add3A_1161 : vector<16xi32>
      %select_n3A_1163 = arith.select %lt3A_1159, %add3A_1162, %and3A_130 : vector<16xi1>, vector<16xi32>
      %broadcast_in_dim3A_1164 = vector.shape_cast %select_n3A_1163 : vector<16xi32> to vector<16x1xi32>
      %gather3A_1165 = vector.shape_cast %broadcast_in_dim3A_1164 : vector<16x1xi32> to vector<16xi32>
      %gather3A_1166 = tpu.dynamic_gather %add3A_917[%gather3A_1165] in [0] : vector<16xf32>, vector<16xi32> -> vector<16xf32>
      %select_n3A_1167 = arith.select %lt3A_44, %add3A_866, %gather3A_1166 : vector<16xi1>, vector<16xf32>
      %lt3A_1168 = arith.constant 0 : i32
      %lt3A_1169 = vector.broadcast %lt3A_1168 : i32 to vector<16xi32>
      %lt3A_1170 = arith.cmpi slt, %and3A_125, %lt3A_1169 : vector<16xi32>
      %add3A_1171 = arith.constant 16 : i32
      %add3A_1172 = vector.broadcast %add3A_1171 : i32 to vector<16xi32>
      %add3A_1173 = arith.addi %and3A_125, %add3A_1172 : vector<16xi32>
      %select_n3A_1174 = arith.select %lt3A_1170, %add3A_1173, %and3A_125 : vector<16xi1>, vector<16xi32>
      %broadcast_in_dim3A_1175 = vector.shape_cast %select_n3A_1174 : vector<16xi32> to vector<16x1xi32>
      %gather3A_1176 = vector.shape_cast %broadcast_in_dim3A_1175 : vector<16x1xi32> to vector<16xi32>
      %gather3A_1177 = tpu.dynamic_gather %add3A_866[%gather3A_1176] in [0] : vector<16xf32>, vector<16xi32> -> vector<16xf32>
      %select_n3A_1178 = arith.select %lt3A_44, %gather3A_1177, %add3A_917 : vector<16xi1>, vector<16xf32>
      %add3A_1179 = arith.addf %select_n3A_1167, %select_n3A_1178 : vector<16xf32>
      %lt3A_1180 = arith.constant 0 : i32
      %lt3A_1181 = vector.broadcast %lt3A_1180 : i32 to vector<16xi32>
      %lt3A_1182 = arith.cmpi slt, %and3A_130, %lt3A_1181 : vector<16xi32>
      %add3A_1183 = arith.constant 16 : i32
      %add3A_1184 = vector.broadcast %add3A_1183 : i32 to vector<16xi32>
      %add3A_1185 = arith.addi %and3A_130, %add3A_1184 : vector<16xi32>
      %select_n3A_1186 = arith.select %lt3A_1182, %add3A_1185, %and3A_130 : vector<16xi1>, vector<16xi32>
      %broadcast_in_dim3A_1187 = vector.shape_cast %select_n3A_1186 : vector<16xi32> to vector<16x1xi32>
      %gather3A_1188 = vector.shape_cast %broadcast_in_dim3A_1187 : vector<16x1xi32> to vector<16xi32>
      %gather3A_1189 = tpu.dynamic_gather %add3A_1019[%gather3A_1188] in [0] : vector<16xf32>, vector<16xi32> -> vector<16xf32>
      %select_n3A_1190 = arith.select %lt3A_44, %add3A_968, %gather3A_1189 : vector<16xi1>, vector<16xf32>
      %lt3A_1191 = arith.constant 0 : i32
      %lt3A_1192 = vector.broadcast %lt3A_1191 : i32 to vector<16xi32>
      %lt3A_1193 = arith.cmpi slt, %and3A_125, %lt3A_1192 : vector<16xi32>
      %add3A_1194 = arith.constant 16 : i32
      %add3A_1195 = vector.broadcast %add3A_1194 : i32 to vector<16xi32>
      %add3A_1196 = arith.addi %and3A_125, %add3A_1195 : vector<16xi32>
      %select_n3A_1197 = arith.select %lt3A_1193, %add3A_1196, %and3A_125 : vector<16xi1>, vector<16xi32>
      %broadcast_in_dim3A_1198 = vector.shape_cast %select_n3A_1197 : vector<16xi32> to vector<16x1xi32>
      %gather3A_1199 = vector.shape_cast %broadcast_in_dim3A_1198 : vector<16x1xi32> to vector<16xi32>
      %gather3A_1200 = tpu.dynamic_gather %add3A_968[%gather3A_1199] in [0] : vector<16xf32>, vector<16xi32> -> vector<16xf32>
      %select_n3A_1201 = arith.select %lt3A_44, %gather3A_1200, %add3A_1019 : vector<16xi1>, vector<16xf32>
      %add3A_1202 = arith.addf %select_n3A_1190, %select_n3A_1201 : vector<16xf32>
      %lt3A_1203 = arith.constant 0 : i32
      %lt3A_1204 = vector.broadcast %lt3A_1203 : i32 to vector<16xi32>
      %lt3A_1205 = arith.cmpi slt, %and3A_142, %lt3A_1204 : vector<16xi32>
      %add3A_1206 = arith.constant 16 : i32
      %add3A_1207 = vector.broadcast %add3A_1206 : i32 to vector<16xi32>
      %add3A_1208 = arith.addi %and3A_142, %add3A_1207 : vector<16xi32>
      %select_n3A_1209 = arith.select %lt3A_1205, %add3A_1208, %and3A_142 : vector<16xi1>, vector<16xi32>
      %broadcast_in_dim3A_1210 = vector.shape_cast %select_n3A_1209 : vector<16xi32> to vector<16x1xi32>
      %gather3A_1211 = vector.shape_cast %broadcast_in_dim3A_1210 : vector<16x1xi32> to vector<16xi32>
      %gather3A_1212 = tpu.dynamic_gather %add3A_1064[%gather3A_1211] in [0] : vector<16xf32>, vector<16xi32> -> vector<16xf32>
      %select_n3A_1213 = arith.select %lt3A_69, %add3A_1041, %gather3A_1212 : vector<16xi1>, vector<16xf32>
      %lt3A_1214 = arith.constant 0 : i32
      %lt3A_1215 = vector.broadcast %lt3A_1214 : i32 to vector<16xi32>
      %lt3A_1216 = arith.cmpi slt, %and3A_136, %lt3A_1215 : vector<16xi32>
      %add3A_1217 = arith.constant 16 : i32
      %add3A_1218 = vector.broadcast %add3A_1217 : i32 to vector<16xi32>
      %add3A_1219 = arith.addi %and3A_136, %add3A_1218 : vector<16xi32>
      %select_n3A_1220 = arith.select %lt3A_1216, %add3A_1219, %and3A_136 : vector<16xi1>, vector<16xi32>
      %broadcast_in_dim3A_1221 = vector.shape_cast %select_n3A_1220 : vector<16xi32> to vector<16x1xi32>
      %gather3A_1222 = vector.shape_cast %broadcast_in_dim3A_1221 : vector<16x1xi32> to vector<16xi32>
      %gather3A_1223 = tpu.dynamic_gather %add3A_1041[%gather3A_1222] in [0] : vector<16xf32>, vector<16xi32> -> vector<16xf32>
      %select_n3A_1224 = arith.select %lt3A_69, %gather3A_1223, %add3A_1064 : vector<16xi1>, vector<16xf32>
      %add3A_1225 = arith.addf %select_n3A_1213, %select_n3A_1224 : vector<16xf32>
      %lt3A_1226 = arith.constant 0 : i32
      %lt3A_1227 = vector.broadcast %lt3A_1226 : i32 to vector<16xi32>
      %lt3A_1228 = arith.cmpi slt, %and3A_142, %lt3A_1227 : vector<16xi32>
      %add3A_1229 = arith.constant 16 : i32
      %add3A_1230 = vector.broadcast %add3A_1229 : i32 to vector<16xi32>
      %add3A_1231 = arith.addi %and3A_142, %add3A_1230 : vector<16xi32>
      %select_n3A_1232 = arith.select %lt3A_1228, %add3A_1231, %and3A_142 : vector<16xi1>, vector<16xi32>
      %broadcast_in_dim3A_1233 = vector.shape_cast %select_n3A_1232 : vector<16xi32> to vector<16x1xi32>
      %gather3A_1234 = vector.shape_cast %broadcast_in_dim3A_1233 : vector<16x1xi32> to vector<16xi32>
      %gather3A_1235 = tpu.dynamic_gather %add3A_1110[%gather3A_1234] in [0] : vector<16xf32>, vector<16xi32> -> vector<16xf32>
      %select_n3A_1236 = arith.select %lt3A_69, %add3A_1087, %gather3A_1235 : vector<16xi1>, vector<16xf32>
      %lt3A_1237 = arith.constant 0 : i32
      %lt3A_1238 = vector.broadcast %lt3A_1237 : i32 to vector<16xi32>
      %lt3A_1239 = arith.cmpi slt, %and3A_136, %lt3A_1238 : vector<16xi32>
      %add3A_1240 = arith.constant 16 : i32
      %add3A_1241 = vector.broadcast %add3A_1240 : i32 to vector<16xi32>
      %add3A_1242 = arith.addi %and3A_136, %add3A_1241 : vector<16xi32>
      %select_n3A_1243 = arith.select %lt3A_1239, %add3A_1242, %and3A_136 : vector<16xi1>, vector<16xi32>
      %broadcast_in_dim3A_1244 = vector.shape_cast %select_n3A_1243 : vector<16xi32> to vector<16x1xi32>
      %gather3A_1245 = vector.shape_cast %broadcast_in_dim3A_1244 : vector<16x1xi32> to vector<16xi32>
      %gather3A_1246 = tpu.dynamic_gather %add3A_1087[%gather3A_1245] in [0] : vector<16xf32>, vector<16xi32> -> vector<16xf32>
      %select_n3A_1247 = arith.select %lt3A_69, %gather3A_1246, %add3A_1110 : vector<16xi1>, vector<16xf32>
      %add3A_1248 = arith.addf %select_n3A_1236, %select_n3A_1247 : vector<16xf32>
      %lt3A_1249 = arith.constant 0 : i32
      %lt3A_1250 = vector.broadcast %lt3A_1249 : i32 to vector<16xi32>
      %lt3A_1251 = arith.cmpi slt, %and3A_142, %lt3A_1250 : vector<16xi32>
      %add3A_1252 = arith.constant 16 : i32
      %add3A_1253 = vector.broadcast %add3A_1252 : i32 to vector<16xi32>
      %add3A_1254 = arith.addi %and3A_142, %add3A_1253 : vector<16xi32>
      %select_n3A_1255 = arith.select %lt3A_1251, %add3A_1254, %and3A_142 : vector<16xi1>, vector<16xi32>
      %broadcast_in_dim3A_1256 = vector.shape_cast %select_n3A_1255 : vector<16xi32> to vector<16x1xi32>
      %gather3A_1257 = vector.shape_cast %broadcast_in_dim3A_1256 : vector<16x1xi32> to vector<16xi32>
      %gather3A_1258 = tpu.dynamic_gather %add3A_1156[%gather3A_1257] in [0] : vector<16xf32>, vector<16xi32> -> vector<16xf32>
      %select_n3A_1259 = arith.select %lt3A_69, %add3A_1133, %gather3A_1258 : vector<16xi1>, vector<16xf32>
      %lt3A_1260 = arith.constant 0 : i32
      %lt3A_1261 = vector.broadcast %lt3A_1260 : i32 to vector<16xi32>
      %lt3A_1262 = arith.cmpi slt, %and3A_136, %lt3A_1261 : vector<16xi32>
      %add3A_1263 = arith.constant 16 : i32
      %add3A_1264 = vector.broadcast %add3A_1263 : i32 to vector<16xi32>
      %add3A_1265 = arith.addi %and3A_136, %add3A_1264 : vector<16xi32>
      %select_n3A_1266 = arith.select %lt3A_1262, %add3A_1265, %and3A_136 : vector<16xi1>, vector<16xi32>
      %broadcast_in_dim3A_1267 = vector.shape_cast %select_n3A_1266 : vector<16xi32> to vector<16x1xi32>
      %gather3A_1268 = vector.shape_cast %broadcast_in_dim3A_1267 : vector<16x1xi32> to vector<16xi32>
      %gather3A_1269 = tpu.dynamic_gather %add3A_1133[%gather3A_1268] in [0] : vector<16xf32>, vector<16xi32> -> vector<16xf32>
      %select_n3A_1270 = arith.select %lt3A_69, %gather3A_1269, %add3A_1156 : vector<16xi1>, vector<16xf32>
      %add3A_1271 = arith.addf %select_n3A_1259, %select_n3A_1270 : vector<16xf32>
      %lt3A_1272 = arith.constant 0 : i32
      %lt3A_1273 = vector.broadcast %lt3A_1272 : i32 to vector<16xi32>
      %lt3A_1274 = arith.cmpi slt, %and3A_142, %lt3A_1273 : vector<16xi32>
      %add3A_1275 = arith.constant 16 : i32
      %add3A_1276 = vector.broadcast %add3A_1275 : i32 to vector<16xi32>
      %add3A_1277 = arith.addi %and3A_142, %add3A_1276 : vector<16xi32>
      %select_n3A_1278 = arith.select %lt3A_1274, %add3A_1277, %and3A_142 : vector<16xi1>, vector<16xi32>
      %broadcast_in_dim3A_1279 = vector.shape_cast %select_n3A_1278 : vector<16xi32> to vector<16x1xi32>
      %gather3A_1280 = vector.shape_cast %broadcast_in_dim3A_1279 : vector<16x1xi32> to vector<16xi32>
      %gather3A_1281 = tpu.dynamic_gather %add3A_1202[%gather3A_1280] in [0] : vector<16xf32>, vector<16xi32> -> vector<16xf32>
      %select_n3A_1282 = arith.select %lt3A_69, %add3A_1179, %gather3A_1281 : vector<16xi1>, vector<16xf32>
      %lt3A_1283 = arith.constant 0 : i32
      %lt3A_1284 = vector.broadcast %lt3A_1283 : i32 to vector<16xi32>
      %lt3A_1285 = arith.cmpi slt, %and3A_136, %lt3A_1284 : vector<16xi32>
      %add3A_1286 = arith.constant 16 : i32
      %add3A_1287 = vector.broadcast %add3A_1286 : i32 to vector<16xi32>
      %add3A_1288 = arith.addi %and3A_136, %add3A_1287 : vector<16xi32>
      %select_n3A_1289 = arith.select %lt3A_1285, %add3A_1288, %and3A_136 : vector<16xi1>, vector<16xi32>
      %broadcast_in_dim3A_1290 = vector.shape_cast %select_n3A_1289 : vector<16xi32> to vector<16x1xi32>
      %gather3A_1291 = vector.shape_cast %broadcast_in_dim3A_1290 : vector<16x1xi32> to vector<16xi32>
      %gather3A_1292 = tpu.dynamic_gather %add3A_1179[%gather3A_1291] in [0] : vector<16xf32>, vector<16xi32> -> vector<16xf32>
      %select_n3A_1293 = arith.select %lt3A_69, %gather3A_1292, %add3A_1202 : vector<16xi1>, vector<16xf32>
      %add3A_1294 = arith.addf %select_n3A_1282, %select_n3A_1293 : vector<16xf32>
      %lt3A_1295 = arith.constant 0 : i32
      %lt3A_1296 = vector.broadcast %lt3A_1295 : i32 to vector<16xi32>
      %lt3A_1297 = arith.cmpi slt, %and3A_154, %lt3A_1296 : vector<16xi32>
      %add3A_1298 = arith.constant 16 : i32
      %add3A_1299 = vector.broadcast %add3A_1298 : i32 to vector<16xi32>
      %add3A_1300 = arith.addi %and3A_154, %add3A_1299 : vector<16xi32>
      %select_n3A_1301 = arith.select %lt3A_1297, %add3A_1300, %and3A_154 : vector<16xi1>, vector<16xi32>
      %broadcast_in_dim3A_1302 = vector.shape_cast %select_n3A_1301 : vector<16xi32> to vector<16x1xi32>
      %gather3A_1303 = vector.shape_cast %broadcast_in_dim3A_1302 : vector<16x1xi32> to vector<16xi32>
      %gather3A_1304 = tpu.dynamic_gather %add3A_1248[%gather3A_1303] in [0] : vector<16xf32>, vector<16xi32> -> vector<16xf32>
      %select_n3A_1305 = arith.select %lt3A_94, %add3A_1225, %gather3A_1304 : vector<16xi1>, vector<16xf32>
      %lt3A_1306 = arith.constant 0 : i32
      %lt3A_1307 = vector.broadcast %lt3A_1306 : i32 to vector<16xi32>
      %lt3A_1308 = arith.cmpi slt, %and3A_148, %lt3A_1307 : vector<16xi32>
      %add3A_1309 = arith.constant 16 : i32
      %add3A_1310 = vector.broadcast %add3A_1309 : i32 to vector<16xi32>
      %add3A_1311 = arith.addi %and3A_148, %add3A_1310 : vector<16xi32>
      %select_n3A_1312 = arith.select %lt3A_1308, %add3A_1311, %and3A_148 : vector<16xi1>, vector<16xi32>
      %broadcast_in_dim3A_1313 = vector.shape_cast %select_n3A_1312 : vector<16xi32> to vector<16x1xi32>
      %gather3A_1314 = vector.shape_cast %broadcast_in_dim3A_1313 : vector<16x1xi32> to vector<16xi32>
      %gather3A_1315 = tpu.dynamic_gather %add3A_1225[%gather3A_1314] in [0] : vector<16xf32>, vector<16xi32> -> vector<16xf32>
      %select_n3A_1316 = arith.select %lt3A_94, %gather3A_1315, %add3A_1248 : vector<16xi1>, vector<16xf32>
      %add3A_1317 = arith.addf %select_n3A_1305, %select_n3A_1316 : vector<16xf32>
      %lt3A_1318 = arith.constant 0 : i32
      %lt3A_1319 = vector.broadcast %lt3A_1318 : i32 to vector<16xi32>
      %lt3A_1320 = arith.cmpi slt, %and3A_154, %lt3A_1319 : vector<16xi32>
      %add3A_1321 = arith.constant 16 : i32
      %add3A_1322 = vector.broadcast %add3A_1321 : i32 to vector<16xi32>
      %add3A_1323 = arith.addi %and3A_154, %add3A_1322 : vector<16xi32>
      %select_n3A_1324 = arith.select %lt3A_1320, %add3A_1323, %and3A_154 : vector<16xi1>, vector<16xi32>
      %broadcast_in_dim3A_1325 = vector.shape_cast %select_n3A_1324 : vector<16xi32> to vector<16x1xi32>
      %gather3A_1326 = vector.shape_cast %broadcast_in_dim3A_1325 : vector<16x1xi32> to vector<16xi32>
      %gather3A_1327 = tpu.dynamic_gather %add3A_1294[%gather3A_1326] in [0] : vector<16xf32>, vector<16xi32> -> vector<16xf32>
      %select_n3A_1328 = arith.select %lt3A_94, %add3A_1271, %gather3A_1327 : vector<16xi1>, vector<16xf32>
      %lt3A_1329 = arith.constant 0 : i32
      %lt3A_1330 = vector.broadcast %lt3A_1329 : i32 to vector<16xi32>
      %lt3A_1331 = arith.cmpi slt, %and3A_148, %lt3A_1330 : vector<16xi32>
      %add3A_1332 = arith.constant 16 : i32
      %add3A_1333 = vector.broadcast %add3A_1332 : i32 to vector<16xi32>
      %add3A_1334 = arith.addi %and3A_148, %add3A_1333 : vector<16xi32>
      %select_n3A_1335 = arith.select %lt3A_1331, %add3A_1334, %and3A_148 : vector<16xi1>, vector<16xi32>
      %broadcast_in_dim3A_1336 = vector.shape_cast %select_n3A_1335 : vector<16xi32> to vector<16x1xi32>
      %gather3A_1337 = vector.shape_cast %broadcast_in_dim3A_1336 : vector<16x1xi32> to vector<16xi32>
      %gather3A_1338 = tpu.dynamic_gather %add3A_1271[%gather3A_1337] in [0] : vector<16xf32>, vector<16xi32> -> vector<16xf32>
      %select_n3A_1339 = arith.select %lt3A_94, %gather3A_1338, %add3A_1294 : vector<16xi1>, vector<16xf32>
      %add3A_1340 = arith.addf %select_n3A_1328, %select_n3A_1339 : vector<16xf32>
      %lt3A_1341 = arith.constant 0 : i32
      %lt3A_1342 = vector.broadcast %lt3A_1341 : i32 to vector<16xi32>
      %lt3A_1343 = arith.cmpi slt, %and3A_166, %lt3A_1342 : vector<16xi32>
      %add3A_1344 = arith.constant 16 : i32
      %add3A_1345 = vector.broadcast %add3A_1344 : i32 to vector<16xi32>
      %add3A_1346 = arith.addi %and3A_166, %add3A_1345 : vector<16xi32>
      %select_n3A_1347 = arith.select %lt3A_1343, %add3A_1346, %and3A_166 : vector<16xi1>, vector<16xi32>
      %broadcast_in_dim3A_1348 = vector.shape_cast %select_n3A_1347 : vector<16xi32> to vector<16x1xi32>
      %gather3A_1349 = vector.shape_cast %broadcast_in_dim3A_1348 : vector<16x1xi32> to vector<16xi32>
      %gather3A_1350 = tpu.dynamic_gather %add3A_1340[%gather3A_1349] in [0] : vector<16xf32>, vector<16xi32> -> vector<16xf32>
      %select_n3A_1351 = arith.select %lt3A_119, %add3A_1317, %gather3A_1350 : vector<16xi1>, vector<16xf32>
      %lt3A_1352 = arith.constant 0 : i32
      %lt3A_1353 = vector.broadcast %lt3A_1352 : i32 to vector<16xi32>
      %lt3A_1354 = arith.cmpi slt, %and3A_160, %lt3A_1353 : vector<16xi32>
      %add3A_1355 = arith.constant 16 : i32
      %add3A_1356 = vector.broadcast %add3A_1355 : i32 to vector<16xi32>
      %add3A_1357 = arith.addi %and3A_160, %add3A_1356 : vector<16xi32>
      %select_n3A_1358 = arith.select %lt3A_1354, %add3A_1357, %and3A_160 : vector<16xi1>, vector<16xi32>
      %broadcast_in_dim3A_1359 = vector.shape_cast %select_n3A_1358 : vector<16xi32> to vector<16x1xi32>
      %gather3A_1360 = vector.shape_cast %broadcast_in_dim3A_1359 : vector<16x1xi32> to vector<16xi32>
      %gather3A_1361 = tpu.dynamic_gather %add3A_1317[%gather3A_1360] in [0] : vector<16xf32>, vector<16xi32> -> vector<16xf32>
      %select_n3A_1362 = arith.select %lt3A_119, %gather3A_1361, %add3A_1340 : vector<16xi1>, vector<16xf32>
      %add3A_1363 = arith.addf %select_n3A_1351, %select_n3A_1362 : vector<16xf32>
      %add3A_1364 = arith.addi %mul3A_26, %get3A_203 : vector<16xi32>
      tpu.vector_store_idx %arg10[%add3A_1364], %add3A_1363 {add = true} : memref<8208xf32, #tpu.memory_space<vmem>>[vector<16xi32>], vector<16xf32>,
    }
    %scan3A_188 = arith.constant 26 : i32
    %scan3A_189 = arith.constant 0 : i32
    %scan3A_190 = arith.constant 0 : i32
    %scan3A_191 = arith.constant 32 : i32
    %scan3A_192 = arith.addi %scan3A_190, %scan3A_191 : i32
    %scan3A_193 = arith.constant 1 : i32
    scf.for %scan3A_197 = %scan3A_190 to %scan3A_192 step %scan3A_193  : i32 {
      %mul3A_198 = arith.constant 16 : i32
      %mul3A_199 = arith.muli %scan3A_197, %mul3A_198 : i32
      %get3A_200 = arith.index_cast %mul3A_199 : i32 to index
      %get3A_201 = tpu.vector_load %arg10[%get3A_200] {strides = array<i32>} : memref<8208xf32, #tpu.memory_space<vmem>>, vector<16xf32>,
      %mul3A_202 = arith.constant 16 : i32
      %mul3A_203 = arith.muli %scan3A_197, %mul3A_202 : i32
      %add3A_204 = arith.constant 513 : i32
      %add3A_205 = arith.addi %add3A_204, %mul3A_203 : i32
      %get3A_206 = arith.index_cast %add3A_205 : i32 to index
      %get3A_207 = tpu.vector_load %arg10[%get3A_206] {strides = array<i32>} : memref<8208xf32, #tpu.memory_space<vmem>>, vector<16xf32>,
      %add3A_208 = arith.addf %get3A_201, %get3A_207 : vector<16xf32>
      %mul3A_209 = arith.constant 16 : i32
      %mul3A_210 = arith.muli %scan3A_197, %mul3A_209 : i32
      %add3A_211 = arith.constant 1026 : i32
      %add3A_212 = arith.addi %add3A_211, %mul3A_210 : i32
      %get3A_213 = arith.index_cast %add3A_212 : i32 to index
      %get3A_214 = tpu.vector_load %arg10[%get3A_213] {strides = array<i32>} : memref<8208xf32, #tpu.memory_space<vmem>>, vector<16xf32>,
      %add3A_215 = arith.addf %add3A_208, %get3A_214 : vector<16xf32>
      %mul3A_216 = arith.constant 16 : i32
      %mul3A_217 = arith.muli %scan3A_197, %mul3A_216 : i32
      %add3A_218 = arith.constant 1539 : i32
      %add3A_219 = arith.addi %add3A_218, %mul3A_217 : i32
      %get3A_220 = arith.index_cast %add3A_219 : i32 to index
      %get3A_221 = tpu.vector_load %arg10[%get3A_220] {strides = array<i32>} : memref<8208xf32, #tpu.memory_space<vmem>>, vector<16xf32>,
      %add3A_222 = arith.addf %add3A_215, %get3A_221 : vector<16xf32>
      %mul3A_223 = arith.constant 16 : i32
      %mul3A_224 = arith.muli %scan3A_197, %mul3A_223 : i32
      %add3A_225 = arith.constant 2052 : i32
      %add3A_226 = arith.addi %add3A_225, %mul3A_224 : i32
      %get3A_227 = arith.index_cast %add3A_226 : i32 to index
      %get3A_228 = tpu.vector_load %arg10[%get3A_227] {strides = array<i32>} : memref<8208xf32, #tpu.memory_space<vmem>>, vector<16xf32>,
      %add3A_229 = arith.addf %add3A_222, %get3A_228 : vector<16xf32>
      %mul3A_230 = arith.constant 16 : i32
      %mul3A_231 = arith.muli %scan3A_197, %mul3A_230 : i32
      %add3A_232 = arith.constant 2565 : i32
      %add3A_233 = arith.addi %add3A_232, %mul3A_231 : i32
      %get3A_234 = arith.index_cast %add3A_233 : i32 to index
      %get3A_235 = tpu.vector_load %arg10[%get3A_234] {strides = array<i32>} : memref<8208xf32, #tpu.memory_space<vmem>>, vector<16xf32>,
      %add3A_236 = arith.addf %add3A_229, %get3A_235 : vector<16xf32>
      %mul3A_237 = arith.constant 16 : i32
      %mul3A_238 = arith.muli %scan3A_197, %mul3A_237 : i32
      %add3A_239 = arith.constant 3078 : i32
      %add3A_240 = arith.addi %add3A_239, %mul3A_238 : i32
      %get3A_241 = arith.index_cast %add3A_240 : i32 to index
      %get3A_242 = tpu.vector_load %arg10[%get3A_241] {strides = array<i32>} : memref<8208xf32, #tpu.memory_space<vmem>>, vector<16xf32>,
      %add3A_243 = arith.addf %add3A_236, %get3A_242 : vector<16xf32>
      %mul3A_244 = arith.constant 16 : i32
      %mul3A_245 = arith.muli %scan3A_197, %mul3A_244 : i32
      %add3A_246 = arith.constant 3591 : i32
      %add3A_247 = arith.addi %add3A_246, %mul3A_245 : i32
      %get3A_248 = arith.index_cast %add3A_247 : i32 to index
      %get3A_249 = tpu.vector_load %arg10[%get3A_248] {strides = array<i32>} : memref<8208xf32, #tpu.memory_space<vmem>>, vector<16xf32>,
      %add3A_250 = arith.addf %add3A_243, %get3A_249 : vector<16xf32>
      %mul3A_251 = arith.constant 16 : i32
      %mul3A_252 = arith.muli %scan3A_197, %mul3A_251 : i32
      %add3A_253 = arith.constant 4104 : i32
      %add3A_254 = arith.addi %add3A_253, %mul3A_252 : i32
      %get3A_255 = arith.index_cast %add3A_254 : i32 to index
      %get3A_256 = tpu.vector_load %arg10[%get3A_255] {strides = array<i32>} : memref<8208xf32, #tpu.memory_space<vmem>>, vector<16xf32>,
      %add3A_257 = arith.addf %add3A_250, %get3A_256 : vector<16xf32>
      %mul3A_258 = arith.constant 16 : i32
      %mul3A_259 = arith.muli %scan3A_197, %mul3A_258 : i32
      %add3A_260 = arith.constant 4617 : i32
      %add3A_261 = arith.addi %add3A_260, %mul3A_259 : i32
      %get3A_262 = arith.index_cast %add3A_261 : i32 to index
      %get3A_263 = tpu.vector_load %arg10[%get3A_262] {strides = array<i32>} : memref<8208xf32, #tpu.memory_space<vmem>>, vector<16xf32>,
      %add3A_264 = arith.addf %add3A_257, %get3A_263 : vector<16xf32>
      %mul3A_265 = arith.constant 16 : i32
      %mul3A_266 = arith.muli %scan3A_197, %mul3A_265 : i32
      %add3A_267 = arith.constant 5130 : i32
      %add3A_268 = arith.addi %add3A_267, %mul3A_266 : i32
      %get3A_269 = arith.index_cast %add3A_268 : i32 to index
      %get3A_270 = tpu.vector_load %arg10[%get3A_269] {strides = array<i32>} : memref<8208xf32, #tpu.memory_space<vmem>>, vector<16xf32>,
      %add3A_271 = arith.addf %add3A_264, %get3A_270 : vector<16xf32>
      %mul3A_272 = arith.constant 16 : i32
      %mul3A_273 = arith.muli %scan3A_197, %mul3A_272 : i32
      %add3A_274 = arith.constant 5643 : i32
      %add3A_275 = arith.addi %add3A_274, %mul3A_273 : i32
      %get3A_276 = arith.index_cast %add3A_275 : i32 to index
      %get3A_277 = tpu.vector_load %arg10[%get3A_276] {strides = array<i32>} : memref<8208xf32, #tpu.memory_space<vmem>>, vector<16xf32>,
      %add3A_278 = arith.addf %add3A_271, %get3A_277 : vector<16xf32>
      %mul3A_279 = arith.constant 16 : i32
      %mul3A_280 = arith.muli %scan3A_197, %mul3A_279 : i32
      %add3A_281 = arith.constant 6156 : i32
      %add3A_282 = arith.addi %add3A_281, %mul3A_280 : i32
      %get3A_283 = arith.index_cast %add3A_282 : i32 to index
      %get3A_284 = tpu.vector_load %arg10[%get3A_283] {strides = array<i32>} : memref<8208xf32, #tpu.memory_space<vmem>>, vector<16xf32>,
      %add3A_285 = arith.addf %add3A_278, %get3A_284 : vector<16xf32>
      %mul3A_286 = arith.constant 16 : i32
      %mul3A_287 = arith.muli %scan3A_197, %mul3A_286 : i32
      %add3A_288 = arith.constant 6669 : i32
      %add3A_289 = arith.addi %add3A_288, %mul3A_287 : i32
      %get3A_290 = arith.index_cast %add3A_289 : i32 to index
      %get3A_291 = tpu.vector_load %arg10[%get3A_290] {strides = array<i32>} : memref<8208xf32, #tpu.memory_space<vmem>>, vector<16xf32>,
      %add3A_292 = arith.addf %add3A_285, %get3A_291 : vector<16xf32>
      %mul3A_293 = arith.constant 16 : i32
      %mul3A_294 = arith.muli %scan3A_197, %mul3A_293 : i32
      %add3A_295 = arith.constant 7182 : i32
      %add3A_296 = arith.addi %add3A_295, %mul3A_294 : i32
      %get3A_297 = arith.index_cast %add3A_296 : i32 to index
      %get3A_298 = tpu.vector_load %arg10[%get3A_297] {strides = array<i32>} : memref<8208xf32, #tpu.memory_space<vmem>>, vector<16xf32>,
      %add3A_299 = arith.addf %add3A_292, %get3A_298 : vector<16xf32>
      %mul3A_300 = arith.constant 16 : i32
      %mul3A_301 = arith.muli %scan3A_197, %mul3A_300 : i32
      %add3A_302 = arith.constant 7695 : i32
      %add3A_303 = arith.addi %add3A_302, %mul3A_301 : i32
      %get3A_304 = arith.index_cast %add3A_303 : i32 to index
      %get3A_305 = tpu.vector_load %arg10[%get3A_304] {strides = array<i32>} : memref<8208xf32, #tpu.memory_space<vmem>>, vector<16xf32>,
      %add3A_306 = arith.addf %add3A_299, %get3A_305 : vector<16xf32>
      %mul3A_307 = arith.constant 16 : i32
      %mul3A_308 = arith.muli %scan3A_197, %mul3A_307 : i32
      %swap3A = arith.index_cast %mul3A_308 : i32 to index
      %swap3A_309 = tpu.vector_load %arg11[%swap3A] {strides = array<i32>} : memref<512xf32, #tpu.memory_space<vmem>>, vector<16xf32>,
      tpu.vector_store %arg11[%swap3A], %add3A_306 {strides = array<i32>} : memref<512xf32, #tpu.memory_space<vmem>>, vector<16xf32>,
    }
    %scan3A_194 = arith.constant 32 : i32
    %mul3A_195 = arith.constant 512 : i32
    %mul3A_196 = arith.muli %add3A, %mul3A_195 : i32
    "tpu.region"() ({
      %run_scoped3A = tpu.sem_alloc : memref<!tpu.dma_semaphore, #tpu.memory_space<semaphore_mem>>
      %dma_start3A_197 = tpu.memref_slice %arg5[%mul3A_196] : memref<16384xf32, #tpu.memory_space<hbm>> -> memref<512xf32, #tpu.memory_space<hbm>>
      %dma_start3A_198 = tpu.memref_slice %arg5[%mul3A_196] : memref<16384xf32, #tpu.memory_space<hbm>> -> memref<512xf32, #tpu.memory_space<hbm>>
      tpu.enqueue_dma source(%arg11 : memref<512xf32, #tpu.memory_space<vmem>>) target(%dma_start3A_198 : memref<512xf32, #tpu.memory_space<hbm>>) target_semaphore(%run_scoped3A : memref<!tpu.dma_semaphore, #tpu.memory_space<semaphore_mem>>)
      %dma_wait3A_199 = tpu.memref_slice %arg5[%mul3A_196] : memref<16384xf32, #tpu.memory_space<hbm>> -> memref<512xf32, #tpu.memory_space<hbm>>
      %dma_wait3A_200 = tpu.memref_slice %arg5[%mul3A_196] : memref<16384xf32, #tpu.memory_space<hbm>> -> memref<512xf32, #tpu.memory_space<hbm>>
      tpu.wait_dma2 semaphore(%run_scoped3A : memref<!tpu.dma_semaphore, #tpu.memory_space<semaphore_mem>>) src(%arg11 : memref<512xf32, #tpu.memory_space<vmem>>) dst(%dma_wait3A_200 : memref<512xf32, #tpu.memory_space<hbm>>)
      tpu.yield
    }) : () -> ()
    return
  }
}

module attributes {stable_mosaic.version = 14 : i64} {
  func.func @body(%arg0: memref<32x512xf32, #tpu.memory_space<vmem>>, %arg1: memref<1x1xf32, #tpu.memory_space<vmem>>, %arg2: memref<1x512xf32, #tpu.memory_space<vmem>>) attributes {dimension_semantics = [], scalar_prefetch = 0 : i64, scratch_operands = 0 : i64, tpu.core_type = #tpu.core_type<tc>} {
    %get3A = arith.constant 0 : index
    %get3A_0 = arith.constant 0 : index
    %get3A_1 = vector.load %arg0[%get3A, %get3A_0] : memref<32x512xf32, #tpu.memory_space<vmem>>, vector<32x512xf32>
    %reduce_sum3A = arith.constant dense<0.000000e+00> : vector<512xf32>
    %reduce_sum3A_2 = vector.multi_reduction <add>, %get3A_1, %reduce_sum3A [0] : vector<32x512xf32> to vector<512xf32>
    %broadcast_in_dim3A = vector.shape_cast %reduce_sum3A_2 : vector<512xf32> to vector<1x512xf32>
    %get3A_3 = arith.constant 0 : index
    %get3A_4 = arith.constant 0 : index
    %get3A_5 = vector.load %arg1[%get3A_3, %get3A_4] : memref<1x1xf32, #tpu.memory_space<vmem>>, vector<1x1xf32>
    %get3A_6 = vector.extract %get3A_5[0, 0] : f32 from vector<1x1xf32>
    %add3A = vector.broadcast %get3A_6 : f32 to vector<1x512xf32>
    %add3A_7 = arith.addf %broadcast_in_dim3A, %add3A : vector<1x512xf32>
    %swap3A = arith.constant 0 : index
    %swap3A_8 = arith.constant 0 : index
    %swap3A_9 = vector.load %arg2[%swap3A, %swap3A_8] : memref<1x512xf32, #tpu.memory_space<vmem>>, vector<1x512xf32>
    tpu.vector_store %arg2[%swap3A, %swap3A_8], %add3A_7 {strides = array<i32>} : memref<1x512xf32, #tpu.memory_space<vmem>>, vector<1x512xf32>,
    return
  }
}

module attributes {stable_mosaic.version = 14 : i64} {
  func.func @body(%arg0: i32, %arg1: memref<2560x128xf32, #tpu.memory_space<vmem>>, %arg2: memref<1x128xf32, #tpu.memory_space<vmem>>, %arg3: memref<1x1x2560xf32, #tpu.memory_space<vmem>>) attributes {dimension_semantics = [#tpu.dimension_semantics<parallel>], iteration_bounds = array<i64: 47>, scalar_prefetch = 0 : i64, scratch_operands = 0 : i64, tpu.core_type = #tpu.core_type<tc>, window_params = [{transform_indices = @transform_0, window_bounds = array<i64: 2560, 128>}, {pipeline_mode = #tpu.pipeline_mode<synchronous>, transform_indices = @transform_1, window_bounds = array<i64: 1, 128>}, {transform_indices = @transform_2, window_bounds = array<i64: 1, 1, 2560>}]} {
    %get3A = arith.constant 0 : index
    %get3A_0 = arith.constant 0 : index
    %get3A_1 = vector.load %arg2[%get3A, %get3A_0] : memref<1x128xf32, #tpu.memory_space<vmem>>, vector<1x128xf32>
    %get3A_2 = arith.constant 0 : index
    %get3A_3 = arith.constant 0 : index
    %get3A_4 = vector.load %arg1[%get3A_2, %get3A_3] : memref<2560x128xf32, #tpu.memory_space<vmem>>, vector<2560x128xf32>
    %dot_general3A = arith.constant dense<0.000000e+00> : vector<1x2560xf32>
    %dot_general3A_5 = tpu.matmul %get3A_1, %get3A_4, %dot_general3A {dimension_numbers = #tpu.dot_dimension_numbers<[1], [1], [0], [0], [0, 0, 1, 0], [], []>, transpose_lhs_hint = false} : vector<1x128xf32>, vector<2560x128xf32>, vector<1x2560xf32> -> vector<1x2560xf32>
    %reshape3A = vector.shape_cast %dot_general3A_5 : vector<1x2560xf32> to vector<1x1x2560xf32>
    %swap3A = arith.constant 0 : index
    %swap3A_6 = arith.constant 0 : index
    %swap3A_7 = arith.constant 0 : index
    %swap3A_8 = vector.load %arg3[%swap3A, %swap3A_6, %swap3A_7] : memref<1x1x2560xf32, #tpu.memory_space<vmem>>, vector<1x1x2560xf32>
    tpu.vector_store %arg3[%swap3A, %swap3A_6, %swap3A_7], %reshape3A {strides = array<i32>} : memref<1x1x2560xf32, #tpu.memory_space<vmem>>, vector<1x1x2560xf32>,
    return
  }
  func.func @transform_0(%arg0: i32) -> (i32, i32) {
    %add3A = arith.constant 78 : i32
    %add3A_0 = arith.addi %arg0, %add3A : i32
    %c0_i32 = arith.constant 0 : i32
    %c0_i32_1 = arith.constant 0 : i32
    return %add3A_0, %c0_i32 : i32, i32
  }
  func.func @transform_1(%arg0: i32) -> (i32, i32) {
    %c0_i32 = arith.constant 0 : i32
    %c0_i32_0 = arith.constant 0 : i32
    %c0_i32_1 = arith.constant 0 : i32
    return %c0_i32, %c0_i32_0 : i32, i32
  }
  func.func @transform_2(%arg0: i32) -> (i32, i32, i32) {
    %c0_i32 = arith.constant 0 : i32
    %c0_i32_0 = arith.constant 0 : i32
    %c0_i32_1 = arith.constant 0 : i32
    return %arg0, %c0_i32, %c0_i32_0 : i32, i32, i32
  }
}

</mosaic_0001>

<sc_bundles>
// kernel: kernel.6.cloned.1.call-start
scs
__scs_entry_jumppad:
0x0: {  	(pc) =	sbr.rel $0x88, $3  }
0x1: {  	(tag) =	ssettag $0x0;
	lr =	simm.s32 $0x1  }
0x2: {  	[smem:$0x3F9D] =	sst lr;
	_ =	strace $0xD0000000  }
0x3: {  	_ = 	snop  }
0x4: {  	_ = 	snop  }
0x5: {  	_ = 	snop  }
0x6: {  	_ = 	snop  }
0x7: {  	_ = 	snop  }
__scs_overlays_trampoline_lowered:
0x8: {  	[smem:$0x3FAC] =	sst s0  }
0x9: {  	[smem:$0x3FAD] =	sst s1  }
0xa: {  	[smem:$0x3FAE] =	sst s2  }
0xb: {  	[smem:$0x3FAF] =	sst s3  }
0xc: {  	[smem:$0x3FB0] =	sst s4  }
0xd: {  	[smem:$0x3FB1] =	sst s5  }
0xe: {  	[smem:$0x3FB2] =	sst s6  }
0xf: {  	[smem:$0x3FB3] =	sst s7  }
0x10: {  	[smem:$0x3FB4] =	sst s8  }
0x11: {  	[smem:$0x3FB5] =	sst s9;
	s0 =	simm.s32 @!p0 $0x0  }
0x12: {  	s1 =	sld [smem:$0x3F9B];
	s0 =	simm.s32 @p0 $0x1  }
0x13: {  	[smem:$0x3FB6] =	sst s0;
	s0 =	simm.s32 @!p1 $0x0  }
0x14: {  	s2 =	sld [smem:$0x3F9A];
	s0 =	simm.s32 @p1 $0x1  }
0x15: {  	[smem:$0x3FB7] =	sst s0;
	s0 =	simm.s32 @!p2 $0x0  }
0x16: {  	s3 =	sld [smem:$0x3FDB];
	s0 =	simm.s32 @p2 $0x1  }
0x17: {  	s4 =	simm.s32 $0x1BF5;
	[smem:$0x3FB9] =	sst s0  }
0x18: {  	s0 =	sld [smem:$0x3F9C];
	_ =	swait.ge [sflag:s4], $0x0  }
0x19: {  	s7 =	sld [smem:$0x3F9D]  }
0x1a: {  	s8 =	sadd.s32 $0xFFFFE003, lr  }
0x1b: {  	s9 =	sadd.s32 $0xFFFFFEF7, lr;
	s5 =	simm.s32 $0xFFFFFFFF;
	p2 =	slt.u32 s8, $0xFFFFF086  }
0x1c: {  	p1 =	slt.u32 s9, $0xF7A;
	s5 =	simm.s32 @!p2 $0x0  }
0x1d: {  	s5 =	simm.s32 @p1 $0x1;
	p0 =	seq.s32 s7, s2  }
0x1e: {  	s7 =	smul.u32 @!p0 $0xF7A, s2;
	p2 =	seq.s32 @!p0 s5, $0x0  }
0x1f: {  	s9 =	smul.u32 $0xF7A, s1;
	s8 =	simm.s32 @!p0 $0x1BF5;
	p2 =	por !p2, p0  }
0x20: {  	[sflag:s8] =	ssyncset.s32 @!p0 $0xFFFFF086;
	s6 =	sadd.s32 @!p0 s3, s7;
	s7 =	simm.s32 @!p0 $0x108  }
0x21: {  	s3 =	sadd.s32 s3, s9;
	s6 =	sadd.s32 @!p0 $0x88, s6;
	s7 =	simm.s32 @p2 $0x1082  }
0x22: {  	[simem:s7], [sflag:s8] =	dma.local @!p0 [hbm:s6], $0xF7A  }
0x23: {  	s9 =	sor.u32 $0xD0000000, s2;
	s6 =	simm.s32 $0x108;
	_ =	swait.ge @!p0 [sflag:s8], $0x0  }
0x24: {  	s3 =	sadd.s32 $0x88, s3;
	s6 =	simm.s32 @!p1 $0x1082;
	[sflag:s4] =	ssyncset.s32 $0xFFFFF086  }
0x25: {  	[simem:s6], [sflag:s4] =	dma.local [hbm:s3], $0xF7A  }
0x26: {  	[smem:$0x3F9D] =	sst s1;
	(tag) =	ssettag s2;
	_ =	strace s9  }
0x27: {  	s1 =	sld [smem:$0x3FAD]  }
0x28: {  	s2 =	sld [smem:$0x3FAE]  }
0x29: {  	s4 =	sld [smem:$0x3FB0]  }
0x2a: {  	p0 =	seq.s32 s5, $0x0;
	s5 =	sld [smem:$0x3FB1]  }
0x2b: {  	s6 =	sld [smem:$0x3FB2]  }
0x2c: {  	s7 =	sld [smem:$0x3FB3]  }
0x2d: {  	s3 =	simm.s32 $0x108;
	s8 =	sld [smem:$0x3FB4]  }
0x2e: {  	s3 =	simm.s32 @!p0 $0x1082;
	s9 =	sld [smem:$0x3FB5]  }
0x2f: {  	lr =	sadd.s32 s0, s3;
	s0 =	sld [smem:$0x3FAC]  }
0x30: {  	s3 =	sld [smem:$0x3FAF]  }
0x31: {  	[smem:$0x3FB8] =	sst s10  }
0x32: {  	s10 =	sld [smem:$0x3FB6];
	_ =	sdelay $0x3  }
0x33: {  	p0 =	seq.s32 s10, $0x1;
	s10 =	sld [smem:$0x3FB8];
	_ =	sdelay $0x3  }
0x34: {  	[smem:$0x3FB8] =	sst s10  }
0x35: {  	s10 =	sld [smem:$0x3FB7];
	_ =	sdelay $0x3  }
0x36: {  	p1 =	seq.s32 s10, $0x1;
	s10 =	sld [smem:$0x3FB8];
	_ =	sdelay $0x3  }
0x37: {  	[smem:$0x3FB8] =	sst s10  }
0x38: {  	s10 =	sld [smem:$0x3FB9]  }
0x39: {  	_ = 	snop;
	(pc) =	sbr.ind lr, $3  }
0x3a: {  	_ = 	snop  }
0x3b: {  	_ = 	snop  }
0x3c: {  	p2 =	seq.s32 s10, $0x1;
	s10 =	sld [smem:$0x3FB8]  }
0x3d: {  	_ =	shalt  }
0x3e: {  	_ =	shalt  }
0x3f: {  	_ =	shalt  }
0x40: {  	_ =	shalt  }
0x41: {  	_ =	shalt  }
0x42: {  	_ =	shalt  }
0x43: {  	_ =	shalt  }
0x44: {  	_ =	shalt  }
0x45: {  	_ =	shalt  }
0x46: {  	_ =	shalt  }
0x47: {  	_ =	shalt  }
0x48: {  	_ =	shalt  }
0x49: {  	_ =	shalt  }
0x4a: {  	_ =	shalt  }
0x4b: {  	_ =	shalt  }
0x4c: {  	_ =	shalt  }
0x4d: {  	_ =	shalt  }
0x4e: {  	_ =	shalt  }
0x4f: {  	_ =	shalt  }
0x50: {  	_ =	shalt  }
0x51: {  	_ =	shalt  }
0x52: {  	_ =	shalt  }
0x53: {  	_ =	shalt  }
0x54: {  	_ =	shalt  }
0x55: {  	_ =	shalt  }
0x56: {  	_ =	shalt  }
0x57: {  	_ =	shalt  }
0x58: {  	_ =	shalt  }
0x59: {  	_ =	shalt  }
0x5a: {  	_ =	shalt  }
0x5b: {  	_ =	shalt  }
0x5c: {  	_ =	shalt  }
0x5d: {  	_ =	shalt  }
0x5e: {  	_ =	shalt  }
0x5f: {  	_ =	shalt  }
0x60: {  	_ =	shalt  }
0x61: {  	_ =	shalt  }
0x62: {  	_ =	shalt  }
0x63: {  	_ =	shalt  }
0x64: {  	_ =	shalt  }
0x65: {  	_ =	shalt  }
0x66: {  	_ =	shalt  }
0x67: {  	_ =	shalt  }
0x68: {  	_ =	shalt  }
0x69: {  	_ =	shalt  }
0x6a: {  	_ =	shalt  }
0x6b: {  	_ =	shalt  }
0x6c: {  	_ =	shalt  }
0x6d: {  	_ =	shalt  }
0x6e: {  	_ =	shalt  }
0x6f: {  	_ =	shalt  }
0x70: {  	_ =	shalt  }
0x71: {  	_ =	shalt  }
0x72: {  	_ =	shalt  }
0x73: {  	_ =	shalt  }
0x74: {  	_ =	shalt  }
0x75: {  	_ =	shalt  }
0x76: {  	_ =	shalt  }
0x77: {  	_ =	shalt  }
0x78: {  	_ =	shalt  }
0x79: {  	_ =	shalt  }
0x7a: {  	_ =	shalt  }
0x7b: {  	_ =	shalt  }
0x7c: {  	_ =	shalt  }
0x7d: {  	_ =	shalt  }
0x7e: {  	_ =	shalt  }
0x7f: {  	_ =	shalt  }
0x80: {  	_ =	shalt  }
0x81: {  	_ =	shalt  }
0x82: {  	_ =	shalt  }
0x83: {  	_ =	shalt  }
0x84: {  	_ =	shalt  }
0x85: {  	_ =	shalt  }
0x86: {  	_ =	shalt  }
0x87: {  	_ =	shalt  }
.Lfunc_end0:
.L_simem_size_0:
called_computation_lowered:
.L_overlay_start_0:
0x88: {  	s2 =	sld [smem:$0x3FD9]  }
0x89: {  	s3 =	sld [smem:$0x3FFE];
	_ =	sdelay $0x1  }
0x8a: {  	s1 =	srdreg.scid  }
0x8b: {  	s0 =	sand.u32 $0x1, s1  }
0x8c: {  	s17 =	sshll.u32 s0, $0xA;
	s2 =	sadd.s32 s3, s2  }
0x8d: {  	s2 =	sadd.s32 s2, s17  }
0x8e: {  	[smem:$0x3FC4] =	sst s2  }
0x8f: {  	_ = 	snop  }
0x90: {  	s2 =	sld [smem:$0x3FC9]  }
0x91: {  	s18 =	sld [smem:$0x3FC8]  }
0x92: {  	s4 =	sld [smem:$0x3FC7];
	(tm) =	ssettm $0x1  }
0x93: {  	s5 =	sld [smem:$0x3FFB];
	_ =	sdelay $0x3  }
0x94: {  	_ =	strace s5  }
0x95: {  	s5 =	sld [smem:$0x3FFC];
	_ =	sdelay $0x3  }
0x96: {  	_ =	strace s5  }
0x97: {  	s5 =	sld [smem:$0x3FFD];
	_ =	sdelay $0x3  }
0x98: {  	_ =	strace s5  }
0x99: {  	_ =	strace $0x8FFFFFFF  }
0x9a: {  	s19 =	sld [smem:$0x3FDB];
	_ =	sdelay $0x1  }
0x9b: {  	s6 =	simm.s32 $_scs_section_size  }
0x9c: {  	s7 =	simm.s32 $_size__tile_overlayer_lowered;
	s8 =	simm.s32 $_tile_overlayer_lowered  }
0x9d: {  	s22 =	simm.s32 $0x1BFF;
	s21 =	sshll.u32 s8, $0x1;
	s5 =	sadd.s32 s6, s19  }
0x9e: {  	s9 =	simm.s32 $0x0;
	s20 =	sshll.u32 s7, $0x1;
	s7 =	sadd.s32 s21, s5  }
0x9f: {  	[timem:s9], [sflag:s22] =	dma.local [hbm:s7], s20  }
0xa0: {  	_ =	swait.ge [sflag:s22], s20  }
0xa1: {  	s6 =	ssub.s32 $0x0, s20;
	[sflag:s22] =	ssyncset.done $0x0  }
0xa2: {  	[sflag:s22] =	ssyncadd.s32 s6;
	_ =	sdelay $0x1  }
0xa3: {  	s23 =	simm.s32 $0x1B8B  }
0xa4: {  	_ =	swait.ge [sflag:s23], $0x1  }
0xa5: {  	[sflag:s23] =	ssyncset.done $0x0  }
0xa6: {  	s25 =	simm.s32 $0x1B8E;
	s24 =	sld [smem:$0x3FFE];
	[sflag:s23] =	ssyncadd.s32 $0xFFFFFFFF  }
0xa7: {  	s26 =	simm.s32 $execute0_lowered;
	[smem:$0x3FD2] =	sst s25  }
0xa8: {  	s7 =	sshll.u32 s26, $0x1;
	_ =	strace $0x80000046;
	[dreg:$0x1] =	wrdreg $0xFFFFFFFF  }
0xa9: {  	s28 =	simm.s32 $_size_execute0_lowered;
	s5 =	sadd.s32 s5, s7;
	[dreg:$0x0] =	wrdreg $0x0  }
0xaa: {  	s7 =	sshll.u32 s28, $0x1;
	[dreg:$0x2] =	wrdreg s5  }
0xab: {  	[dreg:$0x3] =	wrdreg s7  }
0xac: {  	[dreg:$0x4] =	wrdreg $0xC0  }
0xad: {  	_ =	task [dreg:s9], $0x5FFFF  }
0xae: {  	[dreg:$0x1] =	wrdreg $0xFFFFFFFF  }
0xaf: {  	[dreg:$0x0] =	wrdreg $0x60  }
0xb0: {  	[dreg:$0x2] =	wrdreg s2  }
0xb1: {  	[dreg:$0x3] =	wrdreg s18  }
0xb2: {  	[dreg:$0x4] =	wrdreg s4  }
0xb3: {  	[dreg:$0x5] =	wrdreg s24  }
0xb4: {  	[dreg:$0x6] =	wrdreg $0x9  }
0xb5: {  	_ =	task.clear_ibuf [dreg:s9], $0x7FFFF;
	_ =	strace $0x90000046  }
0xb6: {  	s29 =	simm.s32 $0x9;
	_ =	strace $0x80000048  }
0xb7: {  	_ =	swait.ge [sflag:s29], $0x1  }
0xb8: {  	[sflag:s29] =	ssyncadd.s32 $0xFFFFFFFF  }
0xb9: {  	_ =	strace $0x90000048  }
0xba: {  	_ =	sfence  }
0xbb: {  	s30 =	sld [smem:$0x0];
	_ =	sdelay $0x2  }
0xbc: {  	s31 =	sshll.u32 s1, $0xD;
	s1 =	sshrl.u32 s1, $0x2  }
0xbd: {  	s3 =	sand.u32 $0x4000, s31;
	s1 =	sadd.s32 s1, s30  }
0xbe: {  	s0 =	sor.u32 s3, s0;
	s1 =	sshll.u32 s1, $0x11  }
0xbf: {  	s0 =	sor.u32 s1, s0  }
0xc0: {  	s0 =	sadd.s32 $0x8F2B, s0  }
0xc1: {  	[sflag:s0] =	ssyncadd.remote.s32 $0x1  }
0xc2: {  	_ =	sfence.sel $0xFFFF  }
0xc3: {  	[dreg:$0x0] =	wrdreg $0xFFFFFFFF;
	(pc) =	sbr.abs _section_cstart, $3  }
0xc4: {  	[dreg:$0x1] =	wrdreg $0xFFFFFFFF  }
0xc5: {  	_ =	task.clear_ibuf [dreg:s9], $0x2FFFF;
	_ =	strace $0x9FFFFFFF  }
0xc6: {  	(tm) =	ssettm $0x7FFFFFFF  }
0xc7: {  	_ =	shalt  }
tec
execute0_lowered:
.L_overlay_start_1:
0x0: {  	(tag) =	ssettag $0x1  }
0x1: {  	v0 =	vimm.s32 $0xFEDCBA98;
	v1 =	vimm.s32 $0x76543210;
	v2 =	vimm.s32 $0xBA987654  }
0x2: {  	v3 =	vimm.s32 $0x3210FEDC;
	vm0 =	vcmask $0x2F20;
	vm1 =	vcmask $0xF00  }
0x3: {  	v5 =	vimm.s32 $0x543210FE;
	v61 =	vimm.s32 $0x98765432;
	vm2 =	vcmask $0x700  }
0x4: {  	vm3 =	vcmask $0x300;
	v62 =	vimm.s32 $0x87654321;
	v0 =	vunpack.c.l.s4.s8 v0  }
0x5: {  	v2 =	vunpack.c.l.s4.s8 v2;
	vm0 =	vmor vm1, vm0;
	vm1 =	vcmask $0x1710  }
0x6: {  	v1 =	vunpack.c.l.s4.s8 v1;
	v3 =	vunpack.c.l.s4.s8 v3;
	vm1 =	vmor vm2, vm1  }
0x7: {  	vm2 =	vcmask $0x2720;
	v0 =	vunpack.c.0.s8.s32 v0;
	v2 =	vunpack.c.0.s8.s32 v2  }
0x8: {  	v3 =	vunpack.c.0.s8.s32 v3;
	vm1 =	vmor vm1, vm2;
	vm2 =	vcmask $0x3730  }
0x9: {  	v63 =	vlaneseq.u32;
	v1 =	vunpack.c.0.s8.s32 v1;
	vm1 =	vmor vm1, vm2  }
0xa: {  	vm2 =	vcmask $0xB08;
	v0 =	vand.u32 $0xF, v0;
	v4 =	vcombine.low v3, v2  }
0xb: {  	v6 =	vcombine.low v2, v3;
	v2 =	vunpack.c.l.s4.s8 v5;
	v3 =	vimm.s32 $0x10FEDCBA  }
0xc: {  	s0 =	rddreg [dreg:$0x0];
	v5 =	vunpack.c.l.s4.s8 v61;
	vm2 =	vmor vm3, vm2;
	vm3 =	vcmask $0x1310  }
0xd: {  	s7 =	rddreg [dreg:$0x1];
	v0 =	vcombine.low v0, v1;
	v1 =	vimm.s32 $0xDCBA9876;
	v3 =	vunpack.c.l.s4.s8 v3  }
0xe: {  	s1 =	rddreg [dreg:$0x2];
	v18 =	vmul.u32 $0x201, v63;
	vm2 =	vmor vm2, vm3;
	v1 =	vunpack.c.l.s4.s8 v1  }
0xf: {  	s6 =	rddreg [dreg:$0x3];
	vm3 =	vcmask $0x1B18;
	v5 =	vunpack.c.0.s8.s32 v5;
	v3 =	vunpack.c.0.s8.s32 v3  }
0x10: {  	s2 =	rddreg [dreg:$0x4];
	v2 =	vunpack.c.0.s8.s32 v2;
	vm2 =	vmor vm2, vm3;
	v1 =	vunpack.c.0.s8.s32 v1  }
0x11: {  	s5 =	srdreg.scid;
	s3 =	stileid.u32;
	s4 =	simm.s32 $0x0;
	vm3 =	vcmask $0x2320;
	v22 =	vand.u32 $0xF, v4;
	v8 =	vcombine.low v5, v3  }
0x12: {  	s13 =	simm.s32 $0x1B880;
	s14 =	simm.s32 $0xD000;
	s15 =	simm.s32 $0x1;
	v3 =	vimm.s32 $0xFEDCBA9;
	v5 =	vunpack.c.l.s4.s8 v62;
	v7 =	vcombine.low v2, v1  }
0x13: {  	s8 =	sand.u32 $0x1, s5;
	s30 =	sshll.u32 s3, $0x1;
	[smem:$0x7FF] =	sst s4;
	v1 =	vimm.s32 $0xEDCBA987;
	v2 =	vimm.s32 $0x6543210F;
	v3 =	vunpack.c.l.s4.s8 v3  }
0x14: {  	s16 =	simm.s32 $0x1B900;
	s9 =	sor.u32 s8, s30;
	_ =	strace $0x80000047;
	[tilespmem:$0x1FFF0] =	vst v18;
	v23 =	vand.u32 $0xF, v6;
	v1 =	vunpack.c.l.s4.s8 v1;
	v2 =	vunpack.c.l.s4.s8 v2  }
0x15: {  	s17 =	simm.s32 $0x2;
	s18 =	simm.s32 $0x1D980;
	s5 =	smul.u32 $0x1860, s9;
	vm2 =	vmor vm2, vm3;
	[tilespmem:$0x1FFA0] =	vst v22;
	v5 =	vunpack.c.0.s8.s32 v5;
	v9 =	vunpack.c.0.s8.s32 v3  }
0x16: {  	s8 =	ssub.s32 $0x2, s8;
	s10 =	sshll.u32 s9, $0x6;
	s9 =	smul.u32 $0x18600, s9;
	[tilespmem:$0x1FFB0] =	vst v23;
	v20 =	vand.u32 $0xF, v8;
	v1 =	vunpack.c.0.s8.s32 v1;
	v2 =	vunpack.c.0.s8.s32 v2  }
0x17: {  	s19 =	simm.s32 $0x0;
	s31 =	sshrl.u32 s8, $0x1;
	s10 =	sadd.s32 s10, s6;
	vm3 =	vcmask $0x2B28;
	v19 =	vand.u32 $0xF, v7;
	[tilespmem:$0x1FFE0] =	vst v20;
	v17 =	vcombine.low v5, v9  }
0x18: {  	s12 =	ssub.s32 s8, s31;
	s11 =	sshrl.u32 s5, $0x3;
	s6 =	sadd.s32 s0, s9;
	vm2 =	vmor vm2, vm3;
	vm3 =	vcmask $0x3330;
	[tilespmem:$0x1FFD0] =	vst v19;
	v1 =	vcombine.low v2, v1  }
0x19: {  	s8 =	sadd.s32 $0x340, s5;
	s9 =	sadd.s32 $0x800, s10;
	s10 =	smax.u32 s12, $0x1;
	vm2 =	vmor vm2, vm3;
	vm3 =	vcmask $0x3B38;
	[tilespmem:$0x1FFC0] =	vst v17  }
0x1a: {  	s12 =	simm.s32 $0x3;
	s7 =	sadd.s32 s7, s11;
	s11 =	simm.s32 $0x1A000;
	vm2 =	vmor vm2, vm3;
	vm3 =	vmmov $0xff;
	[tilespmem:$0x1FF90] =	vst v1;
	v1 =	vimm.f32 $0.0e+00  }
.LBB2_1:
0x1b: {  	[tilespmem:s4], [sflag:$0x1] =	stream.linear.gather [hbm4b:s6+s4], $0xD000, $0x38;
	[tilespmem:$0x1DB80] =	vst v63  }
0x1c: {  	_ = 	snop  }
0x1d: {  	[tilespmem:s11], [sflag:$0x3] =	stream.linear.gather [hbm4b:s7+s4], $0x1860, $0x38;
	[tilespmem:$0x1DB80] =	vst v63  }
0x1e: {  	_ =	swait.ge [sflag:s12], $0x1860  }
0x1f: {  	[sflag:s12] =	ssyncset.done $0x0  }
0x20: {  	[sflag:s12] =	ssyncadd.s32 $0xFFFFE7A0  }
0x21: {  	[tilespmem:s13], [sflag:$0x3] =	stream.linear.gather [hbm4b:s1+s4], $0x80, $0x38;
	[tilespmem:$0x1DB80] =	vst v63  }
0x22: {  	_ =	swait.ge [sflag:s12], $0x80  }
0x23: {  	[sflag:s12] =	ssyncset.done $0x0  }
0x24: {  	[sflag:s12] =	ssyncadd.s32 $0xFFFFFF80  }
0x25: {  	v9 =	vld [tilespmem:$0x1B880]  }
0x26: {  	v10 =	vld [tilespmem:$0x1B890]  }
0x27: {  	v11 =	vld [tilespmem:$0x1B8A0]  }
0x28: {  	v12 =	vld [tilespmem:$0x1B8B0]  }
0x29: {  	v13 =	vld [tilespmem:$0x1B8C0]  }
0x2a: {  	v14 =	vld [tilespmem:$0x1B8D0]  }
0x2b: {  	v15 =	vld [tilespmem:$0x1B8E0]  }
0x2c: {  	s20 =	simm.s32 $0x0;
	v16 =	vld [tilespmem:$0x1B8F0]  }
.LBB2_2:
0x2d: {  	p0 =	sne.s32 s20, $0x8000  }
.Ltmp0:
0x2e: {  	_ = 	snop;
	(pc) =	sbr.rel @p0 .LBB2_2-.Ltmp0, $3  }
0x2f: {  	_ =	sdelay $0x1  }
0x30: {  	s21 =	sshra.s32 s20, $0x2  }
0x31: {  	s20 =	sadd.s32 $0x40, s20;
	[tilespmem:s21+$0x1B900] =	vst v1  }
0x32: {  	s20 =	simm.s32 $0x0  }
0x33: {  	s21 =	simm.s32 $0x1A000;
	s22 =	simm.s32 $0x1A1A0;
	s23 =	simm.s32 $0x0  }
.LBB2_4:
0x34: {  	s24 =	smul.u32 $0x340, s23;
	_ =	sdelay $0x1  }
0x35: {  	s25 =	sadd.s32 s5, s24  }
0x36: {  	s25 =	sshll.u32 s25, $0x4  }
0x37: {  	s25 =	sadd.s32 $0x1A00, s25  }
0x38: {  	s25 =	sand.u32 $0x1FFFFE00, s25  }
0x39: {  	s25 =	sadd.s32 s0, s25  }
0x3a: {  	[tilespmem:s14], [sflag:$0x2] =	stream.linear.gather [hbm4b:s25+s20], $0xD000, $0x38;
	[tilespmem:$0x1DB80] =	vst v63  }
0x3b: {  	_ =	swait.ge [sflag:s15], $0xD000  }
0x3c: {  	v1 =	vmov s21;
	[sflag:s15] =	ssyncset.done $0x0  }
0x3d: {  	s26 =	simm.s32 $0x0;
	s25 =	simm.s32 $0x400;
	[tilespmem:$0x1FF80] =	vst v1;
	v4 =	vld [tilespmem:$0x1FF90];
	[sflag:s15] =	ssyncadd.s32 $0xFFFF3000  }
.LBB2_5:
0x3e: {  	v18 =	vld [tilespmem:s25+$0xFFFFFC00]  }
0x3f: {  	v19 =	vld [tilespmem:s25+$0xFFFFFC10]  }
0x40: {  	v20 =	vld [tilespmem:s25+$0xFFFFFC20]  }
0x41: {  	v21 =	vld [tilespmem:s25+$0xFFFFFC30]  }
0x42: {  	v26 =	vld [tilespmem:s25+$0xFFFFFC40]  }
0x43: {  	v28 =	vld [tilespmem:s25+$0xFFFFFC50]  }
0x44: {  	v31 =	vld [tilespmem:s25+$0xFFFFFC60]  }
0x45: {  	v32 =	vld [tilespmem:s25+$0xFFFFFC70]  }
0x46: {  	v24 =	vld [tilespmem:s25+$0x0]  }
0x47: {  	v25 =	vld [tilespmem:s25+$0x10]  }
0x48: {  	v33 =	vld [tilespmem:s25+$0x20]  }
0x49: {  	v34 =	vld [tilespmem:s25+$0x30]  }
0x4a: {  	v35 =	vld [tilespmem:s25+$0x40]  }
0x4b: {  	v36 =	vld [tilespmem:s25+$0x50]  }
0x4c: {  	v37 =	vld [tilespmem:s25+$0x60]  }
0x4d: {  	v38 =	vld [tilespmem:s25+$0x70]  }
0x4e: {  	v39 =	vld [tilespmem:s25+$0xFFFFFE00]  }
0x4f: {  	v40 =	vld [tilespmem:s25+$0xFFFFFE10]  }
0x50: {  	v41 =	vld [tilespmem:s25+$0xFFFFFE20]  }
0x51: {  	v42 =	vld [tilespmem:s25+$0xFFFFFE30]  }
0x52: {  	v43 =	vld [tilespmem:s25+$0xFFFFFE40]  }
0x53: {  	v44 =	vld [tilespmem:s25+$0xFFFFFE50]  }
0x54: {  	v45 =	vld [tilespmem:s25+$0xFFFFFE60]  }
0x55: {  	v46 =	vld [tilespmem:s25+$0xFFFFFE70]  }
0x56: {  	v47 =	vld [tilespmem:s25+$0x200]  }
0x57: {  	v48 =	vld [tilespmem:s25+$0x210]  }
0x58: {  	v49 =	vld [tilespmem:s25+$0x220]  }
0x59: {  	v50 =	vld [tilespmem:s25+$0x230]  }
0x5a: {  	v51 =	vld [tilespmem:s25+$0x240]  }
0x5b: {  	v52 =	vld [tilespmem:s25+$0x250]  }
0x5c: {  	v53 =	vld [tilespmem:s25+$0x260]  }
0x5d: {  	v54 =	vld [tilespmem:s25+$0x270]  }
0x5e: {  	v55 =	vld [tilespmem:s25+$0xFFFFFD00]  }
0x5f: {  	v56 =	vld [tilespmem:s25+$0xFFFFFD10]  }
0x60: {  	v57 =	vld [tilespmem:s25+$0xFFFFFD20]  }
0x61: {  	v58 =	vld [tilespmem:s25+$0xFFFFFD30]  }
0x62: {  	v59 =	vld [tilespmem:s25+$0xFFFFFD40]  }
0x63: {  	v60 =	vld [tilespmem:s25+$0xFFFFFD50]  }
0x64: {  	v27 =	vld [tilespmem:s25+$0xFFFFFD60]  }
0x65: {  	v22 =	vld [tilespmem:s25+$0xFFFFFD70]  }
0x66: {  	v61 =	vld [tilespmem:s25+$0x100]  }
0x67: {  	v62 =	vld [tilespmem:s25+$0x110]  }
0x68: {  	v63 =	vld [tilespmem:s25+$0x120]  }
0x69: {  	v2 =	vld [tilespmem:s25+$0x130]  }
0x6a: {  	v1 =	vld [tilespmem:s25+$0x140]  }
0x6b: {  	v5 =	vld [tilespmem:s25+$0x150]  }
0x6c: {  	v30 =	vld [tilespmem:s25+$0x160]  }
0x6d: {  	v8 =	vld [tilespmem:s25+$0xFFFFFF00]  }
0x6e: {  	v17 =	vld [tilespmem:s25+$0xFFFFFF10]  }
0x6f: {  	v23 =	vld [tilespmem:s25+$0x170]  }
0x70: {  	v6 =	vld [tilespmem:s25+$0xFFFFFF20]  }
0x71: {  	v7 =	vld [tilespmem:s25+$0xFFFFFF30];
	v18 =	vmul.f32 v18, v9;
	v19 =	vmul.f32 v19, v10  }
0x72: {  	v3 =	vld [tilespmem:s25+$0xFFFFFF40];
	v24 =	vmul.f32 v24, v9;
	v25 =	vmul.f32 v25, v10  }
0x73: {  	v29 =	vld [tilespmem:s25+$0xFFFFFF50];
	v8 =	vmul.f32 v8, v9;
	v17 =	vmul.f32 v17, v10  }
0x74: {  	v18 =	vadd.f32 v19, v18;
	v19 =	vmul.f32 v20, v11;
	v20 =	vadd.f32 v25, v24;
	v25 =	vld [tilespmem:s25+$0xFFFFFF60]  }
0x75: {  	v33 =	vmul.f32 v33, v11;
	v24 =	vld [tilespmem:s25+$0xFFFFFF70]  }
0x76: {  	v48 =	vmul.f32 v48, v10;
	v6 =	vmul.f32 v6, v11;
	v8 =	vadd.f32 v17, v8;
	v17 =	vld [tilespmem:s25+$0xFFFFFE90]  }
0x77: {  	v18 =	vadd.f32 v19, v18;
	v19 =	vmul.f32 v21, v12;
	v20 =	vadd.f32 v33, v20;
	v33 =	vld [tilespmem:s25+$0x300]  }
0x78: {  	v31 =	vmul.f32 v31, v15;
	v21 =	vmul.f32 v34, v12;
	v34 =	vld [tilespmem:s25+$0x310]  }
0x79: {  	v7 =	vmul.f32 v7, v12;
	v6 =	vadd.f32 v6, v8;
	v8 =	vld [tilespmem:s25+$0xFFFFFEB0];
	v18 =	vadd.f32 v19, v18  }
0x7a: {  	v19 =	vmul.f32 v26, v13;
	v20 =	vadd.f32 v21, v20;
	v21 =	vmul.f32 v35, v13;
	v35 =	vld [tilespmem:s25+$0x320]  }
0x7b: {  	v26 =	vmul.f32 v28, v14;
	v28 =	vmul.f32 v40, v10;
	v40 =	vld [tilespmem:s25+$0x350]  }
0x7c: {  	v37 =	vmul.f32 v37, v15;
	v3 =	vmul.f32 v3, v13;
	v6 =	vadd.f32 v7, v6;
	v7 =	vld [tilespmem:s25+$0xFFFFFED0]  }
0x7d: {  	v32 =	vmul.f32 v32, v16;
	v18 =	vadd.f32 v19, v18;
	v19 =	vmul.f32 v39, v9;
	v39 =	vld [tilespmem:s25+$0x330]  }
0x7e: {  	v20 =	vadd.f32 v21, v20;
	v21 =	vmul.f32 v36, v14;
	v36 =	vld [tilespmem:s25+$0x340];
	v3 =	vadd.f32 v3, v6  }
0x7f: {  	v6 =	vmul.f32 v29, v14;
	v29 =	vld [tilespmem:s25+$0xFFFFFEF0];
	v18 =	vadd.f32 v26, v18;
	v19 =	vadd.f32 v28, v19  }
0x80: {  	v26 =	vmul.f32 v41, v11;
	v20 =	vadd.f32 v21, v20;
	v21 =	vmul.f32 v47, v9;
	v47 =	vld [tilespmem:s25+$0x360]  }
0x81: {  	v38 =	vmul.f32 v38, v16;
	v46 =	vmul.f32 v46, v16;
	v28 =	vld [tilespmem:s25+$0x370]  }
0x82: {  	v63 =	vmul.f32 v63, v11;
	v41 =	vld [tilespmem:s25+$0xFFFFFCB0];
	v19 =	vadd.f32 v26, v19;
	v26 =	vmul.f32 v42, v12  }
0x83: {  	v58 =	vmul.f32 v58, v12;
	v21 =	vadd.f32 v48, v21;
	v48 =	vmul.f32 v49, v11;
	v42 =	vld [tilespmem:s25+$0xFFFFFC80]  }
0x84: {  	v2 =	vmul.f32 v2, v12;
	v49 =	vmul.f32 v43, v13;
	v43 =	vld [tilespmem:s25+$0xFFFFFC90];
	v19 =	vadd.f32 v26, v19  }
0x85: {  	v20 =	vadd.f32 v37, v20;
	v37 =	vld [tilespmem:s25+$0xFFFFFCA0];
	v21 =	vadd.f32 v48, v21;
	v48 =	vmul.f32 v50, v12  }
0x86: {  	v18 =	vadd.f32 v31, v18;
	v31 =	vld [tilespmem:s25+$0xFFFFFCE0];
	v19 =	vadd.f32 v49, v19;
	v49 =	vmul.f32 v44, v14  }
0x87: {  	v50 =	vmul.f32 v51, v13;
	v51 =	vmul.f32 v45, v15;
	v45 =	vld [tilespmem:s25+$0xFFFFFCD0];
	v21 =	vadd.f32 v48, v21  }
0x88: {  	v1 =	vmul.f32 v1, v13;
	v44 =	vld [tilespmem:s25+$0xFFFFFCC0];
	v26 =	vadd.f32 v49, v19;
	v19 =	vadd.f32 v38, v20  }
0x89: {  	v48 =	vld [tilespmem:s25+$0xE0];
	v20 =	vadd.f32 v50, v21;
	v21 =	vmul.f32 v52, v14;
	v52 =	vmul.f32 v55, v9  }
0x8a: {  	v55 =	vmul.f32 v56, v10;
	v56 =	vmul.f32 v62, v10;
	v50 =	vld [tilespmem:s25+$0x80]  }
0x8b: {  	v62 =	vmul.f32 v53, v15;
	v53 =	vld [tilespmem:s25+$0xD0];
	v21 =	vadd.f32 v21, v20;
	v20 =	vmul.f32 v61, v9  }
0x8c: {  	v27 =	vmul.f32 v27, v15;
	v18 =	vadd.f32 v32, v18;
	v32 =	vadd.f32 v51, v26;
	v26 =	vld [tilespmem:s25+$0xFFFFFCF0]  }
0x8d: {  	v38 =	vadd.f32 v55, v52;
	v61 =	vmul.f32 v57, v11;
	v51 =	vld [tilespmem:s25+$0x90];
	v49 =	vadd.f32 v56, v20  }
0x8e: {  	v30 =	vmul.f32 v30, v15;
	v22 =	vmul.f32 v22, v16;
	v55 =	vld [tilespmem:s25+$0xA0]  }
0x8f: {  	v52 =	vmul.f32 v47, v15;
	v47 =	vld [tilespmem:s25+$0x190];
	v57 =	vadd.f32 v61, v38;
	v61 =	vadd.f32 v63, v49  }
0x90: {  	v23 =	vmul.f32 v23, v16;
	v24 =	vmul.f32 v24, v16;
	v20 =	vadd.f32 v46, v32;
	v46 =	vld [tilespmem:s25+$0xB0]  }
0x91: {  	v3 =	vadd.f32 v6, v3;
	v6 =	vmul.f32 v25, v15;
	v38 =	vld [tilespmem:s25+$0xF0];
	v2 =	vadd.f32 v2, v61  }
0x92: {  	v21 =	vadd.f32 v62, v21;
	v62 =	vmul.f32 v54, v16;
	v49 =	vld [tilespmem:s25+$0xC0];
	v32 =	vadd.f32 v58, v57  }
0x93: {  	v58 =	vmul.f32 v34, v10;
	v34 =	vld [tilespmem:s25+$0xFFFFFEA0];
	v1 =	vadd.f32 v1, v2;
	v2 =	vmul.f32 v5, v14  }
0x94: {  	v3 =	vadd.f32 v6, v3;
	v63 =	vmul.f32 v59, v13;
	v59 =	vmul.f32 v35, v11;
	v35 =	vld [tilespmem:s25+$0xFFFFFEC0]  }
0x95: {  	v21 =	vadd.f32 v62, v21;
	v62 =	vld [tilespmem:s25+$0x290];
	v1 =	vadd.f32 v2, v1;
	v2 =	vmul.f32 v33, v9  }
0x96: {  	v57 =	vmul.f32 v60, v14;
	v54 =	vmul.f32 v55, v11;
	v55 =	vld [tilespmem:s25+$0x2E0];
	v32 =	vadd.f32 v63, v32  }
0x97: {  	v29 =	vmul.f32 v29, v16;
	v61 =	vmul.f32 v36, v13;
	v36 =	vld [tilespmem:s25+$0x2B0];
	v2 =	vadd.f32 v58, v2  }
0x98: {  	v28 =	vmul.f32 v28, v16;
	v63 =	vmul.f32 v43, v10;
	v43 =	vld [tilespmem:s25+$0xFFFFFFA0];
	v32 =	vadd.f32 v57, v32  }
0x99: {  	v6 =	vmul.f32 v42, v9;
	v60 =	vmul.f32 v39, v12;
	v5 =	vld [tilespmem:s25+$0xFFFFFE80];
	v2 =	vadd.f32 v59, v2  }
0x9a: {  	v31 =	vmul.f32 v31, v15;
	v26 =	vmul.f32 v26, v16;
	v57 =	vld [tilespmem:s25+$0xFFFFFD80];
	v27 =	vadd.f32 v27, v32  }
0x9b: {  	v56 =	vmul.f32 v46, v12;
	v32 =	vld [tilespmem:s25+$0xFFFFFEE0];
	v1 =	vadd.f32 v30, v1;
	v2 =	vadd.f32 v60, v2  }
0x9c: {  	v33 =	vld [tilespmem:s25+$0x280];
	v55 =	vmul.f32 v55, v15;
	v22 =	vadd.f32 v22, v27;
	v27 =	vmul.f32 v62, v10  }
0x9d: {  	v30 =	vld [tilespmem:s25+$0x2A0];
	v23 =	vadd.f32 v23, v1;
	v1 =	vadd.f32 v61, v2;
	v2 =	vmul.f32 v40, v14  }
0x9e: {  	v24 =	vadd.f32 v24, v3;
	v62 =	vmul.f32 v48, v15;
	v60 =	vmul.f32 v49, v13;
	v49 =	vld [tilespmem:s25+$0x1A0]  }
0x9f: {  	v58 =	vld [tilespmem:s25+$0xFFFFFD90];
	v1 =	vadd.f32 v2, v1;
	v2 =	vmul.f32 v50, v9;
	v50 =	vmul.f32 v51, v10  }
0xa0: {  	v6 =	vadd.f32 v63, v6;
	v48 =	vmul.f32 v36, v12;
	v40 =	vld [tilespmem:s25+$0x2C0];
	v51 =	vmul.f32 v37, v11  }
0xa1: {  	v36 =	vld [tilespmem:s25+$0x3F0];
	v5 =	vmul.f32 v5, v9;
	v59 =	vmul.f32 v45, v14;
	v2 =	vadd.f32 v50, v2  }
0xa2: {  	v63 =	vmul.f32 v30, v11;
	v61 =	vld [tilespmem:s25+$0xFFFFFDA0];
	v3 =	vadd.f32 v51, v6;
	v6 =	vmul.f32 v41, v12  }
0xa3: {  	v45 =	vld [tilespmem:s25+$0x180];
	v42 =	vmul.f32 v49, v11;
	v1 =	vadd.f32 v52, v1;
	v2 =	vadd.f32 v54, v2  }
0xa4: {  	v37 =	vld [tilespmem:s25+$0x2D0];
	v50 =	vmul.f32 v38, v16;
	v3 =	vadd.f32 v6, v3;
	v6 =	vmul.f32 v44, v13  }
0xa5: {  	v49 =	vld [tilespmem:s25+$0x3B0];
	v51 =	vmul.f32 v40, v13;
	v25 =	vadd.f32 v28, v1;
	v2 =	vadd.f32 v56, v2  }
0xa6: {  	v52 =	vld [tilespmem:s25+$0x1C0];
	v54 =	vmul.f32 v58, v10;
	v3 =	vadd.f32 v6, v3;
	v6 =	vmul.f32 v17, v10  }
0xa7: {  	v58 =	vmul.f32 v61, v11;
	v17 =	vld [tilespmem:s25+$0xFFFFFDB0];
	v1 =	vadd.f32 v60, v2;
	v2 =	vmul.f32 v53, v14  }
0xa8: {  	v61 =	vmul.f32 v47, v10;
	v5 =	vadd.f32 v6, v5;
	v6 =	vmul.f32 v34, v11;
	v34 =	vld [tilespmem:s25+$0xFFFFFDD0]  }
0xa9: {  	v3 =	vadd.f32 v59, v3;
	v53 =	vmul.f32 v37, v14;
	v37 =	vld [tilespmem:s25+$0x1F0];
	v1 =	vadd.f32 v2, v1  }
0xaa: {  	v59 =	vld [tilespmem:s25+$0xFFFFFF90];
	v2 =	vmul.f32 v33, v9;
	v5 =	vadd.f32 v6, v5;
	v6 =	vmul.f32 v8, v12  }
0xab: {  	v46 =	vmul.f32 v52, v13;
	v60 =	vmul.f32 v45, v9;
	v33 =	vld [tilespmem:s25+$0xFFFFFDE0];
	v3 =	vadd.f32 v31, v3  }
0xac: {  	v8 =	vld [tilespmem:s25+$0xFFFFFDF0];
	v17 =	vmul.f32 v17, v12;
	v2 =	vadd.f32 v27, v2;
	v5 =	vadd.f32 v6, v5  }
0xad: {  	v6 =	vmul.f32 v35, v13;
	v1 =	vadd.f32 v62, v1;
	v3 =	vadd.f32 v26, v3;
	v26 =	vld [tilespmem:s25+$0x1D0]  }
0xae: {  	v62 =	vld [tilespmem:s25+$0x380];
	v27 =	vadd.f32 v61, v60;
	v44 =	vmul.f32 v34, v14;
	v40 =	vmul.f32 v37, v16  }
0xaf: {  	v52 =	vld [tilespmem:s25+$0x3C0];
	v2 =	vadd.f32 v63, v2;
	v5 =	vadd.f32 v6, v5;
	v6 =	vmul.f32 v7, v14  }
0xb0: {  	v41 =	vld [tilespmem:s25+$0x2F0];
	v1 =	vadd.f32 v50, v1;
	v27 =	vadd.f32 v42, v27;
	v42 =	vperm.xlane v19, v0  }
0xb1: {  	v28 =	vld [tilespmem:s25+$0xFFFFFDC0];
	v33 =	vmul.f32 v33, v15;
	v8 =	vmul.f32 v8, v16;
	v2 =	vadd.f32 v48, v2  }
0xb2: {  	v45 =	vld [tilespmem:s25+$0x3A0];
	v5 =	vadd.f32 v6, v5;
	v6 =	vmul.f32 v32, v15;
	v48 =	vmul.f32 v59, v10  }
0xb3: {  	v7 =	vld [tilespmem:s25+$0x1B0];
	v31 =	vmul.f32 v62, v9;
	v26 =	vmul.f32 v26, v14  }
0xb4: {  	v63 =	vld [tilespmem:s25+$0x390];
	v62 =	vmul.f32 v52, v13;
	v52 =	vperm.xlane v1, v0  }
0xb5: {  	v50 =	vld [tilespmem:s25+$0xFFFFFFC0];
	v5 =	vadd.f32 v6, v5;
	v6 =	vmul.f32 v57, v9;
	v57 =	vmul.f32 v41, v16  }
0xb6: {  	v32 =	vld [tilespmem:s25+$0x1E0];
	v2 =	vadd.f32 v51, v2;
	v51 =	vmul.f32 v43, v11;
	v41 =	vmul.f32 v36, v16  }
0xb7: {  	v59 =	vld [tilespmem:s25+$0x3E0];
	v43 =	vperm.xlane v18, v0;
	v18 =	vsel vm3, v18, v42;
	v6 =	vadd.f32 v54, v6  }
0xb8: {  	v56 =	vld [tilespmem:s25+$0xFFFFFF80];
	v7 =	vmul.f32 v7, v12;
	v2 =	vadd.f32 v53, v2;
	v5 =	vadd.f32 v29, v5  }
0xb9: {  	v47 =	vld [tilespmem:s25+$0xFFFFFFB0];
	v29 =	vmul.f32 v63, v10;
	v54 =	vmul.f32 v45, v11;
	v6 =	vadd.f32 v58, v6  }
0xba: {  	v45 =	vperm.xlane v20, v0;
	v19 =	vsel vm3, v43, v19;
	v7 =	vadd.f32 v7, v27  }
0xbb: {  	v27 =	vmul.f32 v50, v13;
	v6 =	vadd.f32 v17, v6;
	v17 =	vmul.f32 v28, v13  }
0xbc: {  	v32 =	vmul.f32 v32, v15;
	v39 =	vmul.f32 v59, v15;
	v18 =	vadd.f32 v19, v18  }
0xbd: {  	v53 =	vld [tilespmem:s25+$0xFFFFFFD0];
	v2 =	vadd.f32 v55, v2;
	v6 =	vadd.f32 v17, v6;
	v17 =	vmul.f32 v56, v9  }
0xbe: {  	v29 =	vadd.f32 v29, v31;
	v55 =	vmul.f32 v47, v12;
	v58 =	vmul.f32 v49, v12  }
0xbf: {  	v47 =	vperm.xlane v22, v0;
	v7 =	vadd.f32 v46, v7;
	v17 =	vadd.f32 v48, v17  }
0xc0: {  	v46 =	vperm.xlane v23, v0;
	v2 =	vadd.f32 v57, v2;
	v29 =	vadd.f32 v54, v29;
	v56 =	vld [tilespmem:s25+$0x3D0]  }
0xc1: {  	v50 =	vsel vm3, v47, v23;
	v7 =	vadd.f32 v26, v7;
	v17 =	vadd.f32 v51, v17  }
0xc2: {  	v57 =	vld [tilespmem:s25+$0xFFFFFFE0];
	v63 =	vmul.f32 v53, v14;
	v49 =	vsel vm3, v22, v46;
	v6 =	vadd.f32 v44, v6  }
0xc3: {  	v53 =	vperm.xlane v3, v0;
	v60 =	vadd.f32 v58, v29;
	v17 =	vadd.f32 v55, v17  }
0xc4: {  	v61 =	vld [tilespmem:s25+$0xFFFFFFF0];
	v3 =	vsel vm3, v3, v52;
	v54 =	vperm.xlane v2, v0;
	v6 =	vadd.f32 v33, v6  }
0xc5: {  	v26 =	vadd.f32 v62, v60;
	v38 =	vmul.f32 v56, v14;
	v17 =	vadd.f32 v27, v17  }
0xc6: {  	v7 =	vadd.f32 v32, v7;
	v1 =	vsel vm3, v53, v1;
	v6 =	vadd.f32 v8, v6  }
0xc7: {  	v26 =	vadd.f32 v38, v26;
	v8 =	vadd.f32 v63, v17;
	v17 =	vmul.f32 v57, v15  }
0xc8: {  	v44 =	vperm.xlane v21, v0;
	v21 =	vsel vm3, v45, v21;
	v48 =	vperm.xlane v25, v0  }
0xc9: {  	v26 =	vadd.f32 v39, v26;
	v8 =	vadd.f32 v17, v8;
	v17 =	vmul.f32 v61, v16  }
0xca: {  	v59 =	vld [tilespmem:$0x1FFB0];
	v1 =	vadd.f32 v1, v3;
	v7 =	vadd.f32 v40, v7;
	v20 =	vsel vm3, v20, v44  }
0xcb: {  	v60 =	vld [tilespmem:$0x1FFA0];
	v55 =	vperm.xlane v5, v0;
	v8 =	vadd.f32 v17, v8;
	v17 =	vadd.f32 v41, v26  }
0xcc: {  	v51 =	vperm.xlane v24, v0;
	v56 =	vperm.xlane v7, v0;
	v5 =	vsel vm3, v5, v54  }
0xcd: {  	v2 =	vsel vm3, v55, v2;
	v57 =	vperm.xlane v6, v0;
	v58 =	vperm.xlane v17, v0  }
0xce: {  	v19 =	vadd.f32 v21, v20;
	v2 =	vadd.f32 v2, v5;
	v3 =	vperm.xlane v8, v0  }
0xcf: {  	v5 =	vsel vm3, v6, v56;
	v6 =	vsel vm3, v57, v7;
	v7 =	vsel vm3, v8, v58  }
0xd0: {  	v3 =	vsel vm3, v3, v17;
	v8 =	vperm.xlane v19, v60;
	v17 =	vperm.xlane v18, v59  }
0xd1: {  	v20 =	vsel vm3, v24, v48;
	v23 =	vsel vm3, v51, v25;
	v5 =	vadd.f32 v6, v5  }
0xd2: {  	v63 =	vld [tilespmem:$0x1FFE0];
	v3 =	vadd.f32 v3, v7;
	v7 =	vsel vm0, v18, v8;
	v8 =	vsel vm0, v17, v19  }
0xd3: {  	v18 =	vperm.xlane v2, v60;
	v19 =	vperm.xlane v1, v59;
	v7 =	vadd.f32 v8, v7;
	v8 =	vld [tilespmem:$0x1FF80]  }
0xd4: {  	v21 =	vadd.f32 v50, v49;
	v20 =	vadd.f32 v23, v20;
	v62 =	vperm.xlane v5, v59  }
0xd5: {  	v61 =	vperm.xlane v3, v60;
	v1 =	vsel vm0, v1, v18;
	v2 =	vsel vm0, v19, v2;
	v19 =	vld [tilespmem:$0x1FFD0]  }
0xd6: {  	v6 =	vperm.xlane v20, v60;
	v1 =	vadd.f32 v2, v1  }
0xd7: {  	v17 =	vperm.xlane v21, v59;
	v3 =	vsel vm0, v62, v3;
	v5 =	vsel vm0, v5, v61  }
0xd8: {  	v2 =	vadd.f32 v3, v5;
	v18 =	vperm.xlane v1, v63  }
0xd9: {  	v6 =	vsel vm0, v21, v6;
	v17 =	vsel vm0, v17, v20  }
0xda: {  	s28 =	sshra.s32 s26, $0x2;
	v6 =	vadd.f32 v17, v6;
	v17 =	vperm.xlane v2, v19;
	v2 =	vsel vm1, v18, v2;
	v18 =	vld [tilespmem:$0x1FFF0]  }
0xdb: {  	v8 =	vld.idx.msk [tilespmem:v8+s28+$0x0 ss:$0x1], $0xffff  }
0xdc: {  	v5 =	vperm.xlane v7, v63;
	v3 =	vperm.xlane v6, v19;
	v1 =	vsel vm1, v1, v17;
	v17 =	vld [tilespmem:$0x1FFC0];
	_ =	sdelay $0x1  }
0xdd: {  	v5 =	vsel vm1, v5, v6;
	v3 =	vsel vm1, v7, v3  }
0xde: {  	v3 =	vadd.f32 v5, v3;
	v1 =	vadd.f32 v2, v1;
	_ =	sdelay $0x1  }
0xdf: {  	p0 =	sne.s32 s26, $0x640;
	v2 =	vperm.xlane v1, v4;
	v5 =	vperm.xlane v3, v17;
	v6 =	vadd.s32 v18, v8  }
.Ltmp1:
0xe0: {  	_ = 	snop;
	(pc) =	sbr.rel @p0 .LBB2_5-.Ltmp1, $3  }
0xe1: {  	v2 =	vsel vm2, v3, v2;
	v1 =	vsel vm2, v5, v1  }
0xe2: {  	v1 =	vadd.f32 v1, v2;
	_ =	sdelay $0x1  }
0xe3: {  	s26 =	sadd.s32 $0x40, s26;
	s25 =	sadd.s32 $0x800, s25;
	[tilespmem:v6+s16+$0x0] =	vst.idx.add.f32.msk $0xffff, v1  }
0xe4: {  	s24 =	sadd.s32 s24, s8  }
0xe5: {  	s24 =	sshll.u32 s24, $0x4  }
0xe6: {  	s24 =	sand.u32 $0x1FFFFE00, s24  }
0xe7: {  	s25 =	sadd.s32 s0, s24;
	s24 =	simm.s32 $0x0  }
0xe8: {  	[tilespmem:s24], [sflag:$0x1] =	stream.linear.gather [hbm4b:s25+s24], $0xD000, $0x38;
	[tilespmem:$0x1DB80] =	vst v63  }
0xe9: {  	_ =	swait.ge [sflag:s17], $0xD000  }
0xea: {  	v1 =	vmov s22;
	[sflag:s17] =	ssyncset.done $0x0  }
0xeb: {  	s25 =	simm.s32 $0xD400;
	[tilespmem:$0x1FF70] =	vst v1;
	[sflag:s17] =	ssyncadd.s32 $0xFFFF3000  }
.LBB2_7:
0xec: {  	v1 =	vld [tilespmem:s25+$0xFFFFFC00]  }
0xed: {  	v2 =	vld [tilespmem:s25+$0xFFFFFC10]  }
0xee: {  	v3 =	vld [tilespmem:s25+$0xFFFFFC20]  }
0xef: {  	v5 =	vld [tilespmem:s25+$0xFFFFFC30]  }
0xf0: {  	v6 =	vld [tilespmem:s25+$0xFFFFFC40]  }
0xf1: {  	v7 =	vld [tilespmem:s25+$0xFFFFFC50]  }
0xf2: {  	v8 =	vld [tilespmem:s25+$0xFFFFFC60]  }
0xf3: {  	v18 =	vld [tilespmem:s25+$0xFFFFFC70]  }
0xf4: {  	v19 =	vld [tilespmem:s25+$0x0]  }
0xf5: {  	v20 =	vld [tilespmem:s25+$0x10]  }
0xf6: {  	v21 =	vld [tilespmem:s25+$0x20]  }
0xf7: {  	v26 =	vld [tilespmem:s25+$0x30]  }
0xf8: {  	v28 =	vld [tilespmem:s25+$0x40]  }
0xf9: {  	v31 =	vld [tilespmem:s25+$0x50]  }
0xfa: {  	v32 =	vld [tilespmem:s25+$0x60]  }
0xfb: {  	v33 =	vld [tilespmem:s25+$0x70]  }
0xfc: {  	v34 =	vld [tilespmem:s25+$0xFFFFFE00]  }
0xfd: {  	v35 =	vld [tilespmem:s25+$0xFFFFFE10]  }
0xfe: {  	v36 =	vld [tilespmem:s25+$0xFFFFFE20]  }
0xff: {  	v37 =	vld [tilespmem:s25+$0xFFFFFE30]  }
0x100: {  	v38 =	vld [tilespmem:s25+$0xFFFFFE40]  }
0x101: {  	v39 =	vld [tilespmem:s25+$0xFFFFFE50]  }
0x102: {  	v40 =	vld [tilespmem:s25+$0xFFFFFE60]  }
0x103: {  	v41 =	vld [tilespmem:s25+$0xFFFFFE70]  }
0x104: {  	v42 =	vld [tilespmem:s25+$0x200]  }
0x105: {  	v43 =	vld [tilespmem:s25+$0x210]  }
0x106: {  	v44 =	vld [tilespmem:s25+$0x220]  }
0x107: {  	v45 =	vld [tilespmem:s25+$0x230]  }
0x108: {  	v46 =	vld [tilespmem:s25+$0x240]  }
0x109: {  	v47 =	vld [tilespmem:s25+$0x250]  }
0x10a: {  	v48 =	vld [tilespmem:s25+$0x260]  }
0x10b: {  	v49 =	vld [tilespmem:s25+$0x270]  }
0x10c: {  	v50 =	vld [tilespmem:s25+$0xFFFFFD00]  }
0x10d: {  	v51 =	vld [tilespmem:s25+$0xFFFFFD10]  }
0x10e: {  	v52 =	vld [tilespmem:s25+$0xFFFFFD20]  }
0x10f: {  	v53 =	vld [tilespmem:s25+$0xFFFFFD30]  }
0x110: {  	v54 =	vld [tilespmem:s25+$0xFFFFFD40]  }
0x111: {  	v55 =	vld [tilespmem:s25+$0xFFFFFD50]  }
0x112: {  	v27 =	vld [tilespmem:s25+$0xFFFFFD60]  }
0x113: {  	v4 =	vld [tilespmem:s25+$0xFFFFFD70]  }
0x114: {  	v56 =	vld [tilespmem:s25+$0x100]  }
0x115: {  	v57 =	vld [tilespmem:s25+$0x110]  }
0x116: {  	v58 =	vld [tilespmem:s25+$0x120]  }
0x117: {  	v59 =	vld [tilespmem:s25+$0x130]  }
0x118: {  	v60 =	vld [tilespmem:s25+$0x140]  }
0x119: {  	v61 =	vld [tilespmem:s25+$0x150]  }
0x11a: {  	v30 =	vld [tilespmem:s25+$0x160];
	v1 =	vmul.f32 v1, v9  }
0x11b: {  	v23 =	vld [tilespmem:s25+$0x170];
	v2 =	vmul.f32 v2, v10;
	v19 =	vmul.f32 v19, v9  }
0x11c: {  	v62 =	vld [tilespmem:s25+$0xFFFFFF00];
	v20 =	vmul.f32 v20, v10;
	v26 =	vmul.f32 v26, v12  }
0x11d: {  	v63 =	vld [tilespmem:s25+$0xFFFFFF10];
	v7 =	vmul.f32 v7, v14;
	v28 =	vmul.f32 v28, v13  }
0x11e: {  	v17 =	vld [tilespmem:s25+$0xFFFFFF20];
	v8 =	vmul.f32 v8, v15;
	v18 =	vmul.f32 v18, v16  }
0x11f: {  	v22 =	vld [tilespmem:s25+$0xFFFFFF40];
	v47 =	vmul.f32 v47, v14;
	v50 =	vmul.f32 v50, v9  }
0x120: {  	v29 =	vld [tilespmem:s25+$0xFFFFFF50];
	v51 =	vmul.f32 v51, v10;
	v56 =	vmul.f32 v56, v9  }
0x121: {  	v25 =	vld [tilespmem:s25+$0xFFFFFF60];
	v57 =	vmul.f32 v57, v10;
	v41 =	vmul.f32 v41, v16  }
0x122: {  	v24 =	vld [tilespmem:s25+$0xFFFFFF70];
	v53 =	vmul.f32 v53, v12;
	v60 =	vmul.f32 v60, v13  }
0x123: {  	[tilespmem:$0x1FF60] =	vst v4;
	v4 =	vld [tilespmem:s25+$0xFFFFFF30];
	v62 =	vmul.f32 v62, v9;
	v1 =	vadd.f32 v2, v1;
	v2 =	vmul.f32 v3, v11  }
0x124: {  	v3 =	vadd.f32 v20, v19;
	v19 =	vmul.f32 v21, v11;
	v20 =	vld [tilespmem:s25+$0x320];
	v21 =	vmul.f32 v43, v10  }
0x125: {  	v43 =	vmul.f32 v44, v11;
	v44 =	vmul.f32 v38, v13;
	v38 =	vld [tilespmem:s25+$0xFFFFFCB0]  }
0x126: {  	v1 =	vadd.f32 v2, v1;
	v2 =	vmul.f32 v5, v12;
	v3 =	vadd.f32 v19, v3;
	v19 =	vld [tilespmem:s25+$0x300]  }
0x127: {  	v63 =	vmul.f32 v63, v10;
	v5 =	vmul.f32 v42, v9;
	v42 =	vld [tilespmem:s25+$0x360]  }
0x128: {  	v17 =	vmul.f32 v17, v11;
	v1 =	vadd.f32 v2, v1;
	v2 =	vmul.f32 v6, v13;
	v6 =	vld [tilespmem:s25+$0x310]  }
0x129: {  	v27 =	vmul.f32 v27, v15;
	v3 =	vadd.f32 v26, v3;
	v26 =	vmul.f32 v35, v10;
	v35 =	vld [tilespmem:s25+$0x340]  }
0x12a: {  	v5 =	vadd.f32 v21, v5;
	v1 =	vadd.f32 v2, v1;
	v2 =	vmul.f32 v34, v9;
	v34 =	vld [tilespmem:s25+$0x330]  }
0x12b: {  	v3 =	vadd.f32 v28, v3;
	v28 =	vmul.f32 v31, v14;
	v31 =	vmul.f32 v36, v11;
	v36 =	vld [tilespmem:s25+$0x350]  }
0x12c: {  	v30 =	vmul.f32 v30, v15;
	v5 =	vadd.f32 v43, v5;
	v43 =	vmul.f32 v39, v14;
	v39 =	vld [tilespmem:s25+$0xFFFFFCD0]  }
0x12d: {  	v23 =	vmul.f32 v23, v16;
	v2 =	vadd.f32 v26, v2;
	v3 =	vadd.f32 v28, v3;
	v28 =	vld [tilespmem:s25+$0x370]  }
0x12e: {  	v1 =	vadd.f32 v7, v1;
	v7 =	vmul.f32 v37, v12;
	v37 =	vmul.f32 v32, v15;
	v32 =	vld [tilespmem:s25+$0xFFFFFC80]  }
0x12f: {  	v24 =	vmul.f32 v24, v16;
	v4 =	vmul.f32 v4, v12;
	v26 =	vld [tilespmem:s25+$0xFFFFFCF0];
	v2 =	vadd.f32 v31, v2  }
0x130: {  	v6 =	vmul.f32 v6, v10;
	v1 =	vadd.f32 v8, v1;
	v8 =	vld [tilespmem:s25+$0xFFFFFC90];
	v31 =	vmul.f32 v45, v12  }
0x131: {  	v3 =	vadd.f32 v37, v3;
	v37 =	vld [tilespmem:s25+$0xFFFFFCA0];
	v45 =	vmul.f32 v46, v13;
	v2 =	vadd.f32 v7, v2  }
0x132: {  	v46 =	vmul.f32 v40, v15;
	v40 =	vld [tilespmem:s25+$0xFFFFFE80];
	v5 =	vadd.f32 v31, v5;
	v18 =	vadd.f32 v18, v1  }
0x133: {  	v31 =	vld [tilespmem:s25+$0xFFFFFCE0];
	v7 =	vadd.f32 v51, v50;
	v50 =	vmul.f32 v52, v11;
	v51 =	vmul.f32 v48, v15  }
0x134: {  	v52 =	vmul.f32 v58, v11;
	v48 =	vld [tilespmem:s25+$0xD0];
	v2 =	vadd.f32 v44, v2;
	v44 =	vmul.f32 v33, v16  }
0x135: {  	v58 =	vmul.f32 v54, v13;
	v28 =	vmul.f32 v28, v16;
	v33 =	vld [tilespmem:s25+$0xFFFFFCC0];
	v7 =	vadd.f32 v50, v7  }
0x136: {  	v26 =	vmul.f32 v26, v16;
	v50 =	vld [tilespmem:s25+$0xE0];
	v2 =	vadd.f32 v43, v2;
	v1 =	vadd.f32 v44, v3  }
0x137: {  	v8 =	vmul.f32 v8, v10;
	v3 =	vadd.f32 v45, v5;
	v43 =	vld [tilespmem:s25+$0x80];
	v5 =	vadd.f32 v57, v56  }
0x138: {  	v44 =	vld [tilespmem:s25+$0x90];
	v56 =	vmul.f32 v59, v12;
	v57 =	vmul.f32 v49, v16;
	v7 =	vadd.f32 v53, v7  }
0x139: {  	v45 =	vld [tilespmem:s25+$0xC0];
	v59 =	vmul.f32 v55, v14;
	v2 =	vadd.f32 v46, v2;
	v3 =	vadd.f32 v47, v3  }
0x13a: {  	v53 =	vld [tilespmem:s25+$0xF0];
	v31 =	vmul.f32 v31, v15;
	v5 =	vadd.f32 v52, v5;
	v7 =	vadd.f32 v58, v7  }
0x13b: {  	v49 =	vld [tilespmem:s25+$0xFFFFFE90];
	v58 =	vmul.f32 v19, v9;
	v52 =	vmul.f32 v42, v15;
	v2 =	vadd.f32 v41, v2  }
0x13c: {  	v46 =	vld [tilespmem:s25+$0xA0];
	v3 =	vadd.f32 v51, v3;
	v5 =	vadd.f32 v56, v5;
	v56 =	vmul.f32 v61, v14  }
0x13d: {  	v19 =	vld [tilespmem:s25+$0xFFFFFEA0];
	v7 =	vadd.f32 v59, v7;
	v59 =	vmul.f32 v20, v11;
	v43 =	vmul.f32 v43, v9  }
0x13e: {  	v47 =	vld [tilespmem:s25+$0xFFFFFEB0];
	v51 =	vmul.f32 v44, v10;
	v21 =	vadd.f32 v57, v3;
	v3 =	vadd.f32 v60, v5  }
0x13f: {  	v41 =	vld [tilespmem:s25+$0xB0];
	v57 =	vadd.f32 v63, v62;
	v60 =	vmul.f32 v34, v12;
	v62 =	vmul.f32 v35, v13  }
0x140: {  	v42 =	vld [tilespmem:s25+$0x2E0];
	v63 =	vmul.f32 v25, v15;
	v25 =	vmul.f32 v36, v14  }
0x141: {  	v61 =	vld [tilespmem:$0x1FF60];
	v5 =	vadd.f32 v6, v58;
	v36 =	vmul.f32 v32, v9;
	v58 =	vmul.f32 v33, v13  }
0x142: {  	v7 =	vadd.f32 v27, v7;
	v34 =	vld [tilespmem:s25+$0x280];
	v54 =	vmul.f32 v46, v11;
	v19 =	vmul.f32 v19, v11  }
0x143: {  	v20 =	vld [tilespmem:s25+$0xFFFFFEC0];
	v3 =	vadd.f32 v56, v3;
	v17 =	vadd.f32 v17, v57;
	v56 =	vmul.f32 v38, v12  }
0x144: {  	v44 =	vld [tilespmem:s25+$0xFFFFFDC0];
	v5 =	vadd.f32 v59, v5;
	v59 =	vmul.f32 v39, v14;
	v57 =	vmul.f32 v41, v12  }
0x145: {  	v27 =	vld [tilespmem:s25+$0xFFFFFED0];
	v4 =	vadd.f32 v4, v17;
	v17 =	vmul.f32 v22, v13;
	v3 =	vadd.f32 v30, v3  }
0x146: {  	v6 =	vld [tilespmem:s25+$0x2A0];
	v22 =	vmul.f32 v61, v16;
	v5 =	vadd.f32 v60, v5;
	v60 =	vmul.f32 v45, v13  }
0x147: {  	v32 =	vld [tilespmem:s25+$0x2B0];
	v61 =	vmul.f32 v40, v9;
	v46 =	vmul.f32 v34, v9;
	v4 =	vadd.f32 v17, v4  }
0x148: {  	v41 =	vld [tilespmem:s25+$0xFFFFFDA0];
	v17 =	vmul.f32 v29, v14;
	v22 =	vadd.f32 v22, v7;
	v23 =	vadd.f32 v23, v3  }
0x149: {  	v35 =	vld [tilespmem:s25+$0x2C0];
	v3 =	vadd.f32 v62, v5;
	v7 =	vadd.f32 v8, v36;
	v8 =	vmul.f32 v37, v11  }
0x14a: {  	v33 =	vld [tilespmem:s25+$0xFFFFFD90];
	v5 =	vadd.f32 v51, v43;
	v62 =	vmul.f32 v49, v10;
	v4 =	vadd.f32 v17, v4  }
0x14b: {  	v34 =	vld [tilespmem:s25+$0xFFFFFDE0];
	v6 =	vmul.f32 v6, v11;
	v3 =	vadd.f32 v25, v3;
	v55 =	vadd.f32 v8, v7  }
0x14c: {  	v29 =	vld [tilespmem:s25+$0xFFFFFEF0];
	v5 =	vadd.f32 v54, v5;
	v7 =	vadd.f32 v62, v61;
	v54 =	vmul.f32 v53, v16  }
0x14d: {  	v30 =	vld [tilespmem:s25+$0xFFFFFEE0];
	v62 =	vmul.f32 v41, v11;
	v38 =	vperm.xlane v23, v0;
	v4 =	vadd.f32 v63, v4  }
0x14e: {  	v45 =	vld [tilespmem:s25+$0xFFFFFDD0];
	v63 =	vmul.f32 v48, v14;
	v7 =	vadd.f32 v19, v7;
	v19 =	vmul.f32 v47, v12  }
0x14f: {  	v43 =	vld [tilespmem:s25+$0xFFFFFDB0];
	v3 =	vadd.f32 v52, v3;
	v48 =	vmul.f32 v50, v15;
	v50 =	vmul.f32 v32, v12  }
0x150: {  	v17 =	vld [tilespmem:s25+$0x290];
	v5 =	vadd.f32 v57, v5;
	v53 =	vmul.f32 v34, v15;
	v34 =	vperm.xlane v1, v0  }
0x151: {  	v8 =	vld [tilespmem:s25+$0x2F0];
	v29 =	vmul.f32 v29, v16;
	v24 =	vadd.f32 v24, v4;
	v4 =	vadd.f32 v56, v55  }
0x152: {  	v41 =	vld [tilespmem:s25+$0x380];
	v25 =	vadd.f32 v28, v3;
	v7 =	vadd.f32 v19, v7;
	v19 =	vmul.f32 v20, v13  }
0x153: {  	v36 =	vld [tilespmem:s25+$0x2D0];
	v3 =	vadd.f32 v60, v5;
	v55 =	vmul.f32 v35, v13;
	v60 =	vmul.f32 v42, v15  }
0x154: {  	v37 =	vld [tilespmem:s25+$0xFFFFFD80];
	v42 =	vmul.f32 v43, v12;
	v28 =	vmul.f32 v44, v13  }
0x155: {  	v49 =	vld [tilespmem:s25+$0x190];
	v44 =	vmul.f32 v45, v14;
	v35 =	vperm.xlane v18, v0;
	v18 =	vsel vm3, v18, v34  }
0x156: {  	v61 =	vld [tilespmem:s25+$0xFFFFFF80];
	v17 =	vmul.f32 v17, v10;
	v8 =	vmul.f32 v8, v16;
	v4 =	vadd.f32 v58, v4  }
0x157: {  	v56 =	vld [tilespmem:s25+$0x1C0];
	v20 =	vmul.f32 v41, v9;
	v3 =	vadd.f32 v63, v3;
	v7 =	vadd.f32 v19, v7  }
0x158: {  	v43 =	vld [tilespmem:s25+$0x390];
	v19 =	vmul.f32 v27, v14;
	v58 =	vmul.f32 v36, v14;
	v1 =	vsel vm3, v35, v1  }
0x159: {  	v47 =	vld [tilespmem:s25+$0xFFFFFFB0];
	v36 =	vperm.xlane v21, v0;
	v5 =	vadd.f32 v17, v46;
	v1 =	vadd.f32 v1, v18  }
0x15a: {  	v45 =	vld [tilespmem:s25+$0x3A0];
	v18 =	vperm.xlane v25, v0;
	v4 =	vadd.f32 v59, v4;
	v3 =	vadd.f32 v48, v3  }
0x15b: {  	v51 =	vld [tilespmem:s25+$0x1A0];
	v7 =	vadd.f32 v19, v7;
	v19 =	vmul.f32 v30, v15;
	v59 =	vmul.f32 v33, v10  }
0x15c: {  	v57 =	vld [tilespmem:s25+$0x1D0];
	v48 =	vmul.f32 v61, v9;
	v5 =	vadd.f32 v6, v5;
	v46 =	vmul.f32 v56, v13  }
0x15d: {  	v17 =	vld [tilespmem:s25+$0x180];
	v32 =	vmul.f32 v43, v10;
	v18 =	vsel vm3, v24, v18;
	v4 =	vadd.f32 v31, v4  }
0x15e: {  	v63 =	vld [tilespmem:s25+$0xFFFFFF90];
	v7 =	vadd.f32 v19, v7;
	v19 =	vmul.f32 v37, v9;
	v5 =	vadd.f32 v50, v5  }
0x15f: {  	v33 =	vld [tilespmem:s25+$0x1F0];
	v3 =	vadd.f32 v54, v3;
	v31 =	vmul.f32 v45, v11;
	v54 =	vmul.f32 v47, v12  }
0x160: {  	v61 =	vld [tilespmem:s25+$0x3F0];
	v37 =	vperm.xlane v2, v0;
	v20 =	vadd.f32 v32, v20;
	v5 =	vadd.f32 v55, v5  }
0x161: {  	v52 =	vld [tilespmem:s25+$0x1B0];
	v2 =	vsel vm3, v2, v36;
	v4 =	vadd.f32 v26, v4;
	v19 =	vadd.f32 v59, v19  }
0x162: {  	v30 =	vld [tilespmem:s25+$0x1E0];
	v40 =	vmul.f32 v17, v9;
	v17 =	vmul.f32 v49, v10;
	v5 =	vadd.f32 v58, v5  }
0x163: {  	v50 =	vld [tilespmem:s25+$0x3B0];
	v7 =	vadd.f32 v29, v7;
	v49 =	vmul.f32 v63, v10;
	v26 =	vmul.f32 v57, v14  }
0x164: {  	v39 =	vld [tilespmem:s25+$0xFFFFFDF0];
	v43 =	vperm.xlane v3, v0;
	v20 =	vadd.f32 v31, v20;
	v5 =	vadd.f32 v60, v5  }
0x165: {  	v32 =	vmul.f32 v33, v16;
	v33 =	vmul.f32 v61, v16;
	v19 =	vadd.f32 v62, v19  }
0x166: {  	v6 =	vadd.f32 v17, v40;
	v17 =	vld [tilespmem:s25+$0xFFFFFFA0];
	v5 =	vadd.f32 v8, v5;
	v8 =	vmul.f32 v51, v11  }
0x167: {  	v55 =	vld [tilespmem:s25+$0x3D0];
	v62 =	vmul.f32 v30, v15;
	v40 =	vsel vm3, v22, v38;
	v19 =	vadd.f32 v42, v19  }
0x168: {  	v58 =	vld [tilespmem:s25+$0x3E0];
	v57 =	vmul.f32 v50, v12;
	v6 =	vadd.f32 v8, v6;
	v8 =	vmul.f32 v52, v12  }
0x169: {  	v42 =	vperm.xlane v24, v0;
	v60 =	vmul.f32 v39, v16;
	v19 =	vadd.f32 v28, v19;
	v51 =	vld [tilespmem:s25+$0x3C0]  }
0x16a: {  	v39 =	vperm.xlane v22, v0;
	v28 =	vadd.f32 v49, v48;
	v6 =	vadd.f32 v8, v6;
	v8 =	vld [tilespmem:s25+$0xFFFFFFC0]  }
0x16b: {  	v20 =	vadd.f32 v57, v20;
	v22 =	vsel vm3, v42, v25;
	v17 =	vmul.f32 v17, v11  }
0x16c: {  	v63 =	vmul.f32 v55, v14;
	v41 =	vsel vm3, v39, v23;
	v18 =	vadd.f32 v22, v18;
	v52 =	vld [tilespmem:s25+$0xFFFFFFD0]  }
0x16d: {  	v19 =	vadd.f32 v44, v19;
	v44 =	vperm.xlane v4, v0;
	v17 =	vadd.f32 v17, v28  }
0x16e: {  	v56 =	vld [tilespmem:s25+$0xFFFFFFE0];
	v4 =	vsel vm3, v4, v43;
	v28 =	vmul.f32 v58, v15;
	v6 =	vadd.f32 v46, v6  }
0x16f: {  	v17 =	vadd.f32 v54, v17;
	v29 =	vmul.f32 v51, v13;
	v8 =	vmul.f32 v8, v13  }
0x170: {  	v59 =	vld [tilespmem:s25+$0xFFFFFFF0];
	v19 =	vadd.f32 v53, v19;
	v3 =	vsel vm3, v44, v3;
	v6 =	vadd.f32 v26, v6  }
0x171: {  	v20 =	vadd.f32 v29, v20;
	v8 =	vadd.f32 v8, v17;
	v17 =	vmul.f32 v52, v14  }
0x172: {  	v45 =	vperm.xlane v5, v0;
	v3 =	vadd.f32 v3, v4;
	v6 =	vadd.f32 v62, v6  }
0x173: {  	v20 =	vadd.f32 v63, v20;
	v8 =	vadd.f32 v17, v8;
	v17 =	vmul.f32 v56, v15  }
0x174: {  	v19 =	vadd.f32 v60, v19;
	v46 =	vperm.xlane v7, v0;
	v6 =	vadd.f32 v32, v6  }
0x175: {  	v54 =	vld [tilespmem:$0x1FFB0];
	v20 =	vadd.f32 v28, v20;
	v8 =	vadd.f32 v17, v8;
	v17 =	vmul.f32 v59, v16  }
0x176: {  	v7 =	vsel vm3, v7, v45;
	v48 =	vperm.xlane v19, v0;
	v47 =	vperm.xlane v6, v0  }
0x177: {  	v53 =	vld [tilespmem:$0x1FFA0];
	v5 =	vsel vm3, v46, v5;
	v8 =	vadd.f32 v17, v8;
	v17 =	vadd.f32 v33, v20  }
0x178: {  	v50 =	vadd.f32 v5, v7;
	v6 =	vsel vm3, v48, v6;
	v52 =	vsel vm3, v19, v47  }
0x179: {  	v20 =	vsel vm3, v37, v21;
	v49 =	vperm.xlane v17, v0;
	v51 =	vperm.xlane v8, v0  }
0x17a: {  	v19 =	vperm.xlane v1, v54;
	v6 =	vadd.f32 v6, v52;
	v2 =	vadd.f32 v20, v2  }
0x17b: {  	v20 =	vadd.f32 v41, v40;
	v8 =	vsel vm3, v8, v49;
	v5 =	vsel vm3, v51, v17  }
0x17c: {  	v61 =	vld [tilespmem:$0x1FF70];
	v17 =	vperm.xlane v2, v53;
	v2 =	vsel vm0, v19, v2;
	v19 =	vperm.xlane v3, v54  }
0x17d: {  	v57 =	vld [tilespmem:$0x1FFE0];
	v55 =	vperm.xlane v18, v53;
	v5 =	vadd.f32 v5, v8;
	v8 =	vperm.xlane v20, v54  }
0x17e: {  	v56 =	vperm.xlane v6, v54;
	v1 =	vsel vm0, v1, v17;
	v4 =	vsel vm0, v19, v50;
	v19 =	vld [tilespmem:$0x1FFD0]  }
0x17f: {  	v17 =	vperm.xlane v50, v53;
	v8 =	vsel vm0, v8, v18;
	v18 =	vperm.xlane v5, v53  }
0x180: {  	v7 =	vsel vm0, v20, v55;
	v1 =	vadd.f32 v2, v1;
	v5 =	vsel vm0, v56, v5  }
0x181: {  	v2 =	vadd.f32 v8, v7;
	v3 =	vsel vm0, v3, v17;
	v6 =	vsel vm0, v6, v18  }
0x182: {  	v3 =	vadd.f32 v4, v3;
	v58 =	vadd.f32 v5, v6  }
0x183: {  	s26 =	sshra.s32 s24, $0x2;
	v60 =	vperm.xlane v1, v57;
	v59 =	vperm.xlane v2, v19  }
0x184: {  	v7 =	vld.idx.msk [tilespmem:v61+s26+$0x0 ss:$0x1], $0xffff;
	v17 =	vperm.xlane v3, v57;
	v8 =	vperm.xlane v58, v19  }
0x185: {  	v18 =	vld [tilespmem:$0x1FFF0];
	v2 =	vsel vm1, v60, v2  }
0x186: {  	v1 =	vsel vm1, v1, v59;
	v4 =	vsel vm1, v17, v58;
	v17 =	vld [tilespmem:$0x1FFC0];
	v3 =	vsel vm1, v3, v8  }
0x187: {  	v1 =	vadd.f32 v2, v1;
	v2 =	vadd.f32 v4, v3;
	v3 =	vld [tilespmem:$0x1FF90];
	_ =	sdelay $0x4  }
0x188: {  	p0 =	sne.s32 s24, $0x640;
	v63 =	vadd.s32 v18, v7;
	v62 =	vperm.xlane v1, v17;
	v3 =	vperm.xlane v2, v3  }
.Ltmp2:
0x189: {  	_ = 	snop;
	(pc) =	sbr.rel @p0 .LBB2_7-.Ltmp2, $3  }
0x18a: {  	v2 =	vsel vm2, v62, v2;
	v1 =	vsel vm2, v1, v3  }
0x18b: {  	v1 =	vadd.f32 v2, v1;
	_ =	sdelay $0x1  }
0x18c: {  	s24 =	sadd.s32 $0x40, s24;
	s25 =	sadd.s32 $0x800, s25;
	[tilespmem:v63+s16+$0x0] =	vst.idx.add.f32.msk $0xffff, v1  }
0x18d: {  	s23 =	sadd.s32 $0x1, s23  }
0x18e: {  	p0 =	sne.s32 s23, $0x7  }
.Ltmp3:
0x18f: {  	_ = 	snop;
	(pc) =	sbr.rel @p0 .LBB2_4-.Ltmp3, $2  }
0x190: {  	_ =	sdelay $0x2  }
0x191: {  	s21 =	sadd.s32 $0x340, s21;
	s22 =	sadd.s32 $0x340, s22  }
0x192: {  	_ =	swait.ge [sflag:s15], $0xD000  }
0x193: {  	[sflag:s15] =	ssyncset.done $0x0  }
0x194: {  	s20 =	simm.s32 $0x0;
	s21 =	simm.s32 $0x400;
	[sflag:s15] =	ssyncadd.s32 $0xFFFF3000  }
.LBB2_10:
0x195: {  	v1 =	vld [tilespmem:s21+$0xFFFFFC00]  }
0x196: {  	v2 =	vld [tilespmem:s21+$0xFFFFFC10]  }
0x197: {  	v3 =	vld [tilespmem:s21+$0xFFFFFC20]  }
0x198: {  	v4 =	vld [tilespmem:s21+$0xFFFFFC30]  }
0x199: {  	v5 =	vld [tilespmem:s21+$0xFFFFFC40]  }
0x19a: {  	v6 =	vld [tilespmem:s21+$0xFFFFFC50]  }
0x19b: {  	v7 =	vld [tilespmem:s21+$0xFFFFFC60]  }
0x19c: {  	v8 =	vld [tilespmem:s21+$0xFFFFFC70]  }
0x19d: {  	v17 =	vld [tilespmem:s21+$0x0]  }
0x19e: {  	v18 =	vld [tilespmem:s21+$0x10]  }
0x19f: {  	v19 =	vld [tilespmem:s21+$0x20]  }
0x1a0: {  	v20 =	vld [tilespmem:s21+$0x30]  }
0x1a1: {  	v25 =	vld [tilespmem:s21+$0x40]  }
0x1a2: {  	v27 =	vld [tilespmem:s21+$0x50]  }
0x1a3: {  	v30 =	vld [tilespmem:s21+$0x60]  }
0x1a4: {  	v31 =	vld [tilespmem:s21+$0x70]  }
0x1a5: {  	v32 =	vld [tilespmem:s21+$0xFFFFFE00]  }
0x1a6: {  	v33 =	vld [tilespmem:s21+$0xFFFFFE10]  }
0x1a7: {  	v34 =	vld [tilespmem:s21+$0xFFFFFE20]  }
0x1a8: {  	v35 =	vld [tilespmem:s21+$0xFFFFFE30]  }
0x1a9: {  	v36 =	vld [tilespmem:s21+$0xFFFFFE40]  }
0x1aa: {  	v37 =	vld [tilespmem:s21+$0xFFFFFE50]  }
0x1ab: {  	v38 =	vld [tilespmem:s21+$0xFFFFFE60]  }
0x1ac: {  	v39 =	vld [tilespmem:s21+$0xFFFFFE70]  }
0x1ad: {  	v40 =	vld [tilespmem:s21+$0x200]  }
0x1ae: {  	v41 =	vld [tilespmem:s21+$0x210]  }
0x1af: {  	v42 =	vld [tilespmem:s21+$0x220]  }
0x1b0: {  	v43 =	vld [tilespmem:s21+$0x230]  }
0x1b1: {  	v44 =	vld [tilespmem:s21+$0x240]  }
0x1b2: {  	v45 =	vld [tilespmem:s21+$0x250]  }
0x1b3: {  	v46 =	vld [tilespmem:s21+$0x260]  }
0x1b4: {  	v47 =	vld [tilespmem:s21+$0x270]  }
0x1b5: {  	v48 =	vld [tilespmem:s21+$0xFFFFFD00]  }
0x1b6: {  	v49 =	vld [tilespmem:s21+$0xFFFFFD10]  }
0x1b7: {  	v50 =	vld [tilespmem:s21+$0xFFFFFD20]  }
0x1b8: {  	v51 =	vld [tilespmem:s21+$0xFFFFFD30]  }
0x1b9: {  	v52 =	vld [tilespmem:s21+$0xFFFFFD40]  }
0x1ba: {  	v53 =	vld [tilespmem:s21+$0xFFFFFD50]  }
0x1bb: {  	v26 =	vld [tilespmem:s21+$0xFFFFFD60]  }
0x1bc: {  	v21 =	vld [tilespmem:s21+$0xFFFFFD70]  }
0x1bd: {  	v54 =	vld [tilespmem:s21+$0x100]  }
0x1be: {  	v55 =	vld [tilespmem:s21+$0x110]  }
0x1bf: {  	v56 =	vld [tilespmem:s21+$0x120]  }
0x1c0: {  	v57 =	vld [tilespmem:s21+$0x130]  }
0x1c1: {  	v58 =	vld [tilespmem:s21+$0x140]  }
0x1c2: {  	v59 =	vld [tilespmem:s21+$0x150]  }
0x1c3: {  	v29 =	vld [tilespmem:s21+$0x160]  }
0x1c4: {  	v22 =	vld [tilespmem:s21+$0x170]  }
0x1c5: {  	v60 =	vld [tilespmem:s21+$0xFFFFFF00]  }
0x1c6: {  	v61 =	vld [tilespmem:s21+$0xFFFFFF10]  }
0x1c7: {  	v62 =	vld [tilespmem:s21+$0xFFFFFF20]  }
0x1c8: {  	v63 =	vld [tilespmem:s21+$0xFFFFFF30]  }
0x1c9: {  	v28 =	vld [tilespmem:s21+$0xFFFFFF50];
	v1 =	vmul.f32 v1, v9  }
0x1ca: {  	v24 =	vld [tilespmem:s21+$0xFFFFFF60];
	v2 =	vmul.f32 v2, v10;
	v17 =	vmul.f32 v17, v9  }
0x1cb: {  	v23 =	vld [tilespmem:s21+$0xFFFFFF70];
	v18 =	vmul.f32 v18, v10;
	v20 =	vmul.f32 v20, v12  }
0x1cc: {  	[tilespmem:$0x1FF50] =	vst v21;
	v21 =	vld [tilespmem:s21+$0xFFFFFF40];
	v6 =	vmul.f32 v6, v14;
	v1 =	vadd.f32 v2, v1;
	v2 =	vmul.f32 v3, v11  }
0x1cd: {  	v25 =	vmul.f32 v25, v13;
	v3 =	vadd.f32 v18, v17;
	v17 =	vmul.f32 v19, v11;
	v18 =	vld [tilespmem:s21+$0x320]  }
0x1ce: {  	v19 =	vmul.f32 v33, v10;
	v33 =	vld [tilespmem:s21+$0x340];
	v1 =	vadd.f32 v2, v1;
	v2 =	vmul.f32 v4, v12  }
0x1cf: {  	v7 =	vmul.f32 v7, v15;
	v30 =	vmul.f32 v30, v15;
	v3 =	vadd.f32 v17, v3;
	v17 =	vld [tilespmem:s21+$0x300]  }
0x1d0: {  	v4 =	vmul.f32 v40, v9;
	v40 =	vld [tilespmem:s21+$0x360];
	v1 =	vadd.f32 v2, v1;
	v2 =	vmul.f32 v5, v13  }
0x1d1: {  	v8 =	vmul.f32 v8, v16;
	v45 =	vmul.f32 v45, v14;
	v5 =	vld [tilespmem:s21+$0x310];
	v3 =	vadd.f32 v20, v3  }
0x1d2: {  	v54 =	vmul.f32 v54, v9;
	v1 =	vadd.f32 v2, v1;
	v2 =	vmul.f32 v32, v9;
	v32 =	vld [tilespmem:s21+$0x330]  }
0x1d3: {  	v3 =	vadd.f32 v25, v3;
	v25 =	vmul.f32 v27, v14;
	v27 =	vmul.f32 v34, v11;
	v34 =	vld [tilespmem:s21+$0x350]  }
0x1d4: {  	v2 =	vadd.f32 v19, v2;
	v19 =	vmul.f32 v41, v10;
	v41 =	vmul.f32 v35, v12;
	v35 =	vld [tilespmem:s21+$0xFFFFFC80]  }
0x1d5: {  	v55 =	vmul.f32 v55, v10;
	v1 =	vadd.f32 v6, v1;
	v3 =	vadd.f32 v25, v3;
	v25 =	vld [tilespmem:s21+$0xFFFFFCF0]  }
0x1d6: {  	v39 =	vmul.f32 v39, v16;
	v58 =	vmul.f32 v58, v13;
	v2 =	vadd.f32 v27, v2;
	v27 =	vld [tilespmem:s21+$0x370]  }
0x1d7: {  	v26 =	vmul.f32 v26, v15;
	v29 =	vmul.f32 v29, v15;
	v1 =	vadd.f32 v7, v1;
	v7 =	vld [tilespmem:s21+$0xFFFFFC90]  }
0x1d8: {  	v4 =	vadd.f32 v19, v4;
	v19 =	vmul.f32 v42, v11;
	v42 =	vmul.f32 v37, v14;
	v37 =	vld [tilespmem:s21+$0xFFFFFCB0]  }
0x1d9: {  	v28 =	vmul.f32 v28, v14;
	v22 =	vmul.f32 v22, v16;
	v3 =	vadd.f32 v30, v3;
	v30 =	vld [tilespmem:s21+$0xFFFFFCE0]  }
0x1da: {  	v23 =	vmul.f32 v23, v16;
	v2 =	vadd.f32 v41, v2;
	v41 =	vmul.f32 v36, v13;
	v36 =	vld [tilespmem:s21+$0xFFFFFCA0]  }
0x1db: {  	v4 =	vadd.f32 v19, v4;
	v19 =	vmul.f32 v43, v12;
	v43 =	vmul.f32 v31, v16;
	v31 =	vld [tilespmem:s21+$0xFFFFFCC0]  }
0x1dc: {  	v21 =	vmul.f32 v21, v13;
	v1 =	vadd.f32 v8, v1;
	v8 =	vmul.f32 v38, v15;
	v38 =	vld [tilespmem:s21+$0xFFFFFCD0]  }
0x1dd: {  	v5 =	vmul.f32 v5, v10;
	v25 =	vmul.f32 v25, v16;
	v2 =	vadd.f32 v41, v2;
	v41 =	vld [tilespmem:s21+$0x80]  }
0x1de: {  	v4 =	vadd.f32 v19, v4;
	v19 =	vmul.f32 v44, v13;
	v44 =	vld [tilespmem:s21+$0xFFFFFE80];
	v7 =	vmul.f32 v7, v10  }
0x1df: {  	v27 =	vmul.f32 v27, v16;
	v6 =	vadd.f32 v42, v2;
	v2 =	vadd.f32 v43, v3;
	v43 =	vld [tilespmem:s21+$0x90]  }
0x1e0: {  	v3 =	vadd.f32 v19, v4;
	v19 =	vmul.f32 v49, v10;
	v49 =	vmul.f32 v46, v15;
	v42 =	vld [tilespmem:s21+$0xC0]  }
0x1e1: {  	v4 =	vadd.f32 v55, v54;
	v55 =	vmul.f32 v57, v12;
	v46 =	vld [tilespmem:s21+$0xD0];
	v57 =	vmul.f32 v53, v14  }
0x1e2: {  	v53 =	vmul.f32 v40, v15;
	v40 =	vld [tilespmem:s21+$0x2E0];
	v6 =	vadd.f32 v8, v6;
	v8 =	vmul.f32 v48, v9  }
0x1e3: {  	v30 =	vmul.f32 v30, v15;
	v3 =	vadd.f32 v45, v3;
	v48 =	vmul.f32 v50, v11;
	v45 =	vld [tilespmem:s21+$0xA0]  }
0x1e4: {  	v50 =	vmul.f32 v56, v11;
	v56 =	vmul.f32 v47, v16;
	v47 =	vld [tilespmem:s21+$0xFFFFFEF0];
	v8 =	vadd.f32 v19, v8  }
0x1e5: {  	v41 =	vmul.f32 v41, v9;
	v19 =	vadd.f32 v39, v6;
	v39 =	vld [tilespmem:s21+$0xB0];
	v3 =	vadd.f32 v49, v3  }
0x1e6: {  	v4 =	vadd.f32 v50, v4;
	v49 =	vld [tilespmem:s21+$0xE0];
	v54 =	vadd.f32 v48, v8;
	v8 =	vmul.f32 v51, v12  }
0x1e7: {  	v20 =	vadd.f32 v56, v3;
	v56 =	vmul.f32 v62, v11;
	v62 =	vmul.f32 v33, v13;
	v33 =	vld [tilespmem:s21+$0x280]  }
0x1e8: {  	v50 =	vld [tilespmem:s21+$0xFFFFFEB0];
	v4 =	vadd.f32 v55, v4;
	v55 =	vmul.f32 v59, v14;
	v59 =	vmul.f32 v18, v11  }
0x1e9: {  	v6 =	vadd.f32 v8, v54;
	v8 =	vmul.f32 v52, v13;
	v54 =	vmul.f32 v61, v10;
	v61 =	vld [tilespmem:$0x1FF50]  }
0x1ea: {  	v51 =	vld [tilespmem:s21+$0xF0];
	v3 =	vadd.f32 v58, v4;
	v58 =	vmul.f32 v63, v12;
	v52 =	vmul.f32 v43, v10  }
0x1eb: {  	v48 =	vld [tilespmem:s21+$0xFFFFFE90];
	v43 =	vmul.f32 v46, v14;
	v6 =	vadd.f32 v8, v6;
	v8 =	vmul.f32 v60, v9  }
0x1ec: {  	v18 =	vld [tilespmem:s21+$0xFFFFFEC0];
	v3 =	vadd.f32 v55, v3;
	v60 =	vmul.f32 v32, v12;
	v46 =	vmul.f32 v33, v9  }
0x1ed: {  	v33 =	vld [tilespmem:s21+$0xFFFFFDE0];
	v6 =	vadd.f32 v57, v6;
	v8 =	vadd.f32 v54, v8;
	v57 =	vmul.f32 v17, v9  }
0x1ee: {  	v17 =	vld [tilespmem:s21+$0xFFFFFEA0];
	v3 =	vadd.f32 v29, v3;
	v54 =	vmul.f32 v45, v11;
	v32 =	vmul.f32 v61, v16  }
0x1ef: {  	v61 =	vmul.f32 v42, v13;
	v42 =	vld [tilespmem:s21+$0xFFFFFDB0];
	v8 =	vadd.f32 v56, v8;
	v4 =	vadd.f32 v5, v57  }
0x1f0: {  	v6 =	vadd.f32 v26, v6;
	v5 =	vld [tilespmem:s21+$0x2A0];
	v56 =	vmul.f32 v37, v12;
	v57 =	vmul.f32 v39, v12  }
0x1f1: {  	v29 =	vld [tilespmem:s21+$0xFFFFFEE0];
	v37 =	vperm.xlane v20, v0;
	v8 =	vadd.f32 v58, v8;
	v4 =	vadd.f32 v59, v4  }
0x1f2: {  	v22 =	vadd.f32 v22, v3;
	v58 =	vmul.f32 v31, v13;
	v59 =	vld [tilespmem:s21+$0xFFFFFD90];
	v33 =	vmul.f32 v33, v15  }
0x1f3: {  	v45 =	vld [tilespmem:s21+$0xFFFFFDD0];
	v17 =	vmul.f32 v17, v11;
	v8 =	vadd.f32 v21, v8;
	v4 =	vadd.f32 v60, v4  }
0x1f4: {  	v26 =	vld [tilespmem:s21+$0xFFFFFED0];
	v21 =	vadd.f32 v32, v6;
	v60 =	vmul.f32 v38, v14;
	v42 =	vmul.f32 v42, v12  }
0x1f5: {  	v39 =	vld [tilespmem:s21+$0xFFFFFDA0];
	v5 =	vmul.f32 v5, v11;
	v63 =	vadd.f32 v28, v8;
	v8 =	vmul.f32 v24, v15  }
0x1f6: {  	v32 =	vld [tilespmem:s21+$0x2B0];
	v3 =	vadd.f32 v62, v4;
	v24 =	vmul.f32 v34, v14;
	v62 =	vmul.f32 v44, v9  }
0x1f7: {  	v28 =	vld [tilespmem:s21+$0x290];
	v4 =	vadd.f32 v52, v41;
	v31 =	vmul.f32 v59, v10;
	v59 =	vmul.f32 v47, v16  }
0x1f8: {  	v44 =	vld [tilespmem:s21+$0xFFFFFDC0];
	v6 =	vadd.f32 v8, v63;
	v8 =	vmul.f32 v35, v9;
	v3 =	vadd.f32 v24, v3  }
0x1f9: {  	v38 =	vld [tilespmem:s21+$0xFFFFFDF0];
	v4 =	vadd.f32 v54, v4;
	v63 =	vmul.f32 v48, v10;
	v48 =	vmul.f32 v49, v15  }
0x1fa: {  	v41 =	vld [tilespmem:s21+$0x380];
	v7 =	vadd.f32 v7, v8;
	v8 =	vmul.f32 v36, v11;
	v3 =	vadd.f32 v53, v3  }
0x1fb: {  	v34 =	vld [tilespmem:s21+$0x2C0];
	v54 =	vmul.f32 v51, v16;
	v23 =	vadd.f32 v23, v6;
	v4 =	vadd.f32 v57, v4  }
0x1fc: {  	v47 =	vld [tilespmem:s21+$0xFFFFFFB0];
	v28 =	vmul.f32 v28, v10;
	v55 =	vadd.f32 v8, v7;
	v24 =	vadd.f32 v27, v3  }
0x1fd: {  	v35 =	vld [tilespmem:s21+$0x2D0];
	v7 =	vadd.f32 v63, v62;
	v62 =	vmul.f32 v39, v11;
	v27 =	vmul.f32 v44, v13  }
0x1fe: {  	v8 =	vld [tilespmem:s21+$0x2F0];
	v3 =	vadd.f32 v61, v4;
	v44 =	vmul.f32 v45, v14;
	v39 =	vperm.xlane v22, v0  }
0x1ff: {  	v61 =	vld [tilespmem:s21+$0xFFFFFF80];
	v4 =	vadd.f32 v28, v46;
	v28 =	vmul.f32 v41, v9;
	v6 =	vadd.f32 v56, v55  }
0x200: {  	v49 =	vld [tilespmem:s21+$0x180];
	v3 =	vadd.f32 v43, v3;
	v7 =	vadd.f32 v17, v7;
	v17 =	vmul.f32 v50, v12  }
0x201: {  	v51 =	vld [tilespmem:s21+$0x3C0];
	v50 =	vmul.f32 v32, v12;
	v55 =	vmul.f32 v34, v13;
	v4 =	vadd.f32 v5, v4  }
0x202: {  	v63 =	vld [tilespmem:s21+$0xFFFFFF90];
	v41 =	vsel vm3, v21, v39;
	v6 =	vadd.f32 v58, v6;
	v7 =	vadd.f32 v17, v7  }
0x203: {  	v56 =	vld [tilespmem:s21+$0x1C0];
	v17 =	vmul.f32 v18, v13;
	v3 =	vadd.f32 v48, v3;
	v58 =	vmul.f32 v35, v14  }
0x204: {  	v43 =	vld [tilespmem:s21+$0x390];
	v4 =	vadd.f32 v50, v4;
	v8 =	vmul.f32 v8, v16;
	v48 =	vmul.f32 v61, v9  }
0x205: {  	v36 =	vld [tilespmem:s21+$0xFFFFFD80];
	v61 =	vmul.f32 v38, v16;
	v38 =	vperm.xlane v19, v0;
	v19 =	vsel vm3, v19, v37  }
0x206: {  	v57 =	vld [tilespmem:s21+$0x1D0];
	v6 =	vadd.f32 v60, v6;
	v7 =	vadd.f32 v17, v7;
	v17 =	vmul.f32 v26, v14  }
0x207: {  	v18 =	vld [tilespmem:s21+$0x190];
	v3 =	vadd.f32 v54, v3;
	v60 =	vmul.f32 v40, v15;
	v40 =	vmul.f32 v49, v9  }
0x208: {  	v50 =	vld [tilespmem:s21+$0x3B0];
	v49 =	vmul.f32 v63, v10;
	v54 =	vmul.f32 v47, v12;
	v4 =	vadd.f32 v55, v4  }
0x209: {  	v46 =	vmul.f32 v56, v13;
	v35 =	vmul.f32 v43, v10;
	v20 =	vsel vm3, v38, v20  }
0x20a: {  	v45 =	vld [tilespmem:s21+$0x3A0];
	v43 =	vperm.xlane v23, v0;
	v7 =	vadd.f32 v17, v7;
	v17 =	vmul.f32 v29, v15  }
0x20b: {  	v55 =	vld [tilespmem:s21+$0x3D0];
	v6 =	vadd.f32 v30, v6;
	v30 =	vmul.f32 v51, v13;
	v4 =	vadd.f32 v58, v4  }
0x20c: {  	v52 =	vld [tilespmem:s21+$0x1A0];
	v18 =	vmul.f32 v18, v10;
	v7 =	vadd.f32 v17, v7;
	v17 =	vmul.f32 v36, v9  }
0x20d: {  	v29 =	vld [tilespmem:s21+$0x1E0];
	v6 =	vadd.f32 v25, v6;
	v25 =	vmul.f32 v57, v14;
	v57 =	vmul.f32 v50, v12  }
0x20e: {  	v53 =	vld [tilespmem:s21+$0x1B0];
	v36 =	vperm.xlane v1, v0;
	v4 =	vadd.f32 v60, v4;
	v5 =	vadd.f32 v18, v40  }
0x20f: {  	v40 =	vperm.xlane v21, v0;
	v17 =	vadd.f32 v31, v17;
	v31 =	vmul.f32 v45, v11  }
0x210: {  	v7 =	vadd.f32 v59, v7;
	v63 =	vmul.f32 v55, v14;
	v45 =	vperm.xlane v6, v0  }
0x211: {  	v18 =	vld [tilespmem:s21+$0xFFFFFFA0];
	v4 =	vadd.f32 v8, v4;
	v8 =	vmul.f32 v52, v11;
	v52 =	vadd.f32 v35, v28  }
0x212: {  	v29 =	vmul.f32 v29, v15;
	v35 =	vperm.xlane v2, v0;
	v17 =	vadd.f32 v62, v17  }
0x213: {  	v2 =	vsel vm3, v36, v2;
	v5 =	vadd.f32 v8, v5;
	v8 =	vmul.f32 v53, v12  }
0x214: {  	v62 =	vld [tilespmem:s21+$0x3F0];
	v26 =	vadd.f32 v31, v52;
	v1 =	vsel vm3, v1, v35;
	v17 =	vadd.f32 v42, v17  }
0x215: {  	v47 =	vperm.xlane v7, v0;
	v1 =	vadd.f32 v2, v1;
	v5 =	vadd.f32 v8, v5;
	v8 =	vld [tilespmem:s21+$0xFFFFFFC0]  }
0x216: {  	v18 =	vmul.f32 v18, v11;
	v17 =	vadd.f32 v27, v17;
	v27 =	vadd.f32 v49, v48  }
0x217: {  	v53 =	vld [tilespmem:s21+$0xFFFFFFD0];
	v2 =	vadd.f32 v20, v19;
	v19 =	vperm.xlane v24, v0;
	v42 =	vsel vm3, v40, v22  }
0x218: {  	v58 =	vld [tilespmem:s21+$0x3E0];
	v22 =	vsel vm3, v43, v24;
	v59 =	vadd.f32 v57, v26;
	v18 =	vadd.f32 v18, v27  }
0x219: {  	v56 =	vld [tilespmem:s21+$0xFFFFFFE0];
	v20 =	vadd.f32 v42, v41;
	v19 =	vsel vm3, v23, v19;
	v5 =	vadd.f32 v46, v5  }
0x21a: {  	v32 =	vld [tilespmem:s21+$0x1F0];
	v34 =	vmul.f32 v62, v16;
	v18 =	vadd.f32 v54, v18;
	v8 =	vmul.f32 v8, v13  }
0x21b: {  	v60 =	vld [tilespmem:s21+$0xFFFFFFF0];
	v46 =	vperm.xlane v4, v0;
	v19 =	vadd.f32 v22, v19;
	v5 =	vadd.f32 v25, v5  }
0x21c: {  	v25 =	vadd.f32 v30, v59;
	v8 =	vadd.f32 v8, v18;
	v18 =	vmul.f32 v53, v14  }
0x21d: {  	v4 =	vsel vm3, v47, v4;
	v17 =	vadd.f32 v44, v17;
	v27 =	vmul.f32 v58, v15  }
0x21e: {  	v25 =	vadd.f32 v63, v25;
	v8 =	vadd.f32 v18, v8;
	v18 =	vmul.f32 v56, v15  }
0x21f: {  	v17 =	vadd.f32 v33, v17;
	v33 =	vmul.f32 v32, v16;
	v5 =	vadd.f32 v29, v5  }
0x220: {  	v25 =	vadd.f32 v27, v25;
	v8 =	vadd.f32 v18, v8;
	v18 =	vmul.f32 v60, v16  }
0x221: {  	v44 =	vperm.xlane v3, v0;
	v54 =	vld [tilespmem:$0x1FFB0];
	v17 =	vadd.f32 v61, v17;
	v5 =	vadd.f32 v33, v5  }
0x222: {  	v3 =	vsel vm3, v45, v3;
	v53 =	vld [tilespmem:$0x1FFA0];
	v8 =	vadd.f32 v18, v8;
	v18 =	vadd.f32 v34, v25  }
0x223: {  	v7 =	vsel vm3, v7, v46;
	v49 =	vperm.xlane v17, v0;
	v48 =	vperm.xlane v5, v0  }
0x224: {  	v6 =	vsel vm3, v6, v44;
	v50 =	vperm.xlane v18, v0;
	v51 =	vperm.xlane v8, v0  }
0x225: {  	v4 =	vadd.f32 v4, v7;
	v3 =	vadd.f32 v3, v6;
	v5 =	vsel vm3, v49, v5  }
0x226: {  	v52 =	vsel vm3, v17, v48;
	v8 =	vsel vm3, v8, v50;
	v6 =	vsel vm3, v51, v18  }
0x227: {  	v17 =	vperm.xlane v2, v53;
	v6 =	vadd.f32 v6, v8;
	v8 =	vperm.xlane v20, v54  }
0x228: {  	v55 =	vperm.xlane v19, v53;
	v5 =	vadd.f32 v5, v52;
	v18 =	vperm.xlane v1, v54  }
0x229: {  	v1 =	vsel vm0, v1, v17;
	v8 =	vsel vm0, v8, v19;
	v19 =	vperm.xlane v6, v53  }
0x22a: {  	v57 =	vld [tilespmem:$0x1FFE0];
	v17 =	vperm.xlane v4, v53;
	v2 =	vsel vm0, v18, v2;
	v18 =	vperm.xlane v3, v54  }
0x22b: {  	v56 =	vperm.xlane v5, v54;
	v5 =	vsel vm0, v5, v19;
	v19 =	vld [tilespmem:$0x1FFD0]  }
0x22c: {  	v7 =	vsel vm0, v20, v55;
	v3 =	vsel vm0, v3, v17;
	v4 =	vsel vm0, v18, v4  }
0x22d: {  	v1 =	vadd.f32 v2, v1;
	v6 =	vsel vm0, v56, v6;
	v3 =	vadd.f32 v4, v3  }
0x22e: {  	v2 =	vadd.f32 v8, v7;
	v58 =	vadd.f32 v6, v5  }
0x22f: {  	s22 =	sshra.s32 s20, $0x2;
	v60 =	vperm.xlane v1, v57;
	v17 =	vperm.xlane v3, v57  }
0x230: {  	v61 =	vld [tilespmem:s22+$0x1B6C0];
	v59 =	vperm.xlane v2, v19;
	v8 =	vperm.xlane v58, v19  }
0x231: {  	v18 =	vld [tilespmem:$0x1FFF0];
	v4 =	vsel vm1, v17, v58  }
0x232: {  	v17 =	vld [tilespmem:$0x1FFC0];
	v2 =	vsel vm1, v60, v2;
	v1 =	vsel vm1, v1, v59;
	v3 =	vsel vm1, v3, v8  }
0x233: {  	v1 =	vadd.f32 v2, v1;
	v2 =	vadd.f32 v4, v3;
	v3 =	vld [tilespmem:$0x1FF90];
	_ =	sdelay $0x4  }
0x234: {  	p0 =	sne.s32 s20, $0x640;
	v63 =	vadd.s32 v18, v61;
	v62 =	vperm.xlane v1, v17;
	v3 =	vperm.xlane v2, v3  }
.Ltmp4:
0x235: {  	_ = 	snop;
	(pc) =	sbr.rel @p0 .LBB2_10-.Ltmp4, $3  }
0x236: {  	v2 =	vsel vm2, v62, v2;
	v1 =	vsel vm2, v1, v3  }
0x237: {  	v1 =	vadd.f32 v2, v1;
	_ =	sdelay $0x1  }
0x238: {  	s20 =	sadd.s32 $0x40, s20;
	s21 =	sadd.s32 $0x800, s21;
	[tilespmem:v63+s16+$0x0] =	vst.idx.add.f32.msk $0xffff, v1  }
0x239: {  	s21 =	simm.s32 $0x0  }
0x23a: {  	v1 =	vld [tilespmem:s21+$0x1B900]  }
0x23b: {  	v2 =	vld [tilespmem:s21+$0x1BB01];
	_ =	sdelay $0x1  }
0x23c: {  	v3 =	vld [tilespmem:s21+$0x1BD02];
	_ =	sdelay $0x1  }
0x23d: {  	v4 =	vld [tilespmem:s21+$0x1BF03]  }
0x23e: {  	v1 =	vadd.f32 v2, v1  }
0x23f: {  	v2 =	vld [tilespmem:s21+$0x1C104]  }
0x240: {  	v1 =	vadd.f32 v3, v1  }
0x241: {  	v3 =	vld [tilespmem:s21+$0x1C305]  }
0x242: {  	v1 =	vadd.f32 v4, v1  }
0x243: {  	v58 =	vld [tilespmem:s21+$0x1C506]  }
0x244: {  	v1 =	vadd.f32 v2, v1  }
0x245: {  	v2 =	vld [tilespmem:s21+$0x1C707]  }
0x246: {  	s20 =	simm.s32 $0x10;
	v5 =	vld [tilespmem:s21+$0x1C908];
	v1 =	vadd.f32 v3, v1  }
0x247: {  	v6 =	vld [tilespmem:s20+$0x1B900]  }
0x248: {  	v59 =	vld [tilespmem:s20+$0x1BB01];
	v1 =	vadd.f32 v58, v1  }
0x249: {  	v3 =	vld [tilespmem:s21+$0x1CB09]  }
0x24a: {  	v7 =	vld [tilespmem:s20+$0x1BD02];
	v1 =	vadd.f32 v2, v1  }
0x24b: {  	v2 =	vld [tilespmem:s21+$0x1CD0A]  }
0x24c: {  	v60 =	vld [tilespmem:s21+$0x1CF0B];
	v1 =	vadd.f32 v5, v1  }
0x24d: {  	v8 =	vld [tilespmem:s20+$0x1BF03]  }
0x24e: {  	v61 =	vld [tilespmem:s20+$0x1C104];
	v4 =	vadd.f32 v59, v6;
	v1 =	vadd.f32 v3, v1  }
0x24f: {  	v3 =	vld [tilespmem:s21+$0x1D10C]  }
0x250: {  	v62 =	vld [tilespmem:s20+$0x1C305];
	v4 =	vadd.f32 v7, v4;
	v1 =	vadd.f32 v2, v1  }
0x251: {  	v2 =	vld [tilespmem:s21+$0x1D30D]  }
0x252: {  	v63 =	vld [tilespmem:s21+$0x1D50E];
	v4 =	vadd.f32 v8, v4;
	v1 =	vadd.f32 v60, v1  }
0x253: {  	v8 =	vld [tilespmem:s20+$0x1C506]  }
0x254: {  	v11 =	vld [tilespmem:s21+$0x1D70F];
	v4 =	vadd.f32 v61, v4;
	v1 =	vadd.f32 v3, v1  }
0x255: {  	v12 =	vld [tilespmem:s20+$0x1C707]  }
0x256: {  	v9 =	vld [tilespmem:s20+$0x1CB09];
	v3 =	vadd.f32 v62, v4;
	v1 =	vadd.f32 v2, v1  }
0x257: {  	s22 =	simm.s32 $0x20;
	v13 =	vld [tilespmem:s20+$0x1C908]  }
0x258: {  	s23 =	simm.s32 $0xC0;
	v10 =	vld [tilespmem:s22+$0x1B900];
	v14 =	vadd.f32 v8, v3;
	v15 =	vadd.f32 v63, v1  }
.LBB2_12:
0x259: {  	p0 =	sne.s32 s23, $0x7C0;
	v1 =	vld [tilespmem:s22+$0x1BB01]  }
0x25a: {  	v2 =	vadd.f32 v12, v14;
	v3 =	vld [tilespmem:s20+$0x1CD0A];
	v4 =	vadd.f32 v11, v15  }
0x25b: {  	v5 =	vld [tilespmem:s22+$0x1BD02]  }
0x25c: {  	v2 =	vadd.f32 v13, v2;
	v6 =	vld [tilespmem:s20+$0x1CF0B];
	[tilespmem:s21+$0x1D980] =	vst v4;
	s21 =	smov.u32 s20;
	s20 =	smov.u32 s22  }
0x25d: {  	v4 =	vld [tilespmem:s20+$0x1BF03]  }
0x25e: {  	v1 =	vadd.f32 v1, v10;
	v2 =	vadd.f32 v9, v2;
	v7 =	vld [tilespmem:s21+$0x1D10C]  }
0x25f: {  	v8 =	vld [tilespmem:s20+$0x1C104]  }
0x260: {  	v1 =	vadd.f32 v5, v1;
	v2 =	vadd.f32 v3, v2;
	v3 =	vld [tilespmem:s21+$0x1D30D]  }
0x261: {  	v5 =	vld [tilespmem:s20+$0x1C305]  }
0x262: {  	v1 =	vadd.f32 v4, v1;
	v2 =	vadd.f32 v6, v2;
	v4 =	vld [tilespmem:s21+$0x1D50E]  }
0x263: {  	v6 =	vld [tilespmem:s20+$0x1C506]  }
.Ltmp5:
0x264: {  	v1 =	vadd.f32 v8, v1;
	v2 =	vadd.f32 v7, v2;
	v11 =	vld [tilespmem:s21+$0x1D70F];
	(pc) =	sbr.rel @p0 .LBB2_12-.Ltmp5, $4  }
0x265: {  	v12 =	vld [tilespmem:s20+$0x1C707]  }
0x266: {  	v1 =	vadd.f32 v5, v1;
	v9 =	vld [tilespmem:s20+$0x1CB09];
	v2 =	vadd.f32 v3, v2  }
0x267: {  	s22 =	sshra.s32 s23, $0x2;
	v13 =	vld [tilespmem:s20+$0x1C908]  }
0x268: {  	s23 =	sadd.s32 $0x40, s23;
	v10 =	vld [tilespmem:s22+$0x1B900];
	v14 =	vadd.f32 v6, v1;
	v15 =	vadd.f32 v4, v2  }
0x269: {  	v1 =	vld [tilespmem:s22+$0x1BB01]  }
0x26a: {  	v2 =	vld [tilespmem:s20+$0x1CD0A];
	v3 =	vadd.f32 v11, v15  }
0x26b: {  	v4 =	vld [tilespmem:s22+$0x1BD02]  }
0x26c: {  	v5 =	vld [tilespmem:s20+$0x1CF0B];
	v6 =	vadd.f32 v12, v14;
	[tilespmem:s21+$0x1D980] =	vst v3  }
0x26d: {  	v3 =	vld [tilespmem:s22+$0x1BF03]  }
0x26e: {  	v6 =	vadd.f32 v13, v6;
	v1 =	vadd.f32 v1, v10  }
0x26f: {  	v7 =	vld [tilespmem:s22+$0x1C104]  }
0x270: {  	v8 =	vld [tilespmem:s20+$0x1D10C];
	v6 =	vadd.f32 v9, v6;
	v1 =	vadd.f32 v4, v1  }
0x271: {  	v55 =	vld [tilespmem:s22+$0x1C305]  }
0x272: {  	v56 =	vld [tilespmem:s20+$0x1D30D];
	v2 =	vadd.f32 v2, v6;
	v1 =	vadd.f32 v3, v1  }
0x273: {  	v3 =	vld [tilespmem:s22+$0x1C506]  }
0x274: {  	v57 =	vld [tilespmem:s20+$0x1D50E];
	v2 =	vadd.f32 v5, v2;
	v1 =	vadd.f32 v7, v1  }
0x275: {  	v58 =	vld [tilespmem:s22+$0x1C707]  }
0x276: {  	v59 =	vld [tilespmem:s20+$0x1D70F];
	v2 =	vadd.f32 v8, v2;
	v1 =	vadd.f32 v55, v1  }
0x277: {  	v60 =	vld [tilespmem:s22+$0x1C908]  }
0x278: {  	v2 =	vadd.f32 v56, v2;
	v1 =	vadd.f32 v3, v1  }
0x279: {  	v3 =	vld [tilespmem:s22+$0x1CB09]  }
0x27a: {  	v2 =	vadd.f32 v57, v2;
	v1 =	vadd.f32 v58, v1  }
0x27b: {  	v61 =	vld [tilespmem:s22+$0x1CD0A]  }
0x27c: {  	v2 =	vadd.f32 v59, v2;
	v1 =	vadd.f32 v60, v1  }
0x27d: {  	v62 =	vld [tilespmem:s22+$0x1CF0B]  }
0x27e: {  	[tilespmem:s20+$0x1D980] =	vst v2;
	v1 =	vadd.f32 v3, v1  }
0x27f: {  	v2 =	vld [tilespmem:s22+$0x1D10C]  }
0x280: {  	v1 =	vadd.f32 v61, v1  }
0x281: {  	v3 =	vld [tilespmem:s22+$0x1D30D]  }
0x282: {  	v1 =	vadd.f32 v62, v1  }
0x283: {  	v63 =	vld [tilespmem:s22+$0x1D50E]  }
0x284: {  	v1 =	vadd.f32 v2, v1  }
0x285: {  	v2 =	vld [tilespmem:s22+$0x1D70F]  }
0x286: {  	v1 =	vadd.f32 v3, v1;
	_ =	sdelay $0x1  }
0x287: {  	v1 =	vadd.f32 v63, v1;
	_ =	sdelay $0x1  }
0x288: {  	s19 =	sadd.s32 $0x1, s19;
	v1 =	vadd.f32 v2, v1  }
0x289: {  	p0 =	sne.s32 s19, s10  }
.Ltmp6:
0x28a: {  	[tilespmem:s22+$0x1D980] =	vst v1;
	(pc) =	sbr.rel @p0 .LBB2_1-.Ltmp6, $4  }
0x28b: {  	[hbm4b:s9+s4] =	stream.linear.scatter [tilespmem:s18], [sflag:$0x3], $0x200, $0x38;
	[tilespmem:$0x1DB80] =	vst v63  }
0x28c: {  	_ =	swait.ge [sflag:s12], $0x200  }
0x28d: {  	[sflag:s12] =	ssyncset.done $0x0  }
0x28e: {  	v1 =	vimm.f32 $0.0e+00;
	[sflag:s12] =	ssyncadd.s32 $0xFFFFFE00  }
0x28f: {  	_ =	sfence.sel $0x180000  }
0x290: {  	[bflag:$0x0] =	sbarrier.arrive $0xFFFF  }
0x291: {  	p0 =	sne.s32 s3, $0x0;
	_ =	strace $0x90000047  }
0x292: {  	s0 =	sadd.s32 @!p0 $0x100000, s2;
	[bflag:$0x2] =	sbarrier.arrive $0xFFFF  }
0x293: {  	[sflag:s0] =	ssyncadd.tile.s32 @!p0 $0x1;
	_ =	shalt  }
.Lfunc_end2:
_tile_overlayer_lowered:
.L_overlay_start_2:
0x294: {  	(tag) =	ssettag $0x2  }
0x295: {  	s0 =	rddreg [dreg:$0x0];
	s2 =	stileid.u32  }
0x296: {  	s1 =	rddreg [dreg:$0x1];
	p0 =	sne.s32 s2, $0x0  }
0x297: {  	s3 =	rddreg [dreg:$0x2];
	[bflag:$0x3] =	sbarrier.arrive $0xFFFF;
	s2 =	simm.s32 @!p0 $0x1C03  }
0x298: {  	[timem:s3], [sflag:s2] =	dma.local @!p0 [hbm:s0], s1  }
0x299: {  	s0 =	simm.s32 @!p0 $0x3  }
0x29a: {  	_ =	swait.ge @!p0 [sflag:s0], s1  }
0x29b: {  	s1 =	ssub.s32 @!p0 $0x0, s1;
	[sflag:s0] =	ssyncset.done @!p0 $0x0  }
0x29c: {  	[sflag:s0] =	ssyncadd.s32 @!p0 s1  }
0x29d: {  	[bflag:$0x3] =	sbarrier.arrive $0xFFFF  }
0x29e: {  	_ =	shalt  }

// kernel: kernel.9.cloned.1.call-start
scs
__scs_entry_jumppad:
0x0: {  	(pc) =	sbr.rel $0x88, $3  }
0x1: {  	(tag) =	ssettag $0x0;
	lr =	simm.s32 $0x1  }
0x2: {  	[smem:$0x3F9D] =	sst lr;
	_ =	strace $0xD0000000  }
0x3: {  	_ = 	snop  }
0x4: {  	_ = 	snop  }
0x5: {  	_ = 	snop  }
0x6: {  	_ = 	snop  }
0x7: {  	_ = 	snop  }
__scs_overlays_trampoline_lowered:
0x8: {  	[smem:$0x3FAC] =	sst s0  }
0x9: {  	[smem:$0x3FAD] =	sst s1  }
0xa: {  	[smem:$0x3FAE] =	sst s2  }
0xb: {  	[smem:$0x3FAF] =	sst s3  }
0xc: {  	[smem:$0x3FB0] =	sst s4  }
0xd: {  	[smem:$0x3FB1] =	sst s5  }
0xe: {  	[smem:$0x3FB2] =	sst s6  }
0xf: {  	[smem:$0x3FB3] =	sst s7  }
0x10: {  	[smem:$0x3FB4] =	sst s8  }
0x11: {  	[smem:$0x3FB5] =	sst s9;
	s0 =	simm.s32 @!p0 $0x0  }
0x12: {  	s1 =	sld [smem:$0x3F9B];
	s0 =	simm.s32 @p0 $0x1  }
0x13: {  	[smem:$0x3FB6] =	sst s0;
	s0 =	simm.s32 @!p1 $0x0  }
0x14: {  	s2 =	sld [smem:$0x3F9A];
	s0 =	simm.s32 @p1 $0x1  }
0x15: {  	[smem:$0x3FB7] =	sst s0;
	s0 =	simm.s32 @!p2 $0x0  }
0x16: {  	s3 =	sld [smem:$0x3FDB];
	s0 =	simm.s32 @p2 $0x1  }
0x17: {  	s4 =	simm.s32 $0x1BF5;
	[smem:$0x3FB9] =	sst s0  }
0x18: {  	s0 =	sld [smem:$0x3F9C];
	_ =	swait.ge [sflag:s4], $0x0  }
0x19: {  	s7 =	sld [smem:$0x3F9D]  }
0x1a: {  	s8 =	sadd.s32 $0xFFFFE003, lr  }
0x1b: {  	s9 =	sadd.s32 $0xFFFFFEF7, lr;
	s5 =	simm.s32 $0xFFFFFFFF;
	p2 =	slt.u32 s8, $0xFFFFF086  }
0x1c: {  	p1 =	slt.u32 s9, $0xF7A;
	s5 =	simm.s32 @!p2 $0x0  }
0x1d: {  	s5 =	simm.s32 @p1 $0x1;
	p0 =	seq.s32 s7, s2  }
0x1e: {  	s7 =	smul.u32 @!p0 $0xF7A, s2;
	p2 =	seq.s32 @!p0 s5, $0x0  }
0x1f: {  	s9 =	smul.u32 $0xF7A, s1;
	s8 =	simm.s32 @!p0 $0x1BF5;
	p2 =	por !p2, p0  }
0x20: {  	[sflag:s8] =	ssyncset.s32 @!p0 $0xFFFFF086;
	s6 =	sadd.s32 @!p0 s3, s7;
	s7 =	simm.s32 @!p0 $0x108  }
0x21: {  	s3 =	sadd.s32 s3, s9;
	s6 =	sadd.s32 @!p0 $0x88, s6;
	s7 =	simm.s32 @p2 $0x1082  }
0x22: {  	[simem:s7], [sflag:s8] =	dma.local @!p0 [hbm:s6], $0xF7A  }
0x23: {  	s9 =	sor.u32 $0xD0000000, s2;
	s6 =	simm.s32 $0x108;
	_ =	swait.ge @!p0 [sflag:s8], $0x0  }
0x24: {  	s3 =	sadd.s32 $0x88, s3;
	s6 =	simm.s32 @!p1 $0x1082;
	[sflag:s4] =	ssyncset.s32 $0xFFFFF086  }
0x25: {  	[simem:s6], [sflag:s4] =	dma.local [hbm:s3], $0xF7A  }
0x26: {  	[smem:$0x3F9D] =	sst s1;
	(tag) =	ssettag s2;
	_ =	strace s9  }
0x27: {  	s1 =	sld [smem:$0x3FAD]  }
0x28: {  	s2 =	sld [smem:$0x3FAE]  }
0x29: {  	s4 =	sld [smem:$0x3FB0]  }
0x2a: {  	p0 =	seq.s32 s5, $0x0;
	s5 =	sld [smem:$0x3FB1]  }
0x2b: {  	s6 =	sld [smem:$0x3FB2]  }
0x2c: {  	s7 =	sld [smem:$0x3FB3]  }
0x2d: {  	s3 =	simm.s32 $0x108;
	s8 =	sld [smem:$0x3FB4]  }
0x2e: {  	s3 =	simm.s32 @!p0 $0x1082;
	s9 =	sld [smem:$0x3FB5]  }
0x2f: {  	lr =	sadd.s32 s0, s3;
	s0 =	sld [smem:$0x3FAC]  }
0x30: {  	s3 =	sld [smem:$0x3FAF]  }
0x31: {  	[smem:$0x3FB8] =	sst s10  }
0x32: {  	s10 =	sld [smem:$0x3FB6];
	_ =	sdelay $0x3  }
0x33: {  	p0 =	seq.s32 s10, $0x1;
	s10 =	sld [smem:$0x3FB8];
	_ =	sdelay $0x3  }
0x34: {  	[smem:$0x3FB8] =	sst s10  }
0x35: {  	s10 =	sld [smem:$0x3FB7];
	_ =	sdelay $0x3  }
0x36: {  	p1 =	seq.s32 s10, $0x1;
	s10 =	sld [smem:$0x3FB8];
	_ =	sdelay $0x3  }
0x37: {  	[smem:$0x3FB8] =	sst s10  }
0x38: {  	s10 =	sld [smem:$0x3FB9]  }
0x39: {  	_ = 	snop;
	(pc) =	sbr.ind lr, $3  }
0x3a: {  	_ = 	snop  }
0x3b: {  	_ = 	snop  }
0x3c: {  	p2 =	seq.s32 s10, $0x1;
	s10 =	sld [smem:$0x3FB8]  }
0x3d: {  	_ =	shalt  }
0x3e: {  	_ =	shalt  }
0x3f: {  	_ =	shalt  }
0x40: {  	_ =	shalt  }
0x41: {  	_ =	shalt  }
0x42: {  	_ =	shalt  }
0x43: {  	_ =	shalt  }
0x44: {  	_ =	shalt  }
0x45: {  	_ =	shalt  }
0x46: {  	_ =	shalt  }
0x47: {  	_ =	shalt  }
0x48: {  	_ =	shalt  }
0x49: {  	_ =	shalt  }
0x4a: {  	_ =	shalt  }
0x4b: {  	_ =	shalt  }
0x4c: {  	_ =	shalt  }
0x4d: {  	_ =	shalt  }
0x4e: {  	_ =	shalt  }
0x4f: {  	_ =	shalt  }
0x50: {  	_ =	shalt  }
0x51: {  	_ =	shalt  }
0x52: {  	_ =	shalt  }
0x53: {  	_ =	shalt  }
0x54: {  	_ =	shalt  }
0x55: {  	_ =	shalt  }
0x56: {  	_ =	shalt  }
0x57: {  	_ =	shalt  }
0x58: {  	_ =	shalt  }
0x59: {  	_ =	shalt  }
0x5a: {  	_ =	shalt  }
0x5b: {  	_ =	shalt  }
0x5c: {  	_ =	shalt  }
0x5d: {  	_ =	shalt  }
0x5e: {  	_ =	shalt  }
0x5f: {  	_ =	shalt  }
0x60: {  	_ =	shalt  }
0x61: {  	_ =	shalt  }
0x62: {  	_ =	shalt  }
0x63: {  	_ =	shalt  }
0x64: {  	_ =	shalt  }
0x65: {  	_ =	shalt  }
0x66: {  	_ =	shalt  }
0x67: {  	_ =	shalt  }
0x68: {  	_ =	shalt  }
0x69: {  	_ =	shalt  }
0x6a: {  	_ =	shalt  }
0x6b: {  	_ =	shalt  }
0x6c: {  	_ =	shalt  }
0x6d: {  	_ =	shalt  }
0x6e: {  	_ =	shalt  }
0x6f: {  	_ =	shalt  }
0x70: {  	_ =	shalt  }
0x71: {  	_ =	shalt  }
0x72: {  	_ =	shalt  }
0x73: {  	_ =	shalt  }
0x74: {  	_ =	shalt  }
0x75: {  	_ =	shalt  }
0x76: {  	_ =	shalt  }
0x77: {  	_ =	shalt  }
0x78: {  	_ =	shalt  }
0x79: {  	_ =	shalt  }
0x7a: {  	_ =	shalt  }
0x7b: {  	_ =	shalt  }
0x7c: {  	_ =	shalt  }
0x7d: {  	_ =	shalt  }
0x7e: {  	_ =	shalt  }
0x7f: {  	_ =	shalt  }
0x80: {  	_ =	shalt  }
0x81: {  	_ =	shalt  }
0x82: {  	_ =	shalt  }
0x83: {  	_ =	shalt  }
0x84: {  	_ =	shalt  }
0x85: {  	_ =	shalt  }
0x86: {  	_ =	shalt  }
0x87: {  	_ =	shalt  }
.Lfunc_end0:
.L_simem_size_0:
called_computation.1_lowered:
.L_overlay_start_0:
0x88: {  	s2 =	sld [smem:$0x3FD9]  }
0x89: {  	s3 =	sld [smem:$0x3FFE];
	_ =	sdelay $0x1  }
0x8a: {  	s1 =	srdreg.scid  }
0x8b: {  	s0 =	sand.u32 $0x1, s1  }
0x8c: {  	s17 =	sshll.u32 s0, $0xA;
	s2 =	sadd.s32 s3, s2  }
0x8d: {  	s2 =	sadd.s32 s2, s17  }
0x8e: {  	[smem:$0x3FC4] =	sst s2  }
0x8f: {  	_ = 	snop  }
0x90: {  	s2 =	sld [smem:$0x3FC8];
	(tm) =	ssettm $0x1  }
0x91: {  	s18 =	sld [smem:$0x3FFB];
	_ =	sdelay $0x3  }
0x92: {  	_ =	strace s18  }
0x93: {  	s3 =	sld [smem:$0x3FFC];
	_ =	sdelay $0x3  }
0x94: {  	_ =	strace s3  }
0x95: {  	s3 =	sld [smem:$0x3FFD];
	_ =	sdelay $0x3  }
0x96: {  	_ =	strace s3  }
0x97: {  	_ =	strace $0x8FFFFFFF  }
0x98: {  	s19 =	sld [smem:$0x3FDB];
	_ =	sdelay $0x1  }
0x99: {  	s4 =	simm.s32 $_scs_section_size  }
0x9a: {  	s5 =	simm.s32 $_size__tile_overlayer_lowered;
	s6 =	simm.s32 $_tile_overlayer_lowered  }
0x9b: {  	s22 =	simm.s32 $0x1BFF;
	s21 =	sshll.u32 s6, $0x1;
	s3 =	sadd.s32 s4, s19  }
0x9c: {  	s7 =	simm.s32 $0x0;
	s20 =	sshll.u32 s5, $0x1;
	s5 =	sadd.s32 s21, s3  }
0x9d: {  	[timem:s7], [sflag:s22] =	dma.local [hbm:s5], s20  }
0x9e: {  	_ =	swait.ge [sflag:s22], s20  }
0x9f: {  	s4 =	ssub.s32 $0x0, s20;
	[sflag:s22] =	ssyncset.done $0x0  }
0xa0: {  	[sflag:s22] =	ssyncadd.s32 s4;
	_ =	sdelay $0x1  }
0xa1: {  	s23 =	simm.s32 $0x1B8B  }
0xa2: {  	_ =	swait.ge [sflag:s23], $0x1  }
0xa3: {  	[sflag:s23] =	ssyncset.done $0x0  }
0xa4: {  	s25 =	simm.s32 $0x1B8E;
	s24 =	sld [smem:$0x3FFE];
	[sflag:s23] =	ssyncadd.s32 $0xFFFFFFFF  }
0xa5: {  	s26 =	simm.s32 $execute0_lowered;
	[smem:$0x3FD2] =	sst s25  }
0xa6: {  	s5 =	sshll.u32 s26, $0x1;
	_ =	strace $0x80000049;
	[dreg:$0x1] =	wrdreg $0xFFFFFFFF  }
0xa7: {  	s28 =	simm.s32 $_size_execute0_lowered;
	s3 =	sadd.s32 s3, s5;
	[dreg:$0x0] =	wrdreg $0x0  }
0xa8: {  	s5 =	sshll.u32 s28, $0x1;
	[dreg:$0x2] =	wrdreg s3  }
0xa9: {  	[dreg:$0x3] =	wrdreg s5  }
0xaa: {  	[dreg:$0x4] =	wrdreg $0xC0  }
0xab: {  	_ =	task [dreg:s7], $0x5FFFF  }
0xac: {  	[dreg:$0x1] =	wrdreg $0xFFFFFFFF  }
0xad: {  	[dreg:$0x0] =	wrdreg $0x60  }
0xae: {  	[dreg:$0x2] =	wrdreg s24  }
0xaf: {  	[dreg:$0x3] =	wrdreg s2  }
0xb0: {  	[dreg:$0x4] =	wrdreg $0x9  }
0xb1: {  	_ =	task.clear_ibuf [dreg:s7], $0x5FFFF;
	_ =	strace $0x90000049  }
0xb2: {  	s29 =	simm.s32 $0x9;
	_ =	strace $0x8000004B  }
0xb3: {  	_ =	swait.ge [sflag:s29], $0x1  }
0xb4: {  	[sflag:s29] =	ssyncadd.s32 $0xFFFFFFFF  }
0xb5: {  	_ =	strace $0x9000004B  }
0xb6: {  	_ =	sfence  }
0xb7: {  	s30 =	sld [smem:$0x0];
	_ =	sdelay $0x2  }
0xb8: {  	s31 =	sshll.u32 s1, $0xD;
	s1 =	sshrl.u32 s1, $0x2  }
0xb9: {  	s3 =	sand.u32 $0x4000, s31;
	s1 =	sadd.s32 s1, s30  }
0xba: {  	s0 =	sor.u32 s3, s0;
	s1 =	sshll.u32 s1, $0x11  }
0xbb: {  	s0 =	sor.u32 s1, s0  }
0xbc: {  	s0 =	sadd.s32 $0x8F2B, s0  }
0xbd: {  	[sflag:s0] =	ssyncadd.remote.s32 $0x1  }
0xbe: {  	_ =	sfence.sel $0xFFFF  }
0xbf: {  	[dreg:$0x0] =	wrdreg $0xFFFFFFFF;
	(pc) =	sbr.abs _section_cstart, $3  }
0xc0: {  	[dreg:$0x1] =	wrdreg $0xFFFFFFFF  }
0xc1: {  	_ =	task.clear_ibuf [dreg:s7], $0x2FFFF;
	_ =	strace $0x9FFFFFFF  }
0xc2: {  	(tm) =	ssettm $0x7FFFFFFF  }
0xc3: {  	_ =	shalt  }
tec
execute0_lowered:
.L_overlay_start_1:
0x0: {  	(tag) =	ssettag $0x1  }
0x1: {  	s1 =	srdreg.scid  }
0x2: {  	s0 =	stileid.u32;
	s4 =	rddreg [dreg:$0x0]  }
0x3: {  	s6 =	rddreg [dreg:$0x1];
	s2 =	simm.s32 $0x0;
	s12 =	simm.s32 $0x2000  }
0x4: {  	s13 =	simm.s32 $0x3;
	s14 =	simm.s32 $0x80;
	s15 =	simm.s32 $0x400  }
0x5: {  	s16 =	simm.s32 $0x4080;
	s17 =	simm.s32 $0x4;
	s18 =	simm.s32 $0x0  }
0x6: {  	s3 =	sand.u32 $0x1, s1;
	s29 =	sshll.u32 s0, $0x1;
	s1 =	rddreg [dreg:$0x2]  }
0x7: {  	[smem:$0x7FF] =	sst s2;
	s10 =	sshll.u32 s0, $0x7;
	s5 =	sor.u32 s3, s29  }
0x8: {  	_ =	strace $0x8000004A;
	s3 =	ssub.s32 $0x2, s3;
	s10 =	sand.u32 $0x600, s10  }
0x9: {  	s7 =	smul.u32 $0xEB0, s5;
	s9 =	sshll.u32 s5, $0x6;
	s11 =	sshrl.u32 s3, $0x1  }
0xa: {  	s5 =	sshll.u32 s5, $0x4;
	s9 =	sadd.s32 s9, s4;
	s30 =	ssub.s32 s3, s11  }
0xb: {  	s5 =	sand.u32 $0x70, s5;
	s11 =	simm.s32 $0x2;
	s7 =	sshrl.u32 s7, $0x3  }
0xc: {  	s8 =	sadd.s32 s7, s4;
	s4 =	sadd.s32 s10, s4;
	s6 =	sadd.s32 s6, s7  }
0xd: {  	s7 =	smax.u32 s30, $0x1;
	s10 =	simm.s32 $0x1;
	s3 =	sadd.s32 $0x1000, s8  }
0xe: {  	v1 =	vlaneseq.u32;
	s31 =	sadd.s32 s5, s4;
	s4 =	sadd.s32 $0x6180, s6;
	s5 =	sadd.s32 $0x800, s9  }
0xf: {  	v0 =	vimm.f32 $0.0e+00;
	v1 =	vmul.u32 $0x201, v1;
	s8 =	simm.s32 $0xF00;
	s9 =	simm.s32 $0x1E00;
	s6 =	sadd.s32 $0x4C00, s31  }
.LBB2_1:
0x10: {  	[tilespmem:s2], [sflag:$0x1] =	stream.linear.gather [hbm4b:s3+s2], $0xEB0, $0x38;
	[tilespmem:$0x4280] =	vst v63  }
0x11: {  	_ = 	snop  }
0x12: {  	[tilespmem:s8], [sflag:$0x2] =	stream.linear.gather [hbm4b:s4+s2], $0xEB0, $0x38;
	[tilespmem:$0x4280] =	vst v63  }
0x13: {  	s19 =	simm.s32 $0x40;
	s20 =	simm.s32 $0x0  }
0x14: {  	[tilespmem:s9], [sflag:$0x3] =	stream.linear.gather [hbm4b:s5+s2], $0x200, $0x38;
	[tilespmem:$0x4280] =	vst v63  }
.LBB2_2:
0x15: {  	p0 =	sne.s32 s19, $0x8000;
	[tilespmem:s20+$0x2000] =	vst v0;
	s20 =	smov.u32 s19;
	s19 =	sadd.s32 $0x40, s19  }
.Ltmp0:
0x16: {  	(pc) =	sbr.rel @p0 .LBB2_2-.Ltmp0, $2  }
0x17: {  	_ =	sdelay $0x2  }
0x18: {  	s20 =	sshra.s32 s20, $0x2  }
0x19: {  	[tilespmem:s20+$0x2000] =	vst v0  }
0x1a: {  	_ =	swait.ge [sflag:s10], $0xEB0  }
0x1b: {  	[sflag:s10] =	ssyncset.done $0x0  }
0x1c: {  	[sflag:s10] =	ssyncadd.s32 $0xFFFFF150  }
0x1d: {  	_ =	swait.ge [sflag:s11], $0xEB0  }
0x1e: {  	[sflag:s11] =	ssyncset.done $0x0  }
0x1f: {  	s20 =	simm.s32 $0x0;
	s19 =	simm.s32 $0x40;
	[sflag:s11] =	ssyncadd.s32 $0xFFFFF150  }
.LBB2_4:
0x20: {  	p0 =	sne.s32 s19, $0x3A80;
	v2 =	vld [tilespmem:s20+$0xF00];
	_ =	sdelay $0x4  }
0x21: {  	v3 =	vld [tilespmem:s20+$0x0];
	v2 =	vadd.s32 v1, v2  }
.Ltmp1:
0x22: {  	(pc) =	sbr.rel @p0 .LBB2_4-.Ltmp1, $2  }
0x23: {  	_ =	sdelay $0x2  }
0x24: {  	s20 =	sshra.s32 s19, $0x2;
	s19 =	sadd.s32 $0x40, s19;
	[tilespmem:v2+s12+$0x0] =	vst.idx.add.f32.msk $0xffff, v3  }
0x25: {  	v2 =	vld [tilespmem:s20+$0xF00];
	_ =	sdelay $0x4  }
0x26: {  	v3 =	vld [tilespmem:s20+$0x0];
	v2 =	vadd.s32 v1, v2;
	_ =	sdelay $0x4  }
0x27: {  	[tilespmem:v2+s12+$0x0] =	vst.idx.add.f32.msk $0xffff, v3  }
0x28: {  	_ =	swait.ge [sflag:s13], $0x200  }
0x29: {  	[sflag:s13] =	ssyncset.done $0x0  }
0x2a: {  	s20 =	simm.s32 $0x0;
	[sflag:s13] =	ssyncadd.s32 $0xFFFFFE00  }
0x2b: {  	v2 =	vld [tilespmem:s20+$0x1E00]  }
0x2c: {  	v3 =	vld [tilespmem:s20+$0x2000];
	_ =	sdelay $0x1  }
0x2d: {  	v4 =	vld [tilespmem:s20+$0x2201];
	_ =	sdelay $0x1  }
0x2e: {  	v5 =	vld [tilespmem:s20+$0x2402]  }
0x2f: {  	v2 =	vadd.f32 v3, v2  }
0x30: {  	v3 =	vld [tilespmem:s20+$0x2603]  }
0x31: {  	v2 =	vadd.f32 v4, v2  }
0x32: {  	v4 =	vld [tilespmem:s20+$0x2804]  }
0x33: {  	v2 =	vadd.f32 v5, v2  }
0x34: {  	v5 =	vld [tilespmem:s20+$0x2A05]  }
0x35: {  	v2 =	vadd.f32 v3, v2  }
0x36: {  	v3 =	vld [tilespmem:s20+$0x2C06]  }
0x37: {  	v2 =	vadd.f32 v4, v2  }
0x38: {  	s19 =	simm.s32 $0x10;
	v4 =	vld [tilespmem:s20+$0x2E07]  }
0x39: {  	v6 =	vld [tilespmem:s19+$0x1E00];
	v2 =	vadd.f32 v5, v2  }
0x3a: {  	v5 =	vld [tilespmem:s20+$0x3008]  }
0x3b: {  	v7 =	vld [tilespmem:s19+$0x2000];
	v2 =	vadd.f32 v3, v2  }
0x3c: {  	v3 =	vld [tilespmem:s20+$0x3209]  }
0x3d: {  	v8 =	vld [tilespmem:s19+$0x2201];
	v2 =	vadd.f32 v4, v2  }
0x3e: {  	v4 =	vld [tilespmem:s20+$0x340A]  }
0x3f: {  	v9 =	vld [tilespmem:s19+$0x2402];
	v2 =	vadd.f32 v5, v2  }
0x40: {  	v6 =	vadd.f32 v7, v6;
	v5 =	vld [tilespmem:s20+$0x360B]  }
0x41: {  	v7 =	vld [tilespmem:s19+$0x2603];
	v2 =	vadd.f32 v3, v2  }
0x42: {  	v6 =	vadd.f32 v8, v6;
	v3 =	vld [tilespmem:s20+$0x380C]  }
0x43: {  	v8 =	vld [tilespmem:s19+$0x2804];
	v2 =	vadd.f32 v4, v2  }
0x44: {  	v10 =	vld [tilespmem:s20+$0x3A0D];
	v4 =	vadd.f32 v9, v6  }
0x45: {  	v9 =	vld [tilespmem:s19+$0x2A05];
	v2 =	vadd.f32 v5, v2  }
0x46: {  	v11 =	vld [tilespmem:s20+$0x3C0E];
	v5 =	vadd.f32 v7, v4  }
0x47: {  	v4 =	vld [tilespmem:s19+$0x2C06];
	v2 =	vadd.f32 v3, v2  }
0x48: {  	v6 =	vld [tilespmem:s20+$0x3E0F];
	v3 =	vadd.f32 v8, v5  }
0x49: {  	v5 =	vld [tilespmem:s19+$0x2E07];
	v8 =	vadd.f32 v10, v2  }
0x4a: {  	s21 =	simm.s32 $0x20;
	v2 =	vld [tilespmem:s19+$0x3008];
	v7 =	vadd.f32 v9, v3  }
0x4b: {  	s22 =	simm.s32 $0xC0;
	v3 =	vld [tilespmem:s21+$0x1E00];
	v8 =	vadd.f32 v11, v8  }
.LBB2_6:
0x4c: {  	p0 =	sne.s32 s22, $0x7C0;
	v9 =	vld [tilespmem:s21+$0x2000];
	v4 =	vadd.f32 v4, v7  }
0x4d: {  	v7 =	vld [tilespmem:s19+$0x3209];
	v6 =	vadd.f32 v6, v8  }
0x4e: {  	v8 =	vld [tilespmem:s21+$0x2201];
	v4 =	vadd.f32 v5, v4  }
0x4f: {  	v5 =	vld [tilespmem:s19+$0x340A];
	[tilespmem:s20+$0x4080] =	vst v6;
	s20 =	smov.u32 s19;
	s19 =	smov.u32 s21  }
0x50: {  	v6 =	vld [tilespmem:s19+$0x2402];
	v2 =	vadd.f32 v2, v4  }
0x51: {  	v3 =	vadd.f32 v9, v3;
	v4 =	vld [tilespmem:s20+$0x360B]  }
0x52: {  	v9 =	vld [tilespmem:s19+$0x2603];
	v2 =	vadd.f32 v7, v2  }
0x53: {  	v3 =	vadd.f32 v8, v3;
	v7 =	vld [tilespmem:s20+$0x380C]  }
0x54: {  	v8 =	vld [tilespmem:s19+$0x2804];
	v2 =	vadd.f32 v5, v2  }
0x55: {  	v3 =	vadd.f32 v6, v3;
	v10 =	vld [tilespmem:s20+$0x3A0D]  }
0x56: {  	v11 =	vld [tilespmem:s19+$0x2A05];
	v2 =	vadd.f32 v4, v2  }
0x57: {  	v3 =	vadd.f32 v9, v3;
	v9 =	vld [tilespmem:s20+$0x3C0E]  }
.Ltmp2:
0x58: {  	v4 =	vld [tilespmem:s19+$0x2C06];
	v2 =	vadd.f32 v7, v2;
	(pc) =	sbr.rel @p0 .LBB2_6-.Ltmp2, $4  }
0x59: {  	v3 =	vadd.f32 v8, v3;
	v6 =	vld [tilespmem:s20+$0x3E0F]  }
0x5a: {  	v5 =	vld [tilespmem:s19+$0x2E07];
	v8 =	vadd.f32 v10, v2  }
0x5b: {  	s21 =	sshra.s32 s22, $0x2;
	v7 =	vadd.f32 v11, v3;
	v2 =	vld [tilespmem:s19+$0x3008]  }
0x5c: {  	s22 =	sadd.s32 $0x40, s22;
	v3 =	vld [tilespmem:s21+$0x1E00];
	v8 =	vadd.f32 v9, v8  }
0x5d: {  	v9 =	vld [tilespmem:s21+$0x2000]  }
0x5e: {  	v10 =	vld [tilespmem:s19+$0x3209];
	v4 =	vadd.f32 v4, v7;
	v6 =	vadd.f32 v6, v8  }
0x5f: {  	v46 =	vld [tilespmem:s21+$0x2201]  }
0x60: {  	v47 =	vld [tilespmem:s19+$0x340A];
	v4 =	vadd.f32 v5, v4;
	[tilespmem:s20+$0x4080] =	vst v6  }
0x61: {  	v48 =	vld [tilespmem:s21+$0x2402]  }
0x62: {  	v2 =	vadd.f32 v2, v4;
	v49 =	vld [tilespmem:s19+$0x360B];
	v3 =	vadd.f32 v9, v3  }
0x63: {  	v6 =	vld [tilespmem:s21+$0x2603]  }
0x64: {  	v50 =	vld [tilespmem:s19+$0x380C];
	v2 =	vadd.f32 v10, v2;
	v3 =	vadd.f32 v46, v3  }
0x65: {  	v51 =	vld [tilespmem:s21+$0x2804]  }
0x66: {  	v52 =	vld [tilespmem:s19+$0x3A0D];
	v2 =	vadd.f32 v47, v2;
	v3 =	vadd.f32 v48, v3  }
0x67: {  	v53 =	vld [tilespmem:s21+$0x2A05]  }
0x68: {  	v54 =	vld [tilespmem:s19+$0x3C0E];
	v2 =	vadd.f32 v49, v2;
	v3 =	vadd.f32 v6, v3  }
0x69: {  	v55 =	vld [tilespmem:s21+$0x2C06]  }
0x6a: {  	v56 =	vld [tilespmem:s19+$0x3E0F];
	v2 =	vadd.f32 v50, v2;
	v3 =	vadd.f32 v51, v3  }
0x6b: {  	v57 =	vld [tilespmem:s21+$0x2E07]  }
0x6c: {  	v2 =	vadd.f32 v52, v2;
	v3 =	vadd.f32 v53, v3  }
0x6d: {  	v58 =	vld [tilespmem:s21+$0x3008]  }
0x6e: {  	v2 =	vadd.f32 v54, v2;
	v3 =	vadd.f32 v55, v3  }
0x6f: {  	v59 =	vld [tilespmem:s21+$0x3209]  }
0x70: {  	v2 =	vadd.f32 v56, v2;
	v3 =	vadd.f32 v57, v3  }
0x71: {  	v60 =	vld [tilespmem:s21+$0x340A]  }
0x72: {  	[tilespmem:s19+$0x4080] =	vst v2;
	v2 =	vadd.f32 v58, v3  }
0x73: {  	v3 =	vld [tilespmem:s21+$0x360B]  }
0x74: {  	v2 =	vadd.f32 v59, v2  }
0x75: {  	v61 =	vld [tilespmem:s21+$0x380C]  }
0x76: {  	v2 =	vadd.f32 v60, v2  }
0x77: {  	v62 =	vld [tilespmem:s21+$0x3A0D]  }
0x78: {  	v2 =	vadd.f32 v3, v2  }
0x79: {  	v3 =	vld [tilespmem:s21+$0x3C0E]  }
0x7a: {  	v2 =	vadd.f32 v61, v2  }
0x7b: {  	v63 =	vld [tilespmem:s21+$0x3E0F]  }
0x7c: {  	v2 =	vadd.f32 v62, v2;
	_ =	sdelay $0x1  }
0x7d: {  	v2 =	vadd.f32 v3, v2;
	_ =	sdelay $0x1  }
0x7e: {  	s18 =	sadd.s32 $0x1, s18;
	v2 =	vadd.f32 v63, v2  }
0x7f: {  	p0 =	sne.s32 s18, s7  }
.Ltmp3:
0x80: {  	[tilespmem:s21+$0x4080] =	vst v2;
	(pc) =	sbr.rel @p0 .LBB2_1-.Ltmp3, $4  }
0x81: {  	[hbm4b:s6+s14] =	stream.strided.scatter [tilespmem:s16], [sflag:$0x4], $0x200, s15, s14, $0x38;
	[tilespmem:$0x4280] =	vst v63  }
0x82: {  	_ =	swait.ge [sflag:s17], $0x200  }
0x83: {  	[sflag:s17] =	ssyncset.done $0x0  }
0x84: {  	[sflag:s17] =	ssyncadd.s32 $0xFFFFFE00  }
0x85: {  	_ =	sfence.sel $0x180000  }
0x86: {  	[bflag:$0x0] =	sbarrier.arrive $0xFFFF  }
0x87: {  	p0 =	sne.s32 s0, $0x0;
	_ =	strace $0x9000004A  }
0x88: {  	s0 =	sadd.s32 @!p0 $0x100000, s1;
	[bflag:$0x2] =	sbarrier.arrive $0xFFFF  }
0x89: {  	[sflag:s0] =	ssyncadd.tile.s32 @!p0 $0x1;
	_ =	shalt  }
.Lfunc_end2:
_tile_overlayer_lowered:
.L_overlay_start_2:
0x8a: {  	(tag) =	ssettag $0x2  }
0x8b: {  	s0 =	rddreg [dreg:$0x0];
	s2 =	stileid.u32  }
0x8c: {  	s1 =	rddreg [dreg:$0x1];
	p0 =	sne.s32 s2, $0x0  }
0x8d: {  	s3 =	rddreg [dreg:$0x2];
	[bflag:$0x3] =	sbarrier.arrive $0xFFFF;
	s2 =	simm.s32 @!p0 $0x1C04  }
0x8e: {  	[timem:s3], [sflag:s2] =	dma.local @!p0 [hbm:s0], s1  }
0x8f: {  	s0 =	simm.s32 @!p0 $0x4  }
0x90: {  	_ =	swait.ge @!p0 [sflag:s0], s1  }
0x91: {  	s1 =	ssub.s32 @!p0 $0x0, s1;
	[sflag:s0] =	ssyncset.done @!p0 $0x0  }
0x92: {  	[sflag:s0] =	ssyncadd.s32 @!p0 s1  }
0x93: {  	[bflag:$0x3] =	sbarrier.arrive $0xFFFF  }
0x94: {  	_ =	shalt  }

</sc_bundles>
